<compile_context>
chip_gen: v7x
topology: tpu7x:2x2x1
jax: 0.10.2.dev20260603
libtpu: 0.0.44.dev20260713+nightly
codegen_flags: <defaults>
</compile_context>

<pallas_src>
import functools
import math

import jax
import jax.numpy as jnp
from jax import lax
from jax.experimental import pallas as pl
from jax.experimental.pallas import tpu as pltpu
from jax.experimental.pallas import tpu_sc as plsc

B = 4
N = 10000
E = 160000
D = 128
H = 128
AD = 32

NC = 2
NS = 16
CH = 80
KC = 128
HC = KC // 2
EPB = NS * KC * CH
ACC_ROWS = 10112
S_ROWS = 10112
OR = S_ROWS // NS
OCH = (CH,) * (OR // CH) + (OR % CH,)

NB = 5000


def _sc_aggregate_call(nodes_flat, sidx, didx):
    mesh = plsc.VectorSubcoreMesh(core_axis_name="c", subcore_axis_name="s")

    @functools.partial(
        pl.kernel,
        out_type=jax.ShapeDtypeStruct((B, S_ROWS, D), jnp.float32),
        mesh=mesh,
        scratch_types=[
            pltpu.VMEM((HC + 1, CH), jnp.int32),
            pltpu.VMEM((HC + 1, CH), jnp.int32),
            pltpu.VMEM((CH, D), jnp.float32),
            pltpu.VMEM((CH, D), jnp.float32),
            pltpu.VMEM((CH, D), jnp.float32),
            pltpu.VMEM_SHARED((ACC_ROWS, D), jnp.float32),
            pltpu.SemaphoreType.DMA,
            pltpu.SemaphoreType.DMA,
            pltpu.SemaphoreType.DMA,
        ],
    )
    def agg(nodes, sidx_h, didx_h, out, sidx_v, didx_v, rb0, rb1, rb2,
            acc, sem0, sem1, sem2):
        c = lax.axis_index("c")
        s = lax.axis_index("s")
        rbs = (rb0, rb1, rb2)
        sems = (sem0, sem1, sem2)

        def zrow(i, carry):
            for j in range(D // 16):
                rb2[i, pl.ds(j * 16, 16)] = jnp.zeros((16,), jnp.float32)
            return carry

        def step(j, jn, nb):
            kb = (nb + 2) % 3
            pltpu.async_copy(nodes.at[sidx_v.at[jn]], rbs[kb], sems[kb])
            pltpu.make_async_copy(nodes.at[sidx_v.at[j]], rbs[nb],
                                  sems[nb]).wait()
            pltpu.sync_copy(rbs[nb], acc.at[didx_v.at[j]], add=True)

        for bi in range(B // NC):
            b = NC * c + bi
            lax.fori_loop(0, CH, zrow, 0)
            for z, sz in enumerate(OCH):
                pltpu.sync_copy(rb2.at[pl.ds(0, sz)],
                                acc.at[pl.ds(s * OR + z * CH, sz)])
            plsc.subcore_barrier()

            for hf in range(2):
                pltpu.sync_copy(sidx_h.at[b, s, hf], sidx_v)
                pltpu.sync_copy(didx_h.at[b, s, hf], didx_v)

                for k in range(2):
                    pltpu.async_copy(nodes.at[sidx_v.at[k]], rbs[k], sems[k])

                def triple(t, carry):
                    for nb in range(3):
                        j = 3 * t + nb
                        step(j, j + 2, nb)
                    return carry

                nt = (HC - 2) // 3
                lax.fori_loop(0, nt, triple, 0)
                for j in range(3 * nt, HC):
                    step(j, min(j + 2, HC), j % 3)
                for k in range(2):
                    kb = (HC + k) % 3
                    pltpu.make_async_copy(nodes.at[sidx_v.at[HC]], rbs[kb],
                                          sems[kb]).wait()
            plsc.subcore_barrier()

            for z, sz in enumerate(OCH):
                r0 = s * OR + z * CH
                pltpu.sync_copy(acc.at[pl.ds(r0, sz)], rb0.at[pl.ds(0, sz)])
                pltpu.sync_copy(rb0.at[pl.ds(0, sz)], out.at[b, pl.ds(r0, sz)])
            plsc.subcore_barrier()

    return agg(nodes_flat, sidx, didx)


def _tc_body(s_ref, x_ref, wm_ref, ws_ref, b_ref, g_ref, be_ref, ad_ref,
             wq_ref, bq_ref, wk_ref, bk_ref, o_ref):
    f32 = jnp.float32
    sblk = s_ref[0]
    xblk = x_ref[0]
    pre = (jnp.dot(sblk, wm_ref[...], preferred_element_type=f32)
           + jnp.dot(xblk, ws_ref[...], preferred_element_type=f32)
           + b_ref[...])
    h = jnp.maximum(pre, 0.0)
    mu = jnp.mean(h, axis=1, keepdims=True)
    d = h - mu
    var = jnp.mean(d * d, axis=1, keepdims=True)

    q = jnp.dot(ad_ref[0], wq_ref[...], preferred_element_type=f32) + bq_ref[...]
    u = lax.dot_general(q, wk_ref[...], (((1,), (1,)), ((), ())),
                        preferred_element_type=f32)
    g = u * g_ref[...]
    sg = jnp.sum(g)
    bu = jnp.sum(be_ref[...] * u)
    cq = jnp.sum(bk_ref[...] * q)

    t = lax.dot_general(h, g, (((1,), (1,)), ((), ())),
                        preferred_element_type=f32)
    inv = lax.rsqrt(var + 1e-5)
    o_ref[0] = ((t - mu * sg) * inv + (bu + cq)) * (1.0 / math.sqrt(float(H)))


def _tc_dense_call(S, X, W_msg, W_self, b, gamma, beta, ad, Wq, bq, Wk, bk):
    row = lambda i, j: (0, 0)
    return pl.pallas_call(
        _tc_body,
        grid=(B, N // NB),
        in_specs=[
            pl.BlockSpec((1, NB, D), lambda i, j: (i, j, 0)),
            pl.BlockSpec((1, NB, D), lambda i, j: (i, j, 0)),
            pl.BlockSpec((D, H), row),
            pl.BlockSpec((D, H), row),
            pl.BlockSpec((1, H), row),
            pl.BlockSpec((1, H), row),
            pl.BlockSpec((1, H), row),
            pl.BlockSpec((1, 1, AD), lambda i, j: (i, 0, 0)),
            pl.BlockSpec((AD, H), row),
            pl.BlockSpec((1, H), row),
            pl.BlockSpec((H, H), row),
            pl.BlockSpec((1, H), row),
        ],
        out_specs=pl.BlockSpec((1, NB, 1), lambda i, j: (i, j, 0)),
        out_shape=jax.ShapeDtypeStruct((B, N, 1), jnp.float32),
    )(S, X, W_msg, W_self, b, gamma, beta, ad, Wq, bq, Wk, bk)


def kernel(graph_nodes, graph_edge_links, mask, current_ad,
           W_msg, W_self, b, gamma, beta, Wq, bq, Wk, bk):
    src = graph_edge_links[:, 0, :]
    dst = graph_edge_links[:, 1, :]
    npad = EPB - E
    boff = (jnp.arange(B, dtype=jnp.int32) * N)[:, None]
    pad_s = (jnp.arange(npad, dtype=jnp.int32) * 97) % N
    pad_d = N + (jnp.arange(npad, dtype=jnp.int32) % (ACC_ROWS - N))
    fsrc = jnp.concatenate([src, jnp.broadcast_to(pad_s, (B, npad))], 1) + boff
    fdst = jnp.concatenate([dst, jnp.broadcast_to(pad_d, (B, npad))], 1)
    dum_s = (jnp.arange(CH, dtype=jnp.int32) * 131) % N
    dum_s = jnp.broadcast_to(dum_s, (B, NS, 2, 1, CH)) + boff[:, None, None,
                                                             None]
    dum_d = N + jnp.broadcast_to(jnp.arange(CH, dtype=jnp.int32) %
                                 (ACC_ROWS - N), (B, NS, 2, 1, CH))
    sidx = jnp.concatenate([fsrc.reshape(B, NS, 2, HC, CH), dum_s], axis=3)
    didx = jnp.concatenate([fdst.reshape(B, NS, 2, HC, CH), dum_d], axis=3)
    nodes_flat = graph_nodes.reshape(B * N, D)

    S = _sc_aggregate_call(nodes_flat, sidx, didx)

    logits = _tc_dense_call(
        S, graph_nodes, W_msg, W_self,
        b.reshape(1, H), gamma.reshape(1, H), beta.reshape(1, H),
        current_ad.reshape(B, 1, AD), Wq, bq.reshape(1, H), Wk,
        bk.reshape(1, H),
    ).reshape(B, N)
    return jnp.where(mask, logits, jnp.float32(-1e9))

# --- scband reference (transcript-rebuilt; emitter-appended) ---
"""Pipeline reference for scband-billboard-allocator-gnn-35871566856905 (READ-ONLY COPY).

The authoritative reference and input builder live on the scoring server;
editing this copy changes nothing except your own understanding.
"""

import jax, jax.numpy as jnp
import numpy as np

B = 4
N = 10000
E = 160000
D = 128
H = 128
AD = 32


def setup_inputs(seed: int = 0) -> dict:
    key = jax.random.key(seed)
    ks = jax.random.split(key, 12)
    graph_nodes = jax.random.normal(ks[0], (B, N, D), dtype=jnp.float32)
    graph_edge_links = jax.random.randint(ks[1], (B, 2, E), 0, N, dtype=jnp.int32)
    mask = jnp.ones((B, N), dtype=bool)
    current_ad = jax.random.normal(ks[2], (B, AD), dtype=jnp.float32)
    W_msg = jax.random.normal(ks[3], (D, H), dtype=jnp.float32) * 0.05
    W_self = jax.random.normal(ks[4], (D, H), dtype=jnp.float32) * 0.05
    b = jnp.zeros((H,), dtype=jnp.float32)
    gamma = jnp.ones((H,), dtype=jnp.float32)
    beta = jnp.zeros((H,), dtype=jnp.float32)
    Wq = jax.random.normal(ks[5], (AD, H), dtype=jnp.float32) * 0.05
    bq = jnp.zeros((H,), dtype=jnp.float32)
    Wk = jax.random.normal(ks[6], (H, H), dtype=jnp.float32) * 0.05
    bk = jnp.zeros((H,), dtype=jnp.float32)
    return {
        'graph_nodes': graph_nodes,
        'graph_edge_links': graph_edge_links,
        'mask': mask,
        'current_ad': current_ad,
        'W_msg': W_msg,
        'W_self': W_self,
        'b': b,
        'gamma': gamma,
        'beta': beta,
        'Wq': Wq,
        'bq': bq,
        'Wk': Wk,
        'bk': bk,
    }


def reference(graph_nodes, graph_edge_links, mask, current_ad,
              W_msg, W_self, b, gamma, beta, Wq, bq, Wk, bk):
    # Graph encoder: one round of message passing (gather on src, scatter-add on dst)
    src = graph_edge_links[:, 0, :]
    dst = graph_edge_links[:, 1, :]
    msgs = graph_nodes @ W_msg  # (B, N, H)

    def agg_one(m, s, d):
        gathered = jnp.take(m, s, axis=0)  # (E, H) gather
        return jax.ops.segment_sum(gathered, d, num_segments=N)  # (N, H) scatter-add

    agg = jax.vmap(agg_one)(msgs, src, dst)  # (B, N, H)
    h = jax.nn.relu(agg + graph_nodes @ W_self + b)
    # LayerNorm
    mu = h.mean(axis=-1, keepdims=True)
    var = h.var(axis=-1, keepdims=True)
    h = (h - mu) / jnp.sqrt(var + 1e-5) * gamma + beta
    # Ad-conditioned attention head producing per-billboard logits (NA mode)
    q = current_ad @ Wq + bq  # (B, H)
    k = h @ Wk + bk  # (B, N, H)
    logits = jnp.einsum('bnh,bh->bn', k, q) / jnp.sqrt(jnp.float32(H))
    logits = jnp.where(mask, logits, jnp.float32(-1e9))
    return logits

if __name__ == "__main__":
    import jax
    _d = setup_inputs()
    print(jax.jit(kernel)(*tuple(_d.values())))

</pallas_src>

<mosaic_0001>
#map = affine_map<(d0, d1) -> (0, 0)>
#map1 = affine_map<(d0, d1) -> (0, 0, 0, 0, 0)>
#map2 = affine_map<(d0, d1) -> (0, 0, 0)>
module attributes {stable_mosaic.version = 14 : i64} {
  func.func @agg(%arg0: i32, %arg1: i32, %arg2: memref<40000x128xf32, #tpu.memory_space<hbm>>, %arg3: memref<4x16x2x65x80xi32, #tpu.memory_space<hbm>>, %arg4: memref<4x16x2x65x80xi32, #tpu.memory_space<hbm>>, %arg5: memref<4x10112x128xf32, #tpu.memory_space<hbm>>, %arg6: memref<65x80xi32, #tpu.memory_space<vmem>>, %arg7: memref<65x80xi32, #tpu.memory_space<vmem>>, %arg8: memref<80x128xf32, #tpu.memory_space<vmem>>, %arg9: memref<80x128xf32, #tpu.memory_space<vmem>>, %arg10: memref<80x128xf32, #tpu.memory_space<vmem>>, %arg11: memref<10112x128xf32, #tpu.memory_space<vmem_shared>>, %arg12: memref<!tpu.dma_semaphore, #tpu.memory_space<semaphore_mem>>, %arg13: memref<!tpu.dma_semaphore, #tpu.memory_space<semaphore_mem>>, %arg14: memref<!tpu.dma_semaphore, #tpu.memory_space<semaphore_mem>>) attributes {dimension_semantics = [#tpu.dimension_semantics<core_parallel>, #tpu.dimension_semantics<subcore_parallel>], iteration_bounds = array<i64: 2, 16>, scalar_prefetch = 0 : i64, scratch_operands = 9 : i64, tpu.core_type = #tpu.core_type<sc_vector_subcore>, window_params = [{transform_indices = #map}, {transform_indices = #map1}, {transform_indices = #map1}, {transform_indices = #map2}]} {
    %mul3A = arith.constant 2 : i32
    %mul3A_0 = arith.muli %mul3A, %arg0 : i32
    %add3A = arith.constant 0 : i32
    %add3A_1 = arith.addi %mul3A_0, %add3A : i32
    %scan3A = arith.constant 0 : i32
    %scan3A_2 = arith.constant 0 : i32
    %scan3A_3 = arith.constant 80 : i32
    %scan3A_4 = arith.addi %scan3A_2, %scan3A_3 : i32
    %scan3A_5 = arith.constant 1 : i32
    scf.for %scan3A_531 = %scan3A_2 to %scan3A_4 step %scan3A_5  : i32 {
      %broadcast_in_dim3A = arith.constant 0.000000e+00 : f32
      %broadcast_in_dim3A_532 = vector.broadcast %broadcast_in_dim3A : f32 to vector<16xf32>
      %swap3A = arith.index_cast %scan3A_531 : i32 to index
      %swap3A_533 = arith.constant 0 : index
      %swap3A_534 = tpu.vector_load %arg10[%swap3A, %swap3A_533] {strides = array<i32>} : memref<80x128xf32, #tpu.memory_space<vmem>>, vector<1x16xf32>,
      %swap3A_535 = vector.shape_cast %swap3A_534 : vector<1x16xf32> to vector<16xf32>
      %swap3A_536 = vector.shape_cast %broadcast_in_dim3A_532 : vector<16xf32> to vector<1x16xf32>
      tpu.vector_store %arg10[%swap3A, %swap3A_533], %swap3A_536 {strides = array<i32>} : memref<80x128xf32, #tpu.memory_space<vmem>>, vector<1x16xf32>,
      %broadcast_in_dim3A_537 = arith.constant 0.000000e+00 : f32
      %broadcast_in_dim3A_538 = vector.broadcast %broadcast_in_dim3A_537 : f32 to vector<16xf32>
      %swap3A_539 = arith.index_cast %scan3A_531 : i32 to index
      %swap3A_540 = arith.constant 16 : index
      %swap3A_541 = tpu.vector_load %arg10[%swap3A_539, %swap3A_540] {strides = array<i32>} : memref<80x128xf32, #tpu.memory_space<vmem>>, vector<1x16xf32>,
      %swap3A_542 = vector.shape_cast %swap3A_541 : vector<1x16xf32> to vector<16xf32>
      %swap3A_543 = vector.shape_cast %broadcast_in_dim3A_538 : vector<16xf32> to vector<1x16xf32>
      tpu.vector_store %arg10[%swap3A_539, %swap3A_540], %swap3A_543 {strides = array<i32>} : memref<80x128xf32, #tpu.memory_space<vmem>>, vector<1x16xf32>,
      %broadcast_in_dim3A_544 = arith.constant 0.000000e+00 : f32
      %broadcast_in_dim3A_545 = vector.broadcast %broadcast_in_dim3A_544 : f32 to vector<16xf32>
      %swap3A_546 = arith.index_cast %scan3A_531 : i32 to index
      %swap3A_547 = arith.constant 32 : index
      %swap3A_548 = tpu.vector_load %arg10[%swap3A_546, %swap3A_547] {strides = array<i32>} : memref<80x128xf32, #tpu.memory_space<vmem>>, vector<1x16xf32>,
      %swap3A_549 = vector.shape_cast %swap3A_548 : vector<1x16xf32> to vector<16xf32>
      %swap3A_550 = vector.shape_cast %broadcast_in_dim3A_545 : vector<16xf32> to vector<1x16xf32>
      tpu.vector_store %arg10[%swap3A_546, %swap3A_547], %swap3A_550 {strides = array<i32>} : memref<80x128xf32, #tpu.memory_space<vmem>>, vector<1x16xf32>,
      %broadcast_in_dim3A_551 = arith.constant 0.000000e+00 : f32
      %broadcast_in_dim3A_552 = vector.broadcast %broadcast_in_dim3A_551 : f32 to vector<16xf32>
      %swap3A_553 = arith.index_cast %scan3A_531 : i32 to index
      %swap3A_554 = arith.constant 48 : index
      %swap3A_555 = tpu.vector_load %arg10[%swap3A_553, %swap3A_554] {strides = array<i32>} : memref<80x128xf32, #tpu.memory_space<vmem>>, vector<1x16xf32>,
      %swap3A_556 = vector.shape_cast %swap3A_555 : vector<1x16xf32> to vector<16xf32>
      %swap3A_557 = vector.shape_cast %broadcast_in_dim3A_552 : vector<16xf32> to vector<1x16xf32>
      tpu.vector_store %arg10[%swap3A_553, %swap3A_554], %swap3A_557 {strides = array<i32>} : memref<80x128xf32, #tpu.memory_space<vmem>>, vector<1x16xf32>,
      %broadcast_in_dim3A_558 = arith.constant 0.000000e+00 : f32
      %broadcast_in_dim3A_559 = vector.broadcast %broadcast_in_dim3A_558 : f32 to vector<16xf32>
      %swap3A_560 = arith.index_cast %scan3A_531 : i32 to index
      %swap3A_561 = arith.constant 64 : index
      %swap3A_562 = tpu.vector_load %arg10[%swap3A_560, %swap3A_561] {strides = array<i32>} : memref<80x128xf32, #tpu.memory_space<vmem>>, vector<1x16xf32>,
      %swap3A_563 = vector.shape_cast %swap3A_562 : vector<1x16xf32> to vector<16xf32>
      %swap3A_564 = vector.shape_cast %broadcast_in_dim3A_559 : vector<16xf32> to vector<1x16xf32>
      tpu.vector_store %arg10[%swap3A_560, %swap3A_561], %swap3A_564 {strides = array<i32>} : memref<80x128xf32, #tpu.memory_space<vmem>>, vector<1x16xf32>,
      %broadcast_in_dim3A_565 = arith.constant 0.000000e+00 : f32
      %broadcast_in_dim3A_566 = vector.broadcast %broadcast_in_dim3A_565 : f32 to vector<16xf32>
      %swap3A_567 = arith.index_cast %scan3A_531 : i32 to index
      %swap3A_568 = arith.constant 80 : index
      %swap3A_569 = tpu.vector_load %arg10[%swap3A_567, %swap3A_568] {strides = array<i32>} : memref<80x128xf32, #tpu.memory_space<vmem>>, vector<1x16xf32>,
      %swap3A_570 = vector.shape_cast %swap3A_569 : vector<1x16xf32> to vector<16xf32>
      %swap3A_571 = vector.shape_cast %broadcast_in_dim3A_566 : vector<16xf32> to vector<1x16xf32>
      tpu.vector_store %arg10[%swap3A_567, %swap3A_568], %swap3A_571 {strides = array<i32>} : memref<80x128xf32, #tpu.memory_space<vmem>>, vector<1x16xf32>,
      %broadcast_in_dim3A_572 = arith.constant 0.000000e+00 : f32
      %broadcast_in_dim3A_573 = vector.broadcast %broadcast_in_dim3A_572 : f32 to vector<16xf32>
      %swap3A_574 = arith.index_cast %scan3A_531 : i32 to index
      %swap3A_575 = arith.constant 96 : index
      %swap3A_576 = tpu.vector_load %arg10[%swap3A_574, %swap3A_575] {strides = array<i32>} : memref<80x128xf32, #tpu.memory_space<vmem>>, vector<1x16xf32>,
      %swap3A_577 = vector.shape_cast %swap3A_576 : vector<1x16xf32> to vector<16xf32>
      %swap3A_578 = vector.shape_cast %broadcast_in_dim3A_573 : vector<16xf32> to vector<1x16xf32>
      tpu.vector_store %arg10[%swap3A_574, %swap3A_575], %swap3A_578 {strides = array<i32>} : memref<80x128xf32, #tpu.memory_space<vmem>>, vector<1x16xf32>,
      %broadcast_in_dim3A_579 = arith.constant 0.000000e+00 : f32
      %broadcast_in_dim3A_580 = vector.broadcast %broadcast_in_dim3A_579 : f32 to vector<16xf32>
      %swap3A_581 = arith.index_cast %scan3A_531 : i32 to index
      %swap3A_582 = arith.constant 112 : index
      %swap3A_583 = tpu.vector_load %arg10[%swap3A_581, %swap3A_582] {strides = array<i32>} : memref<80x128xf32, #tpu.memory_space<vmem>>, vector<1x16xf32>,
      %swap3A_584 = vector.shape_cast %swap3A_583 : vector<1x16xf32> to vector<16xf32>
      %swap3A_585 = vector.shape_cast %broadcast_in_dim3A_580 : vector<16xf32> to vector<1x16xf32>
      tpu.vector_store %arg10[%swap3A_581, %swap3A_582], %swap3A_585 {strides = array<i32>} : memref<80x128xf32, #tpu.memory_space<vmem>>, vector<1x16xf32>,
    }
    %scan3A_6 = arith.constant 80 : i32
    %mul3A_7 = arith.constant 632 : i32
    %mul3A_8 = arith.muli %arg1, %mul3A_7 : i32
    %add3A_9 = arith.constant 0 : i32
    %add3A_10 = arith.addi %mul3A_8, %add3A_9 : i32
    "tpu.region"() ({
      %run_scoped3A_531 = tpu.sem_alloc : memref<!tpu.dma_semaphore, #tpu.memory_space<semaphore_mem>>
      %dma_start3A_532 = arith.constant 0 : i32
      %dma_start3A_533 = arith.constant 0 : i32
      %dma_start3A_534 = tpu.memref_slice %arg10[%dma_start3A_532, %dma_start3A_533] : memref<80x128xf32, #tpu.memory_space<vmem>> -> memref<80x128xf32, #tpu.memory_space<vmem>>
      %dma_start3A_535 = arith.constant 0 : i32
      %dma_start3A_536 = tpu.memref_slice %arg11[%add3A_10, %dma_start3A_535] : memref<10112x128xf32, #tpu.memory_space<vmem_shared>> -> memref<80x128xf32, #tpu.memory_space<vmem_shared>>
      %dma_start3A_537 = arith.constant 0 : i32
      %dma_start3A_538 = tpu.memref_slice %arg11[%add3A_10, %dma_start3A_537] : memref<10112x128xf32, #tpu.memory_space<vmem_shared>> -> memref<80x128xf32, #tpu.memory_space<vmem_shared>>
      %dma_start3A_539 = arith.constant 0 : i32
      %dma_start3A_540 = arith.constant 0 : i32
      %dma_start3A_541 = tpu.memref_slice %arg10[%dma_start3A_539, %dma_start3A_540] : memref<80x128xf32, #tpu.memory_space<vmem>> -> memref<80x128xf32, #tpu.memory_space<vmem>>
      tpu.enqueue_dma source(%dma_start3A_541 : memref<80x128xf32, #tpu.memory_space<vmem>>) target(%dma_start3A_538 : memref<80x128xf32, #tpu.memory_space<vmem_shared>>) target_semaphore(%run_scoped3A_531 : memref<!tpu.dma_semaphore, #tpu.memory_space<semaphore_mem>>)
      %dma_wait3A_542 = arith.constant 0 : i32
      %dma_wait3A_543 = arith.constant 0 : i32
      %dma_wait3A_544 = tpu.memref_slice %arg10[%dma_wait3A_542, %dma_wait3A_543] : memref<80x128xf32, #tpu.memory_space<vmem>> -> memref<80x128xf32, #tpu.memory_space<vmem>>
      %dma_wait3A_545 = arith.constant 0 : i32
      %dma_wait3A_546 = tpu.memref_slice %arg11[%add3A_10, %dma_wait3A_545] : memref<10112x128xf32, #tpu.memory_space<vmem_shared>> -> memref<80x128xf32, #tpu.memory_space<vmem_shared>>
      %dma_wait3A_547 = arith.constant 0 : i32
      %dma_wait3A_548 = tpu.memref_slice %arg11[%add3A_10, %dma_wait3A_547] : memref<10112x128xf32, #tpu.memory_space<vmem_shared>> -> memref<80x128xf32, #tpu.memory_space<vmem_shared>>
      %dma_wait3A_549 = arith.constant 0 : i32
      %dma_wait3A_550 = arith.constant 0 : i32
      %dma_wait3A_551 = tpu.memref_slice %arg10[%dma_wait3A_549, %dma_wait3A_550] : memref<80x128xf32, #tpu.memory_space<vmem>> -> memref<80x128xf32, #tpu.memory_space<vmem>>
      tpu.wait_dma2 semaphore(%run_scoped3A_531 : memref<!tpu.dma_semaphore, #tpu.memory_space<semaphore_mem>>) src(%dma_wait3A_551 : memref<80x128xf32, #tpu.memory_space<vmem>>) dst(%dma_wait3A_548 : memref<80x128xf32, #tpu.memory_space<vmem_shared>>)
      tpu.yield
    }) : () -> ()
    %mul3A_11 = arith.constant 632 : i32
    %mul3A_12 = arith.muli %arg1, %mul3A_11 : i32
    %add3A_13 = arith.constant 80 : i32
    %add3A_14 = arith.addi %mul3A_12, %add3A_13 : i32
    "tpu.region"() ({
      %run_scoped3A_531 = tpu.sem_alloc : memref<!tpu.dma_semaphore, #tpu.memory_space<semaphore_mem>>
      %dma_start3A_532 = arith.constant 0 : i32
      %dma_start3A_533 = arith.constant 0 : i32
      %dma_start3A_534 = tpu.memref_slice %arg10[%dma_start3A_532, %dma_start3A_533] : memref<80x128xf32, #tpu.memory_space<vmem>> -> memref<80x128xf32, #tpu.memory_space<vmem>>
      %dma_start3A_535 = arith.constant 0 : i32
      %dma_start3A_536 = tpu.memref_slice %arg11[%add3A_14, %dma_start3A_535] : memref<10112x128xf32, #tpu.memory_space<vmem_shared>> -> memref<80x128xf32, #tpu.memory_space<vmem_shared>>
      %dma_start3A_537 = arith.constant 0 : i32
      %dma_start3A_538 = tpu.memref_slice %arg11[%add3A_14, %dma_start3A_537] : memref<10112x128xf32, #tpu.memory_space<vmem_shared>> -> memref<80x128xf32, #tpu.memory_space<vmem_shared>>
      %dma_start3A_539 = arith.constant 0 : i32
      %dma_start3A_540 = arith.constant 0 : i32
      %dma_start3A_541 = tpu.memref_slice %arg10[%dma_start3A_539, %dma_start3A_540] : memref<80x128xf32, #tpu.memory_space<vmem>> -> memref<80x128xf32, #tpu.memory_space<vmem>>
      tpu.enqueue_dma source(%dma_start3A_541 : memref<80x128xf32, #tpu.memory_space<vmem>>) target(%dma_start3A_538 : memref<80x128xf32, #tpu.memory_space<vmem_shared>>) target_semaphore(%run_scoped3A_531 : memref<!tpu.dma_semaphore, #tpu.memory_space<semaphore_mem>>)
      %dma_wait3A_542 = arith.constant 0 : i32
      %dma_wait3A_543 = arith.constant 0 : i32
      %dma_wait3A_544 = tpu.memref_slice %arg10[%dma_wait3A_542, %dma_wait3A_543] : memref<80x128xf32, #tpu.memory_space<vmem>> -> memref<80x128xf32, #tpu.memory_space<vmem>>
      %dma_wait3A_545 = arith.constant 0 : i32
      %dma_wait3A_546 = tpu.memref_slice %arg11[%add3A_14, %dma_wait3A_545] : memref<10112x128xf32, #tpu.memory_space<vmem_shared>> -> memref<80x128xf32, #tpu.memory_space<vmem_shared>>
      %dma_wait3A_547 = arith.constant 0 : i32
      %dma_wait3A_548 = tpu.memref_slice %arg11[%add3A_14, %dma_wait3A_547] : memref<10112x128xf32, #tpu.memory_space<vmem_shared>> -> memref<80x128xf32, #tpu.memory_space<vmem_shared>>
      %dma_wait3A_549 = arith.constant 0 : i32
      %dma_wait3A_550 = arith.constant 0 : i32
      %dma_wait3A_551 = tpu.memref_slice %arg10[%dma_wait3A_549, %dma_wait3A_550] : memref<80x128xf32, #tpu.memory_space<vmem>> -> memref<80x128xf32, #tpu.memory_space<vmem>>
      tpu.wait_dma2 semaphore(%run_scoped3A_531 : memref<!tpu.dma_semaphore, #tpu.memory_space<semaphore_mem>>) src(%dma_wait3A_551 : memref<80x128xf32, #tpu.memory_space<vmem>>) dst(%dma_wait3A_548 : memref<80x128xf32, #tpu.memory_space<vmem_shared>>)
      tpu.yield
    }) : () -> ()
    %mul3A_15 = arith.constant 632 : i32
    %mul3A_16 = arith.muli %arg1, %mul3A_15 : i32
    %add3A_17 = arith.constant 160 : i32
    %add3A_18 = arith.addi %mul3A_16, %add3A_17 : i32
    "tpu.region"() ({
      %run_scoped3A_531 = tpu.sem_alloc : memref<!tpu.dma_semaphore, #tpu.memory_space<semaphore_mem>>
      %dma_start3A_532 = arith.constant 0 : i32
      %dma_start3A_533 = arith.constant 0 : i32
      %dma_start3A_534 = tpu.memref_slice %arg10[%dma_start3A_532, %dma_start3A_533] : memref<80x128xf32, #tpu.memory_space<vmem>> -> memref<80x128xf32, #tpu.memory_space<vmem>>
      %dma_start3A_535 = arith.constant 0 : i32
      %dma_start3A_536 = tpu.memref_slice %arg11[%add3A_18, %dma_start3A_535] : memref<10112x128xf32, #tpu.memory_space<vmem_shared>> -> memref<80x128xf32, #tpu.memory_space<vmem_shared>>
      %dma_start3A_537 = arith.constant 0 : i32
      %dma_start3A_538 = tpu.memref_slice %arg11[%add3A_18, %dma_start3A_537] : memref<10112x128xf32, #tpu.memory_space<vmem_shared>> -> memref<80x128xf32, #tpu.memory_space<vmem_shared>>
      %dma_start3A_539 = arith.constant 0 : i32
      %dma_start3A_540 = arith.constant 0 : i32
      %dma_start3A_541 = tpu.memref_slice %arg10[%dma_start3A_539, %dma_start3A_540] : memref<80x128xf32, #tpu.memory_space<vmem>> -> memref<80x128xf32, #tpu.memory_space<vmem>>
      tpu.enqueue_dma source(%dma_start3A_541 : memref<80x128xf32, #tpu.memory_space<vmem>>) target(%dma_start3A_538 : memref<80x128xf32, #tpu.memory_space<vmem_shared>>) target_semaphore(%run_scoped3A_531 : memref<!tpu.dma_semaphore, #tpu.memory_space<semaphore_mem>>)
      %dma_wait3A_542 = arith.constant 0 : i32
      %dma_wait3A_543 = arith.constant 0 : i32
      %dma_wait3A_544 = tpu.memref_slice %arg10[%dma_wait3A_542, %dma_wait3A_543] : memref<80x128xf32, #tpu.memory_space<vmem>> -> memref<80x128xf32, #tpu.memory_space<vmem>>
      %dma_wait3A_545 = arith.constant 0 : i32
      %dma_wait3A_546 = tpu.memref_slice %arg11[%add3A_18, %dma_wait3A_545] : memref<10112x128xf32, #tpu.memory_space<vmem_shared>> -> memref<80x128xf32, #tpu.memory_space<vmem_shared>>
      %dma_wait3A_547 = arith.constant 0 : i32
      %dma_wait3A_548 = tpu.memref_slice %arg11[%add3A_18, %dma_wait3A_547] : memref<10112x128xf32, #tpu.memory_space<vmem_shared>> -> memref<80x128xf32, #tpu.memory_space<vmem_shared>>
      %dma_wait3A_549 = arith.constant 0 : i32
      %dma_wait3A_550 = arith.constant 0 : i32
      %dma_wait3A_551 = tpu.memref_slice %arg10[%dma_wait3A_549, %dma_wait3A_550] : memref<80x128xf32, #tpu.memory_space<vmem>> -> memref<80x128xf32, #tpu.memory_space<vmem>>
      tpu.wait_dma2 semaphore(%run_scoped3A_531 : memref<!tpu.dma_semaphore, #tpu.memory_space<semaphore_mem>>) src(%dma_wait3A_551 : memref<80x128xf32, #tpu.memory_space<vmem>>) dst(%dma_wait3A_548 : memref<80x128xf32, #tpu.memory_space<vmem_shared>>)
      tpu.yield
    }) : () -> ()
    %mul3A_19 = arith.constant 632 : i32
    %mul3A_20 = arith.muli %arg1, %mul3A_19 : i32
    %add3A_21 = arith.constant 240 : i32
    %add3A_22 = arith.addi %mul3A_20, %add3A_21 : i32
    "tpu.region"() ({
      %run_scoped3A_531 = tpu.sem_alloc : memref<!tpu.dma_semaphore, #tpu.memory_space<semaphore_mem>>
      %dma_start3A_532 = arith.constant 0 : i32
      %dma_start3A_533 = arith.constant 0 : i32
      %dma_start3A_534 = tpu.memref_slice %arg10[%dma_start3A_532, %dma_start3A_533] : memref<80x128xf32, #tpu.memory_space<vmem>> -> memref<80x128xf32, #tpu.memory_space<vmem>>
      %dma_start3A_535 = arith.constant 0 : i32
      %dma_start3A_536 = tpu.memref_slice %arg11[%add3A_22, %dma_start3A_535] : memref<10112x128xf32, #tpu.memory_space<vmem_shared>> -> memref<80x128xf32, #tpu.memory_space<vmem_shared>>
      %dma_start3A_537 = arith.constant 0 : i32
      %dma_start3A_538 = tpu.memref_slice %arg11[%add3A_22, %dma_start3A_537] : memref<10112x128xf32, #tpu.memory_space<vmem_shared>> -> memref<80x128xf32, #tpu.memory_space<vmem_shared>>
      %dma_start3A_539 = arith.constant 0 : i32
      %dma_start3A_540 = arith.constant 0 : i32
      %dma_start3A_541 = tpu.memref_slice %arg10[%dma_start3A_539, %dma_start3A_540] : memref<80x128xf32, #tpu.memory_space<vmem>> -> memref<80x128xf32, #tpu.memory_space<vmem>>
      tpu.enqueue_dma source(%dma_start3A_541 : memref<80x128xf32, #tpu.memory_space<vmem>>) target(%dma_start3A_538 : memref<80x128xf32, #tpu.memory_space<vmem_shared>>) target_semaphore(%run_scoped3A_531 : memref<!tpu.dma_semaphore, #tpu.memory_space<semaphore_mem>>)
      %dma_wait3A_542 = arith.constant 0 : i32
      %dma_wait3A_543 = arith.constant 0 : i32
      %dma_wait3A_544 = tpu.memref_slice %arg10[%dma_wait3A_542, %dma_wait3A_543] : memref<80x128xf32, #tpu.memory_space<vmem>> -> memref<80x128xf32, #tpu.memory_space<vmem>>
      %dma_wait3A_545 = arith.constant 0 : i32
      %dma_wait3A_546 = tpu.memref_slice %arg11[%add3A_22, %dma_wait3A_545] : memref<10112x128xf32, #tpu.memory_space<vmem_shared>> -> memref<80x128xf32, #tpu.memory_space<vmem_shared>>
      %dma_wait3A_547 = arith.constant 0 : i32
      %dma_wait3A_548 = tpu.memref_slice %arg11[%add3A_22, %dma_wait3A_547] : memref<10112x128xf32, #tpu.memory_space<vmem_shared>> -> memref<80x128xf32, #tpu.memory_space<vmem_shared>>
      %dma_wait3A_549 = arith.constant 0 : i32
      %dma_wait3A_550 = arith.constant 0 : i32
      %dma_wait3A_551 = tpu.memref_slice %arg10[%dma_wait3A_549, %dma_wait3A_550] : memref<80x128xf32, #tpu.memory_space<vmem>> -> memref<80x128xf32, #tpu.memory_space<vmem>>
      tpu.wait_dma2 semaphore(%run_scoped3A_531 : memref<!tpu.dma_semaphore, #tpu.memory_space<semaphore_mem>>) src(%dma_wait3A_551 : memref<80x128xf32, #tpu.memory_space<vmem>>) dst(%dma_wait3A_548 : memref<80x128xf32, #tpu.memory_space<vmem_shared>>)
      tpu.yield
    }) : () -> ()
    %mul3A_23 = arith.constant 632 : i32
    %mul3A_24 = arith.muli %arg1, %mul3A_23 : i32
    %add3A_25 = arith.constant 320 : i32
    %add3A_26 = arith.addi %mul3A_24, %add3A_25 : i32
    "tpu.region"() ({
      %run_scoped3A_531 = tpu.sem_alloc : memref<!tpu.dma_semaphore, #tpu.memory_space<semaphore_mem>>
      %dma_start3A_532 = arith.constant 0 : i32
      %dma_start3A_533 = arith.constant 0 : i32
      %dma_start3A_534 = tpu.memref_slice %arg10[%dma_start3A_532, %dma_start3A_533] : memref<80x128xf32, #tpu.memory_space<vmem>> -> memref<80x128xf32, #tpu.memory_space<vmem>>
      %dma_start3A_535 = arith.constant 0 : i32
      %dma_start3A_536 = tpu.memref_slice %arg11[%add3A_26, %dma_start3A_535] : memref<10112x128xf32, #tpu.memory_space<vmem_shared>> -> memref<80x128xf32, #tpu.memory_space<vmem_shared>>
      %dma_start3A_537 = arith.constant 0 : i32
      %dma_start3A_538 = tpu.memref_slice %arg11[%add3A_26, %dma_start3A_537] : memref<10112x128xf32, #tpu.memory_space<vmem_shared>> -> memref<80x128xf32, #tpu.memory_space<vmem_shared>>
      %dma_start3A_539 = arith.constant 0 : i32
      %dma_start3A_540 = arith.constant 0 : i32
      %dma_start3A_541 = tpu.memref_slice %arg10[%dma_start3A_539, %dma_start3A_540] : memref<80x128xf32, #tpu.memory_space<vmem>> -> memref<80x128xf32, #tpu.memory_space<vmem>>
      tpu.enqueue_dma source(%dma_start3A_541 : memref<80x128xf32, #tpu.memory_space<vmem>>) target(%dma_start3A_538 : memref<80x128xf32, #tpu.memory_space<vmem_shared>>) target_semaphore(%run_scoped3A_531 : memref<!tpu.dma_semaphore, #tpu.memory_space<semaphore_mem>>)
      %dma_wait3A_542 = arith.constant 0 : i32
      %dma_wait3A_543 = arith.constant 0 : i32
      %dma_wait3A_544 = tpu.memref_slice %arg10[%dma_wait3A_542, %dma_wait3A_543] : memref<80x128xf32, #tpu.memory_space<vmem>> -> memref<80x128xf32, #tpu.memory_space<vmem>>
      %dma_wait3A_545 = arith.constant 0 : i32
      %dma_wait3A_546 = tpu.memref_slice %arg11[%add3A_26, %dma_wait3A_545] : memref<10112x128xf32, #tpu.memory_space<vmem_shared>> -> memref<80x128xf32, #tpu.memory_space<vmem_shared>>
      %dma_wait3A_547 = arith.constant 0 : i32
      %dma_wait3A_548 = tpu.memref_slice %arg11[%add3A_26, %dma_wait3A_547] : memref<10112x128xf32, #tpu.memory_space<vmem_shared>> -> memref<80x128xf32, #tpu.memory_space<vmem_shared>>
      %dma_wait3A_549 = arith.constant 0 : i32
      %dma_wait3A_550 = arith.constant 0 : i32
      %dma_wait3A_551 = tpu.memref_slice %arg10[%dma_wait3A_549, %dma_wait3A_550] : memref<80x128xf32, #tpu.memory_space<vmem>> -> memref<80x128xf32, #tpu.memory_space<vmem>>
      tpu.wait_dma2 semaphore(%run_scoped3A_531 : memref<!tpu.dma_semaphore, #tpu.memory_space<semaphore_mem>>) src(%dma_wait3A_551 : memref<80x128xf32, #tpu.memory_space<vmem>>) dst(%dma_wait3A_548 : memref<80x128xf32, #tpu.memory_space<vmem_shared>>)
      tpu.yield
    }) : () -> ()
    %mul3A_27 = arith.constant 632 : i32
    %mul3A_28 = arith.muli %arg1, %mul3A_27 : i32
    %add3A_29 = arith.constant 400 : i32
    %add3A_30 = arith.addi %mul3A_28, %add3A_29 : i32
    "tpu.region"() ({
      %run_scoped3A_531 = tpu.sem_alloc : memref<!tpu.dma_semaphore, #tpu.memory_space<semaphore_mem>>
      %dma_start3A_532 = arith.constant 0 : i32
      %dma_start3A_533 = arith.constant 0 : i32
      %dma_start3A_534 = tpu.memref_slice %arg10[%dma_start3A_532, %dma_start3A_533] : memref<80x128xf32, #tpu.memory_space<vmem>> -> memref<80x128xf32, #tpu.memory_space<vmem>>
      %dma_start3A_535 = arith.constant 0 : i32
      %dma_start3A_536 = tpu.memref_slice %arg11[%add3A_30, %dma_start3A_535] : memref<10112x128xf32, #tpu.memory_space<vmem_shared>> -> memref<80x128xf32, #tpu.memory_space<vmem_shared>>
      %dma_start3A_537 = arith.constant 0 : i32
      %dma_start3A_538 = tpu.memref_slice %arg11[%add3A_30, %dma_start3A_537] : memref<10112x128xf32, #tpu.memory_space<vmem_shared>> -> memref<80x128xf32, #tpu.memory_space<vmem_shared>>
      %dma_start3A_539 = arith.constant 0 : i32
      %dma_start3A_540 = arith.constant 0 : i32
      %dma_start3A_541 = tpu.memref_slice %arg10[%dma_start3A_539, %dma_start3A_540] : memref<80x128xf32, #tpu.memory_space<vmem>> -> memref<80x128xf32, #tpu.memory_space<vmem>>
      tpu.enqueue_dma source(%dma_start3A_541 : memref<80x128xf32, #tpu.memory_space<vmem>>) target(%dma_start3A_538 : memref<80x128xf32, #tpu.memory_space<vmem_shared>>) target_semaphore(%run_scoped3A_531 : memref<!tpu.dma_semaphore, #tpu.memory_space<semaphore_mem>>)
      %dma_wait3A_542 = arith.constant 0 : i32
      %dma_wait3A_543 = arith.constant 0 : i32
      %dma_wait3A_544 = tpu.memref_slice %arg10[%dma_wait3A_542, %dma_wait3A_543] : memref<80x128xf32, #tpu.memory_space<vmem>> -> memref<80x128xf32, #tpu.memory_space<vmem>>
      %dma_wait3A_545 = arith.constant 0 : i32
      %dma_wait3A_546 = tpu.memref_slice %arg11[%add3A_30, %dma_wait3A_545] : memref<10112x128xf32, #tpu.memory_space<vmem_shared>> -> memref<80x128xf32, #tpu.memory_space<vmem_shared>>
      %dma_wait3A_547 = arith.constant 0 : i32
      %dma_wait3A_548 = tpu.memref_slice %arg11[%add3A_30, %dma_wait3A_547] : memref<10112x128xf32, #tpu.memory_space<vmem_shared>> -> memref<80x128xf32, #tpu.memory_space<vmem_shared>>
      %dma_wait3A_549 = arith.constant 0 : i32
      %dma_wait3A_550 = arith.constant 0 : i32
      %dma_wait3A_551 = tpu.memref_slice %arg10[%dma_wait3A_549, %dma_wait3A_550] : memref<80x128xf32, #tpu.memory_space<vmem>> -> memref<80x128xf32, #tpu.memory_space<vmem>>
      tpu.wait_dma2 semaphore(%run_scoped3A_531 : memref<!tpu.dma_semaphore, #tpu.memory_space<semaphore_mem>>) src(%dma_wait3A_551 : memref<80x128xf32, #tpu.memory_space<vmem>>) dst(%dma_wait3A_548 : memref<80x128xf32, #tpu.memory_space<vmem_shared>>)
      tpu.yield
    }) : () -> ()
    %mul3A_31 = arith.constant 632 : i32
    %mul3A_32 = arith.muli %arg1, %mul3A_31 : i32
    %add3A_33 = arith.constant 480 : i32
    %add3A_34 = arith.addi %mul3A_32, %add3A_33 : i32
    "tpu.region"() ({
      %run_scoped3A_531 = tpu.sem_alloc : memref<!tpu.dma_semaphore, #tpu.memory_space<semaphore_mem>>
      %dma_start3A_532 = arith.constant 0 : i32
      %dma_start3A_533 = arith.constant 0 : i32
      %dma_start3A_534 = tpu.memref_slice %arg10[%dma_start3A_532, %dma_start3A_533] : memref<80x128xf32, #tpu.memory_space<vmem>> -> memref<80x128xf32, #tpu.memory_space<vmem>>
      %dma_start3A_535 = arith.constant 0 : i32
      %dma_start3A_536 = tpu.memref_slice %arg11[%add3A_34, %dma_start3A_535] : memref<10112x128xf32, #tpu.memory_space<vmem_shared>> -> memref<80x128xf32, #tpu.memory_space<vmem_shared>>
      %dma_start3A_537 = arith.constant 0 : i32
      %dma_start3A_538 = tpu.memref_slice %arg11[%add3A_34, %dma_start3A_537] : memref<10112x128xf32, #tpu.memory_space<vmem_shared>> -> memref<80x128xf32, #tpu.memory_space<vmem_shared>>
      %dma_start3A_539 = arith.constant 0 : i32
      %dma_start3A_540 = arith.constant 0 : i32
      %dma_start3A_541 = tpu.memref_slice %arg10[%dma_start3A_539, %dma_start3A_540] : memref<80x128xf32, #tpu.memory_space<vmem>> -> memref<80x128xf32, #tpu.memory_space<vmem>>
      tpu.enqueue_dma source(%dma_start3A_541 : memref<80x128xf32, #tpu.memory_space<vmem>>) target(%dma_start3A_538 : memref<80x128xf32, #tpu.memory_space<vmem_shared>>) target_semaphore(%run_scoped3A_531 : memref<!tpu.dma_semaphore, #tpu.memory_space<semaphore_mem>>)
      %dma_wait3A_542 = arith.constant 0 : i32
      %dma_wait3A_543 = arith.constant 0 : i32
      %dma_wait3A_544 = tpu.memref_slice %arg10[%dma_wait3A_542, %dma_wait3A_543] : memref<80x128xf32, #tpu.memory_space<vmem>> -> memref<80x128xf32, #tpu.memory_space<vmem>>
      %dma_wait3A_545 = arith.constant 0 : i32
      %dma_wait3A_546 = tpu.memref_slice %arg11[%add3A_34, %dma_wait3A_545] : memref<10112x128xf32, #tpu.memory_space<vmem_shared>> -> memref<80x128xf32, #tpu.memory_space<vmem_shared>>
      %dma_wait3A_547 = arith.constant 0 : i32
      %dma_wait3A_548 = tpu.memref_slice %arg11[%add3A_34, %dma_wait3A_547] : memref<10112x128xf32, #tpu.memory_space<vmem_shared>> -> memref<80x128xf32, #tpu.memory_space<vmem_shared>>
      %dma_wait3A_549 = arith.constant 0 : i32
      %dma_wait3A_550 = arith.constant 0 : i32
      %dma_wait3A_551 = tpu.memref_slice %arg10[%dma_wait3A_549, %dma_wait3A_550] : memref<80x128xf32, #tpu.memory_space<vmem>> -> memref<80x128xf32, #tpu.memory_space<vmem>>
      tpu.wait_dma2 semaphore(%run_scoped3A_531 : memref<!tpu.dma_semaphore, #tpu.memory_space<semaphore_mem>>) src(%dma_wait3A_551 : memref<80x128xf32, #tpu.memory_space<vmem>>) dst(%dma_wait3A_548 : memref<80x128xf32, #tpu.memory_space<vmem_shared>>)
      tpu.yield
    }) : () -> ()
    %mul3A_35 = arith.constant 632 : i32
    %mul3A_36 = arith.muli %arg1, %mul3A_35 : i32
    %add3A_37 = arith.constant 560 : i32
    %add3A_38 = arith.addi %mul3A_36, %add3A_37 : i32
    "tpu.region"() ({
      %run_scoped3A_531 = tpu.sem_alloc : memref<!tpu.dma_semaphore, #tpu.memory_space<semaphore_mem>>
      %dma_start3A_532 = arith.constant 0 : i32
      %dma_start3A_533 = arith.constant 0 : i32
      %dma_start3A_534 = tpu.memref_slice %arg10[%dma_start3A_532, %dma_start3A_533] : memref<80x128xf32, #tpu.memory_space<vmem>> -> memref<72x128xf32, #tpu.memory_space<vmem>>
      %dma_start3A_535 = arith.constant 0 : i32
      %dma_start3A_536 = tpu.memref_slice %arg11[%add3A_38, %dma_start3A_535] : memref<10112x128xf32, #tpu.memory_space<vmem_shared>> -> memref<72x128xf32, #tpu.memory_space<vmem_shared>>
      %dma_start3A_537 = arith.constant 0 : i32
      %dma_start3A_538 = tpu.memref_slice %arg11[%add3A_38, %dma_start3A_537] : memref<10112x128xf32, #tpu.memory_space<vmem_shared>> -> memref<72x128xf32, #tpu.memory_space<vmem_shared>>
      %dma_start3A_539 = arith.constant 0 : i32
      %dma_start3A_540 = arith.constant 0 : i32
      %dma_start3A_541 = tpu.memref_slice %arg10[%dma_start3A_539, %dma_start3A_540] : memref<80x128xf32, #tpu.memory_space<vmem>> -> memref<72x128xf32, #tpu.memory_space<vmem>>
      tpu.enqueue_dma source(%dma_start3A_541 : memref<72x128xf32, #tpu.memory_space<vmem>>) target(%dma_start3A_538 : memref<72x128xf32, #tpu.memory_space<vmem_shared>>) target_semaphore(%run_scoped3A_531 : memref<!tpu.dma_semaphore, #tpu.memory_space<semaphore_mem>>)
      %dma_wait3A_542 = arith.constant 0 : i32
      %dma_wait3A_543 = arith.constant 0 : i32
      %dma_wait3A_544 = tpu.memref_slice %arg10[%dma_wait3A_542, %dma_wait3A_543] : memref<80x128xf32, #tpu.memory_space<vmem>> -> memref<72x128xf32, #tpu.memory_space<vmem>>
      %dma_wait3A_545 = arith.constant 0 : i32
      %dma_wait3A_546 = tpu.memref_slice %arg11[%add3A_38, %dma_wait3A_545] : memref<10112x128xf32, #tpu.memory_space<vmem_shared>> -> memref<72x128xf32, #tpu.memory_space<vmem_shared>>
      %dma_wait3A_547 = arith.constant 0 : i32
      %dma_wait3A_548 = tpu.memref_slice %arg11[%add3A_38, %dma_wait3A_547] : memref<10112x128xf32, #tpu.memory_space<vmem_shared>> -> memref<72x128xf32, #tpu.memory_space<vmem_shared>>
      %dma_wait3A_549 = arith.constant 0 : i32
      %dma_wait3A_550 = arith.constant 0 : i32
      %dma_wait3A_551 = tpu.memref_slice %arg10[%dma_wait3A_549, %dma_wait3A_550] : memref<80x128xf32, #tpu.memory_space<vmem>> -> memref<72x128xf32, #tpu.memory_space<vmem>>
      tpu.wait_dma2 semaphore(%run_scoped3A_531 : memref<!tpu.dma_semaphore, #tpu.memory_space<semaphore_mem>>) src(%dma_wait3A_551 : memref<72x128xf32, #tpu.memory_space<vmem>>) dst(%dma_wait3A_548 : memref<72x128xf32, #tpu.memory_space<vmem_shared>>)
      tpu.yield
    }) : () -> ()
    %barrier3A = arith.constant 0 : index
    tpu.barrier barrier_id(%barrier3A)
    %run_scoped3A = arith.constant 0 : i32
    "tpu.region"() ({
      %run_scoped3A_531 = tpu.sem_alloc : memref<!tpu.dma_semaphore, #tpu.memory_space<semaphore_mem>>
      %dma_start3A_532 = arith.constant 0 : i32
      %dma_start3A_533 = arith.constant 0 : i32
      %dma_start3A_534 = tpu.memref_slice %arg3[%add3A_1, %arg1, %run_scoped3A, %dma_start3A_532, %dma_start3A_533] : memref<4x16x2x65x80xi32, #tpu.memory_space<hbm>> -> memref<1x1x1x65x80xi32, #tpu.memory_space<hbm>>
      %dma_start3A_535 = tpu.memref_squeeze %dma_start3A_534 : memref<1x1x1x65x80xi32, #tpu.memory_space<hbm>> -> memref<65x80xi32, #tpu.memory_space<hbm>>
      %dma_start3A_536 = arith.constant 0 : i32
      %dma_start3A_537 = arith.constant 0 : i32
      %dma_start3A_538 = tpu.memref_slice %arg3[%add3A_1, %arg1, %run_scoped3A, %dma_start3A_536, %dma_start3A_537] : memref<4x16x2x65x80xi32, #tpu.memory_space<hbm>> -> memref<1x1x1x65x80xi32, #tpu.memory_space<hbm>>
      %dma_start3A_539 = tpu.memref_squeeze %dma_start3A_538 : memref<1x1x1x65x80xi32, #tpu.memory_space<hbm>> -> memref<65x80xi32, #tpu.memory_space<hbm>>
      tpu.enqueue_dma source(%dma_start3A_539 : memref<65x80xi32, #tpu.memory_space<hbm>>) target(%arg6 : memref<65x80xi32, #tpu.memory_space<vmem>>) target_semaphore(%run_scoped3A_531 : memref<!tpu.dma_semaphore, #tpu.memory_space<semaphore_mem>>)
      %dma_wait3A_540 = arith.constant 0 : i32
      %dma_wait3A_541 = arith.constant 0 : i32
      %dma_wait3A_542 = tpu.memref_slice %arg3[%add3A_1, %arg1, %run_scoped3A, %dma_wait3A_540, %dma_wait3A_541] : memref<4x16x2x65x80xi32, #tpu.memory_space<hbm>> -> memref<1x1x1x65x80xi32, #tpu.memory_space<hbm>>
      %dma_wait3A_543 = tpu.memref_squeeze %dma_wait3A_542 : memref<1x1x1x65x80xi32, #tpu.memory_space<hbm>> -> memref<65x80xi32, #tpu.memory_space<hbm>>
      %dma_wait3A_544 = arith.constant 0 : i32
      %dma_wait3A_545 = arith.constant 0 : i32
      %dma_wait3A_546 = tpu.memref_slice %arg3[%add3A_1, %arg1, %run_scoped3A, %dma_wait3A_544, %dma_wait3A_545] : memref<4x16x2x65x80xi32, #tpu.memory_space<hbm>> -> memref<1x1x1x65x80xi32, #tpu.memory_space<hbm>>
      %dma_wait3A_547 = tpu.memref_squeeze %dma_wait3A_546 : memref<1x1x1x65x80xi32, #tpu.memory_space<hbm>> -> memref<65x80xi32, #tpu.memory_space<hbm>>
      tpu.wait_dma2 semaphore(%run_scoped3A_531 : memref<!tpu.dma_semaphore, #tpu.memory_space<semaphore_mem>>) src(%dma_wait3A_547 : memref<65x80xi32, #tpu.memory_space<hbm>>) dst(%arg6 : memref<65x80xi32, #tpu.memory_space<vmem>>)
      tpu.yield
    }) : () -> ()
    %run_scoped3A_39 = arith.constant 0 : i32
    "tpu.region"() ({
      %run_scoped3A_531 = tpu.sem_alloc : memref<!tpu.dma_semaphore, #tpu.memory_space<semaphore_mem>>
      %dma_start3A_532 = arith.constant 0 : i32
      %dma_start3A_533 = arith.constant 0 : i32
      %dma_start3A_534 = tpu.memref_slice %arg4[%add3A_1, %arg1, %run_scoped3A_39, %dma_start3A_532, %dma_start3A_533] : memref<4x16x2x65x80xi32, #tpu.memory_space<hbm>> -> memref<1x1x1x65x80xi32, #tpu.memory_space<hbm>>
      %dma_start3A_535 = tpu.memref_squeeze %dma_start3A_534 : memref<1x1x1x65x80xi32, #tpu.memory_space<hbm>> -> memref<65x80xi32, #tpu.memory_space<hbm>>
      %dma_start3A_536 = arith.constant 0 : i32
      %dma_start3A_537 = arith.constant 0 : i32
      %dma_start3A_538 = tpu.memref_slice %arg4[%add3A_1, %arg1, %run_scoped3A_39, %dma_start3A_536, %dma_start3A_537] : memref<4x16x2x65x80xi32, #tpu.memory_space<hbm>> -> memref<1x1x1x65x80xi32, #tpu.memory_space<hbm>>
      %dma_start3A_539 = tpu.memref_squeeze %dma_start3A_538 : memref<1x1x1x65x80xi32, #tpu.memory_space<hbm>> -> memref<65x80xi32, #tpu.memory_space<hbm>>
      tpu.enqueue_dma source(%dma_start3A_539 : memref<65x80xi32, #tpu.memory_space<hbm>>) target(%arg7 : memref<65x80xi32, #tpu.memory_space<vmem>>) target_semaphore(%run_scoped3A_531 : memref<!tpu.dma_semaphore, #tpu.memory_space<semaphore_mem>>)
      %dma_wait3A_540 = arith.constant 0 : i32
      %dma_wait3A_541 = arith.constant 0 : i32
      %dma_wait3A_542 = tpu.memref_slice %arg4[%add3A_1, %arg1, %run_scoped3A_39, %dma_wait3A_540, %dma_wait3A_541] : memref<4x16x2x65x80xi32, #tpu.memory_space<hbm>> -> memref<1x1x1x65x80xi32, #tpu.memory_space<hbm>>
      %dma_wait3A_543 = tpu.memref_squeeze %dma_wait3A_542 : memref<1x1x1x65x80xi32, #tpu.memory_space<hbm>> -> memref<65x80xi32, #tpu.memory_space<hbm>>
      %dma_wait3A_544 = arith.constant 0 : i32
      %dma_wait3A_545 = arith.constant 0 : i32
      %dma_wait3A_546 = tpu.memref_slice %arg4[%add3A_1, %arg1, %run_scoped3A_39, %dma_wait3A_544, %dma_wait3A_545] : memref<4x16x2x65x80xi32, #tpu.memory_space<hbm>> -> memref<1x1x1x65x80xi32, #tpu.memory_space<hbm>>
      %dma_wait3A_547 = tpu.memref_squeeze %dma_wait3A_546 : memref<1x1x1x65x80xi32, #tpu.memory_space<hbm>> -> memref<65x80xi32, #tpu.memory_space<hbm>>
      tpu.wait_dma2 semaphore(%run_scoped3A_531 : memref<!tpu.dma_semaphore, #tpu.memory_space<semaphore_mem>>) src(%dma_wait3A_547 : memref<65x80xi32, #tpu.memory_space<hbm>>) dst(%arg7 : memref<65x80xi32, #tpu.memory_space<vmem>>)
      tpu.yield
    }) : () -> ()
    %dma_start3A = arith.constant 0 : i32
    %dma_start3A_40 = arith.constant 0 : i32
    %dma_start3A_41 = tpu.memref_slice %arg6[%dma_start3A, %dma_start3A_40] : memref<65x80xi32, #tpu.memory_space<vmem>> -> memref<1x80xi32, #tpu.memory_space<vmem>>
    %dma_start3A_42 = tpu.memref_squeeze %dma_start3A_41 : memref<1x80xi32, #tpu.memory_space<vmem>> -> memref<80xi32, #tpu.memory_space<vmem>>
    %dma_start3A_43 = arith.constant 0 : i32
    %dma_start3A_44 = arith.constant 0 : i32
    %dma_start3A_45 = tpu.memref_slice %arg2[%dma_start3A_43, %dma_start3A_44] : memref<40000x128xf32, #tpu.memory_space<hbm>> -> memref<40000x128xf32, #tpu.memory_space<hbm>>
    tpu.enqueue_indirect_dma source(%dma_start3A_45 : memref<40000x128xf32, #tpu.memory_space<hbm>>) target(%arg8 : memref<80x128xf32, #tpu.memory_space<vmem>>) offsets(%dma_start3A_42 : memref<80xi32, #tpu.memory_space<vmem>>) semaphore(%arg12 : memref<!tpu.dma_semaphore, #tpu.memory_space<semaphore_mem>>)
    %dma_start3A_46 = arith.constant 1 : i32
    %dma_start3A_47 = arith.constant 0 : i32
    %dma_start3A_48 = tpu.memref_slice %arg6[%dma_start3A_46, %dma_start3A_47] : memref<65x80xi32, #tpu.memory_space<vmem>> -> memref<1x80xi32, #tpu.memory_space<vmem>>
    %dma_start3A_49 = tpu.memref_squeeze %dma_start3A_48 : memref<1x80xi32, #tpu.memory_space<vmem>> -> memref<80xi32, #tpu.memory_space<vmem>>
    %dma_start3A_50 = arith.constant 0 : i32
    %dma_start3A_51 = arith.constant 0 : i32
    %dma_start3A_52 = tpu.memref_slice %arg2[%dma_start3A_50, %dma_start3A_51] : memref<40000x128xf32, #tpu.memory_space<hbm>> -> memref<40000x128xf32, #tpu.memory_space<hbm>>
    tpu.enqueue_indirect_dma source(%dma_start3A_52 : memref<40000x128xf32, #tpu.memory_space<hbm>>) target(%arg9 : memref<80x128xf32, #tpu.memory_space<vmem>>) offsets(%dma_start3A_49 : memref<80xi32, #tpu.memory_space<vmem>>) semaphore(%arg13 : memref<!tpu.dma_semaphore, #tpu.memory_space<semaphore_mem>>)
    %scan3A_53 = arith.constant 0 : i32
    %scan3A_54 = arith.constant 0 : i32
    %scan3A_55 = arith.constant 20 : i32
    %scan3A_56 = arith.addi %scan3A_54, %scan3A_55 : i32
    %scan3A_57 = arith.constant 1 : i32
    scf.for %scan3A_531 = %scan3A_54 to %scan3A_56 step %scan3A_57  : i32 {
      %mul3A_532 = arith.constant 3 : i32
      %mul3A_533 = arith.muli %mul3A_532, %scan3A_531 : i32
      %add3A_534 = arith.constant 0 : i32
      %add3A_535 = arith.addi %mul3A_533, %add3A_534 : i32
      %add3A_536 = arith.constant 2 : i32
      %add3A_537 = arith.addi %add3A_535, %add3A_536 : i32
      %dma_start3A_538 = arith.constant 0 : i32
      %dma_start3A_539 = tpu.memref_slice %arg6[%add3A_537, %dma_start3A_538] : memref<65x80xi32, #tpu.memory_space<vmem>> -> memref<1x80xi32, #tpu.memory_space<vmem>>
      %dma_start3A_540 = tpu.memref_squeeze %dma_start3A_539 : memref<1x80xi32, #tpu.memory_space<vmem>> -> memref<80xi32, #tpu.memory_space<vmem>>
      %dma_start3A_541 = arith.constant 0 : i32
      %dma_start3A_542 = arith.constant 0 : i32
      %dma_start3A_543 = tpu.memref_slice %arg2[%dma_start3A_541, %dma_start3A_542] : memref<40000x128xf32, #tpu.memory_space<hbm>> -> memref<40000x128xf32, #tpu.memory_space<hbm>>
      tpu.enqueue_indirect_dma source(%dma_start3A_543 : memref<40000x128xf32, #tpu.memory_space<hbm>>) target(%arg10 : memref<80x128xf32, #tpu.memory_space<vmem>>) offsets(%dma_start3A_540 : memref<80xi32, #tpu.memory_space<vmem>>) semaphore(%arg14 : memref<!tpu.dma_semaphore, #tpu.memory_space<semaphore_mem>>)
      %dma_wait3A_544 = arith.constant 0 : i32
      %dma_wait3A_545 = tpu.memref_slice %arg6[%add3A_535, %dma_wait3A_544] : memref<65x80xi32, #tpu.memory_space<vmem>> -> memref<1x80xi32, #tpu.memory_space<vmem>>
      %dma_wait3A_546 = tpu.memref_squeeze %dma_wait3A_545 : memref<1x80xi32, #tpu.memory_space<vmem>> -> memref<80xi32, #tpu.memory_space<vmem>>
      %dma_wait3A_547 = arith.constant 0 : i32
      %dma_wait3A_548 = arith.constant 0 : i32
      %dma_wait3A_549 = tpu.memref_slice %arg2[%dma_wait3A_547, %dma_wait3A_548] : memref<40000x128xf32, #tpu.memory_space<hbm>> -> memref<40000x128xf32, #tpu.memory_space<hbm>>
      tpu.wait_indirect_dma semaphore(%arg12 : memref<!tpu.dma_semaphore, #tpu.memory_space<semaphore_mem>>) src(%dma_wait3A_549 : memref<40000x128xf32, #tpu.memory_space<hbm>>) dst(%arg8 : memref<80x128xf32, #tpu.memory_space<vmem>>)
      "tpu.region"() ({
        %run_scoped3A_586 = tpu.sem_alloc : memref<!tpu.dma_semaphore, #tpu.memory_space<semaphore_mem>>
        %dma_start3A_587 = arith.constant 0 : i32
        %dma_start3A_588 = tpu.memref_slice %arg7[%add3A_535, %dma_start3A_587] : memref<65x80xi32, #tpu.memory_space<vmem>> -> memref<1x80xi32, #tpu.memory_space<vmem>>
        %dma_start3A_589 = tpu.memref_squeeze %dma_start3A_588 : memref<1x80xi32, #tpu.memory_space<vmem>> -> memref<80xi32, #tpu.memory_space<vmem>>
        %dma_start3A_590 = arith.constant 0 : i32
        %dma_start3A_591 = arith.constant 0 : i32
        %dma_start3A_592 = tpu.memref_slice %arg11[%dma_start3A_590, %dma_start3A_591] : memref<10112x128xf32, #tpu.memory_space<vmem_shared>> -> memref<10112x128xf32, #tpu.memory_space<vmem_shared>>
        tpu.enqueue_indirect_dma source(%arg8 : memref<80x128xf32, #tpu.memory_space<vmem>>) target(%dma_start3A_592 : memref<10112x128xf32, #tpu.memory_space<vmem_shared>>) offsets(%dma_start3A_589 : memref<80xi32, #tpu.memory_space<vmem>>) semaphore(%run_scoped3A_586 : memref<!tpu.dma_semaphore, #tpu.memory_space<semaphore_mem>>) {add = true}
        %dma_wait3A_593 = arith.constant 0 : i32
        %dma_wait3A_594 = tpu.memref_slice %arg7[%add3A_535, %dma_wait3A_593] : memref<65x80xi32, #tpu.memory_space<vmem>> -> memref<1x80xi32, #tpu.memory_space<vmem>>
        %dma_wait3A_595 = tpu.memref_squeeze %dma_wait3A_594 : memref<1x80xi32, #tpu.memory_space<vmem>> -> memref<80xi32, #tpu.memory_space<vmem>>
        %dma_wait3A_596 = arith.constant 0 : i32
        %dma_wait3A_597 = arith.constant 0 : i32
        %dma_wait3A_598 = tpu.memref_slice %arg11[%dma_wait3A_596, %dma_wait3A_597] : memref<10112x128xf32, #tpu.memory_space<vmem_shared>> -> memref<10112x128xf32, #tpu.memory_space<vmem_shared>>
        tpu.wait_indirect_dma semaphore(%run_scoped3A_586 : memref<!tpu.dma_semaphore, #tpu.memory_space<semaphore_mem>>) src(%arg8 : memref<80x128xf32, #tpu.memory_space<vmem>>) dst(%dma_wait3A_598 : memref<10112x128xf32, #tpu.memory_space<vmem_shared>>)
        tpu.yield
      }) : () -> ()
      %mul3A_550 = arith.constant 3 : i32
      %mul3A_551 = arith.muli %mul3A_550, %scan3A_531 : i32
      %add3A_552 = arith.constant 1 : i32
      %add3A_553 = arith.addi %mul3A_551, %add3A_552 : i32
      %add3A_554 = arith.constant 2 : i32
      %add3A_555 = arith.addi %add3A_553, %add3A_554 : i32
      %dma_start3A_556 = arith.constant 0 : i32
      %dma_start3A_557 = tpu.memref_slice %arg6[%add3A_555, %dma_start3A_556] : memref<65x80xi32, #tpu.memory_space<vmem>> -> memref<1x80xi32, #tpu.memory_space<vmem>>
      %dma_start3A_558 = tpu.memref_squeeze %dma_start3A_557 : memref<1x80xi32, #tpu.memory_space<vmem>> -> memref<80xi32, #tpu.memory_space<vmem>>
      %dma_start3A_559 = arith.constant 0 : i32
      %dma_start3A_560 = arith.constant 0 : i32
      %dma_start3A_561 = tpu.memref_slice %arg2[%dma_start3A_559, %dma_start3A_560] : memref<40000x128xf32, #tpu.memory_space<hbm>> -> memref<40000x128xf32, #tpu.memory_space<hbm>>
      tpu.enqueue_indirect_dma source(%dma_start3A_561 : memref<40000x128xf32, #tpu.memory_space<hbm>>) target(%arg8 : memref<80x128xf32, #tpu.memory_space<vmem>>) offsets(%dma_start3A_558 : memref<80xi32, #tpu.memory_space<vmem>>) semaphore(%arg12 : memref<!tpu.dma_semaphore, #tpu.memory_space<semaphore_mem>>)
      %dma_wait3A_562 = arith.constant 0 : i32
      %dma_wait3A_563 = tpu.memref_slice %arg6[%add3A_553, %dma_wait3A_562] : memref<65x80xi32, #tpu.memory_space<vmem>> -> memref<1x80xi32, #tpu.memory_space<vmem>>
      %dma_wait3A_564 = tpu.memref_squeeze %dma_wait3A_563 : memref<1x80xi32, #tpu.memory_space<vmem>> -> memref<80xi32, #tpu.memory_space<vmem>>
      %dma_wait3A_565 = arith.constant 0 : i32
      %dma_wait3A_566 = arith.constant 0 : i32
      %dma_wait3A_567 = tpu.memref_slice %arg2[%dma_wait3A_565, %dma_wait3A_566] : memref<40000x128xf32, #tpu.memory_space<hbm>> -> memref<40000x128xf32, #tpu.memory_space<hbm>>
      tpu.wait_indirect_dma semaphore(%arg13 : memref<!tpu.dma_semaphore, #tpu.memory_space<semaphore_mem>>) src(%dma_wait3A_567 : memref<40000x128xf32, #tpu.memory_space<hbm>>) dst(%arg9 : memref<80x128xf32, #tpu.memory_space<vmem>>)
      "tpu.region"() ({
        %run_scoped3A_586 = tpu.sem_alloc : memref<!tpu.dma_semaphore, #tpu.memory_space<semaphore_mem>>
        %dma_start3A_587 = arith.constant 0 : i32
        %dma_start3A_588 = tpu.memref_slice %arg7[%add3A_553, %dma_start3A_587] : memref<65x80xi32, #tpu.memory_space<vmem>> -> memref<1x80xi32, #tpu.memory_space<vmem>>
        %dma_start3A_589 = tpu.memref_squeeze %dma_start3A_588 : memref<1x80xi32, #tpu.memory_space<vmem>> -> memref<80xi32, #tpu.memory_space<vmem>>
        %dma_start3A_590 = arith.constant 0 : i32
        %dma_start3A_591 = arith.constant 0 : i32
        %dma_start3A_592 = tpu.memref_slice %arg11[%dma_start3A_590, %dma_start3A_591] : memref<10112x128xf32, #tpu.memory_space<vmem_shared>> -> memref<10112x128xf32, #tpu.memory_space<vmem_shared>>
        tpu.enqueue_indirect_dma source(%arg9 : memref<80x128xf32, #tpu.memory_space<vmem>>) target(%dma_start3A_592 : memref<10112x128xf32, #tpu.memory_space<vmem_shared>>) offsets(%dma_start3A_589 : memref<80xi32, #tpu.memory_space<vmem>>) semaphore(%run_scoped3A_586 : memref<!tpu.dma_semaphore, #tpu.memory_space<semaphore_mem>>) {add = true}
        %dma_wait3A_593 = arith.constant 0 : i32
        %dma_wait3A_594 = tpu.memref_slice %arg7[%add3A_553, %dma_wait3A_593] : memref<65x80xi32, #tpu.memory_space<vmem>> -> memref<1x80xi32, #tpu.memory_space<vmem>>
        %dma_wait3A_595 = tpu.memref_squeeze %dma_wait3A_594 : memref<1x80xi32, #tpu.memory_space<vmem>> -> memref<80xi32, #tpu.memory_space<vmem>>
        %dma_wait3A_596 = arith.constant 0 : i32
        %dma_wait3A_597 = arith.constant 0 : i32
        %dma_wait3A_598 = tpu.memref_slice %arg11[%dma_wait3A_596, %dma_wait3A_597] : memref<10112x128xf32, #tpu.memory_space<vmem_shared>> -> memref<10112x128xf32, #tpu.memory_space<vmem_shared>>
        tpu.wait_indirect_dma semaphore(%run_scoped3A_586 : memref<!tpu.dma_semaphore, #tpu.memory_space<semaphore_mem>>) src(%arg9 : memref<80x128xf32, #tpu.memory_space<vmem>>) dst(%dma_wait3A_598 : memref<10112x128xf32, #tpu.memory_space<vmem_shared>>)
        tpu.yield
      }) : () -> ()
      %mul3A_568 = arith.constant 3 : i32
      %mul3A_569 = arith.muli %mul3A_568, %scan3A_531 : i32
      %add3A_570 = arith.constant 2 : i32
      %add3A_571 = arith.addi %mul3A_569, %add3A_570 : i32
      %add3A_572 = arith.constant 2 : i32
      %add3A_573 = arith.addi %add3A_571, %add3A_572 : i32
      %dma_start3A_574 = arith.constant 0 : i32
      %dma_start3A_575 = tpu.memref_slice %arg6[%add3A_573, %dma_start3A_574] : memref<65x80xi32, #tpu.memory_space<vmem>> -> memref<1x80xi32, #tpu.memory_space<vmem>>
      %dma_start3A_576 = tpu.memref_squeeze %dma_start3A_575 : memref<1x80xi32, #tpu.memory_space<vmem>> -> memref<80xi32, #tpu.memory_space<vmem>>
      %dma_start3A_577 = arith.constant 0 : i32
      %dma_start3A_578 = arith.constant 0 : i32
      %dma_start3A_579 = tpu.memref_slice %arg2[%dma_start3A_577, %dma_start3A_578] : memref<40000x128xf32, #tpu.memory_space<hbm>> -> memref<40000x128xf32, #tpu.memory_space<hbm>>
      tpu.enqueue_indirect_dma source(%dma_start3A_579 : memref<40000x128xf32, #tpu.memory_space<hbm>>) target(%arg9 : memref<80x128xf32, #tpu.memory_space<vmem>>) offsets(%dma_start3A_576 : memref<80xi32, #tpu.memory_space<vmem>>) semaphore(%arg13 : memref<!tpu.dma_semaphore, #tpu.memory_space<semaphore_mem>>)
      %dma_wait3A_580 = arith.constant 0 : i32
      %dma_wait3A_581 = tpu.memref_slice %arg6[%add3A_571, %dma_wait3A_580] : memref<65x80xi32, #tpu.memory_space<vmem>> -> memref<1x80xi32, #tpu.memory_space<vmem>>
      %dma_wait3A_582 = tpu.memref_squeeze %dma_wait3A_581 : memref<1x80xi32, #tpu.memory_space<vmem>> -> memref<80xi32, #tpu.memory_space<vmem>>
      %dma_wait3A_583 = arith.constant 0 : i32
      %dma_wait3A_584 = arith.constant 0 : i32
      %dma_wait3A_585 = tpu.memref_slice %arg2[%dma_wait3A_583, %dma_wait3A_584] : memref<40000x128xf32, #tpu.memory_space<hbm>> -> memref<40000x128xf32, #tpu.memory_space<hbm>>
      tpu.wait_indirect_dma semaphore(%arg14 : memref<!tpu.dma_semaphore, #tpu.memory_space<semaphore_mem>>) src(%dma_wait3A_585 : memref<40000x128xf32, #tpu.memory_space<hbm>>) dst(%arg10 : memref<80x128xf32, #tpu.memory_space<vmem>>)
      "tpu.region"() ({
        %run_scoped3A_586 = tpu.sem_alloc : memref<!tpu.dma_semaphore, #tpu.memory_space<semaphore_mem>>
        %dma_start3A_587 = arith.constant 0 : i32
        %dma_start3A_588 = tpu.memref_slice %arg7[%add3A_571, %dma_start3A_587] : memref<65x80xi32, #tpu.memory_space<vmem>> -> memref<1x80xi32, #tpu.memory_space<vmem>>
        %dma_start3A_589 = tpu.memref_squeeze %dma_start3A_588 : memref<1x80xi32, #tpu.memory_space<vmem>> -> memref<80xi32, #tpu.memory_space<vmem>>
        %dma_start3A_590 = arith.constant 0 : i32
        %dma_start3A_591 = arith.constant 0 : i32
        %dma_start3A_592 = tpu.memref_slice %arg11[%dma_start3A_590, %dma_start3A_591] : memref<10112x128xf32, #tpu.memory_space<vmem_shared>> -> memref<10112x128xf32, #tpu.memory_space<vmem_shared>>
        tpu.enqueue_indirect_dma source(%arg10 : memref<80x128xf32, #tpu.memory_space<vmem>>) target(%dma_start3A_592 : memref<10112x128xf32, #tpu.memory_space<vmem_shared>>) offsets(%dma_start3A_589 : memref<80xi32, #tpu.memory_space<vmem>>) semaphore(%run_scoped3A_586 : memref<!tpu.dma_semaphore, #tpu.memory_space<semaphore_mem>>) {add = true}
        %dma_wait3A_593 = arith.constant 0 : i32
        %dma_wait3A_594 = tpu.memref_slice %arg7[%add3A_571, %dma_wait3A_593] : memref<65x80xi32, #tpu.memory_space<vmem>> -> memref<1x80xi32, #tpu.memory_space<vmem>>
        %dma_wait3A_595 = tpu.memref_squeeze %dma_wait3A_594 : memref<1x80xi32, #tpu.memory_space<vmem>> -> memref<80xi32, #tpu.memory_space<vmem>>
        %dma_wait3A_596 = arith.constant 0 : i32
        %dma_wait3A_597 = arith.constant 0 : i32
        %dma_wait3A_598 = tpu.memref_slice %arg11[%dma_wait3A_596, %dma_wait3A_597] : memref<10112x128xf32, #tpu.memory_space<vmem_shared>> -> memref<10112x128xf32, #tpu.memory_space<vmem_shared>>
        tpu.wait_indirect_dma semaphore(%run_scoped3A_586 : memref<!tpu.dma_semaphore, #tpu.memory_space<semaphore_mem>>) src(%arg10 : memref<80x128xf32, #tpu.memory_space<vmem>>) dst(%dma_wait3A_598 : memref<10112x128xf32, #tpu.memory_space<vmem_shared>>)
        tpu.yield
      }) : () -> ()
    }
    %scan3A_58 = arith.constant 20 : i32
    %dma_start3A_59 = arith.constant 62 : i32
    %dma_start3A_60 = arith.constant 0 : i32
    %dma_start3A_61 = tpu.memref_slice %arg6[%dma_start3A_59, %dma_start3A_60] : memref<65x80xi32, #tpu.memory_space<vmem>> -> memref<1x80xi32, #tpu.memory_space<vmem>>
    %dma_start3A_62 = tpu.memref_squeeze %dma_start3A_61 : memref<1x80xi32, #tpu.memory_space<vmem>> -> memref<80xi32, #tpu.memory_space<vmem>>
    %dma_start3A_63 = arith.constant 0 : i32
    %dma_start3A_64 = arith.constant 0 : i32
    %dma_start3A_65 = tpu.memref_slice %arg2[%dma_start3A_63, %dma_start3A_64] : memref<40000x128xf32, #tpu.memory_space<hbm>> -> memref<40000x128xf32, #tpu.memory_space<hbm>>
    tpu.enqueue_indirect_dma source(%dma_start3A_65 : memref<40000x128xf32, #tpu.memory_space<hbm>>) target(%arg10 : memref<80x128xf32, #tpu.memory_space<vmem>>) offsets(%dma_start3A_62 : memref<80xi32, #tpu.memory_space<vmem>>) semaphore(%arg14 : memref<!tpu.dma_semaphore, #tpu.memory_space<semaphore_mem>>)
    %dma_wait3A = arith.constant 60 : i32
    %dma_wait3A_66 = arith.constant 0 : i32
    %dma_wait3A_67 = tpu.memref_slice %arg6[%dma_wait3A, %dma_wait3A_66] : memref<65x80xi32, #tpu.memory_space<vmem>> -> memref<1x80xi32, #tpu.memory_space<vmem>>
    %dma_wait3A_68 = tpu.memref_squeeze %dma_wait3A_67 : memref<1x80xi32, #tpu.memory_space<vmem>> -> memref<80xi32, #tpu.memory_space<vmem>>
    %dma_wait3A_69 = arith.constant 0 : i32
    %dma_wait3A_70 = arith.constant 0 : i32
    %dma_wait3A_71 = tpu.memref_slice %arg2[%dma_wait3A_69, %dma_wait3A_70] : memref<40000x128xf32, #tpu.memory_space<hbm>> -> memref<40000x128xf32, #tpu.memory_space<hbm>>
    tpu.wait_indirect_dma semaphore(%arg12 : memref<!tpu.dma_semaphore, #tpu.memory_space<semaphore_mem>>) src(%dma_wait3A_71 : memref<40000x128xf32, #tpu.memory_space<hbm>>) dst(%arg8 : memref<80x128xf32, #tpu.memory_space<vmem>>)
    %run_scoped3A_72 = arith.constant 60 : i32
    "tpu.region"() ({
      %run_scoped3A_531 = tpu.sem_alloc : memref<!tpu.dma_semaphore, #tpu.memory_space<semaphore_mem>>
      %dma_start3A_532 = arith.constant 0 : i32
      %dma_start3A_533 = tpu.memref_slice %arg7[%run_scoped3A_72, %dma_start3A_532] : memref<65x80xi32, #tpu.memory_space<vmem>> -> memref<1x80xi32, #tpu.memory_space<vmem>>
      %dma_start3A_534 = tpu.memref_squeeze %dma_start3A_533 : memref<1x80xi32, #tpu.memory_space<vmem>> -> memref<80xi32, #tpu.memory_space<vmem>>
      %dma_start3A_535 = arith.constant 0 : i32
      %dma_start3A_536 = arith.constant 0 : i32
      %dma_start3A_537 = tpu.memref_slice %arg11[%dma_start3A_535, %dma_start3A_536] : memref<10112x128xf32, #tpu.memory_space<vmem_shared>> -> memref<10112x128xf32, #tpu.memory_space<vmem_shared>>
      tpu.enqueue_indirect_dma source(%arg8 : memref<80x128xf32, #tpu.memory_space<vmem>>) target(%dma_start3A_537 : memref<10112x128xf32, #tpu.memory_space<vmem_shared>>) offsets(%dma_start3A_534 : memref<80xi32, #tpu.memory_space<vmem>>) semaphore(%run_scoped3A_531 : memref<!tpu.dma_semaphore, #tpu.memory_space<semaphore_mem>>) {add = true}
      %dma_wait3A_538 = arith.constant 0 : i32
      %dma_wait3A_539 = tpu.memref_slice %arg7[%run_scoped3A_72, %dma_wait3A_538] : memref<65x80xi32, #tpu.memory_space<vmem>> -> memref<1x80xi32, #tpu.memory_space<vmem>>
      %dma_wait3A_540 = tpu.memref_squeeze %dma_wait3A_539 : memref<1x80xi32, #tpu.memory_space<vmem>> -> memref<80xi32, #tpu.memory_space<vmem>>
      %dma_wait3A_541 = arith.constant 0 : i32
      %dma_wait3A_542 = arith.constant 0 : i32
      %dma_wait3A_543 = tpu.memref_slice %arg11[%dma_wait3A_541, %dma_wait3A_542] : memref<10112x128xf32, #tpu.memory_space<vmem_shared>> -> memref<10112x128xf32, #tpu.memory_space<vmem_shared>>
      tpu.wait_indirect_dma semaphore(%run_scoped3A_531 : memref<!tpu.dma_semaphore, #tpu.memory_space<semaphore_mem>>) src(%arg8 : memref<80x128xf32, #tpu.memory_space<vmem>>) dst(%dma_wait3A_543 : memref<10112x128xf32, #tpu.memory_space<vmem_shared>>)
      tpu.yield
    }) : () -> ()
    %dma_start3A_73 = arith.constant 63 : i32
    %dma_start3A_74 = arith.constant 0 : i32
    %dma_start3A_75 = tpu.memref_slice %arg6[%dma_start3A_73, %dma_start3A_74] : memref<65x80xi32, #tpu.memory_space<vmem>> -> memref<1x80xi32, #tpu.memory_space<vmem>>
    %dma_start3A_76 = tpu.memref_squeeze %dma_start3A_75 : memref<1x80xi32, #tpu.memory_space<vmem>> -> memref<80xi32, #tpu.memory_space<vmem>>
    %dma_start3A_77 = arith.constant 0 : i32
    %dma_start3A_78 = arith.constant 0 : i32
    %dma_start3A_79 = tpu.memref_slice %arg2[%dma_start3A_77, %dma_start3A_78] : memref<40000x128xf32, #tpu.memory_space<hbm>> -> memref<40000x128xf32, #tpu.memory_space<hbm>>
    tpu.enqueue_indirect_dma source(%dma_start3A_79 : memref<40000x128xf32, #tpu.memory_space<hbm>>) target(%arg8 : memref<80x128xf32, #tpu.memory_space<vmem>>) offsets(%dma_start3A_76 : memref<80xi32, #tpu.memory_space<vmem>>) semaphore(%arg12 : memref<!tpu.dma_semaphore, #tpu.memory_space<semaphore_mem>>)
    %dma_wait3A_80 = arith.constant 61 : i32
    %dma_wait3A_81 = arith.constant 0 : i32
    %dma_wait3A_82 = tpu.memref_slice %arg6[%dma_wait3A_80, %dma_wait3A_81] : memref<65x80xi32, #tpu.memory_space<vmem>> -> memref<1x80xi32, #tpu.memory_space<vmem>>
    %dma_wait3A_83 = tpu.memref_squeeze %dma_wait3A_82 : memref<1x80xi32, #tpu.memory_space<vmem>> -> memref<80xi32, #tpu.memory_space<vmem>>
    %dma_wait3A_84 = arith.constant 0 : i32
    %dma_wait3A_85 = arith.constant 0 : i32
    %dma_wait3A_86 = tpu.memref_slice %arg2[%dma_wait3A_84, %dma_wait3A_85] : memref<40000x128xf32, #tpu.memory_space<hbm>> -> memref<40000x128xf32, #tpu.memory_space<hbm>>
    tpu.wait_indirect_dma semaphore(%arg13 : memref<!tpu.dma_semaphore, #tpu.memory_space<semaphore_mem>>) src(%dma_wait3A_86 : memref<40000x128xf32, #tpu.memory_space<hbm>>) dst(%arg9 : memref<80x128xf32, #tpu.memory_space<vmem>>)
    %run_scoped3A_87 = arith.constant 61 : i32
    "tpu.region"() ({
      %run_scoped3A_531 = tpu.sem_alloc : memref<!tpu.dma_semaphore, #tpu.memory_space<semaphore_mem>>
      %dma_start3A_532 = arith.constant 0 : i32
      %dma_start3A_533 = tpu.memref_slice %arg7[%run_scoped3A_87, %dma_start3A_532] : memref<65x80xi32, #tpu.memory_space<vmem>> -> memref<1x80xi32, #tpu.memory_space<vmem>>
      %dma_start3A_534 = tpu.memref_squeeze %dma_start3A_533 : memref<1x80xi32, #tpu.memory_space<vmem>> -> memref<80xi32, #tpu.memory_space<vmem>>
      %dma_start3A_535 = arith.constant 0 : i32
      %dma_start3A_536 = arith.constant 0 : i32
      %dma_start3A_537 = tpu.memref_slice %arg11[%dma_start3A_535, %dma_start3A_536] : memref<10112x128xf32, #tpu.memory_space<vmem_shared>> -> memref<10112x128xf32, #tpu.memory_space<vmem_shared>>
      tpu.enqueue_indirect_dma source(%arg9 : memref<80x128xf32, #tpu.memory_space<vmem>>) target(%dma_start3A_537 : memref<10112x128xf32, #tpu.memory_space<vmem_shared>>) offsets(%dma_start3A_534 : memref<80xi32, #tpu.memory_space<vmem>>) semaphore(%run_scoped3A_531 : memref<!tpu.dma_semaphore, #tpu.memory_space<semaphore_mem>>) {add = true}
      %dma_wait3A_538 = arith.constant 0 : i32
      %dma_wait3A_539 = tpu.memref_slice %arg7[%run_scoped3A_87, %dma_wait3A_538] : memref<65x80xi32, #tpu.memory_space<vmem>> -> memref<1x80xi32, #tpu.memory_space<vmem>>
      %dma_wait3A_540 = tpu.memref_squeeze %dma_wait3A_539 : memref<1x80xi32, #tpu.memory_space<vmem>> -> memref<80xi32, #tpu.memory_space<vmem>>
      %dma_wait3A_541 = arith.constant 0 : i32
      %dma_wait3A_542 = arith.constant 0 : i32
      %dma_wait3A_543 = tpu.memref_slice %arg11[%dma_wait3A_541, %dma_wait3A_542] : memref<10112x128xf32, #tpu.memory_space<vmem_shared>> -> memref<10112x128xf32, #tpu.memory_space<vmem_shared>>
      tpu.wait_indirect_dma semaphore(%run_scoped3A_531 : memref<!tpu.dma_semaphore, #tpu.memory_space<semaphore_mem>>) src(%arg9 : memref<80x128xf32, #tpu.memory_space<vmem>>) dst(%dma_wait3A_543 : memref<10112x128xf32, #tpu.memory_space<vmem_shared>>)
      tpu.yield
    }) : () -> ()
    %dma_start3A_88 = arith.constant 64 : i32
    %dma_start3A_89 = arith.constant 0 : i32
    %dma_start3A_90 = tpu.memref_slice %arg6[%dma_start3A_88, %dma_start3A_89] : memref<65x80xi32, #tpu.memory_space<vmem>> -> memref<1x80xi32, #tpu.memory_space<vmem>>
    %dma_start3A_91 = tpu.memref_squeeze %dma_start3A_90 : memref<1x80xi32, #tpu.memory_space<vmem>> -> memref<80xi32, #tpu.memory_space<vmem>>
    %dma_start3A_92 = arith.constant 0 : i32
    %dma_start3A_93 = arith.constant 0 : i32
    %dma_start3A_94 = tpu.memref_slice %arg2[%dma_start3A_92, %dma_start3A_93] : memref<40000x128xf32, #tpu.memory_space<hbm>> -> memref<40000x128xf32, #tpu.memory_space<hbm>>
    tpu.enqueue_indirect_dma source(%dma_start3A_94 : memref<40000x128xf32, #tpu.memory_space<hbm>>) target(%arg9 : memref<80x128xf32, #tpu.memory_space<vmem>>) offsets(%dma_start3A_91 : memref<80xi32, #tpu.memory_space<vmem>>) semaphore(%arg13 : memref<!tpu.dma_semaphore, #tpu.memory_space<semaphore_mem>>)
    %dma_wait3A_95 = arith.constant 62 : i32
    %dma_wait3A_96 = arith.constant 0 : i32
    %dma_wait3A_97 = tpu.memref_slice %arg6[%dma_wait3A_95, %dma_wait3A_96] : memref<65x80xi32, #tpu.memory_space<vmem>> -> memref<1x80xi32, #tpu.memory_space<vmem>>
    %dma_wait3A_98 = tpu.memref_squeeze %dma_wait3A_97 : memref<1x80xi32, #tpu.memory_space<vmem>> -> memref<80xi32, #tpu.memory_space<vmem>>
    %dma_wait3A_99 = arith.constant 0 : i32
    %dma_wait3A_100 = arith.constant 0 : i32
    %dma_wait3A_101 = tpu.memref_slice %arg2[%dma_wait3A_99, %dma_wait3A_100] : memref<40000x128xf32, #tpu.memory_space<hbm>> -> memref<40000x128xf32, #tpu.memory_space<hbm>>
    tpu.wait_indirect_dma semaphore(%arg14 : memref<!tpu.dma_semaphore, #tpu.memory_space<semaphore_mem>>) src(%dma_wait3A_101 : memref<40000x128xf32, #tpu.memory_space<hbm>>) dst(%arg10 : memref<80x128xf32, #tpu.memory_space<vmem>>)
    %run_scoped3A_102 = arith.constant 62 : i32
    "tpu.region"() ({
      %run_scoped3A_531 = tpu.sem_alloc : memref<!tpu.dma_semaphore, #tpu.memory_space<semaphore_mem>>
      %dma_start3A_532 = arith.constant 0 : i32
      %dma_start3A_533 = tpu.memref_slice %arg7[%run_scoped3A_102, %dma_start3A_532] : memref<65x80xi32, #tpu.memory_space<vmem>> -> memref<1x80xi32, #tpu.memory_space<vmem>>
      %dma_start3A_534 = tpu.memref_squeeze %dma_start3A_533 : memref<1x80xi32, #tpu.memory_space<vmem>> -> memref<80xi32, #tpu.memory_space<vmem>>
      %dma_start3A_535 = arith.constant 0 : i32
      %dma_start3A_536 = arith.constant 0 : i32
      %dma_start3A_537 = tpu.memref_slice %arg11[%dma_start3A_535, %dma_start3A_536] : memref<10112x128xf32, #tpu.memory_space<vmem_shared>> -> memref<10112x128xf32, #tpu.memory_space<vmem_shared>>
      tpu.enqueue_indirect_dma source(%arg10 : memref<80x128xf32, #tpu.memory_space<vmem>>) target(%dma_start3A_537 : memref<10112x128xf32, #tpu.memory_space<vmem_shared>>) offsets(%dma_start3A_534 : memref<80xi32, #tpu.memory_space<vmem>>) semaphore(%run_scoped3A_531 : memref<!tpu.dma_semaphore, #tpu.memory_space<semaphore_mem>>) {add = true}
      %dma_wait3A_538 = arith.constant 0 : i32
      %dma_wait3A_539 = tpu.memref_slice %arg7[%run_scoped3A_102, %dma_wait3A_538] : memref<65x80xi32, #tpu.memory_space<vmem>> -> memref<1x80xi32, #tpu.memory_space<vmem>>
      %dma_wait3A_540 = tpu.memref_squeeze %dma_wait3A_539 : memref<1x80xi32, #tpu.memory_space<vmem>> -> memref<80xi32, #tpu.memory_space<vmem>>
      %dma_wait3A_541 = arith.constant 0 : i32
      %dma_wait3A_542 = arith.constant 0 : i32
      %dma_wait3A_543 = tpu.memref_slice %arg11[%dma_wait3A_541, %dma_wait3A_542] : memref<10112x128xf32, #tpu.memory_space<vmem_shared>> -> memref<10112x128xf32, #tpu.memory_space<vmem_shared>>
      tpu.wait_indirect_dma semaphore(%run_scoped3A_531 : memref<!tpu.dma_semaphore, #tpu.memory_space<semaphore_mem>>) src(%arg10 : memref<80x128xf32, #tpu.memory_space<vmem>>) dst(%dma_wait3A_543 : memref<10112x128xf32, #tpu.memory_space<vmem_shared>>)
      tpu.yield
    }) : () -> ()
    %dma_start3A_103 = arith.constant 64 : i32
    %dma_start3A_104 = arith.constant 0 : i32
    %dma_start3A_105 = tpu.memref_slice %arg6[%dma_start3A_103, %dma_start3A_104] : memref<65x80xi32, #tpu.memory_space<vmem>> -> memref<1x80xi32, #tpu.memory_space<vmem>>
    %dma_start3A_106 = tpu.memref_squeeze %dma_start3A_105 : memref<1x80xi32, #tpu.memory_space<vmem>> -> memref<80xi32, #tpu.memory_space<vmem>>
    %dma_start3A_107 = arith.constant 0 : i32
    %dma_start3A_108 = arith.constant 0 : i32
    %dma_start3A_109 = tpu.memref_slice %arg2[%dma_start3A_107, %dma_start3A_108] : memref<40000x128xf32, #tpu.memory_space<hbm>> -> memref<40000x128xf32, #tpu.memory_space<hbm>>
    tpu.enqueue_indirect_dma source(%dma_start3A_109 : memref<40000x128xf32, #tpu.memory_space<hbm>>) target(%arg10 : memref<80x128xf32, #tpu.memory_space<vmem>>) offsets(%dma_start3A_106 : memref<80xi32, #tpu.memory_space<vmem>>) semaphore(%arg14 : memref<!tpu.dma_semaphore, #tpu.memory_space<semaphore_mem>>)
    %dma_wait3A_110 = arith.constant 63 : i32
    %dma_wait3A_111 = arith.constant 0 : i32
    %dma_wait3A_112 = tpu.memref_slice %arg6[%dma_wait3A_110, %dma_wait3A_111] : memref<65x80xi32, #tpu.memory_space<vmem>> -> memref<1x80xi32, #tpu.memory_space<vmem>>
    %dma_wait3A_113 = tpu.memref_squeeze %dma_wait3A_112 : memref<1x80xi32, #tpu.memory_space<vmem>> -> memref<80xi32, #tpu.memory_space<vmem>>
    %dma_wait3A_114 = arith.constant 0 : i32
    %dma_wait3A_115 = arith.constant 0 : i32
    %dma_wait3A_116 = tpu.memref_slice %arg2[%dma_wait3A_114, %dma_wait3A_115] : memref<40000x128xf32, #tpu.memory_space<hbm>> -> memref<40000x128xf32, #tpu.memory_space<hbm>>
    tpu.wait_indirect_dma semaphore(%arg12 : memref<!tpu.dma_semaphore, #tpu.memory_space<semaphore_mem>>) src(%dma_wait3A_116 : memref<40000x128xf32, #tpu.memory_space<hbm>>) dst(%arg8 : memref<80x128xf32, #tpu.memory_space<vmem>>)
    %run_scoped3A_117 = arith.constant 63 : i32
    "tpu.region"() ({
      %run_scoped3A_531 = tpu.sem_alloc : memref<!tpu.dma_semaphore, #tpu.memory_space<semaphore_mem>>
      %dma_start3A_532 = arith.constant 0 : i32
      %dma_start3A_533 = tpu.memref_slice %arg7[%run_scoped3A_117, %dma_start3A_532] : memref<65x80xi32, #tpu.memory_space<vmem>> -> memref<1x80xi32, #tpu.memory_space<vmem>>
      %dma_start3A_534 = tpu.memref_squeeze %dma_start3A_533 : memref<1x80xi32, #tpu.memory_space<vmem>> -> memref<80xi32, #tpu.memory_space<vmem>>
      %dma_start3A_535 = arith.constant 0 : i32
      %dma_start3A_536 = arith.constant 0 : i32
      %dma_start3A_537 = tpu.memref_slice %arg11[%dma_start3A_535, %dma_start3A_536] : memref<10112x128xf32, #tpu.memory_space<vmem_shared>> -> memref<10112x128xf32, #tpu.memory_space<vmem_shared>>
      tpu.enqueue_indirect_dma source(%arg8 : memref<80x128xf32, #tpu.memory_space<vmem>>) target(%dma_start3A_537 : memref<10112x128xf32, #tpu.memory_space<vmem_shared>>) offsets(%dma_start3A_534 : memref<80xi32, #tpu.memory_space<vmem>>) semaphore(%run_scoped3A_531 : memref<!tpu.dma_semaphore, #tpu.memory_space<semaphore_mem>>) {add = true}
      %dma_wait3A_538 = arith.constant 0 : i32
      %dma_wait3A_539 = tpu.memref_slice %arg7[%run_scoped3A_117, %dma_wait3A_538] : memref<65x80xi32, #tpu.memory_space<vmem>> -> memref<1x80xi32, #tpu.memory_space<vmem>>
      %dma_wait3A_540 = tpu.memref_squeeze %dma_wait3A_539 : memref<1x80xi32, #tpu.memory_space<vmem>> -> memref<80xi32, #tpu.memory_space<vmem>>
      %dma_wait3A_541 = arith.constant 0 : i32
      %dma_wait3A_542 = arith.constant 0 : i32
      %dma_wait3A_543 = tpu.memref_slice %arg11[%dma_wait3A_541, %dma_wait3A_542] : memref<10112x128xf32, #tpu.memory_space<vmem_shared>> -> memref<10112x128xf32, #tpu.memory_space<vmem_shared>>
      tpu.wait_indirect_dma semaphore(%run_scoped3A_531 : memref<!tpu.dma_semaphore, #tpu.memory_space<semaphore_mem>>) src(%arg8 : memref<80x128xf32, #tpu.memory_space<vmem>>) dst(%dma_wait3A_543 : memref<10112x128xf32, #tpu.memory_space<vmem_shared>>)
      tpu.yield
    }) : () -> ()
    %dma_wait3A_118 = arith.constant 64 : i32
    %dma_wait3A_119 = arith.constant 0 : i32
    %dma_wait3A_120 = tpu.memref_slice %arg6[%dma_wait3A_118, %dma_wait3A_119] : memref<65x80xi32, #tpu.memory_space<vmem>> -> memref<1x80xi32, #tpu.memory_space<vmem>>
    %dma_wait3A_121 = tpu.memref_squeeze %dma_wait3A_120 : memref<1x80xi32, #tpu.memory_space<vmem>> -> memref<80xi32, #tpu.memory_space<vmem>>
    %dma_wait3A_122 = arith.constant 0 : i32
    %dma_wait3A_123 = arith.constant 0 : i32
    %dma_wait3A_124 = tpu.memref_slice %arg2[%dma_wait3A_122, %dma_wait3A_123] : memref<40000x128xf32, #tpu.memory_space<hbm>> -> memref<40000x128xf32, #tpu.memory_space<hbm>>
    tpu.wait_indirect_dma semaphore(%arg13 : memref<!tpu.dma_semaphore, #tpu.memory_space<semaphore_mem>>) src(%dma_wait3A_124 : memref<40000x128xf32, #tpu.memory_space<hbm>>) dst(%arg9 : memref<80x128xf32, #tpu.memory_space<vmem>>)
    %dma_wait3A_125 = arith.constant 64 : i32
    %dma_wait3A_126 = arith.constant 0 : i32
    %dma_wait3A_127 = tpu.memref_slice %arg6[%dma_wait3A_125, %dma_wait3A_126] : memref<65x80xi32, #tpu.memory_space<vmem>> -> memref<1x80xi32, #tpu.memory_space<vmem>>
    %dma_wait3A_128 = tpu.memref_squeeze %dma_wait3A_127 : memref<1x80xi32, #tpu.memory_space<vmem>> -> memref<80xi32, #tpu.memory_space<vmem>>
    %dma_wait3A_129 = arith.constant 0 : i32
    %dma_wait3A_130 = arith.constant 0 : i32
    %dma_wait3A_131 = tpu.memref_slice %arg2[%dma_wait3A_129, %dma_wait3A_130] : memref<40000x128xf32, #tpu.memory_space<hbm>> -> memref<40000x128xf32, #tpu.memory_space<hbm>>
    tpu.wait_indirect_dma semaphore(%arg14 : memref<!tpu.dma_semaphore, #tpu.memory_space<semaphore_mem>>) src(%dma_wait3A_131 : memref<40000x128xf32, #tpu.memory_space<hbm>>) dst(%arg10 : memref<80x128xf32, #tpu.memory_space<vmem>>)
    %run_scoped3A_132 = arith.constant 1 : i32
    "tpu.region"() ({
      %run_scoped3A_531 = tpu.sem_alloc : memref<!tpu.dma_semaphore, #tpu.memory_space<semaphore_mem>>
      %dma_start3A_532 = arith.constant 0 : i32
      %dma_start3A_533 = arith.constant 0 : i32
      %dma_start3A_534 = tpu.memref_slice %arg3[%add3A_1, %arg1, %run_scoped3A_132, %dma_start3A_532, %dma_start3A_533] : memref<4x16x2x65x80xi32, #tpu.memory_space<hbm>> -> memref<1x1x1x65x80xi32, #tpu.memory_space<hbm>>
      %dma_start3A_535 = tpu.memref_squeeze %dma_start3A_534 : memref<1x1x1x65x80xi32, #tpu.memory_space<hbm>> -> memref<65x80xi32, #tpu.memory_space<hbm>>
      %dma_start3A_536 = arith.constant 0 : i32
      %dma_start3A_537 = arith.constant 0 : i32
      %dma_start3A_538 = tpu.memref_slice %arg3[%add3A_1, %arg1, %run_scoped3A_132, %dma_start3A_536, %dma_start3A_537] : memref<4x16x2x65x80xi32, #tpu.memory_space<hbm>> -> memref<1x1x1x65x80xi32, #tpu.memory_space<hbm>>
      %dma_start3A_539 = tpu.memref_squeeze %dma_start3A_538 : memref<1x1x1x65x80xi32, #tpu.memory_space<hbm>> -> memref<65x80xi32, #tpu.memory_space<hbm>>
      tpu.enqueue_dma source(%dma_start3A_539 : memref<65x80xi32, #tpu.memory_space<hbm>>) target(%arg6 : memref<65x80xi32, #tpu.memory_space<vmem>>) target_semaphore(%run_scoped3A_531 : memref<!tpu.dma_semaphore, #tpu.memory_space<semaphore_mem>>)
      %dma_wait3A_540 = arith.constant 0 : i32
      %dma_wait3A_541 = arith.constant 0 : i32
      %dma_wait3A_542 = tpu.memref_slice %arg3[%add3A_1, %arg1, %run_scoped3A_132, %dma_wait3A_540, %dma_wait3A_541] : memref<4x16x2x65x80xi32, #tpu.memory_space<hbm>> -> memref<1x1x1x65x80xi32, #tpu.memory_space<hbm>>
      %dma_wait3A_543 = tpu.memref_squeeze %dma_wait3A_542 : memref<1x1x1x65x80xi32, #tpu.memory_space<hbm>> -> memref<65x80xi32, #tpu.memory_space<hbm>>
      %dma_wait3A_544 = arith.constant 0 : i32
      %dma_wait3A_545 = arith.constant 0 : i32
      %dma_wait3A_546 = tpu.memref_slice %arg3[%add3A_1, %arg1, %run_scoped3A_132, %dma_wait3A_544, %dma_wait3A_545] : memref<4x16x2x65x80xi32, #tpu.memory_space<hbm>> -> memref<1x1x1x65x80xi32, #tpu.memory_space<hbm>>
      %dma_wait3A_547 = tpu.memref_squeeze %dma_wait3A_546 : memref<1x1x1x65x80xi32, #tpu.memory_space<hbm>> -> memref<65x80xi32, #tpu.memory_space<hbm>>
      tpu.wait_dma2 semaphore(%run_scoped3A_531 : memref<!tpu.dma_semaphore, #tpu.memory_space<semaphore_mem>>) src(%dma_wait3A_547 : memref<65x80xi32, #tpu.memory_space<hbm>>) dst(%arg6 : memref<65x80xi32, #tpu.memory_space<vmem>>)
      tpu.yield
    }) : () -> ()
    %run_scoped3A_133 = arith.constant 1 : i32
    "tpu.region"() ({
      %run_scoped3A_531 = tpu.sem_alloc : memref<!tpu.dma_semaphore, #tpu.memory_space<semaphore_mem>>
      %dma_start3A_532 = arith.constant 0 : i32
      %dma_start3A_533 = arith.constant 0 : i32
      %dma_start3A_534 = tpu.memref_slice %arg4[%add3A_1, %arg1, %run_scoped3A_133, %dma_start3A_532, %dma_start3A_533] : memref<4x16x2x65x80xi32, #tpu.memory_space<hbm>> -> memref<1x1x1x65x80xi32, #tpu.memory_space<hbm>>
      %dma_start3A_535 = tpu.memref_squeeze %dma_start3A_534 : memref<1x1x1x65x80xi32, #tpu.memory_space<hbm>> -> memref<65x80xi32, #tpu.memory_space<hbm>>
      %dma_start3A_536 = arith.constant 0 : i32
      %dma_start3A_537 = arith.constant 0 : i32
      %dma_start3A_538 = tpu.memref_slice %arg4[%add3A_1, %arg1, %run_scoped3A_133, %dma_start3A_536, %dma_start3A_537] : memref<4x16x2x65x80xi32, #tpu.memory_space<hbm>> -> memref<1x1x1x65x80xi32, #tpu.memory_space<hbm>>
      %dma_start3A_539 = tpu.memref_squeeze %dma_start3A_538 : memref<1x1x1x65x80xi32, #tpu.memory_space<hbm>> -> memref<65x80xi32, #tpu.memory_space<hbm>>
      tpu.enqueue_dma source(%dma_start3A_539 : memref<65x80xi32, #tpu.memory_space<hbm>>) target(%arg7 : memref<65x80xi32, #tpu.memory_space<vmem>>) target_semaphore(%run_scoped3A_531 : memref<!tpu.dma_semaphore, #tpu.memory_space<semaphore_mem>>)
      %dma_wait3A_540 = arith.constant 0 : i32
      %dma_wait3A_541 = arith.constant 0 : i32
      %dma_wait3A_542 = tpu.memref_slice %arg4[%add3A_1, %arg1, %run_scoped3A_133, %dma_wait3A_540, %dma_wait3A_541] : memref<4x16x2x65x80xi32, #tpu.memory_space<hbm>> -> memref<1x1x1x65x80xi32, #tpu.memory_space<hbm>>
      %dma_wait3A_543 = tpu.memref_squeeze %dma_wait3A_542 : memref<1x1x1x65x80xi32, #tpu.memory_space<hbm>> -> memref<65x80xi32, #tpu.memory_space<hbm>>
      %dma_wait3A_544 = arith.constant 0 : i32
      %dma_wait3A_545 = arith.constant 0 : i32
      %dma_wait3A_546 = tpu.memref_slice %arg4[%add3A_1, %arg1, %run_scoped3A_133, %dma_wait3A_544, %dma_wait3A_545] : memref<4x16x2x65x80xi32, #tpu.memory_space<hbm>> -> memref<1x1x1x65x80xi32, #tpu.memory_space<hbm>>
      %dma_wait3A_547 = tpu.memref_squeeze %dma_wait3A_546 : memref<1x1x1x65x80xi32, #tpu.memory_space<hbm>> -> memref<65x80xi32, #tpu.memory_space<hbm>>
      tpu.wait_dma2 semaphore(%run_scoped3A_531 : memref<!tpu.dma_semaphore, #tpu.memory_space<semaphore_mem>>) src(%dma_wait3A_547 : memref<65x80xi32, #tpu.memory_space<hbm>>) dst(%arg7 : memref<65x80xi32, #tpu.memory_space<vmem>>)
      tpu.yield
    }) : () -> ()
    %dma_start3A_134 = arith.constant 0 : i32
    %dma_start3A_135 = arith.constant 0 : i32
    %dma_start3A_136 = tpu.memref_slice %arg6[%dma_start3A_134, %dma_start3A_135] : memref<65x80xi32, #tpu.memory_space<vmem>> -> memref<1x80xi32, #tpu.memory_space<vmem>>
    %dma_start3A_137 = tpu.memref_squeeze %dma_start3A_136 : memref<1x80xi32, #tpu.memory_space<vmem>> -> memref<80xi32, #tpu.memory_space<vmem>>
    %dma_start3A_138 = arith.constant 0 : i32
    %dma_start3A_139 = arith.constant 0 : i32
    %dma_start3A_140 = tpu.memref_slice %arg2[%dma_start3A_138, %dma_start3A_139] : memref<40000x128xf32, #tpu.memory_space<hbm>> -> memref<40000x128xf32, #tpu.memory_space<hbm>>
    tpu.enqueue_indirect_dma source(%dma_start3A_140 : memref<40000x128xf32, #tpu.memory_space<hbm>>) target(%arg8 : memref<80x128xf32, #tpu.memory_space<vmem>>) offsets(%dma_start3A_137 : memref<80xi32, #tpu.memory_space<vmem>>) semaphore(%arg12 : memref<!tpu.dma_semaphore, #tpu.memory_space<semaphore_mem>>)
    %dma_start3A_141 = arith.constant 1 : i32
    %dma_start3A_142 = arith.constant 0 : i32
    %dma_start3A_143 = tpu.memref_slice %arg6[%dma_start3A_141, %dma_start3A_142] : memref<65x80xi32, #tpu.memory_space<vmem>> -> memref<1x80xi32, #tpu.memory_space<vmem>>
    %dma_start3A_144 = tpu.memref_squeeze %dma_start3A_143 : memref<1x80xi32, #tpu.memory_space<vmem>> -> memref<80xi32, #tpu.memory_space<vmem>>
    %dma_start3A_145 = arith.constant 0 : i32
    %dma_start3A_146 = arith.constant 0 : i32
    %dma_start3A_147 = tpu.memref_slice %arg2[%dma_start3A_145, %dma_start3A_146] : memref<40000x128xf32, #tpu.memory_space<hbm>> -> memref<40000x128xf32, #tpu.memory_space<hbm>>
    tpu.enqueue_indirect_dma source(%dma_start3A_147 : memref<40000x128xf32, #tpu.memory_space<hbm>>) target(%arg9 : memref<80x128xf32, #tpu.memory_space<vmem>>) offsets(%dma_start3A_144 : memref<80xi32, #tpu.memory_space<vmem>>) semaphore(%arg13 : memref<!tpu.dma_semaphore, #tpu.memory_space<semaphore_mem>>)
    %scan3A_148 = arith.constant 0 : i32
    %scan3A_149 = arith.constant 0 : i32
    %scan3A_150 = arith.constant 20 : i32
    %scan3A_151 = arith.addi %scan3A_149, %scan3A_150 : i32
    %scan3A_152 = arith.constant 1 : i32
    scf.for %scan3A_531 = %scan3A_149 to %scan3A_151 step %scan3A_152  : i32 {
      %mul3A_532 = arith.constant 3 : i32
      %mul3A_533 = arith.muli %mul3A_532, %scan3A_531 : i32
      %add3A_534 = arith.constant 0 : i32
      %add3A_535 = arith.addi %mul3A_533, %add3A_534 : i32
      %add3A_536 = arith.constant 2 : i32
      %add3A_537 = arith.addi %add3A_535, %add3A_536 : i32
      %dma_start3A_538 = arith.constant 0 : i32
      %dma_start3A_539 = tpu.memref_slice %arg6[%add3A_537, %dma_start3A_538] : memref<65x80xi32, #tpu.memory_space<vmem>> -> memref<1x80xi32, #tpu.memory_space<vmem>>
      %dma_start3A_540 = tpu.memref_squeeze %dma_start3A_539 : memref<1x80xi32, #tpu.memory_space<vmem>> -> memref<80xi32, #tpu.memory_space<vmem>>
      %dma_start3A_541 = arith.constant 0 : i32
      %dma_start3A_542 = arith.constant 0 : i32
      %dma_start3A_543 = tpu.memref_slice %arg2[%dma_start3A_541, %dma_start3A_542] : memref<40000x128xf32, #tpu.memory_space<hbm>> -> memref<40000x128xf32, #tpu.memory_space<hbm>>
      tpu.enqueue_indirect_dma source(%dma_start3A_543 : memref<40000x128xf32, #tpu.memory_space<hbm>>) target(%arg10 : memref<80x128xf32, #tpu.memory_space<vmem>>) offsets(%dma_start3A_540 : memref<80xi32, #tpu.memory_space<vmem>>) semaphore(%arg14 : memref<!tpu.dma_semaphore, #tpu.memory_space<semaphore_mem>>)
      %dma_wait3A_544 = arith.constant 0 : i32
      %dma_wait3A_545 = tpu.memref_slice %arg6[%add3A_535, %dma_wait3A_544] : memref<65x80xi32, #tpu.memory_space<vmem>> -> memref<1x80xi32, #tpu.memory_space<vmem>>
      %dma_wait3A_546 = tpu.memref_squeeze %dma_wait3A_545 : memref<1x80xi32, #tpu.memory_space<vmem>> -> memref<80xi32, #tpu.memory_space<vmem>>
      %dma_wait3A_547 = arith.constant 0 : i32
      %dma_wait3A_548 = arith.constant 0 : i32
      %dma_wait3A_549 = tpu.memref_slice %arg2[%dma_wait3A_547, %dma_wait3A_548] : memref<40000x128xf32, #tpu.memory_space<hbm>> -> memref<40000x128xf32, #tpu.memory_space<hbm>>
      tpu.wait_indirect_dma semaphore(%arg12 : memref<!tpu.dma_semaphore, #tpu.memory_space<semaphore_mem>>) src(%dma_wait3A_549 : memref<40000x128xf32, #tpu.memory_space<hbm>>) dst(%arg8 : memref<80x128xf32, #tpu.memory_space<vmem>>)
      "tpu.region"() ({
        %run_scoped3A_586 = tpu.sem_alloc : memref<!tpu.dma_semaphore, #tpu.memory_space<semaphore_mem>>
        %dma_start3A_587 = arith.constant 0 : i32
        %dma_start3A_588 = tpu.memref_slice %arg7[%add3A_535, %dma_start3A_587] : memref<65x80xi32, #tpu.memory_space<vmem>> -> memref<1x80xi32, #tpu.memory_space<vmem>>
        %dma_start3A_589 = tpu.memref_squeeze %dma_start3A_588 : memref<1x80xi32, #tpu.memory_space<vmem>> -> memref<80xi32, #tpu.memory_space<vmem>>
        %dma_start3A_590 = arith.constant 0 : i32
        %dma_start3A_591 = arith.constant 0 : i32
        %dma_start3A_592 = tpu.memref_slice %arg11[%dma_start3A_590, %dma_start3A_591] : memref<10112x128xf32, #tpu.memory_space<vmem_shared>> -> memref<10112x128xf32, #tpu.memory_space<vmem_shared>>
        tpu.enqueue_indirect_dma source(%arg8 : memref<80x128xf32, #tpu.memory_space<vmem>>) target(%dma_start3A_592 : memref<10112x128xf32, #tpu.memory_space<vmem_shared>>) offsets(%dma_start3A_589 : memref<80xi32, #tpu.memory_space<vmem>>) semaphore(%run_scoped3A_586 : memref<!tpu.dma_semaphore, #tpu.memory_space<semaphore_mem>>) {add = true}
        %dma_wait3A_593 = arith.constant 0 : i32
        %dma_wait3A_594 = tpu.memref_slice %arg7[%add3A_535, %dma_wait3A_593] : memref<65x80xi32, #tpu.memory_space<vmem>> -> memref<1x80xi32, #tpu.memory_space<vmem>>
        %dma_wait3A_595 = tpu.memref_squeeze %dma_wait3A_594 : memref<1x80xi32, #tpu.memory_space<vmem>> -> memref<80xi32, #tpu.memory_space<vmem>>
        %dma_wait3A_596 = arith.constant 0 : i32
        %dma_wait3A_597 = arith.constant 0 : i32
        %dma_wait3A_598 = tpu.memref_slice %arg11[%dma_wait3A_596, %dma_wait3A_597] : memref<10112x128xf32, #tpu.memory_space<vmem_shared>> -> memref<10112x128xf32, #tpu.memory_space<vmem_shared>>
        tpu.wait_indirect_dma semaphore(%run_scoped3A_586 : memref<!tpu.dma_semaphore, #tpu.memory_space<semaphore_mem>>) src(%arg8 : memref<80x128xf32, #tpu.memory_space<vmem>>) dst(%dma_wait3A_598 : memref<10112x128xf32, #tpu.memory_space<vmem_shared>>)
        tpu.yield
      }) : () -> ()
      %mul3A_550 = arith.constant 3 : i32
      %mul3A_551 = arith.muli %mul3A_550, %scan3A_531 : i32
      %add3A_552 = arith.constant 1 : i32
      %add3A_553 = arith.addi %mul3A_551, %add3A_552 : i32
      %add3A_554 = arith.constant 2 : i32
      %add3A_555 = arith.addi %add3A_553, %add3A_554 : i32
      %dma_start3A_556 = arith.constant 0 : i32
      %dma_start3A_557 = tpu.memref_slice %arg6[%add3A_555, %dma_start3A_556] : memref<65x80xi32, #tpu.memory_space<vmem>> -> memref<1x80xi32, #tpu.memory_space<vmem>>
      %dma_start3A_558 = tpu.memref_squeeze %dma_start3A_557 : memref<1x80xi32, #tpu.memory_space<vmem>> -> memref<80xi32, #tpu.memory_space<vmem>>
      %dma_start3A_559 = arith.constant 0 : i32
      %dma_start3A_560 = arith.constant 0 : i32
      %dma_start3A_561 = tpu.memref_slice %arg2[%dma_start3A_559, %dma_start3A_560] : memref<40000x128xf32, #tpu.memory_space<hbm>> -> memref<40000x128xf32, #tpu.memory_space<hbm>>
      tpu.enqueue_indirect_dma source(%dma_start3A_561 : memref<40000x128xf32, #tpu.memory_space<hbm>>) target(%arg8 : memref<80x128xf32, #tpu.memory_space<vmem>>) offsets(%dma_start3A_558 : memref<80xi32, #tpu.memory_space<vmem>>) semaphore(%arg12 : memref<!tpu.dma_semaphore, #tpu.memory_space<semaphore_mem>>)
      %dma_wait3A_562 = arith.constant 0 : i32
      %dma_wait3A_563 = tpu.memref_slice %arg6[%add3A_553, %dma_wait3A_562] : memref<65x80xi32, #tpu.memory_space<vmem>> -> memref<1x80xi32, #tpu.memory_space<vmem>>
      %dma_wait3A_564 = tpu.memref_squeeze %dma_wait3A_563 : memref<1x80xi32, #tpu.memory_space<vmem>> -> memref<80xi32, #tpu.memory_space<vmem>>
      %dma_wait3A_565 = arith.constant 0 : i32
      %dma_wait3A_566 = arith.constant 0 : i32
      %dma_wait3A_567 = tpu.memref_slice %arg2[%dma_wait3A_565, %dma_wait3A_566] : memref<40000x128xf32, #tpu.memory_space<hbm>> -> memref<40000x128xf32, #tpu.memory_space<hbm>>
      tpu.wait_indirect_dma semaphore(%arg13 : memref<!tpu.dma_semaphore, #tpu.memory_space<semaphore_mem>>) src(%dma_wait3A_567 : memref<40000x128xf32, #tpu.memory_space<hbm>>) dst(%arg9 : memref<80x128xf32, #tpu.memory_space<vmem>>)
      "tpu.region"() ({
        %run_scoped3A_586 = tpu.sem_alloc : memref<!tpu.dma_semaphore, #tpu.memory_space<semaphore_mem>>
        %dma_start3A_587 = arith.constant 0 : i32
        %dma_start3A_588 = tpu.memref_slice %arg7[%add3A_553, %dma_start3A_587] : memref<65x80xi32, #tpu.memory_space<vmem>> -> memref<1x80xi32, #tpu.memory_space<vmem>>
        %dma_start3A_589 = tpu.memref_squeeze %dma_start3A_588 : memref<1x80xi32, #tpu.memory_space<vmem>> -> memref<80xi32, #tpu.memory_space<vmem>>
        %dma_start3A_590 = arith.constant 0 : i32
        %dma_start3A_591 = arith.constant 0 : i32
        %dma_start3A_592 = tpu.memref_slice %arg11[%dma_start3A_590, %dma_start3A_591] : memref<10112x128xf32, #tpu.memory_space<vmem_shared>> -> memref<10112x128xf32, #tpu.memory_space<vmem_shared>>
        tpu.enqueue_indirect_dma source(%arg9 : memref<80x128xf32, #tpu.memory_space<vmem>>) target(%dma_start3A_592 : memref<10112x128xf32, #tpu.memory_space<vmem_shared>>) offsets(%dma_start3A_589 : memref<80xi32, #tpu.memory_space<vmem>>) semaphore(%run_scoped3A_586 : memref<!tpu.dma_semaphore, #tpu.memory_space<semaphore_mem>>) {add = true}
        %dma_wait3A_593 = arith.constant 0 : i32
        %dma_wait3A_594 = tpu.memref_slice %arg7[%add3A_553, %dma_wait3A_593] : memref<65x80xi32, #tpu.memory_space<vmem>> -> memref<1x80xi32, #tpu.memory_space<vmem>>
        %dma_wait3A_595 = tpu.memref_squeeze %dma_wait3A_594 : memref<1x80xi32, #tpu.memory_space<vmem>> -> memref<80xi32, #tpu.memory_space<vmem>>
        %dma_wait3A_596 = arith.constant 0 : i32
        %dma_wait3A_597 = arith.constant 0 : i32
        %dma_wait3A_598 = tpu.memref_slice %arg11[%dma_wait3A_596, %dma_wait3A_597] : memref<10112x128xf32, #tpu.memory_space<vmem_shared>> -> memref<10112x128xf32, #tpu.memory_space<vmem_shared>>
        tpu.wait_indirect_dma semaphore(%run_scoped3A_586 : memref<!tpu.dma_semaphore, #tpu.memory_space<semaphore_mem>>) src(%arg9 : memref<80x128xf32, #tpu.memory_space<vmem>>) dst(%dma_wait3A_598 : memref<10112x128xf32, #tpu.memory_space<vmem_shared>>)
        tpu.yield
      }) : () -> ()
      %mul3A_568 = arith.constant 3 : i32
      %mul3A_569 = arith.muli %mul3A_568, %scan3A_531 : i32
      %add3A_570 = arith.constant 2 : i32
      %add3A_571 = arith.addi %mul3A_569, %add3A_570 : i32
      %add3A_572 = arith.constant 2 : i32
      %add3A_573 = arith.addi %add3A_571, %add3A_572 : i32
      %dma_start3A_574 = arith.constant 0 : i32
      %dma_start3A_575 = tpu.memref_slice %arg6[%add3A_573, %dma_start3A_574] : memref<65x80xi32, #tpu.memory_space<vmem>> -> memref<1x80xi32, #tpu.memory_space<vmem>>
      %dma_start3A_576 = tpu.memref_squeeze %dma_start3A_575 : memref<1x80xi32, #tpu.memory_space<vmem>> -> memref<80xi32, #tpu.memory_space<vmem>>
      %dma_start3A_577 = arith.constant 0 : i32
      %dma_start3A_578 = arith.constant 0 : i32
      %dma_start3A_579 = tpu.memref_slice %arg2[%dma_start3A_577, %dma_start3A_578] : memref<40000x128xf32, #tpu.memory_space<hbm>> -> memref<40000x128xf32, #tpu.memory_space<hbm>>
      tpu.enqueue_indirect_dma source(%dma_start3A_579 : memref<40000x128xf32, #tpu.memory_space<hbm>>) target(%arg9 : memref<80x128xf32, #tpu.memory_space<vmem>>) offsets(%dma_start3A_576 : memref<80xi32, #tpu.memory_space<vmem>>) semaphore(%arg13 : memref<!tpu.dma_semaphore, #tpu.memory_space<semaphore_mem>>)
      %dma_wait3A_580 = arith.constant 0 : i32
      %dma_wait3A_581 = tpu.memref_slice %arg6[%add3A_571, %dma_wait3A_580] : memref<65x80xi32, #tpu.memory_space<vmem>> -> memref<1x80xi32, #tpu.memory_space<vmem>>
      %dma_wait3A_582 = tpu.memref_squeeze %dma_wait3A_581 : memref<1x80xi32, #tpu.memory_space<vmem>> -> memref<80xi32, #tpu.memory_space<vmem>>
      %dma_wait3A_583 = arith.constant 0 : i32
      %dma_wait3A_584 = arith.constant 0 : i32
      %dma_wait3A_585 = tpu.memref_slice %arg2[%dma_wait3A_583, %dma_wait3A_584] : memref<40000x128xf32, #tpu.memory_space<hbm>> -> memref<40000x128xf32, #tpu.memory_space<hbm>>
      tpu.wait_indirect_dma semaphore(%arg14 : memref<!tpu.dma_semaphore, #tpu.memory_space<semaphore_mem>>) src(%dma_wait3A_585 : memref<40000x128xf32, #tpu.memory_space<hbm>>) dst(%arg10 : memref<80x128xf32, #tpu.memory_space<vmem>>)
      "tpu.region"() ({
        %run_scoped3A_586 = tpu.sem_alloc : memref<!tpu.dma_semaphore, #tpu.memory_space<semaphore_mem>>
        %dma_start3A_587 = arith.constant 0 : i32
        %dma_start3A_588 = tpu.memref_slice %arg7[%add3A_571, %dma_start3A_587] : memref<65x80xi32, #tpu.memory_space<vmem>> -> memref<1x80xi32, #tpu.memory_space<vmem>>
        %dma_start3A_589 = tpu.memref_squeeze %dma_start3A_588 : memref<1x80xi32, #tpu.memory_space<vmem>> -> memref<80xi32, #tpu.memory_space<vmem>>
        %dma_start3A_590 = arith.constant 0 : i32
        %dma_start3A_591 = arith.constant 0 : i32
        %dma_start3A_592 = tpu.memref_slice %arg11[%dma_start3A_590, %dma_start3A_591] : memref<10112x128xf32, #tpu.memory_space<vmem_shared>> -> memref<10112x128xf32, #tpu.memory_space<vmem_shared>>
        tpu.enqueue_indirect_dma source(%arg10 : memref<80x128xf32, #tpu.memory_space<vmem>>) target(%dma_start3A_592 : memref<10112x128xf32, #tpu.memory_space<vmem_shared>>) offsets(%dma_start3A_589 : memref<80xi32, #tpu.memory_space<vmem>>) semaphore(%run_scoped3A_586 : memref<!tpu.dma_semaphore, #tpu.memory_space<semaphore_mem>>) {add = true}
        %dma_wait3A_593 = arith.constant 0 : i32
        %dma_wait3A_594 = tpu.memref_slice %arg7[%add3A_571, %dma_wait3A_593] : memref<65x80xi32, #tpu.memory_space<vmem>> -> memref<1x80xi32, #tpu.memory_space<vmem>>
        %dma_wait3A_595 = tpu.memref_squeeze %dma_wait3A_594 : memref<1x80xi32, #tpu.memory_space<vmem>> -> memref<80xi32, #tpu.memory_space<vmem>>
        %dma_wait3A_596 = arith.constant 0 : i32
        %dma_wait3A_597 = arith.constant 0 : i32
        %dma_wait3A_598 = tpu.memref_slice %arg11[%dma_wait3A_596, %dma_wait3A_597] : memref<10112x128xf32, #tpu.memory_space<vmem_shared>> -> memref<10112x128xf32, #tpu.memory_space<vmem_shared>>
        tpu.wait_indirect_dma semaphore(%run_scoped3A_586 : memref<!tpu.dma_semaphore, #tpu.memory_space<semaphore_mem>>) src(%arg10 : memref<80x128xf32, #tpu.memory_space<vmem>>) dst(%dma_wait3A_598 : memref<10112x128xf32, #tpu.memory_space<vmem_shared>>)
        tpu.yield
      }) : () -> ()
    }
    %scan3A_153 = arith.constant 20 : i32
    %dma_start3A_154 = arith.constant 62 : i32
    %dma_start3A_155 = arith.constant 0 : i32
    %dma_start3A_156 = tpu.memref_slice %arg6[%dma_start3A_154, %dma_start3A_155] : memref<65x80xi32, #tpu.memory_space<vmem>> -> memref<1x80xi32, #tpu.memory_space<vmem>>
    %dma_start3A_157 = tpu.memref_squeeze %dma_start3A_156 : memref<1x80xi32, #tpu.memory_space<vmem>> -> memref<80xi32, #tpu.memory_space<vmem>>
    %dma_start3A_158 = arith.constant 0 : i32
    %dma_start3A_159 = arith.constant 0 : i32
    %dma_start3A_160 = tpu.memref_slice %arg2[%dma_start3A_158, %dma_start3A_159] : memref<40000x128xf32, #tpu.memory_space<hbm>> -> memref<40000x128xf32, #tpu.memory_space<hbm>>
    tpu.enqueue_indirect_dma source(%dma_start3A_160 : memref<40000x128xf32, #tpu.memory_space<hbm>>) target(%arg10 : memref<80x128xf32, #tpu.memory_space<vmem>>) offsets(%dma_start3A_157 : memref<80xi32, #tpu.memory_space<vmem>>) semaphore(%arg14 : memref<!tpu.dma_semaphore, #tpu.memory_space<semaphore_mem>>)
    %dma_wait3A_161 = arith.constant 60 : i32
    %dma_wait3A_162 = arith.constant 0 : i32
    %dma_wait3A_163 = tpu.memref_slice %arg6[%dma_wait3A_161, %dma_wait3A_162] : memref<65x80xi32, #tpu.memory_space<vmem>> -> memref<1x80xi32, #tpu.memory_space<vmem>>
    %dma_wait3A_164 = tpu.memref_squeeze %dma_wait3A_163 : memref<1x80xi32, #tpu.memory_space<vmem>> -> memref<80xi32, #tpu.memory_space<vmem>>
    %dma_wait3A_165 = arith.constant 0 : i32
    %dma_wait3A_166 = arith.constant 0 : i32
    %dma_wait3A_167 = tpu.memref_slice %arg2[%dma_wait3A_165, %dma_wait3A_166] : memref<40000x128xf32, #tpu.memory_space<hbm>> -> memref<40000x128xf32, #tpu.memory_space<hbm>>
    tpu.wait_indirect_dma semaphore(%arg12 : memref<!tpu.dma_semaphore, #tpu.memory_space<semaphore_mem>>) src(%dma_wait3A_167 : memref<40000x128xf32, #tpu.memory_space<hbm>>) dst(%arg8 : memref<80x128xf32, #tpu.memory_space<vmem>>)
    %run_scoped3A_168 = arith.constant 60 : i32
    "tpu.region"() ({
      %run_scoped3A_531 = tpu.sem_alloc : memref<!tpu.dma_semaphore, #tpu.memory_space<semaphore_mem>>
      %dma_start3A_532 = arith.constant 0 : i32
      %dma_start3A_533 = tpu.memref_slice %arg7[%run_scoped3A_168, %dma_start3A_532] : memref<65x80xi32, #tpu.memory_space<vmem>> -> memref<1x80xi32, #tpu.memory_space<vmem>>
      %dma_start3A_534 = tpu.memref_squeeze %dma_start3A_533 : memref<1x80xi32, #tpu.memory_space<vmem>> -> memref<80xi32, #tpu.memory_space<vmem>>
      %dma_start3A_535 = arith.constant 0 : i32
      %dma_start3A_536 = arith.constant 0 : i32
      %dma_start3A_537 = tpu.memref_slice %arg11[%dma_start3A_535, %dma_start3A_536] : memref<10112x128xf32, #tpu.memory_space<vmem_shared>> -> memref<10112x128xf32, #tpu.memory_space<vmem_shared>>
      tpu.enqueue_indirect_dma source(%arg8 : memref<80x128xf32, #tpu.memory_space<vmem>>) target(%dma_start3A_537 : memref<10112x128xf32, #tpu.memory_space<vmem_shared>>) offsets(%dma_start3A_534 : memref<80xi32, #tpu.memory_space<vmem>>) semaphore(%run_scoped3A_531 : memref<!tpu.dma_semaphore, #tpu.memory_space<semaphore_mem>>) {add = true}
      %dma_wait3A_538 = arith.constant 0 : i32
      %dma_wait3A_539 = tpu.memref_slice %arg7[%run_scoped3A_168, %dma_wait3A_538] : memref<65x80xi32, #tpu.memory_space<vmem>> -> memref<1x80xi32, #tpu.memory_space<vmem>>
      %dma_wait3A_540 = tpu.memref_squeeze %dma_wait3A_539 : memref<1x80xi32, #tpu.memory_space<vmem>> -> memref<80xi32, #tpu.memory_space<vmem>>
      %dma_wait3A_541 = arith.constant 0 : i32
      %dma_wait3A_542 = arith.constant 0 : i32
      %dma_wait3A_543 = tpu.memref_slice %arg11[%dma_wait3A_541, %dma_wait3A_542] : memref<10112x128xf32, #tpu.memory_space<vmem_shared>> -> memref<10112x128xf32, #tpu.memory_space<vmem_shared>>
      tpu.wait_indirect_dma semaphore(%run_scoped3A_531 : memref<!tpu.dma_semaphore, #tpu.memory_space<semaphore_mem>>) src(%arg8 : memref<80x128xf32, #tpu.memory_space<vmem>>) dst(%dma_wait3A_543 : memref<10112x128xf32, #tpu.memory_space<vmem_shared>>)
      tpu.yield
    }) : () -> ()
    %dma_start3A_169 = arith.constant 63 : i32
    %dma_start3A_170 = arith.constant 0 : i32
    %dma_start3A_171 = tpu.memref_slice %arg6[%dma_start3A_169, %dma_start3A_170] : memref<65x80xi32, #tpu.memory_space<vmem>> -> memref<1x80xi32, #tpu.memory_space<vmem>>
    %dma_start3A_172 = tpu.memref_squeeze %dma_start3A_171 : memref<1x80xi32, #tpu.memory_space<vmem>> -> memref<80xi32, #tpu.memory_space<vmem>>
    %dma_start3A_173 = arith.constant 0 : i32
    %dma_start3A_174 = arith.constant 0 : i32
    %dma_start3A_175 = tpu.memref_slice %arg2[%dma_start3A_173, %dma_start3A_174] : memref<40000x128xf32, #tpu.memory_space<hbm>> -> memref<40000x128xf32, #tpu.memory_space<hbm>>
    tpu.enqueue_indirect_dma source(%dma_start3A_175 : memref<40000x128xf32, #tpu.memory_space<hbm>>) target(%arg8 : memref<80x128xf32, #tpu.memory_space<vmem>>) offsets(%dma_start3A_172 : memref<80xi32, #tpu.memory_space<vmem>>) semaphore(%arg12 : memref<!tpu.dma_semaphore, #tpu.memory_space<semaphore_mem>>)
    %dma_wait3A_176 = arith.constant 61 : i32
    %dma_wait3A_177 = arith.constant 0 : i32
    %dma_wait3A_178 = tpu.memref_slice %arg6[%dma_wait3A_176, %dma_wait3A_177] : memref<65x80xi32, #tpu.memory_space<vmem>> -> memref<1x80xi32, #tpu.memory_space<vmem>>
    %dma_wait3A_179 = tpu.memref_squeeze %dma_wait3A_178 : memref<1x80xi32, #tpu.memory_space<vmem>> -> memref<80xi32, #tpu.memory_space<vmem>>
    %dma_wait3A_180 = arith.constant 0 : i32
    %dma_wait3A_181 = arith.constant 0 : i32
    %dma_wait3A_182 = tpu.memref_slice %arg2[%dma_wait3A_180, %dma_wait3A_181] : memref<40000x128xf32, #tpu.memory_space<hbm>> -> memref<40000x128xf32, #tpu.memory_space<hbm>>
    tpu.wait_indirect_dma semaphore(%arg13 : memref<!tpu.dma_semaphore, #tpu.memory_space<semaphore_mem>>) src(%dma_wait3A_182 : memref<40000x128xf32, #tpu.memory_space<hbm>>) dst(%arg9 : memref<80x128xf32, #tpu.memory_space<vmem>>)
    %run_scoped3A_183 = arith.constant 61 : i32
    "tpu.region"() ({
      %run_scoped3A_531 = tpu.sem_alloc : memref<!tpu.dma_semaphore, #tpu.memory_space<semaphore_mem>>
      %dma_start3A_532 = arith.constant 0 : i32
      %dma_start3A_533 = tpu.memref_slice %arg7[%run_scoped3A_183, %dma_start3A_532] : memref<65x80xi32, #tpu.memory_space<vmem>> -> memref<1x80xi32, #tpu.memory_space<vmem>>
      %dma_start3A_534 = tpu.memref_squeeze %dma_start3A_533 : memref<1x80xi32, #tpu.memory_space<vmem>> -> memref<80xi32, #tpu.memory_space<vmem>>
      %dma_start3A_535 = arith.constant 0 : i32
      %dma_start3A_536 = arith.constant 0 : i32
      %dma_start3A_537 = tpu.memref_slice %arg11[%dma_start3A_535, %dma_start3A_536] : memref<10112x128xf32, #tpu.memory_space<vmem_shared>> -> memref<10112x128xf32, #tpu.memory_space<vmem_shared>>
      tpu.enqueue_indirect_dma source(%arg9 : memref<80x128xf32, #tpu.memory_space<vmem>>) target(%dma_start3A_537 : memref<10112x128xf32, #tpu.memory_space<vmem_shared>>) offsets(%dma_start3A_534 : memref<80xi32, #tpu.memory_space<vmem>>) semaphore(%run_scoped3A_531 : memref<!tpu.dma_semaphore, #tpu.memory_space<semaphore_mem>>) {add = true}
      %dma_wait3A_538 = arith.constant 0 : i32
      %dma_wait3A_539 = tpu.memref_slice %arg7[%run_scoped3A_183, %dma_wait3A_538] : memref<65x80xi32, #tpu.memory_space<vmem>> -> memref<1x80xi32, #tpu.memory_space<vmem>>
      %dma_wait3A_540 = tpu.memref_squeeze %dma_wait3A_539 : memref<1x80xi32, #tpu.memory_space<vmem>> -> memref<80xi32, #tpu.memory_space<vmem>>
      %dma_wait3A_541 = arith.constant 0 : i32
      %dma_wait3A_542 = arith.constant 0 : i32
      %dma_wait3A_543 = tpu.memref_slice %arg11[%dma_wait3A_541, %dma_wait3A_542] : memref<10112x128xf32, #tpu.memory_space<vmem_shared>> -> memref<10112x128xf32, #tpu.memory_space<vmem_shared>>
      tpu.wait_indirect_dma semaphore(%run_scoped3A_531 : memref<!tpu.dma_semaphore, #tpu.memory_space<semaphore_mem>>) src(%arg9 : memref<80x128xf32, #tpu.memory_space<vmem>>) dst(%dma_wait3A_543 : memref<10112x128xf32, #tpu.memory_space<vmem_shared>>)
      tpu.yield
    }) : () -> ()
    %dma_start3A_184 = arith.constant 64 : i32
    %dma_start3A_185 = arith.constant 0 : i32
    %dma_start3A_186 = tpu.memref_slice %arg6[%dma_start3A_184, %dma_start3A_185] : memref<65x80xi32, #tpu.memory_space<vmem>> -> memref<1x80xi32, #tpu.memory_space<vmem>>
    %dma_start3A_187 = tpu.memref_squeeze %dma_start3A_186 : memref<1x80xi32, #tpu.memory_space<vmem>> -> memref<80xi32, #tpu.memory_space<vmem>>
    %dma_start3A_188 = arith.constant 0 : i32
    %dma_start3A_189 = arith.constant 0 : i32
    %dma_start3A_190 = tpu.memref_slice %arg2[%dma_start3A_188, %dma_start3A_189] : memref<40000x128xf32, #tpu.memory_space<hbm>> -> memref<40000x128xf32, #tpu.memory_space<hbm>>
    tpu.enqueue_indirect_dma source(%dma_start3A_190 : memref<40000x128xf32, #tpu.memory_space<hbm>>) target(%arg9 : memref<80x128xf32, #tpu.memory_space<vmem>>) offsets(%dma_start3A_187 : memref<80xi32, #tpu.memory_space<vmem>>) semaphore(%arg13 : memref<!tpu.dma_semaphore, #tpu.memory_space<semaphore_mem>>)
    %dma_wait3A_191 = arith.constant 62 : i32
    %dma_wait3A_192 = arith.constant 0 : i32
    %dma_wait3A_193 = tpu.memref_slice %arg6[%dma_wait3A_191, %dma_wait3A_192] : memref<65x80xi32, #tpu.memory_space<vmem>> -> memref<1x80xi32, #tpu.memory_space<vmem>>
    %dma_wait3A_194 = tpu.memref_squeeze %dma_wait3A_193 : memref<1x80xi32, #tpu.memory_space<vmem>> -> memref<80xi32, #tpu.memory_space<vmem>>
    %dma_wait3A_195 = arith.constant 0 : i32
    %dma_wait3A_196 = arith.constant 0 : i32
    %dma_wait3A_197 = tpu.memref_slice %arg2[%dma_wait3A_195, %dma_wait3A_196] : memref<40000x128xf32, #tpu.memory_space<hbm>> -> memref<40000x128xf32, #tpu.memory_space<hbm>>
    tpu.wait_indirect_dma semaphore(%arg14 : memref<!tpu.dma_semaphore, #tpu.memory_space<semaphore_mem>>) src(%dma_wait3A_197 : memref<40000x128xf32, #tpu.memory_space<hbm>>) dst(%arg10 : memref<80x128xf32, #tpu.memory_space<vmem>>)
    %run_scoped3A_198 = arith.constant 62 : i32
    "tpu.region"() ({
      %run_scoped3A_531 = tpu.sem_alloc : memref<!tpu.dma_semaphore, #tpu.memory_space<semaphore_mem>>
      %dma_start3A_532 = arith.constant 0 : i32
      %dma_start3A_533 = tpu.memref_slice %arg7[%run_scoped3A_198, %dma_start3A_532] : memref<65x80xi32, #tpu.memory_space<vmem>> -> memref<1x80xi32, #tpu.memory_space<vmem>>
      %dma_start3A_534 = tpu.memref_squeeze %dma_start3A_533 : memref<1x80xi32, #tpu.memory_space<vmem>> -> memref<80xi32, #tpu.memory_space<vmem>>
      %dma_start3A_535 = arith.constant 0 : i32
      %dma_start3A_536 = arith.constant 0 : i32
      %dma_start3A_537 = tpu.memref_slice %arg11[%dma_start3A_535, %dma_start3A_536] : memref<10112x128xf32, #tpu.memory_space<vmem_shared>> -> memref<10112x128xf32, #tpu.memory_space<vmem_shared>>
      tpu.enqueue_indirect_dma source(%arg10 : memref<80x128xf32, #tpu.memory_space<vmem>>) target(%dma_start3A_537 : memref<10112x128xf32, #tpu.memory_space<vmem_shared>>) offsets(%dma_start3A_534 : memref<80xi32, #tpu.memory_space<vmem>>) semaphore(%run_scoped3A_531 : memref<!tpu.dma_semaphore, #tpu.memory_space<semaphore_mem>>) {add = true}
      %dma_wait3A_538 = arith.constant 0 : i32
      %dma_wait3A_539 = tpu.memref_slice %arg7[%run_scoped3A_198, %dma_wait3A_538] : memref<65x80xi32, #tpu.memory_space<vmem>> -> memref<1x80xi32, #tpu.memory_space<vmem>>
      %dma_wait3A_540 = tpu.memref_squeeze %dma_wait3A_539 : memref<1x80xi32, #tpu.memory_space<vmem>> -> memref<80xi32, #tpu.memory_space<vmem>>
      %dma_wait3A_541 = arith.constant 0 : i32
      %dma_wait3A_542 = arith.constant 0 : i32
      %dma_wait3A_543 = tpu.memref_slice %arg11[%dma_wait3A_541, %dma_wait3A_542] : memref<10112x128xf32, #tpu.memory_space<vmem_shared>> -> memref<10112x128xf32, #tpu.memory_space<vmem_shared>>
      tpu.wait_indirect_dma semaphore(%run_scoped3A_531 : memref<!tpu.dma_semaphore, #tpu.memory_space<semaphore_mem>>) src(%arg10 : memref<80x128xf32, #tpu.memory_space<vmem>>) dst(%dma_wait3A_543 : memref<10112x128xf32, #tpu.memory_space<vmem_shared>>)
      tpu.yield
    }) : () -> ()
    %dma_start3A_199 = arith.constant 64 : i32
    %dma_start3A_200 = arith.constant 0 : i32
    %dma_start3A_201 = tpu.memref_slice %arg6[%dma_start3A_199, %dma_start3A_200] : memref<65x80xi32, #tpu.memory_space<vmem>> -> memref<1x80xi32, #tpu.memory_space<vmem>>
    %dma_start3A_202 = tpu.memref_squeeze %dma_start3A_201 : memref<1x80xi32, #tpu.memory_space<vmem>> -> memref<80xi32, #tpu.memory_space<vmem>>
    %dma_start3A_203 = arith.constant 0 : i32
    %dma_start3A_204 = arith.constant 0 : i32
    %dma_start3A_205 = tpu.memref_slice %arg2[%dma_start3A_203, %dma_start3A_204] : memref<40000x128xf32, #tpu.memory_space<hbm>> -> memref<40000x128xf32, #tpu.memory_space<hbm>>
    tpu.enqueue_indirect_dma source(%dma_start3A_205 : memref<40000x128xf32, #tpu.memory_space<hbm>>) target(%arg10 : memref<80x128xf32, #tpu.memory_space<vmem>>) offsets(%dma_start3A_202 : memref<80xi32, #tpu.memory_space<vmem>>) semaphore(%arg14 : memref<!tpu.dma_semaphore, #tpu.memory_space<semaphore_mem>>)
    %dma_wait3A_206 = arith.constant 63 : i32
    %dma_wait3A_207 = arith.constant 0 : i32
    %dma_wait3A_208 = tpu.memref_slice %arg6[%dma_wait3A_206, %dma_wait3A_207] : memref<65x80xi32, #tpu.memory_space<vmem>> -> memref<1x80xi32, #tpu.memory_space<vmem>>
    %dma_wait3A_209 = tpu.memref_squeeze %dma_wait3A_208 : memref<1x80xi32, #tpu.memory_space<vmem>> -> memref<80xi32, #tpu.memory_space<vmem>>
    %dma_wait3A_210 = arith.constant 0 : i32
    %dma_wait3A_211 = arith.constant 0 : i32
    %dma_wait3A_212 = tpu.memref_slice %arg2[%dma_wait3A_210, %dma_wait3A_211] : memref<40000x128xf32, #tpu.memory_space<hbm>> -> memref<40000x128xf32, #tpu.memory_space<hbm>>
    tpu.wait_indirect_dma semaphore(%arg12 : memref<!tpu.dma_semaphore, #tpu.memory_space<semaphore_mem>>) src(%dma_wait3A_212 : memref<40000x128xf32, #tpu.memory_space<hbm>>) dst(%arg8 : memref<80x128xf32, #tpu.memory_space<vmem>>)
    %run_scoped3A_213 = arith.constant 63 : i32
    "tpu.region"() ({
      %run_scoped3A_531 = tpu.sem_alloc : memref<!tpu.dma_semaphore, #tpu.memory_space<semaphore_mem>>
      %dma_start3A_532 = arith.constant 0 : i32
      %dma_start3A_533 = tpu.memref_slice %arg7[%run_scoped3A_213, %dma_start3A_532] : memref<65x80xi32, #tpu.memory_space<vmem>> -> memref<1x80xi32, #tpu.memory_space<vmem>>
      %dma_start3A_534 = tpu.memref_squeeze %dma_start3A_533 : memref<1x80xi32, #tpu.memory_space<vmem>> -> memref<80xi32, #tpu.memory_space<vmem>>
      %dma_start3A_535 = arith.constant 0 : i32
      %dma_start3A_536 = arith.constant 0 : i32
      %dma_start3A_537 = tpu.memref_slice %arg11[%dma_start3A_535, %dma_start3A_536] : memref<10112x128xf32, #tpu.memory_space<vmem_shared>> -> memref<10112x128xf32, #tpu.memory_space<vmem_shared>>
      tpu.enqueue_indirect_dma source(%arg8 : memref<80x128xf32, #tpu.memory_space<vmem>>) target(%dma_start3A_537 : memref<10112x128xf32, #tpu.memory_space<vmem_shared>>) offsets(%dma_start3A_534 : memref<80xi32, #tpu.memory_space<vmem>>) semaphore(%run_scoped3A_531 : memref<!tpu.dma_semaphore, #tpu.memory_space<semaphore_mem>>) {add = true}
      %dma_wait3A_538 = arith.constant 0 : i32
      %dma_wait3A_539 = tpu.memref_slice %arg7[%run_scoped3A_213, %dma_wait3A_538] : memref<65x80xi32, #tpu.memory_space<vmem>> -> memref<1x80xi32, #tpu.memory_space<vmem>>
      %dma_wait3A_540 = tpu.memref_squeeze %dma_wait3A_539 : memref<1x80xi32, #tpu.memory_space<vmem>> -> memref<80xi32, #tpu.memory_space<vmem>>
      %dma_wait3A_541 = arith.constant 0 : i32
      %dma_wait3A_542 = arith.constant 0 : i32
      %dma_wait3A_543 = tpu.memref_slice %arg11[%dma_wait3A_541, %dma_wait3A_542] : memref<10112x128xf32, #tpu.memory_space<vmem_shared>> -> memref<10112x128xf32, #tpu.memory_space<vmem_shared>>
      tpu.wait_indirect_dma semaphore(%run_scoped3A_531 : memref<!tpu.dma_semaphore, #tpu.memory_space<semaphore_mem>>) src(%arg8 : memref<80x128xf32, #tpu.memory_space<vmem>>) dst(%dma_wait3A_543 : memref<10112x128xf32, #tpu.memory_space<vmem_shared>>)
      tpu.yield
    }) : () -> ()
    %dma_wait3A_214 = arith.constant 64 : i32
    %dma_wait3A_215 = arith.constant 0 : i32
    %dma_wait3A_216 = tpu.memref_slice %arg6[%dma_wait3A_214, %dma_wait3A_215] : memref<65x80xi32, #tpu.memory_space<vmem>> -> memref<1x80xi32, #tpu.memory_space<vmem>>
    %dma_wait3A_217 = tpu.memref_squeeze %dma_wait3A_216 : memref<1x80xi32, #tpu.memory_space<vmem>> -> memref<80xi32, #tpu.memory_space<vmem>>
    %dma_wait3A_218 = arith.constant 0 : i32
    %dma_wait3A_219 = arith.constant 0 : i32
    %dma_wait3A_220 = tpu.memref_slice %arg2[%dma_wait3A_218, %dma_wait3A_219] : memref<40000x128xf32, #tpu.memory_space<hbm>> -> memref<40000x128xf32, #tpu.memory_space<hbm>>
    tpu.wait_indirect_dma semaphore(%arg13 : memref<!tpu.dma_semaphore, #tpu.memory_space<semaphore_mem>>) src(%dma_wait3A_220 : memref<40000x128xf32, #tpu.memory_space<hbm>>) dst(%arg9 : memref<80x128xf32, #tpu.memory_space<vmem>>)
    %dma_wait3A_221 = arith.constant 64 : i32
    %dma_wait3A_222 = arith.constant 0 : i32
    %dma_wait3A_223 = tpu.memref_slice %arg6[%dma_wait3A_221, %dma_wait3A_222] : memref<65x80xi32, #tpu.memory_space<vmem>> -> memref<1x80xi32, #tpu.memory_space<vmem>>
    %dma_wait3A_224 = tpu.memref_squeeze %dma_wait3A_223 : memref<1x80xi32, #tpu.memory_space<vmem>> -> memref<80xi32, #tpu.memory_space<vmem>>
    %dma_wait3A_225 = arith.constant 0 : i32
    %dma_wait3A_226 = arith.constant 0 : i32
    %dma_wait3A_227 = tpu.memref_slice %arg2[%dma_wait3A_225, %dma_wait3A_226] : memref<40000x128xf32, #tpu.memory_space<hbm>> -> memref<40000x128xf32, #tpu.memory_space<hbm>>
    tpu.wait_indirect_dma semaphore(%arg14 : memref<!tpu.dma_semaphore, #tpu.memory_space<semaphore_mem>>) src(%dma_wait3A_227 : memref<40000x128xf32, #tpu.memory_space<hbm>>) dst(%arg10 : memref<80x128xf32, #tpu.memory_space<vmem>>)
    %barrier3A_228 = arith.constant 0 : index
    tpu.barrier barrier_id(%barrier3A_228)
    %mul3A_229 = arith.constant 632 : i32
    %mul3A_230 = arith.muli %arg1, %mul3A_229 : i32
    %add3A_231 = arith.constant 0 : i32
    %add3A_232 = arith.addi %mul3A_230, %add3A_231 : i32
    "tpu.region"() ({
      %run_scoped3A_531 = tpu.sem_alloc : memref<!tpu.dma_semaphore, #tpu.memory_space<semaphore_mem>>
      %dma_start3A_532 = arith.constant 0 : i32
      %dma_start3A_533 = arith.constant 0 : i32
      %dma_start3A_534 = tpu.memref_slice %arg8[%dma_start3A_532, %dma_start3A_533] : memref<80x128xf32, #tpu.memory_space<vmem>> -> memref<80x128xf32, #tpu.memory_space<vmem>>
      %dma_start3A_535 = arith.constant 0 : i32
      %dma_start3A_536 = tpu.memref_slice %arg11[%add3A_232, %dma_start3A_535] : memref<10112x128xf32, #tpu.memory_space<vmem_shared>> -> memref<80x128xf32, #tpu.memory_space<vmem_shared>>
      %dma_start3A_537 = arith.constant 0 : i32
      %dma_start3A_538 = arith.constant 0 : i32
      %dma_start3A_539 = tpu.memref_slice %arg8[%dma_start3A_537, %dma_start3A_538] : memref<80x128xf32, #tpu.memory_space<vmem>> -> memref<80x128xf32, #tpu.memory_space<vmem>>
      %dma_start3A_540 = arith.constant 0 : i32
      %dma_start3A_541 = tpu.memref_slice %arg11[%add3A_232, %dma_start3A_540] : memref<10112x128xf32, #tpu.memory_space<vmem_shared>> -> memref<80x128xf32, #tpu.memory_space<vmem_shared>>
      tpu.enqueue_dma source(%dma_start3A_541 : memref<80x128xf32, #tpu.memory_space<vmem_shared>>) target(%dma_start3A_539 : memref<80x128xf32, #tpu.memory_space<vmem>>) target_semaphore(%run_scoped3A_531 : memref<!tpu.dma_semaphore, #tpu.memory_space<semaphore_mem>>)
      %dma_wait3A_542 = arith.constant 0 : i32
      %dma_wait3A_543 = arith.constant 0 : i32
      %dma_wait3A_544 = tpu.memref_slice %arg8[%dma_wait3A_542, %dma_wait3A_543] : memref<80x128xf32, #tpu.memory_space<vmem>> -> memref<80x128xf32, #tpu.memory_space<vmem>>
      %dma_wait3A_545 = arith.constant 0 : i32
      %dma_wait3A_546 = tpu.memref_slice %arg11[%add3A_232, %dma_wait3A_545] : memref<10112x128xf32, #tpu.memory_space<vmem_shared>> -> memref<80x128xf32, #tpu.memory_space<vmem_shared>>
      %dma_wait3A_547 = arith.constant 0 : i32
      %dma_wait3A_548 = arith.constant 0 : i32
      %dma_wait3A_549 = tpu.memref_slice %arg8[%dma_wait3A_547, %dma_wait3A_548] : memref<80x128xf32, #tpu.memory_space<vmem>> -> memref<80x128xf32, #tpu.memory_space<vmem>>
      %dma_wait3A_550 = arith.constant 0 : i32
      %dma_wait3A_551 = tpu.memref_slice %arg11[%add3A_232, %dma_wait3A_550] : memref<10112x128xf32, #tpu.memory_space<vmem_shared>> -> memref<80x128xf32, #tpu.memory_space<vmem_shared>>
      tpu.wait_dma2 semaphore(%run_scoped3A_531 : memref<!tpu.dma_semaphore, #tpu.memory_space<semaphore_mem>>) src(%dma_wait3A_551 : memref<80x128xf32, #tpu.memory_space<vmem_shared>>) dst(%dma_wait3A_549 : memref<80x128xf32, #tpu.memory_space<vmem>>)
      tpu.yield
    }) : () -> ()
    "tpu.region"() ({
      %run_scoped3A_531 = tpu.sem_alloc : memref<!tpu.dma_semaphore, #tpu.memory_space<semaphore_mem>>
      %dma_start3A_532 = arith.constant 0 : i32
      %dma_start3A_533 = arith.constant 0 : i32
      %dma_start3A_534 = tpu.memref_slice %arg8[%dma_start3A_532, %dma_start3A_533] : memref<80x128xf32, #tpu.memory_space<vmem>> -> memref<80x128xf32, #tpu.memory_space<vmem>>
      %dma_start3A_535 = arith.constant 0 : i32
      %dma_start3A_536 = tpu.memref_slice %arg5[%add3A_1, %add3A_232, %dma_start3A_535] : memref<4x10112x128xf32, #tpu.memory_space<hbm>> -> memref<1x80x128xf32, #tpu.memory_space<hbm>>
      %dma_start3A_537 = tpu.memref_squeeze %dma_start3A_536 : memref<1x80x128xf32, #tpu.memory_space<hbm>> -> memref<80x128xf32, #tpu.memory_space<hbm>>
      %dma_start3A_538 = arith.constant 0 : i32
      %dma_start3A_539 = tpu.memref_slice %arg5[%add3A_1, %add3A_232, %dma_start3A_538] : memref<4x10112x128xf32, #tpu.memory_space<hbm>> -> memref<1x80x128xf32, #tpu.memory_space<hbm>>
      %dma_start3A_540 = tpu.memref_squeeze %dma_start3A_539 : memref<1x80x128xf32, #tpu.memory_space<hbm>> -> memref<80x128xf32, #tpu.memory_space<hbm>>
      %dma_start3A_541 = arith.constant 0 : i32
      %dma_start3A_542 = arith.constant 0 : i32
      %dma_start3A_543 = tpu.memref_slice %arg8[%dma_start3A_541, %dma_start3A_542] : memref<80x128xf32, #tpu.memory_space<vmem>> -> memref<80x128xf32, #tpu.memory_space<vmem>>
      tpu.enqueue_dma source(%dma_start3A_543 : memref<80x128xf32, #tpu.memory_space<vmem>>) target(%dma_start3A_540 : memref<80x128xf32, #tpu.memory_space<hbm>>) target_semaphore(%run_scoped3A_531 : memref<!tpu.dma_semaphore, #tpu.memory_space<semaphore_mem>>)
      %dma_wait3A_544 = arith.constant 0 : i32
      %dma_wait3A_545 = arith.constant 0 : i32
      %dma_wait3A_546 = tpu.memref_slice %arg8[%dma_wait3A_544, %dma_wait3A_545] : memref<80x128xf32, #tpu.memory_space<vmem>> -> memref<80x128xf32, #tpu.memory_space<vmem>>
      %dma_wait3A_547 = arith.constant 0 : i32
      %dma_wait3A_548 = tpu.memref_slice %arg5[%add3A_1, %add3A_232, %dma_wait3A_547] : memref<4x10112x128xf32, #tpu.memory_space<hbm>> -> memref<1x80x128xf32, #tpu.memory_space<hbm>>
      %dma_wait3A_549 = tpu.memref_squeeze %dma_wait3A_548 : memref<1x80x128xf32, #tpu.memory_space<hbm>> -> memref<80x128xf32, #tpu.memory_space<hbm>>
      %dma_wait3A_550 = arith.constant 0 : i32
      %dma_wait3A_551 = tpu.memref_slice %arg5[%add3A_1, %add3A_232, %dma_wait3A_550] : memref<4x10112x128xf32, #tpu.memory_space<hbm>> -> memref<1x80x128xf32, #tpu.memory_space<hbm>>
      %dma_wait3A_552 = tpu.memref_squeeze %dma_wait3A_551 : memref<1x80x128xf32, #tpu.memory_space<hbm>> -> memref<80x128xf32, #tpu.memory_space<hbm>>
      %dma_wait3A_553 = arith.constant 0 : i32
      %dma_wait3A_554 = arith.constant 0 : i32
      %dma_wait3A_555 = tpu.memref_slice %arg8[%dma_wait3A_553, %dma_wait3A_554] : memref<80x128xf32, #tpu.memory_space<vmem>> -> memref<80x128xf32, #tpu.memory_space<vmem>>
      tpu.wait_dma2 semaphore(%run_scoped3A_531 : memref<!tpu.dma_semaphore, #tpu.memory_space<semaphore_mem>>) src(%dma_wait3A_555 : memref<80x128xf32, #tpu.memory_space<vmem>>) dst(%dma_wait3A_552 : memref<80x128xf32, #tpu.memory_space<hbm>>)
      tpu.yield
    }) : () -> ()
    %mul3A_233 = arith.constant 632 : i32
    %mul3A_234 = arith.muli %arg1, %mul3A_233 : i32
    %add3A_235 = arith.constant 80 : i32
    %add3A_236 = arith.addi %mul3A_234, %add3A_235 : i32
    "tpu.region"() ({
      %run_scoped3A_531 = tpu.sem_alloc : memref<!tpu.dma_semaphore, #tpu.memory_space<semaphore_mem>>
      %dma_start3A_532 = arith.constant 0 : i32
      %dma_start3A_533 = arith.constant 0 : i32
      %dma_start3A_534 = tpu.memref_slice %arg8[%dma_start3A_532, %dma_start3A_533] : memref<80x128xf32, #tpu.memory_space<vmem>> -> memref<80x128xf32, #tpu.memory_space<vmem>>
      %dma_start3A_535 = arith.constant 0 : i32
      %dma_start3A_536 = tpu.memref_slice %arg11[%add3A_236, %dma_start3A_535] : memref<10112x128xf32, #tpu.memory_space<vmem_shared>> -> memref<80x128xf32, #tpu.memory_space<vmem_shared>>
      %dma_start3A_537 = arith.constant 0 : i32
      %dma_start3A_538 = arith.constant 0 : i32
      %dma_start3A_539 = tpu.memref_slice %arg8[%dma_start3A_537, %dma_start3A_538] : memref<80x128xf32, #tpu.memory_space<vmem>> -> memref<80x128xf32, #tpu.memory_space<vmem>>
      %dma_start3A_540 = arith.constant 0 : i32
      %dma_start3A_541 = tpu.memref_slice %arg11[%add3A_236, %dma_start3A_540] : memref<10112x128xf32, #tpu.memory_space<vmem_shared>> -> memref<80x128xf32, #tpu.memory_space<vmem_shared>>
      tpu.enqueue_dma source(%dma_start3A_541 : memref<80x128xf32, #tpu.memory_space<vmem_shared>>) target(%dma_start3A_539 : memref<80x128xf32, #tpu.memory_space<vmem>>) target_semaphore(%run_scoped3A_531 : memref<!tpu.dma_semaphore, #tpu.memory_space<semaphore_mem>>)
      %dma_wait3A_542 = arith.constant 0 : i32
      %dma_wait3A_543 = arith.constant 0 : i32
      %dma_wait3A_544 = tpu.memref_slice %arg8[%dma_wait3A_542, %dma_wait3A_543] : memref<80x128xf32, #tpu.memory_space<vmem>> -> memref<80x128xf32, #tpu.memory_space<vmem>>
      %dma_wait3A_545 = arith.constant 0 : i32
      %dma_wait3A_546 = tpu.memref_slice %arg11[%add3A_236, %dma_wait3A_545] : memref<10112x128xf32, #tpu.memory_space<vmem_shared>> -> memref<80x128xf32, #tpu.memory_space<vmem_shared>>
      %dma_wait3A_547 = arith.constant 0 : i32
      %dma_wait3A_548 = arith.constant 0 : i32
      %dma_wait3A_549 = tpu.memref_slice %arg8[%dma_wait3A_547, %dma_wait3A_548] : memref<80x128xf32, #tpu.memory_space<vmem>> -> memref<80x128xf32, #tpu.memory_space<vmem>>
      %dma_wait3A_550 = arith.constant 0 : i32
      %dma_wait3A_551 = tpu.memref_slice %arg11[%add3A_236, %dma_wait3A_550] : memref<10112x128xf32, #tpu.memory_space<vmem_shared>> -> memref<80x128xf32, #tpu.memory_space<vmem_shared>>
      tpu.wait_dma2 semaphore(%run_scoped3A_531 : memref<!tpu.dma_semaphore, #tpu.memory_space<semaphore_mem>>) src(%dma_wait3A_551 : memref<80x128xf32, #tpu.memory_space<vmem_shared>>) dst(%dma_wait3A_549 : memref<80x128xf32, #tpu.memory_space<vmem>>)
      tpu.yield
    }) : () -> ()
    "tpu.region"() ({
      %run_scoped3A_531 = tpu.sem_alloc : memref<!tpu.dma_semaphore, #tpu.memory_space<semaphore_mem>>
      %dma_start3A_532 = arith.constant 0 : i32
      %dma_start3A_533 = arith.constant 0 : i32
      %dma_start3A_534 = tpu.memref_slice %arg8[%dma_start3A_532, %dma_start3A_533] : memref<80x128xf32, #tpu.memory_space<vmem>> -> memref<80x128xf32, #tpu.memory_space<vmem>>
      %dma_start3A_535 = arith.constant 0 : i32
      %dma_start3A_536 = tpu.memref_slice %arg5[%add3A_1, %add3A_236, %dma_start3A_535] : memref<4x10112x128xf32, #tpu.memory_space<hbm>> -> memref<1x80x128xf32, #tpu.memory_space<hbm>>
      %dma_start3A_537 = tpu.memref_squeeze %dma_start3A_536 : memref<1x80x128xf32, #tpu.memory_space<hbm>> -> memref<80x128xf32, #tpu.memory_space<hbm>>
      %dma_start3A_538 = arith.constant 0 : i32
      %dma_start3A_539 = tpu.memref_slice %arg5[%add3A_1, %add3A_236, %dma_start3A_538] : memref<4x10112x128xf32, #tpu.memory_space<hbm>> -> memref<1x80x128xf32, #tpu.memory_space<hbm>>
      %dma_start3A_540 = tpu.memref_squeeze %dma_start3A_539 : memref<1x80x128xf32, #tpu.memory_space<hbm>> -> memref<80x128xf32, #tpu.memory_space<hbm>>
      %dma_start3A_541 = arith.constant 0 : i32
      %dma_start3A_542 = arith.constant 0 : i32
      %dma_start3A_543 = tpu.memref_slice %arg8[%dma_start3A_541, %dma_start3A_542] : memref<80x128xf32, #tpu.memory_space<vmem>> -> memref<80x128xf32, #tpu.memory_space<vmem>>
      tpu.enqueue_dma source(%dma_start3A_543 : memref<80x128xf32, #tpu.memory_space<vmem>>) target(%dma_start3A_540 : memref<80x128xf32, #tpu.memory_space<hbm>>) target_semaphore(%run_scoped3A_531 : memref<!tpu.dma_semaphore, #tpu.memory_space<semaphore_mem>>)
      %dma_wait3A_544 = arith.constant 0 : i32
      %dma_wait3A_545 = arith.constant 0 : i32
      %dma_wait3A_546 = tpu.memref_slice %arg8[%dma_wait3A_544, %dma_wait3A_545] : memref<80x128xf32, #tpu.memory_space<vmem>> -> memref<80x128xf32, #tpu.memory_space<vmem>>
      %dma_wait3A_547 = arith.constant 0 : i32
      %dma_wait3A_548 = tpu.memref_slice %arg5[%add3A_1, %add3A_236, %dma_wait3A_547] : memref<4x10112x128xf32, #tpu.memory_space<hbm>> -> memref<1x80x128xf32, #tpu.memory_space<hbm>>
      %dma_wait3A_549 = tpu.memref_squeeze %dma_wait3A_548 : memref<1x80x128xf32, #tpu.memory_space<hbm>> -> memref<80x128xf32, #tpu.memory_space<hbm>>
      %dma_wait3A_550 = arith.constant 0 : i32
      %dma_wait3A_551 = tpu.memref_slice %arg5[%add3A_1, %add3A_236, %dma_wait3A_550] : memref<4x10112x128xf32, #tpu.memory_space<hbm>> -> memref<1x80x128xf32, #tpu.memory_space<hbm>>
      %dma_wait3A_552 = tpu.memref_squeeze %dma_wait3A_551 : memref<1x80x128xf32, #tpu.memory_space<hbm>> -> memref<80x128xf32, #tpu.memory_space<hbm>>
      %dma_wait3A_553 = arith.constant 0 : i32
      %dma_wait3A_554 = arith.constant 0 : i32
      %dma_wait3A_555 = tpu.memref_slice %arg8[%dma_wait3A_553, %dma_wait3A_554] : memref<80x128xf32, #tpu.memory_space<vmem>> -> memref<80x128xf32, #tpu.memory_space<vmem>>
      tpu.wait_dma2 semaphore(%run_scoped3A_531 : memref<!tpu.dma_semaphore, #tpu.memory_space<semaphore_mem>>) src(%dma_wait3A_555 : memref<80x128xf32, #tpu.memory_space<vmem>>) dst(%dma_wait3A_552 : memref<80x128xf32, #tpu.memory_space<hbm>>)
      tpu.yield
    }) : () -> ()
    %mul3A_237 = arith.constant 632 : i32
    %mul3A_238 = arith.muli %arg1, %mul3A_237 : i32
    %add3A_239 = arith.constant 160 : i32
    %add3A_240 = arith.addi %mul3A_238, %add3A_239 : i32
    "tpu.region"() ({
      %run_scoped3A_531 = tpu.sem_alloc : memref<!tpu.dma_semaphore, #tpu.memory_space<semaphore_mem>>
      %dma_start3A_532 = arith.constant 0 : i32
      %dma_start3A_533 = arith.constant 0 : i32
      %dma_start3A_534 = tpu.memref_slice %arg8[%dma_start3A_532, %dma_start3A_533] : memref<80x128xf32, #tpu.memory_space<vmem>> -> memref<80x128xf32, #tpu.memory_space<vmem>>
      %dma_start3A_535 = arith.constant 0 : i32
      %dma_start3A_536 = tpu.memref_slice %arg11[%add3A_240, %dma_start3A_535] : memref<10112x128xf32, #tpu.memory_space<vmem_shared>> -> memref<80x128xf32, #tpu.memory_space<vmem_shared>>
      %dma_start3A_537 = arith.constant 0 : i32
      %dma_start3A_538 = arith.constant 0 : i32
      %dma_start3A_539 = tpu.memref_slice %arg8[%dma_start3A_537, %dma_start3A_538] : memref<80x128xf32, #tpu.memory_space<vmem>> -> memref<80x128xf32, #tpu.memory_space<vmem>>
      %dma_start3A_540 = arith.constant 0 : i32
      %dma_start3A_541 = tpu.memref_slice %arg11[%add3A_240, %dma_start3A_540] : memref<10112x128xf32, #tpu.memory_space<vmem_shared>> -> memref<80x128xf32, #tpu.memory_space<vmem_shared>>
      tpu.enqueue_dma source(%dma_start3A_541 : memref<80x128xf32, #tpu.memory_space<vmem_shared>>) target(%dma_start3A_539 : memref<80x128xf32, #tpu.memory_space<vmem>>) target_semaphore(%run_scoped3A_531 : memref<!tpu.dma_semaphore, #tpu.memory_space<semaphore_mem>>)
      %dma_wait3A_542 = arith.constant 0 : i32
      %dma_wait3A_543 = arith.constant 0 : i32
      %dma_wait3A_544 = tpu.memref_slice %arg8[%dma_wait3A_542, %dma_wait3A_543] : memref<80x128xf32, #tpu.memory_space<vmem>> -> memref<80x128xf32, #tpu.memory_space<vmem>>
      %dma_wait3A_545 = arith.constant 0 : i32
      %dma_wait3A_546 = tpu.memref_slice %arg11[%add3A_240, %dma_wait3A_545] : memref<10112x128xf32, #tpu.memory_space<vmem_shared>> -> memref<80x128xf32, #tpu.memory_space<vmem_shared>>
      %dma_wait3A_547 = arith.constant 0 : i32
      %dma_wait3A_548 = arith.constant 0 : i32
      %dma_wait3A_549 = tpu.memref_slice %arg8[%dma_wait3A_547, %dma_wait3A_548] : memref<80x128xf32, #tpu.memory_space<vmem>> -> memref<80x128xf32, #tpu.memory_space<vmem>>
      %dma_wait3A_550 = arith.constant 0 : i32
      %dma_wait3A_551 = tpu.memref_slice %arg11[%add3A_240, %dma_wait3A_550] : memref<10112x128xf32, #tpu.memory_space<vmem_shared>> -> memref<80x128xf32, #tpu.memory_space<vmem_shared>>
      tpu.wait_dma2 semaphore(%run_scoped3A_531 : memref<!tpu.dma_semaphore, #tpu.memory_space<semaphore_mem>>) src(%dma_wait3A_551 : memref<80x128xf32, #tpu.memory_space<vmem_shared>>) dst(%dma_wait3A_549 : memref<80x128xf32, #tpu.memory_space<vmem>>)
      tpu.yield
    }) : () -> ()
    "tpu.region"() ({
      %run_scoped3A_531 = tpu.sem_alloc : memref<!tpu.dma_semaphore, #tpu.memory_space<semaphore_mem>>
      %dma_start3A_532 = arith.constant 0 : i32
      %dma_start3A_533 = arith.constant 0 : i32
      %dma_start3A_534 = tpu.memref_slice %arg8[%dma_start3A_532, %dma_start3A_533] : memref<80x128xf32, #tpu.memory_space<vmem>> -> memref<80x128xf32, #tpu.memory_space<vmem>>
      %dma_start3A_535 = arith.constant 0 : i32
      %dma_start3A_536 = tpu.memref_slice %arg5[%add3A_1, %add3A_240, %dma_start3A_535] : memref<4x10112x128xf32, #tpu.memory_space<hbm>> -> memref<1x80x128xf32, #tpu.memory_space<hbm>>
      %dma_start3A_537 = tpu.memref_squeeze %dma_start3A_536 : memref<1x80x128xf32, #tpu.memory_space<hbm>> -> memref<80x128xf32, #tpu.memory_space<hbm>>
      %dma_start3A_538 = arith.constant 0 : i32
      %dma_start3A_539 = tpu.memref_slice %arg5[%add3A_1, %add3A_240, %dma_start3A_538] : memref<4x10112x128xf32, #tpu.memory_space<hbm>> -> memref<1x80x128xf32, #tpu.memory_space<hbm>>
      %dma_start3A_540 = tpu.memref_squeeze %dma_start3A_539 : memref<1x80x128xf32, #tpu.memory_space<hbm>> -> memref<80x128xf32, #tpu.memory_space<hbm>>
      %dma_start3A_541 = arith.constant 0 : i32
      %dma_start3A_542 = arith.constant 0 : i32
      %dma_start3A_543 = tpu.memref_slice %arg8[%dma_start3A_541, %dma_start3A_542] : memref<80x128xf32, #tpu.memory_space<vmem>> -> memref<80x128xf32, #tpu.memory_space<vmem>>
      tpu.enqueue_dma source(%dma_start3A_543 : memref<80x128xf32, #tpu.memory_space<vmem>>) target(%dma_start3A_540 : memref<80x128xf32, #tpu.memory_space<hbm>>) target_semaphore(%run_scoped3A_531 : memref<!tpu.dma_semaphore, #tpu.memory_space<semaphore_mem>>)
      %dma_wait3A_544 = arith.constant 0 : i32
      %dma_wait3A_545 = arith.constant 0 : i32
      %dma_wait3A_546 = tpu.memref_slice %arg8[%dma_wait3A_544, %dma_wait3A_545] : memref<80x128xf32, #tpu.memory_space<vmem>> -> memref<80x128xf32, #tpu.memory_space<vmem>>
      %dma_wait3A_547 = arith.constant 0 : i32
      %dma_wait3A_548 = tpu.memref_slice %arg5[%add3A_1, %add3A_240, %dma_wait3A_547] : memref<4x10112x128xf32, #tpu.memory_space<hbm>> -> memref<1x80x128xf32, #tpu.memory_space<hbm>>
      %dma_wait3A_549 = tpu.memref_squeeze %dma_wait3A_548 : memref<1x80x128xf32, #tpu.memory_space<hbm>> -> memref<80x128xf32, #tpu.memory_space<hbm>>
      %dma_wait3A_550 = arith.constant 0 : i32
      %dma_wait3A_551 = tpu.memref_slice %arg5[%add3A_1, %add3A_240, %dma_wait3A_550] : memref<4x10112x128xf32, #tpu.memory_space<hbm>> -> memref<1x80x128xf32, #tpu.memory_space<hbm>>
      %dma_wait3A_552 = tpu.memref_squeeze %dma_wait3A_551 : memref<1x80x128xf32, #tpu.memory_space<hbm>> -> memref<80x128xf32, #tpu.memory_space<hbm>>
      %dma_wait3A_553 = arith.constant 0 : i32
      %dma_wait3A_554 = arith.constant 0 : i32
      %dma_wait3A_555 = tpu.memref_slice %arg8[%dma_wait3A_553, %dma_wait3A_554] : memref<80x128xf32, #tpu.memory_space<vmem>> -> memref<80x128xf32, #tpu.memory_space<vmem>>
      tpu.wait_dma2 semaphore(%run_scoped3A_531 : memref<!tpu.dma_semaphore, #tpu.memory_space<semaphore_mem>>) src(%dma_wait3A_555 : memref<80x128xf32, #tpu.memory_space<vmem>>) dst(%dma_wait3A_552 : memref<80x128xf32, #tpu.memory_space<hbm>>)
      tpu.yield
    }) : () -> ()
    %mul3A_241 = arith.constant 632 : i32
    %mul3A_242 = arith.muli %arg1, %mul3A_241 : i32
    %add3A_243 = arith.constant 240 : i32
    %add3A_244 = arith.addi %mul3A_242, %add3A_243 : i32
    "tpu.region"() ({
      %run_scoped3A_531 = tpu.sem_alloc : memref<!tpu.dma_semaphore, #tpu.memory_space<semaphore_mem>>
      %dma_start3A_532 = arith.constant 0 : i32
      %dma_start3A_533 = arith.constant 0 : i32
      %dma_start3A_534 = tpu.memref_slice %arg8[%dma_start3A_532, %dma_start3A_533] : memref<80x128xf32, #tpu.memory_space<vmem>> -> memref<80x128xf32, #tpu.memory_space<vmem>>
      %dma_start3A_535 = arith.constant 0 : i32
      %dma_start3A_536 = tpu.memref_slice %arg11[%add3A_244, %dma_start3A_535] : memref<10112x128xf32, #tpu.memory_space<vmem_shared>> -> memref<80x128xf32, #tpu.memory_space<vmem_shared>>
      %dma_start3A_537 = arith.constant 0 : i32
      %dma_start3A_538 = arith.constant 0 : i32
      %dma_start3A_539 = tpu.memref_slice %arg8[%dma_start3A_537, %dma_start3A_538] : memref<80x128xf32, #tpu.memory_space<vmem>> -> memref<80x128xf32, #tpu.memory_space<vmem>>
      %dma_start3A_540 = arith.constant 0 : i32
      %dma_start3A_541 = tpu.memref_slice %arg11[%add3A_244, %dma_start3A_540] : memref<10112x128xf32, #tpu.memory_space<vmem_shared>> -> memref<80x128xf32, #tpu.memory_space<vmem_shared>>
      tpu.enqueue_dma source(%dma_start3A_541 : memref<80x128xf32, #tpu.memory_space<vmem_shared>>) target(%dma_start3A_539 : memref<80x128xf32, #tpu.memory_space<vmem>>) target_semaphore(%run_scoped3A_531 : memref<!tpu.dma_semaphore, #tpu.memory_space<semaphore_mem>>)
      %dma_wait3A_542 = arith.constant 0 : i32
      %dma_wait3A_543 = arith.constant 0 : i32
      %dma_wait3A_544 = tpu.memref_slice %arg8[%dma_wait3A_542, %dma_wait3A_543] : memref<80x128xf32, #tpu.memory_space<vmem>> -> memref<80x128xf32, #tpu.memory_space<vmem>>
      %dma_wait3A_545 = arith.constant 0 : i32
      %dma_wait3A_546 = tpu.memref_slice %arg11[%add3A_244, %dma_wait3A_545] : memref<10112x128xf32, #tpu.memory_space<vmem_shared>> -> memref<80x128xf32, #tpu.memory_space<vmem_shared>>
      %dma_wait3A_547 = arith.constant 0 : i32
      %dma_wait3A_548 = arith.constant 0 : i32
      %dma_wait3A_549 = tpu.memref_slice %arg8[%dma_wait3A_547, %dma_wait3A_548] : memref<80x128xf32, #tpu.memory_space<vmem>> -> memref<80x128xf32, #tpu.memory_space<vmem>>
      %dma_wait3A_550 = arith.constant 0 : i32
      %dma_wait3A_551 = tpu.memref_slice %arg11[%add3A_244, %dma_wait3A_550] : memref<10112x128xf32, #tpu.memory_space<vmem_shared>> -> memref<80x128xf32, #tpu.memory_space<vmem_shared>>
      tpu.wait_dma2 semaphore(%run_scoped3A_531 : memref<!tpu.dma_semaphore, #tpu.memory_space<semaphore_mem>>) src(%dma_wait3A_551 : memref<80x128xf32, #tpu.memory_space<vmem_shared>>) dst(%dma_wait3A_549 : memref<80x128xf32, #tpu.memory_space<vmem>>)
      tpu.yield
    }) : () -> ()
    "tpu.region"() ({
      %run_scoped3A_531 = tpu.sem_alloc : memref<!tpu.dma_semaphore, #tpu.memory_space<semaphore_mem>>
      %dma_start3A_532 = arith.constant 0 : i32
      %dma_start3A_533 = arith.constant 0 : i32
      %dma_start3A_534 = tpu.memref_slice %arg8[%dma_start3A_532, %dma_start3A_533] : memref<80x128xf32, #tpu.memory_space<vmem>> -> memref<80x128xf32, #tpu.memory_space<vmem>>
      %dma_start3A_535 = arith.constant 0 : i32
      %dma_start3A_536 = tpu.memref_slice %arg5[%add3A_1, %add3A_244, %dma_start3A_535] : memref<4x10112x128xf32, #tpu.memory_space<hbm>> -> memref<1x80x128xf32, #tpu.memory_space<hbm>>
      %dma_start3A_537 = tpu.memref_squeeze %dma_start3A_536 : memref<1x80x128xf32, #tpu.memory_space<hbm>> -> memref<80x128xf32, #tpu.memory_space<hbm>>
      %dma_start3A_538 = arith.constant 0 : i32
      %dma_start3A_539 = tpu.memref_slice %arg5[%add3A_1, %add3A_244, %dma_start3A_538] : memref<4x10112x128xf32, #tpu.memory_space<hbm>> -> memref<1x80x128xf32, #tpu.memory_space<hbm>>
      %dma_start3A_540 = tpu.memref_squeeze %dma_start3A_539 : memref<1x80x128xf32, #tpu.memory_space<hbm>> -> memref<80x128xf32, #tpu.memory_space<hbm>>
      %dma_start3A_541 = arith.constant 0 : i32
      %dma_start3A_542 = arith.constant 0 : i32
      %dma_start3A_543 = tpu.memref_slice %arg8[%dma_start3A_541, %dma_start3A_542] : memref<80x128xf32, #tpu.memory_space<vmem>> -> memref<80x128xf32, #tpu.memory_space<vmem>>
      tpu.enqueue_dma source(%dma_start3A_543 : memref<80x128xf32, #tpu.memory_space<vmem>>) target(%dma_start3A_540 : memref<80x128xf32, #tpu.memory_space<hbm>>) target_semaphore(%run_scoped3A_531 : memref<!tpu.dma_semaphore, #tpu.memory_space<semaphore_mem>>)
      %dma_wait3A_544 = arith.constant 0 : i32
      %dma_wait3A_545 = arith.constant 0 : i32
      %dma_wait3A_546 = tpu.memref_slice %arg8[%dma_wait3A_544, %dma_wait3A_545] : memref<80x128xf32, #tpu.memory_space<vmem>> -> memref<80x128xf32, #tpu.memory_space<vmem>>
      %dma_wait3A_547 = arith.constant 0 : i32
      %dma_wait3A_548 = tpu.memref_slice %arg5[%add3A_1, %add3A_244, %dma_wait3A_547] : memref<4x10112x128xf32, #tpu.memory_space<hbm>> -> memref<1x80x128xf32, #tpu.memory_space<hbm>>
      %dma_wait3A_549 = tpu.memref_squeeze %dma_wait3A_548 : memref<1x80x128xf32, #tpu.memory_space<hbm>> -> memref<80x128xf32, #tpu.memory_space<hbm>>
      %dma_wait3A_550 = arith.constant 0 : i32
      %dma_wait3A_551 = tpu.memref_slice %arg5[%add3A_1, %add3A_244, %dma_wait3A_550] : memref<4x10112x128xf32, #tpu.memory_space<hbm>> -> memref<1x80x128xf32, #tpu.memory_space<hbm>>
      %dma_wait3A_552 = tpu.memref_squeeze %dma_wait3A_551 : memref<1x80x128xf32, #tpu.memory_space<hbm>> -> memref<80x128xf32, #tpu.memory_space<hbm>>
      %dma_wait3A_553 = arith.constant 0 : i32
      %dma_wait3A_554 = arith.constant 0 : i32
      %dma_wait3A_555 = tpu.memref_slice %arg8[%dma_wait3A_553, %dma_wait3A_554] : memref<80x128xf32, #tpu.memory_space<vmem>> -> memref<80x128xf32, #tpu.memory_space<vmem>>
      tpu.wait_dma2 semaphore(%run_scoped3A_531 : memref<!tpu.dma_semaphore, #tpu.memory_space<semaphore_mem>>) src(%dma_wait3A_555 : memref<80x128xf32, #tpu.memory_space<vmem>>) dst(%dma_wait3A_552 : memref<80x128xf32, #tpu.memory_space<hbm>>)
      tpu.yield
    }) : () -> ()
    %mul3A_245 = arith.constant 632 : i32
    %mul3A_246 = arith.muli %arg1, %mul3A_245 : i32
    %add3A_247 = arith.constant 320 : i32
    %add3A_248 = arith.addi %mul3A_246, %add3A_247 : i32
    "tpu.region"() ({
      %run_scoped3A_531 = tpu.sem_alloc : memref<!tpu.dma_semaphore, #tpu.memory_space<semaphore_mem>>
      %dma_start3A_532 = arith.constant 0 : i32
      %dma_start3A_533 = arith.constant 0 : i32
      %dma_start3A_534 = tpu.memref_slice %arg8[%dma_start3A_532, %dma_start3A_533] : memref<80x128xf32, #tpu.memory_space<vmem>> -> memref<80x128xf32, #tpu.memory_space<vmem>>
      %dma_start3A_535 = arith.constant 0 : i32
      %dma_start3A_536 = tpu.memref_slice %arg11[%add3A_248, %dma_start3A_535] : memref<10112x128xf32, #tpu.memory_space<vmem_shared>> -> memref<80x128xf32, #tpu.memory_space<vmem_shared>>
      %dma_start3A_537 = arith.constant 0 : i32
      %dma_start3A_538 = arith.constant 0 : i32
      %dma_start3A_539 = tpu.memref_slice %arg8[%dma_start3A_537, %dma_start3A_538] : memref<80x128xf32, #tpu.memory_space<vmem>> -> memref<80x128xf32, #tpu.memory_space<vmem>>
      %dma_start3A_540 = arith.constant 0 : i32
      %dma_start3A_541 = tpu.memref_slice %arg11[%add3A_248, %dma_start3A_540] : memref<10112x128xf32, #tpu.memory_space<vmem_shared>> -> memref<80x128xf32, #tpu.memory_space<vmem_shared>>
      tpu.enqueue_dma source(%dma_start3A_541 : memref<80x128xf32, #tpu.memory_space<vmem_shared>>) target(%dma_start3A_539 : memref<80x128xf32, #tpu.memory_space<vmem>>) target_semaphore(%run_scoped3A_531 : memref<!tpu.dma_semaphore, #tpu.memory_space<semaphore_mem>>)
      %dma_wait3A_542 = arith.constant 0 : i32
      %dma_wait3A_543 = arith.constant 0 : i32
      %dma_wait3A_544 = tpu.memref_slice %arg8[%dma_wait3A_542, %dma_wait3A_543] : memref<80x128xf32, #tpu.memory_space<vmem>> -> memref<80x128xf32, #tpu.memory_space<vmem>>
      %dma_wait3A_545 = arith.constant 0 : i32
      %dma_wait3A_546 = tpu.memref_slice %arg11[%add3A_248, %dma_wait3A_545] : memref<10112x128xf32, #tpu.memory_space<vmem_shared>> -> memref<80x128xf32, #tpu.memory_space<vmem_shared>>
      %dma_wait3A_547 = arith.constant 0 : i32
      %dma_wait3A_548 = arith.constant 0 : i32
      %dma_wait3A_549 = tpu.memref_slice %arg8[%dma_wait3A_547, %dma_wait3A_548] : memref<80x128xf32, #tpu.memory_space<vmem>> -> memref<80x128xf32, #tpu.memory_space<vmem>>
      %dma_wait3A_550 = arith.constant 0 : i32
      %dma_wait3A_551 = tpu.memref_slice %arg11[%add3A_248, %dma_wait3A_550] : memref<10112x128xf32, #tpu.memory_space<vmem_shared>> -> memref<80x128xf32, #tpu.memory_space<vmem_shared>>
      tpu.wait_dma2 semaphore(%run_scoped3A_531 : memref<!tpu.dma_semaphore, #tpu.memory_space<semaphore_mem>>) src(%dma_wait3A_551 : memref<80x128xf32, #tpu.memory_space<vmem_shared>>) dst(%dma_wait3A_549 : memref<80x128xf32, #tpu.memory_space<vmem>>)
      tpu.yield
    }) : () -> ()
    "tpu.region"() ({
      %run_scoped3A_531 = tpu.sem_alloc : memref<!tpu.dma_semaphore, #tpu.memory_space<semaphore_mem>>
      %dma_start3A_532 = arith.constant 0 : i32
      %dma_start3A_533 = arith.constant 0 : i32
      %dma_start3A_534 = tpu.memref_slice %arg8[%dma_start3A_532, %dma_start3A_533] : memref<80x128xf32, #tpu.memory_space<vmem>> -> memref<80x128xf32, #tpu.memory_space<vmem>>
      %dma_start3A_535 = arith.constant 0 : i32
      %dma_start3A_536 = tpu.memref_slice %arg5[%add3A_1, %add3A_248, %dma_start3A_535] : memref<4x10112x128xf32, #tpu.memory_space<hbm>> -> memref<1x80x128xf32, #tpu.memory_space<hbm>>
      %dma_start3A_537 = tpu.memref_squeeze %dma_start3A_536 : memref<1x80x128xf32, #tpu.memory_space<hbm>> -> memref<80x128xf32, #tpu.memory_space<hbm>>
      %dma_start3A_538 = arith.constant 0 : i32
      %dma_start3A_539 = tpu.memref_slice %arg5[%add3A_1, %add3A_248, %dma_start3A_538] : memref<4x10112x128xf32, #tpu.memory_space<hbm>> -> memref<1x80x128xf32, #tpu.memory_space<hbm>>
      %dma_start3A_540 = tpu.memref_squeeze %dma_start3A_539 : memref<1x80x128xf32, #tpu.memory_space<hbm>> -> memref<80x128xf32, #tpu.memory_space<hbm>>
      %dma_start3A_541 = arith.constant 0 : i32
      %dma_start3A_542 = arith.constant 0 : i32
      %dma_start3A_543 = tpu.memref_slice %arg8[%dma_start3A_541, %dma_start3A_542] : memref<80x128xf32, #tpu.memory_space<vmem>> -> memref<80x128xf32, #tpu.memory_space<vmem>>
      tpu.enqueue_dma source(%dma_start3A_543 : memref<80x128xf32, #tpu.memory_space<vmem>>) target(%dma_start3A_540 : memref<80x128xf32, #tpu.memory_space<hbm>>) target_semaphore(%run_scoped3A_531 : memref<!tpu.dma_semaphore, #tpu.memory_space<semaphore_mem>>)
      %dma_wait3A_544 = arith.constant 0 : i32
      %dma_wait3A_545 = arith.constant 0 : i32
      %dma_wait3A_546 = tpu.memref_slice %arg8[%dma_wait3A_544, %dma_wait3A_545] : memref<80x128xf32, #tpu.memory_space<vmem>> -> memref<80x128xf32, #tpu.memory_space<vmem>>
      %dma_wait3A_547 = arith.constant 0 : i32
      %dma_wait3A_548 = tpu.memref_slice %arg5[%add3A_1, %add3A_248, %dma_wait3A_547] : memref<4x10112x128xf32, #tpu.memory_space<hbm>> -> memref<1x80x128xf32, #tpu.memory_space<hbm>>
      %dma_wait3A_549 = tpu.memref_squeeze %dma_wait3A_548 : memref<1x80x128xf32, #tpu.memory_space<hbm>> -> memref<80x128xf32, #tpu.memory_space<hbm>>
      %dma_wait3A_550 = arith.constant 0 : i32
      %dma_wait3A_551 = tpu.memref_slice %arg5[%add3A_1, %add3A_248, %dma_wait3A_550] : memref<4x10112x128xf32, #tpu.memory_space<hbm>> -> memref<1x80x128xf32, #tpu.memory_space<hbm>>
      %dma_wait3A_552 = tpu.memref_squeeze %dma_wait3A_551 : memref<1x80x128xf32, #tpu.memory_space<hbm>> -> memref<80x128xf32, #tpu.memory_space<hbm>>
      %dma_wait3A_553 = arith.constant 0 : i32
      %dma_wait3A_554 = arith.constant 0 : i32
      %dma_wait3A_555 = tpu.memref_slice %arg8[%dma_wait3A_553, %dma_wait3A_554] : memref<80x128xf32, #tpu.memory_space<vmem>> -> memref<80x128xf32, #tpu.memory_space<vmem>>
      tpu.wait_dma2 semaphore(%run_scoped3A_531 : memref<!tpu.dma_semaphore, #tpu.memory_space<semaphore_mem>>) src(%dma_wait3A_555 : memref<80x128xf32, #tpu.memory_space<vmem>>) dst(%dma_wait3A_552 : memref<80x128xf32, #tpu.memory_space<hbm>>)
      tpu.yield
    }) : () -> ()
    %mul3A_249 = arith.constant 632 : i32
    %mul3A_250 = arith.muli %arg1, %mul3A_249 : i32
    %add3A_251 = arith.constant 400 : i32
    %add3A_252 = arith.addi %mul3A_250, %add3A_251 : i32
    "tpu.region"() ({
      %run_scoped3A_531 = tpu.sem_alloc : memref<!tpu.dma_semaphore, #tpu.memory_space<semaphore_mem>>
      %dma_start3A_532 = arith.constant 0 : i32
      %dma_start3A_533 = arith.constant 0 : i32
      %dma_start3A_534 = tpu.memref_slice %arg8[%dma_start3A_532, %dma_start3A_533] : memref<80x128xf32, #tpu.memory_space<vmem>> -> memref<80x128xf32, #tpu.memory_space<vmem>>
      %dma_start3A_535 = arith.constant 0 : i32
      %dma_start3A_536 = tpu.memref_slice %arg11[%add3A_252, %dma_start3A_535] : memref<10112x128xf32, #tpu.memory_space<vmem_shared>> -> memref<80x128xf32, #tpu.memory_space<vmem_shared>>
      %dma_start3A_537 = arith.constant 0 : i32
      %dma_start3A_538 = arith.constant 0 : i32
      %dma_start3A_539 = tpu.memref_slice %arg8[%dma_start3A_537, %dma_start3A_538] : memref<80x128xf32, #tpu.memory_space<vmem>> -> memref<80x128xf32, #tpu.memory_space<vmem>>
      %dma_start3A_540 = arith.constant 0 : i32
      %dma_start3A_541 = tpu.memref_slice %arg11[%add3A_252, %dma_start3A_540] : memref<10112x128xf32, #tpu.memory_space<vmem_shared>> -> memref<80x128xf32, #tpu.memory_space<vmem_shared>>
      tpu.enqueue_dma source(%dma_start3A_541 : memref<80x128xf32, #tpu.memory_space<vmem_shared>>) target(%dma_start3A_539 : memref<80x128xf32, #tpu.memory_space<vmem>>) target_semaphore(%run_scoped3A_531 : memref<!tpu.dma_semaphore, #tpu.memory_space<semaphore_mem>>)
      %dma_wait3A_542 = arith.constant 0 : i32
      %dma_wait3A_543 = arith.constant 0 : i32
      %dma_wait3A_544 = tpu.memref_slice %arg8[%dma_wait3A_542, %dma_wait3A_543] : memref<80x128xf32, #tpu.memory_space<vmem>> -> memref<80x128xf32, #tpu.memory_space<vmem>>
      %dma_wait3A_545 = arith.constant 0 : i32
      %dma_wait3A_546 = tpu.memref_slice %arg11[%add3A_252, %dma_wait3A_545] : memref<10112x128xf32, #tpu.memory_space<vmem_shared>> -> memref<80x128xf32, #tpu.memory_space<vmem_shared>>
      %dma_wait3A_547 = arith.constant 0 : i32
      %dma_wait3A_548 = arith.constant 0 : i32
      %dma_wait3A_549 = tpu.memref_slice %arg8[%dma_wait3A_547, %dma_wait3A_548] : memref<80x128xf32, #tpu.memory_space<vmem>> -> memref<80x128xf32, #tpu.memory_space<vmem>>
      %dma_wait3A_550 = arith.constant 0 : i32
      %dma_wait3A_551 = tpu.memref_slice %arg11[%add3A_252, %dma_wait3A_550] : memref<10112x128xf32, #tpu.memory_space<vmem_shared>> -> memref<80x128xf32, #tpu.memory_space<vmem_shared>>
      tpu.wait_dma2 semaphore(%run_scoped3A_531 : memref<!tpu.dma_semaphore, #tpu.memory_space<semaphore_mem>>) src(%dma_wait3A_551 : memref<80x128xf32, #tpu.memory_space<vmem_shared>>) dst(%dma_wait3A_549 : memref<80x128xf32, #tpu.memory_space<vmem>>)
      tpu.yield
    }) : () -> ()
    "tpu.region"() ({
      %run_scoped3A_531 = tpu.sem_alloc : memref<!tpu.dma_semaphore, #tpu.memory_space<semaphore_mem>>
      %dma_start3A_532 = arith.constant 0 : i32
      %dma_start3A_533 = arith.constant 0 : i32
      %dma_start3A_534 = tpu.memref_slice %arg8[%dma_start3A_532, %dma_start3A_533] : memref<80x128xf32, #tpu.memory_space<vmem>> -> memref<80x128xf32, #tpu.memory_space<vmem>>
      %dma_start3A_535 = arith.constant 0 : i32
      %dma_start3A_536 = tpu.memref_slice %arg5[%add3A_1, %add3A_252, %dma_start3A_535] : memref<4x10112x128xf32, #tpu.memory_space<hbm>> -> memref<1x80x128xf32, #tpu.memory_space<hbm>>
      %dma_start3A_537 = tpu.memref_squeeze %dma_start3A_536 : memref<1x80x128xf32, #tpu.memory_space<hbm>> -> memref<80x128xf32, #tpu.memory_space<hbm>>
      %dma_start3A_538 = arith.constant 0 : i32
      %dma_start3A_539 = tpu.memref_slice %arg5[%add3A_1, %add3A_252, %dma_start3A_538] : memref<4x10112x128xf32, #tpu.memory_space<hbm>> -> memref<1x80x128xf32, #tpu.memory_space<hbm>>
      %dma_start3A_540 = tpu.memref_squeeze %dma_start3A_539 : memref<1x80x128xf32, #tpu.memory_space<hbm>> -> memref<80x128xf32, #tpu.memory_space<hbm>>
      %dma_start3A_541 = arith.constant 0 : i32
      %dma_start3A_542 = arith.constant 0 : i32
      %dma_start3A_543 = tpu.memref_slice %arg8[%dma_start3A_541, %dma_start3A_542] : memref<80x128xf32, #tpu.memory_space<vmem>> -> memref<80x128xf32, #tpu.memory_space<vmem>>
      tpu.enqueue_dma source(%dma_start3A_543 : memref<80x128xf32, #tpu.memory_space<vmem>>) target(%dma_start3A_540 : memref<80x128xf32, #tpu.memory_space<hbm>>) target_semaphore(%run_scoped3A_531 : memref<!tpu.dma_semaphore, #tpu.memory_space<semaphore_mem>>)
      %dma_wait3A_544 = arith.constant 0 : i32
      %dma_wait3A_545 = arith.constant 0 : i32
      %dma_wait3A_546 = tpu.memref_slice %arg8[%dma_wait3A_544, %dma_wait3A_545] : memref<80x128xf32, #tpu.memory_space<vmem>> -> memref<80x128xf32, #tpu.memory_space<vmem>>
      %dma_wait3A_547 = arith.constant 0 : i32
      %dma_wait3A_548 = tpu.memref_slice %arg5[%add3A_1, %add3A_252, %dma_wait3A_547] : memref<4x10112x128xf32, #tpu.memory_space<hbm>> -> memref<1x80x128xf32, #tpu.memory_space<hbm>>
      %dma_wait3A_549 = tpu.memref_squeeze %dma_wait3A_548 : memref<1x80x128xf32, #tpu.memory_space<hbm>> -> memref<80x128xf32, #tpu.memory_space<hbm>>
      %dma_wait3A_550 = arith.constant 0 : i32
      %dma_wait3A_551 = tpu.memref_slice %arg5[%add3A_1, %add3A_252, %dma_wait3A_550] : memref<4x10112x128xf32, #tpu.memory_space<hbm>> -> memref<1x80x128xf32, #tpu.memory_space<hbm>>
      %dma_wait3A_552 = tpu.memref_squeeze %dma_wait3A_551 : memref<1x80x128xf32, #tpu.memory_space<hbm>> -> memref<80x128xf32, #tpu.memory_space<hbm>>
      %dma_wait3A_553 = arith.constant 0 : i32
      %dma_wait3A_554 = arith.constant 0 : i32
      %dma_wait3A_555 = tpu.memref_slice %arg8[%dma_wait3A_553, %dma_wait3A_554] : memref<80x128xf32, #tpu.memory_space<vmem>> -> memref<80x128xf32, #tpu.memory_space<vmem>>
      tpu.wait_dma2 semaphore(%run_scoped3A_531 : memref<!tpu.dma_semaphore, #tpu.memory_space<semaphore_mem>>) src(%dma_wait3A_555 : memref<80x128xf32, #tpu.memory_space<vmem>>) dst(%dma_wait3A_552 : memref<80x128xf32, #tpu.memory_space<hbm>>)
      tpu.yield
    }) : () -> ()
    %mul3A_253 = arith.constant 632 : i32
    %mul3A_254 = arith.muli %arg1, %mul3A_253 : i32
    %add3A_255 = arith.constant 480 : i32
    %add3A_256 = arith.addi %mul3A_254, %add3A_255 : i32
    "tpu.region"() ({
      %run_scoped3A_531 = tpu.sem_alloc : memref<!tpu.dma_semaphore, #tpu.memory_space<semaphore_mem>>
      %dma_start3A_532 = arith.constant 0 : i32
      %dma_start3A_533 = arith.constant 0 : i32
      %dma_start3A_534 = tpu.memref_slice %arg8[%dma_start3A_532, %dma_start3A_533] : memref<80x128xf32, #tpu.memory_space<vmem>> -> memref<80x128xf32, #tpu.memory_space<vmem>>
      %dma_start3A_535 = arith.constant 0 : i32
      %dma_start3A_536 = tpu.memref_slice %arg11[%add3A_256, %dma_start3A_535] : memref<10112x128xf32, #tpu.memory_space<vmem_shared>> -> memref<80x128xf32, #tpu.memory_space<vmem_shared>>
      %dma_start3A_537 = arith.constant 0 : i32
      %dma_start3A_538 = arith.constant 0 : i32
      %dma_start3A_539 = tpu.memref_slice %arg8[%dma_start3A_537, %dma_start3A_538] : memref<80x128xf32, #tpu.memory_space<vmem>> -> memref<80x128xf32, #tpu.memory_space<vmem>>
      %dma_start3A_540 = arith.constant 0 : i32
      %dma_start3A_541 = tpu.memref_slice %arg11[%add3A_256, %dma_start3A_540] : memref<10112x128xf32, #tpu.memory_space<vmem_shared>> -> memref<80x128xf32, #tpu.memory_space<vmem_shared>>
      tpu.enqueue_dma source(%dma_start3A_541 : memref<80x128xf32, #tpu.memory_space<vmem_shared>>) target(%dma_start3A_539 : memref<80x128xf32, #tpu.memory_space<vmem>>) target_semaphore(%run_scoped3A_531 : memref<!tpu.dma_semaphore, #tpu.memory_space<semaphore_mem>>)
      %dma_wait3A_542 = arith.constant 0 : i32
      %dma_wait3A_543 = arith.constant 0 : i32
      %dma_wait3A_544 = tpu.memref_slice %arg8[%dma_wait3A_542, %dma_wait3A_543] : memref<80x128xf32, #tpu.memory_space<vmem>> -> memref<80x128xf32, #tpu.memory_space<vmem>>
      %dma_wait3A_545 = arith.constant 0 : i32
      %dma_wait3A_546 = tpu.memref_slice %arg11[%add3A_256, %dma_wait3A_545] : memref<10112x128xf32, #tpu.memory_space<vmem_shared>> -> memref<80x128xf32, #tpu.memory_space<vmem_shared>>
      %dma_wait3A_547 = arith.constant 0 : i32
      %dma_wait3A_548 = arith.constant 0 : i32
      %dma_wait3A_549 = tpu.memref_slice %arg8[%dma_wait3A_547, %dma_wait3A_548] : memref<80x128xf32, #tpu.memory_space<vmem>> -> memref<80x128xf32, #tpu.memory_space<vmem>>
      %dma_wait3A_550 = arith.constant 0 : i32
      %dma_wait3A_551 = tpu.memref_slice %arg11[%add3A_256, %dma_wait3A_550] : memref<10112x128xf32, #tpu.memory_space<vmem_shared>> -> memref<80x128xf32, #tpu.memory_space<vmem_shared>>
      tpu.wait_dma2 semaphore(%run_scoped3A_531 : memref<!tpu.dma_semaphore, #tpu.memory_space<semaphore_mem>>) src(%dma_wait3A_551 : memref<80x128xf32, #tpu.memory_space<vmem_shared>>) dst(%dma_wait3A_549 : memref<80x128xf32, #tpu.memory_space<vmem>>)
      tpu.yield
    }) : () -> ()
    "tpu.region"() ({
      %run_scoped3A_531 = tpu.sem_alloc : memref<!tpu.dma_semaphore, #tpu.memory_space<semaphore_mem>>
      %dma_start3A_532 = arith.constant 0 : i32
      %dma_start3A_533 = arith.constant 0 : i32
      %dma_start3A_534 = tpu.memref_slice %arg8[%dma_start3A_532, %dma_start3A_533] : memref<80x128xf32, #tpu.memory_space<vmem>> -> memref<80x128xf32, #tpu.memory_space<vmem>>
      %dma_start3A_535 = arith.constant 0 : i32
      %dma_start3A_536 = tpu.memref_slice %arg5[%add3A_1, %add3A_256, %dma_start3A_535] : memref<4x10112x128xf32, #tpu.memory_space<hbm>> -> memref<1x80x128xf32, #tpu.memory_space<hbm>>
      %dma_start3A_537 = tpu.memref_squeeze %dma_start3A_536 : memref<1x80x128xf32, #tpu.memory_space<hbm>> -> memref<80x128xf32, #tpu.memory_space<hbm>>
      %dma_start3A_538 = arith.constant 0 : i32
      %dma_start3A_539 = tpu.memref_slice %arg5[%add3A_1, %add3A_256, %dma_start3A_538] : memref<4x10112x128xf32, #tpu.memory_space<hbm>> -> memref<1x80x128xf32, #tpu.memory_space<hbm>>
      %dma_start3A_540 = tpu.memref_squeeze %dma_start3A_539 : memref<1x80x128xf32, #tpu.memory_space<hbm>> -> memref<80x128xf32, #tpu.memory_space<hbm>>
      %dma_start3A_541 = arith.constant 0 : i32
      %dma_start3A_542 = arith.constant 0 : i32
      %dma_start3A_543 = tpu.memref_slice %arg8[%dma_start3A_541, %dma_start3A_542] : memref<80x128xf32, #tpu.memory_space<vmem>> -> memref<80x128xf32, #tpu.memory_space<vmem>>
      tpu.enqueue_dma source(%dma_start3A_543 : memref<80x128xf32, #tpu.memory_space<vmem>>) target(%dma_start3A_540 : memref<80x128xf32, #tpu.memory_space<hbm>>) target_semaphore(%run_scoped3A_531 : memref<!tpu.dma_semaphore, #tpu.memory_space<semaphore_mem>>)
      %dma_wait3A_544 = arith.constant 0 : i32
      %dma_wait3A_545 = arith.constant 0 : i32
      %dma_wait3A_546 = tpu.memref_slice %arg8[%dma_wait3A_544, %dma_wait3A_545] : memref<80x128xf32, #tpu.memory_space<vmem>> -> memref<80x128xf32, #tpu.memory_space<vmem>>
      %dma_wait3A_547 = arith.constant 0 : i32
      %dma_wait3A_548 = tpu.memref_slice %arg5[%add3A_1, %add3A_256, %dma_wait3A_547] : memref<4x10112x128xf32, #tpu.memory_space<hbm>> -> memref<1x80x128xf32, #tpu.memory_space<hbm>>
      %dma_wait3A_549 = tpu.memref_squeeze %dma_wait3A_548 : memref<1x80x128xf32, #tpu.memory_space<hbm>> -> memref<80x128xf32, #tpu.memory_space<hbm>>
      %dma_wait3A_550 = arith.constant 0 : i32
      %dma_wait3A_551 = tpu.memref_slice %arg5[%add3A_1, %add3A_256, %dma_wait3A_550] : memref<4x10112x128xf32, #tpu.memory_space<hbm>> -> memref<1x80x128xf32, #tpu.memory_space<hbm>>
      %dma_wait3A_552 = tpu.memref_squeeze %dma_wait3A_551 : memref<1x80x128xf32, #tpu.memory_space<hbm>> -> memref<80x128xf32, #tpu.memory_space<hbm>>
      %dma_wait3A_553 = arith.constant 0 : i32
      %dma_wait3A_554 = arith.constant 0 : i32
      %dma_wait3A_555 = tpu.memref_slice %arg8[%dma_wait3A_553, %dma_wait3A_554] : memref<80x128xf32, #tpu.memory_space<vmem>> -> memref<80x128xf32, #tpu.memory_space<vmem>>
      tpu.wait_dma2 semaphore(%run_scoped3A_531 : memref<!tpu.dma_semaphore, #tpu.memory_space<semaphore_mem>>) src(%dma_wait3A_555 : memref<80x128xf32, #tpu.memory_space<vmem>>) dst(%dma_wait3A_552 : memref<80x128xf32, #tpu.memory_space<hbm>>)
      tpu.yield
    }) : () -> ()
    %mul3A_257 = arith.constant 632 : i32
    %mul3A_258 = arith.muli %arg1, %mul3A_257 : i32
    %add3A_259 = arith.constant 560 : i32
    %add3A_260 = arith.addi %mul3A_258, %add3A_259 : i32
    "tpu.region"() ({
      %run_scoped3A_531 = tpu.sem_alloc : memref<!tpu.dma_semaphore, #tpu.memory_space<semaphore_mem>>
      %dma_start3A_532 = arith.constant 0 : i32
      %dma_start3A_533 = arith.constant 0 : i32
      %dma_start3A_534 = tpu.memref_slice %arg8[%dma_start3A_532, %dma_start3A_533] : memref<80x128xf32, #tpu.memory_space<vmem>> -> memref<72x128xf32, #tpu.memory_space<vmem>>
      %dma_start3A_535 = arith.constant 0 : i32
      %dma_start3A_536 = tpu.memref_slice %arg11[%add3A_260, %dma_start3A_535] : memref<10112x128xf32, #tpu.memory_space<vmem_shared>> -> memref<72x128xf32, #tpu.memory_space<vmem_shared>>
      %dma_start3A_537 = arith.constant 0 : i32
      %dma_start3A_538 = arith.constant 0 : i32
      %dma_start3A_539 = tpu.memref_slice %arg8[%dma_start3A_537, %dma_start3A_538] : memref<80x128xf32, #tpu.memory_space<vmem>> -> memref<72x128xf32, #tpu.memory_space<vmem>>
      %dma_start3A_540 = arith.constant 0 : i32
      %dma_start3A_541 = tpu.memref_slice %arg11[%add3A_260, %dma_start3A_540] : memref<10112x128xf32, #tpu.memory_space<vmem_shared>> -> memref<72x128xf32, #tpu.memory_space<vmem_shared>>
      tpu.enqueue_dma source(%dma_start3A_541 : memref<72x128xf32, #tpu.memory_space<vmem_shared>>) target(%dma_start3A_539 : memref<72x128xf32, #tpu.memory_space<vmem>>) target_semaphore(%run_scoped3A_531 : memref<!tpu.dma_semaphore, #tpu.memory_space<semaphore_mem>>)
      %dma_wait3A_542 = arith.constant 0 : i32
      %dma_wait3A_543 = arith.constant 0 : i32
      %dma_wait3A_544 = tpu.memref_slice %arg8[%dma_wait3A_542, %dma_wait3A_543] : memref<80x128xf32, #tpu.memory_space<vmem>> -> memref<72x128xf32, #tpu.memory_space<vmem>>
      %dma_wait3A_545 = arith.constant 0 : i32
      %dma_wait3A_546 = tpu.memref_slice %arg11[%add3A_260, %dma_wait3A_545] : memref<10112x128xf32, #tpu.memory_space<vmem_shared>> -> memref<72x128xf32, #tpu.memory_space<vmem_shared>>
      %dma_wait3A_547 = arith.constant 0 : i32
      %dma_wait3A_548 = arith.constant 0 : i32
      %dma_wait3A_549 = tpu.memref_slice %arg8[%dma_wait3A_547, %dma_wait3A_548] : memref<80x128xf32, #tpu.memory_space<vmem>> -> memref<72x128xf32, #tpu.memory_space<vmem>>
      %dma_wait3A_550 = arith.constant 0 : i32
      %dma_wait3A_551 = tpu.memref_slice %arg11[%add3A_260, %dma_wait3A_550] : memref<10112x128xf32, #tpu.memory_space<vmem_shared>> -> memref<72x128xf32, #tpu.memory_space<vmem_shared>>
      tpu.wait_dma2 semaphore(%run_scoped3A_531 : memref<!tpu.dma_semaphore, #tpu.memory_space<semaphore_mem>>) src(%dma_wait3A_551 : memref<72x128xf32, #tpu.memory_space<vmem_shared>>) dst(%dma_wait3A_549 : memref<72x128xf32, #tpu.memory_space<vmem>>)
      tpu.yield
    }) : () -> ()
    "tpu.region"() ({
      %run_scoped3A_531 = tpu.sem_alloc : memref<!tpu.dma_semaphore, #tpu.memory_space<semaphore_mem>>
      %dma_start3A_532 = arith.constant 0 : i32
      %dma_start3A_533 = arith.constant 0 : i32
      %dma_start3A_534 = tpu.memref_slice %arg8[%dma_start3A_532, %dma_start3A_533] : memref<80x128xf32, #tpu.memory_space<vmem>> -> memref<72x128xf32, #tpu.memory_space<vmem>>
      %dma_start3A_535 = arith.constant 0 : i32
      %dma_start3A_536 = tpu.memref_slice %arg5[%add3A_1, %add3A_260, %dma_start3A_535] : memref<4x10112x128xf32, #tpu.memory_space<hbm>> -> memref<1x72x128xf32, #tpu.memory_space<hbm>>
      %dma_start3A_537 = tpu.memref_squeeze %dma_start3A_536 : memref<1x72x128xf32, #tpu.memory_space<hbm>> -> memref<72x128xf32, #tpu.memory_space<hbm>>
      %dma_start3A_538 = arith.constant 0 : i32
      %dma_start3A_539 = tpu.memref_slice %arg5[%add3A_1, %add3A_260, %dma_start3A_538] : memref<4x10112x128xf32, #tpu.memory_space<hbm>> -> memref<1x72x128xf32, #tpu.memory_space<hbm>>
      %dma_start3A_540 = tpu.memref_squeeze %dma_start3A_539 : memref<1x72x128xf32, #tpu.memory_space<hbm>> -> memref<72x128xf32, #tpu.memory_space<hbm>>
      %dma_start3A_541 = arith.constant 0 : i32
      %dma_start3A_542 = arith.constant 0 : i32
      %dma_start3A_543 = tpu.memref_slice %arg8[%dma_start3A_541, %dma_start3A_542] : memref<80x128xf32, #tpu.memory_space<vmem>> -> memref<72x128xf32, #tpu.memory_space<vmem>>
      tpu.enqueue_dma source(%dma_start3A_543 : memref<72x128xf32, #tpu.memory_space<vmem>>) target(%dma_start3A_540 : memref<72x128xf32, #tpu.memory_space<hbm>>) target_semaphore(%run_scoped3A_531 : memref<!tpu.dma_semaphore, #tpu.memory_space<semaphore_mem>>)
      %dma_wait3A_544 = arith.constant 0 : i32
      %dma_wait3A_545 = arith.constant 0 : i32
      %dma_wait3A_546 = tpu.memref_slice %arg8[%dma_wait3A_544, %dma_wait3A_545] : memref<80x128xf32, #tpu.memory_space<vmem>> -> memref<72x128xf32, #tpu.memory_space<vmem>>
      %dma_wait3A_547 = arith.constant 0 : i32
      %dma_wait3A_548 = tpu.memref_slice %arg5[%add3A_1, %add3A_260, %dma_wait3A_547] : memref<4x10112x128xf32, #tpu.memory_space<hbm>> -> memref<1x72x128xf32, #tpu.memory_space<hbm>>
      %dma_wait3A_549 = tpu.memref_squeeze %dma_wait3A_548 : memref<1x72x128xf32, #tpu.memory_space<hbm>> -> memref<72x128xf32, #tpu.memory_space<hbm>>
      %dma_wait3A_550 = arith.constant 0 : i32
      %dma_wait3A_551 = tpu.memref_slice %arg5[%add3A_1, %add3A_260, %dma_wait3A_550] : memref<4x10112x128xf32, #tpu.memory_space<hbm>> -> memref<1x72x128xf32, #tpu.memory_space<hbm>>
      %dma_wait3A_552 = tpu.memref_squeeze %dma_wait3A_551 : memref<1x72x128xf32, #tpu.memory_space<hbm>> -> memref<72x128xf32, #tpu.memory_space<hbm>>
      %dma_wait3A_553 = arith.constant 0 : i32
      %dma_wait3A_554 = arith.constant 0 : i32
      %dma_wait3A_555 = tpu.memref_slice %arg8[%dma_wait3A_553, %dma_wait3A_554] : memref<80x128xf32, #tpu.memory_space<vmem>> -> memref<72x128xf32, #tpu.memory_space<vmem>>
      tpu.wait_dma2 semaphore(%run_scoped3A_531 : memref<!tpu.dma_semaphore, #tpu.memory_space<semaphore_mem>>) src(%dma_wait3A_555 : memref<72x128xf32, #tpu.memory_space<vmem>>) dst(%dma_wait3A_552 : memref<72x128xf32, #tpu.memory_space<hbm>>)
      tpu.yield
    }) : () -> ()
    %barrier3A_261 = arith.constant 0 : index
    tpu.barrier barrier_id(%barrier3A_261)
    %mul3A_262 = arith.constant 2 : i32
    %mul3A_263 = arith.muli %mul3A_262, %arg0 : i32
    %add3A_264 = arith.constant 1 : i32
    %add3A_265 = arith.addi %mul3A_263, %add3A_264 : i32
    %scan3A_266 = arith.constant 0 : i32
    %scan3A_267 = arith.constant 0 : i32
    %scan3A_268 = arith.constant 80 : i32
    %scan3A_269 = arith.addi %scan3A_267, %scan3A_268 : i32
    %scan3A_270 = arith.constant 1 : i32
    scf.for %scan3A_531 = %scan3A_267 to %scan3A_269 step %scan3A_270  : i32 {
      %broadcast_in_dim3A = arith.constant 0.000000e+00 : f32
      %broadcast_in_dim3A_532 = vector.broadcast %broadcast_in_dim3A : f32 to vector<16xf32>
      %swap3A = arith.index_cast %scan3A_531 : i32 to index
      %swap3A_533 = arith.constant 0 : index
      %swap3A_534 = tpu.vector_load %arg10[%swap3A, %swap3A_533] {strides = array<i32>} : memref<80x128xf32, #tpu.memory_space<vmem>>, vector<1x16xf32>,
      %swap3A_535 = vector.shape_cast %swap3A_534 : vector<1x16xf32> to vector<16xf32>
      %swap3A_536 = vector.shape_cast %broadcast_in_dim3A_532 : vector<16xf32> to vector<1x16xf32>
      tpu.vector_store %arg10[%swap3A, %swap3A_533], %swap3A_536 {strides = array<i32>} : memref<80x128xf32, #tpu.memory_space<vmem>>, vector<1x16xf32>,
      %broadcast_in_dim3A_537 = arith.constant 0.000000e+00 : f32
      %broadcast_in_dim3A_538 = vector.broadcast %broadcast_in_dim3A_537 : f32 to vector<16xf32>
      %swap3A_539 = arith.index_cast %scan3A_531 : i32 to index
      %swap3A_540 = arith.constant 16 : index
      %swap3A_541 = tpu.vector_load %arg10[%swap3A_539, %swap3A_540] {strides = array<i32>} : memref<80x128xf32, #tpu.memory_space<vmem>>, vector<1x16xf32>,
      %swap3A_542 = vector.shape_cast %swap3A_541 : vector<1x16xf32> to vector<16xf32>
      %swap3A_543 = vector.shape_cast %broadcast_in_dim3A_538 : vector<16xf32> to vector<1x16xf32>
      tpu.vector_store %arg10[%swap3A_539, %swap3A_540], %swap3A_543 {strides = array<i32>} : memref<80x128xf32, #tpu.memory_space<vmem>>, vector<1x16xf32>,
      %broadcast_in_dim3A_544 = arith.constant 0.000000e+00 : f32
      %broadcast_in_dim3A_545 = vector.broadcast %broadcast_in_dim3A_544 : f32 to vector<16xf32>
      %swap3A_546 = arith.index_cast %scan3A_531 : i32 to index
      %swap3A_547 = arith.constant 32 : index
      %swap3A_548 = tpu.vector_load %arg10[%swap3A_546, %swap3A_547] {strides = array<i32>} : memref<80x128xf32, #tpu.memory_space<vmem>>, vector<1x16xf32>,
      %swap3A_549 = vector.shape_cast %swap3A_548 : vector<1x16xf32> to vector<16xf32>
      %swap3A_550 = vector.shape_cast %broadcast_in_dim3A_545 : vector<16xf32> to vector<1x16xf32>
      tpu.vector_store %arg10[%swap3A_546, %swap3A_547], %swap3A_550 {strides = array<i32>} : memref<80x128xf32, #tpu.memory_space<vmem>>, vector<1x16xf32>,
      %broadcast_in_dim3A_551 = arith.constant 0.000000e+00 : f32
      %broadcast_in_dim3A_552 = vector.broadcast %broadcast_in_dim3A_551 : f32 to vector<16xf32>
      %swap3A_553 = arith.index_cast %scan3A_531 : i32 to index
      %swap3A_554 = arith.constant 48 : index
      %swap3A_555 = tpu.vector_load %arg10[%swap3A_553, %swap3A_554] {strides = array<i32>} : memref<80x128xf32, #tpu.memory_space<vmem>>, vector<1x16xf32>,
      %swap3A_556 = vector.shape_cast %swap3A_555 : vector<1x16xf32> to vector<16xf32>
      %swap3A_557 = vector.shape_cast %broadcast_in_dim3A_552 : vector<16xf32> to vector<1x16xf32>
      tpu.vector_store %arg10[%swap3A_553, %swap3A_554], %swap3A_557 {strides = array<i32>} : memref<80x128xf32, #tpu.memory_space<vmem>>, vector<1x16xf32>,
      %broadcast_in_dim3A_558 = arith.constant 0.000000e+00 : f32
      %broadcast_in_dim3A_559 = vector.broadcast %broadcast_in_dim3A_558 : f32 to vector<16xf32>
      %swap3A_560 = arith.index_cast %scan3A_531 : i32 to index
      %swap3A_561 = arith.constant 64 : index
      %swap3A_562 = tpu.vector_load %arg10[%swap3A_560, %swap3A_561] {strides = array<i32>} : memref<80x128xf32, #tpu.memory_space<vmem>>, vector<1x16xf32>,
      %swap3A_563 = vector.shape_cast %swap3A_562 : vector<1x16xf32> to vector<16xf32>
      %swap3A_564 = vector.shape_cast %broadcast_in_dim3A_559 : vector<16xf32> to vector<1x16xf32>
      tpu.vector_store %arg10[%swap3A_560, %swap3A_561], %swap3A_564 {strides = array<i32>} : memref<80x128xf32, #tpu.memory_space<vmem>>, vector<1x16xf32>,
      %broadcast_in_dim3A_565 = arith.constant 0.000000e+00 : f32
      %broadcast_in_dim3A_566 = vector.broadcast %broadcast_in_dim3A_565 : f32 to vector<16xf32>
      %swap3A_567 = arith.index_cast %scan3A_531 : i32 to index
      %swap3A_568 = arith.constant 80 : index
      %swap3A_569 = tpu.vector_load %arg10[%swap3A_567, %swap3A_568] {strides = array<i32>} : memref<80x128xf32, #tpu.memory_space<vmem>>, vector<1x16xf32>,
      %swap3A_570 = vector.shape_cast %swap3A_569 : vector<1x16xf32> to vector<16xf32>
      %swap3A_571 = vector.shape_cast %broadcast_in_dim3A_566 : vector<16xf32> to vector<1x16xf32>
      tpu.vector_store %arg10[%swap3A_567, %swap3A_568], %swap3A_571 {strides = array<i32>} : memref<80x128xf32, #tpu.memory_space<vmem>>, vector<1x16xf32>,
      %broadcast_in_dim3A_572 = arith.constant 0.000000e+00 : f32
      %broadcast_in_dim3A_573 = vector.broadcast %broadcast_in_dim3A_572 : f32 to vector<16xf32>
      %swap3A_574 = arith.index_cast %scan3A_531 : i32 to index
      %swap3A_575 = arith.constant 96 : index
      %swap3A_576 = tpu.vector_load %arg10[%swap3A_574, %swap3A_575] {strides = array<i32>} : memref<80x128xf32, #tpu.memory_space<vmem>>, vector<1x16xf32>,
      %swap3A_577 = vector.shape_cast %swap3A_576 : vector<1x16xf32> to vector<16xf32>
      %swap3A_578 = vector.shape_cast %broadcast_in_dim3A_573 : vector<16xf32> to vector<1x16xf32>
      tpu.vector_store %arg10[%swap3A_574, %swap3A_575], %swap3A_578 {strides = array<i32>} : memref<80x128xf32, #tpu.memory_space<vmem>>, vector<1x16xf32>,
      %broadcast_in_dim3A_579 = arith.constant 0.000000e+00 : f32
      %broadcast_in_dim3A_580 = vector.broadcast %broadcast_in_dim3A_579 : f32 to vector<16xf32>
      %swap3A_581 = arith.index_cast %scan3A_531 : i32 to index
      %swap3A_582 = arith.constant 112 : index
      %swap3A_583 = tpu.vector_load %arg10[%swap3A_581, %swap3A_582] {strides = array<i32>} : memref<80x128xf32, #tpu.memory_space<vmem>>, vector<1x16xf32>,
      %swap3A_584 = vector.shape_cast %swap3A_583 : vector<1x16xf32> to vector<16xf32>
      %swap3A_585 = vector.shape_cast %broadcast_in_dim3A_580 : vector<16xf32> to vector<1x16xf32>
      tpu.vector_store %arg10[%swap3A_581, %swap3A_582], %swap3A_585 {strides = array<i32>} : memref<80x128xf32, #tpu.memory_space<vmem>>, vector<1x16xf32>,
    }
    %scan3A_271 = arith.constant 80 : i32
    %mul3A_272 = arith.constant 632 : i32
    %mul3A_273 = arith.muli %arg1, %mul3A_272 : i32
    %add3A_274 = arith.constant 0 : i32
    %add3A_275 = arith.addi %mul3A_273, %add3A_274 : i32
    "tpu.region"() ({
      %run_scoped3A_531 = tpu.sem_alloc : memref<!tpu.dma_semaphore, #tpu.memory_space<semaphore_mem>>
      %dma_start3A_532 = arith.constant 0 : i32
      %dma_start3A_533 = arith.constant 0 : i32
      %dma_start3A_534 = tpu.memref_slice %arg10[%dma_start3A_532, %dma_start3A_533] : memref<80x128xf32, #tpu.memory_space<vmem>> -> memref<80x128xf32, #tpu.memory_space<vmem>>
      %dma_start3A_535 = arith.constant 0 : i32
      %dma_start3A_536 = tpu.memref_slice %arg11[%add3A_275, %dma_start3A_535] : memref<10112x128xf32, #tpu.memory_space<vmem_shared>> -> memref<80x128xf32, #tpu.memory_space<vmem_shared>>
      %dma_start3A_537 = arith.constant 0 : i32
      %dma_start3A_538 = tpu.memref_slice %arg11[%add3A_275, %dma_start3A_537] : memref<10112x128xf32, #tpu.memory_space<vmem_shared>> -> memref<80x128xf32, #tpu.memory_space<vmem_shared>>
      %dma_start3A_539 = arith.constant 0 : i32
      %dma_start3A_540 = arith.constant 0 : i32
      %dma_start3A_541 = tpu.memref_slice %arg10[%dma_start3A_539, %dma_start3A_540] : memref<80x128xf32, #tpu.memory_space<vmem>> -> memref<80x128xf32, #tpu.memory_space<vmem>>
      tpu.enqueue_dma source(%dma_start3A_541 : memref<80x128xf32, #tpu.memory_space<vmem>>) target(%dma_start3A_538 : memref<80x128xf32, #tpu.memory_space<vmem_shared>>) target_semaphore(%run_scoped3A_531 : memref<!tpu.dma_semaphore, #tpu.memory_space<semaphore_mem>>)
      %dma_wait3A_542 = arith.constant 0 : i32
      %dma_wait3A_543 = arith.constant 0 : i32
      %dma_wait3A_544 = tpu.memref_slice %arg10[%dma_wait3A_542, %dma_wait3A_543] : memref<80x128xf32, #tpu.memory_space<vmem>> -> memref<80x128xf32, #tpu.memory_space<vmem>>
      %dma_wait3A_545 = arith.constant 0 : i32
      %dma_wait3A_546 = tpu.memref_slice %arg11[%add3A_275, %dma_wait3A_545] : memref<10112x128xf32, #tpu.memory_space<vmem_shared>> -> memref<80x128xf32, #tpu.memory_space<vmem_shared>>
      %dma_wait3A_547 = arith.constant 0 : i32
      %dma_wait3A_548 = tpu.memref_slice %arg11[%add3A_275, %dma_wait3A_547] : memref<10112x128xf32, #tpu.memory_space<vmem_shared>> -> memref<80x128xf32, #tpu.memory_space<vmem_shared>>
      %dma_wait3A_549 = arith.constant 0 : i32
      %dma_wait3A_550 = arith.constant 0 : i32
      %dma_wait3A_551 = tpu.memref_slice %arg10[%dma_wait3A_549, %dma_wait3A_550] : memref<80x128xf32, #tpu.memory_space<vmem>> -> memref<80x128xf32, #tpu.memory_space<vmem>>
      tpu.wait_dma2 semaphore(%run_scoped3A_531 : memref<!tpu.dma_semaphore, #tpu.memory_space<semaphore_mem>>) src(%dma_wait3A_551 : memref<80x128xf32, #tpu.memory_space<vmem>>) dst(%dma_wait3A_548 : memref<80x128xf32, #tpu.memory_space<vmem_shared>>)
      tpu.yield
    }) : () -> ()
    %mul3A_276 = arith.constant 632 : i32
    %mul3A_277 = arith.muli %arg1, %mul3A_276 : i32
    %add3A_278 = arith.constant 80 : i32
    %add3A_279 = arith.addi %mul3A_277, %add3A_278 : i32
    "tpu.region"() ({
      %run_scoped3A_531 = tpu.sem_alloc : memref<!tpu.dma_semaphore, #tpu.memory_space<semaphore_mem>>
      %dma_start3A_532 = arith.constant 0 : i32
      %dma_start3A_533 = arith.constant 0 : i32
      %dma_start3A_534 = tpu.memref_slice %arg10[%dma_start3A_532, %dma_start3A_533] : memref<80x128xf32, #tpu.memory_space<vmem>> -> memref<80x128xf32, #tpu.memory_space<vmem>>
      %dma_start3A_535 = arith.constant 0 : i32
      %dma_start3A_536 = tpu.memref_slice %arg11[%add3A_279, %dma_start3A_535] : memref<10112x128xf32, #tpu.memory_space<vmem_shared>> -> memref<80x128xf32, #tpu.memory_space<vmem_shared>>
      %dma_start3A_537 = arith.constant 0 : i32
      %dma_start3A_538 = tpu.memref_slice %arg11[%add3A_279, %dma_start3A_537] : memref<10112x128xf32, #tpu.memory_space<vmem_shared>> -> memref<80x128xf32, #tpu.memory_space<vmem_shared>>
      %dma_start3A_539 = arith.constant 0 : i32
      %dma_start3A_540 = arith.constant 0 : i32
      %dma_start3A_541 = tpu.memref_slice %arg10[%dma_start3A_539, %dma_start3A_540] : memref<80x128xf32, #tpu.memory_space<vmem>> -> memref<80x128xf32, #tpu.memory_space<vmem>>
      tpu.enqueue_dma source(%dma_start3A_541 : memref<80x128xf32, #tpu.memory_space<vmem>>) target(%dma_start3A_538 : memref<80x128xf32, #tpu.memory_space<vmem_shared>>) target_semaphore(%run_scoped3A_531 : memref<!tpu.dma_semaphore, #tpu.memory_space<semaphore_mem>>)
      %dma_wait3A_542 = arith.constant 0 : i32
      %dma_wait3A_543 = arith.constant 0 : i32
      %dma_wait3A_544 = tpu.memref_slice %arg10[%dma_wait3A_542, %dma_wait3A_543] : memref<80x128xf32, #tpu.memory_space<vmem>> -> memref<80x128xf32, #tpu.memory_space<vmem>>
      %dma_wait3A_545 = arith.constant 0 : i32
      %dma_wait3A_546 = tpu.memref_slice %arg11[%add3A_279, %dma_wait3A_545] : memref<10112x128xf32, #tpu.memory_space<vmem_shared>> -> memref<80x128xf32, #tpu.memory_space<vmem_shared>>
      %dma_wait3A_547 = arith.constant 0 : i32
      %dma_wait3A_548 = tpu.memref_slice %arg11[%add3A_279, %dma_wait3A_547] : memref<10112x128xf32, #tpu.memory_space<vmem_shared>> -> memref<80x128xf32, #tpu.memory_space<vmem_shared>>
      %dma_wait3A_549 = arith.constant 0 : i32
      %dma_wait3A_550 = arith.constant 0 : i32
      %dma_wait3A_551 = tpu.memref_slice %arg10[%dma_wait3A_549, %dma_wait3A_550] : memref<80x128xf32, #tpu.memory_space<vmem>> -> memref<80x128xf32, #tpu.memory_space<vmem>>
      tpu.wait_dma2 semaphore(%run_scoped3A_531 : memref<!tpu.dma_semaphore, #tpu.memory_space<semaphore_mem>>) src(%dma_wait3A_551 : memref<80x128xf32, #tpu.memory_space<vmem>>) dst(%dma_wait3A_548 : memref<80x128xf32, #tpu.memory_space<vmem_shared>>)
      tpu.yield
    }) : () -> ()
    %mul3A_280 = arith.constant 632 : i32
    %mul3A_281 = arith.muli %arg1, %mul3A_280 : i32
    %add3A_282 = arith.constant 160 : i32
    %add3A_283 = arith.addi %mul3A_281, %add3A_282 : i32
    "tpu.region"() ({
      %run_scoped3A_531 = tpu.sem_alloc : memref<!tpu.dma_semaphore, #tpu.memory_space<semaphore_mem>>
      %dma_start3A_532 = arith.constant 0 : i32
      %dma_start3A_533 = arith.constant 0 : i32
      %dma_start3A_534 = tpu.memref_slice %arg10[%dma_start3A_532, %dma_start3A_533] : memref<80x128xf32, #tpu.memory_space<vmem>> -> memref<80x128xf32, #tpu.memory_space<vmem>>
      %dma_start3A_535 = arith.constant 0 : i32
      %dma_start3A_536 = tpu.memref_slice %arg11[%add3A_283, %dma_start3A_535] : memref<10112x128xf32, #tpu.memory_space<vmem_shared>> -> memref<80x128xf32, #tpu.memory_space<vmem_shared>>
      %dma_start3A_537 = arith.constant 0 : i32
      %dma_start3A_538 = tpu.memref_slice %arg11[%add3A_283, %dma_start3A_537] : memref<10112x128xf32, #tpu.memory_space<vmem_shared>> -> memref<80x128xf32, #tpu.memory_space<vmem_shared>>
      %dma_start3A_539 = arith.constant 0 : i32
      %dma_start3A_540 = arith.constant 0 : i32
      %dma_start3A_541 = tpu.memref_slice %arg10[%dma_start3A_539, %dma_start3A_540] : memref<80x128xf32, #tpu.memory_space<vmem>> -> memref<80x128xf32, #tpu.memory_space<vmem>>
      tpu.enqueue_dma source(%dma_start3A_541 : memref<80x128xf32, #tpu.memory_space<vmem>>) target(%dma_start3A_538 : memref<80x128xf32, #tpu.memory_space<vmem_shared>>) target_semaphore(%run_scoped3A_531 : memref<!tpu.dma_semaphore, #tpu.memory_space<semaphore_mem>>)
      %dma_wait3A_542 = arith.constant 0 : i32
      %dma_wait3A_543 = arith.constant 0 : i32
      %dma_wait3A_544 = tpu.memref_slice %arg10[%dma_wait3A_542, %dma_wait3A_543] : memref<80x128xf32, #tpu.memory_space<vmem>> -> memref<80x128xf32, #tpu.memory_space<vmem>>
      %dma_wait3A_545 = arith.constant 0 : i32
      %dma_wait3A_546 = tpu.memref_slice %arg11[%add3A_283, %dma_wait3A_545] : memref<10112x128xf32, #tpu.memory_space<vmem_shared>> -> memref<80x128xf32, #tpu.memory_space<vmem_shared>>
      %dma_wait3A_547 = arith.constant 0 : i32
      %dma_wait3A_548 = tpu.memref_slice %arg11[%add3A_283, %dma_wait3A_547] : memref<10112x128xf32, #tpu.memory_space<vmem_shared>> -> memref<80x128xf32, #tpu.memory_space<vmem_shared>>
      %dma_wait3A_549 = arith.constant 0 : i32
      %dma_wait3A_550 = arith.constant 0 : i32
      %dma_wait3A_551 = tpu.memref_slice %arg10[%dma_wait3A_549, %dma_wait3A_550] : memref<80x128xf32, #tpu.memory_space<vmem>> -> memref<80x128xf32, #tpu.memory_space<vmem>>
      tpu.wait_dma2 semaphore(%run_scoped3A_531 : memref<!tpu.dma_semaphore, #tpu.memory_space<semaphore_mem>>) src(%dma_wait3A_551 : memref<80x128xf32, #tpu.memory_space<vmem>>) dst(%dma_wait3A_548 : memref<80x128xf32, #tpu.memory_space<vmem_shared>>)
      tpu.yield
    }) : () -> ()
    %mul3A_284 = arith.constant 632 : i32
    %mul3A_285 = arith.muli %arg1, %mul3A_284 : i32
    %add3A_286 = arith.constant 240 : i32
    %add3A_287 = arith.addi %mul3A_285, %add3A_286 : i32
    "tpu.region"() ({
      %run_scoped3A_531 = tpu.sem_alloc : memref<!tpu.dma_semaphore, #tpu.memory_space<semaphore_mem>>
      %dma_start3A_532 = arith.constant 0 : i32
      %dma_start3A_533 = arith.constant 0 : i32
      %dma_start3A_534 = tpu.memref_slice %arg10[%dma_start3A_532, %dma_start3A_533] : memref<80x128xf32, #tpu.memory_space<vmem>> -> memref<80x128xf32, #tpu.memory_space<vmem>>
      %dma_start3A_535 = arith.constant 0 : i32
      %dma_start3A_536 = tpu.memref_slice %arg11[%add3A_287, %dma_start3A_535] : memref<10112x128xf32, #tpu.memory_space<vmem_shared>> -> memref<80x128xf32, #tpu.memory_space<vmem_shared>>
      %dma_start3A_537 = arith.constant 0 : i32
      %dma_start3A_538 = tpu.memref_slice %arg11[%add3A_287, %dma_start3A_537] : memref<10112x128xf32, #tpu.memory_space<vmem_shared>> -> memref<80x128xf32, #tpu.memory_space<vmem_shared>>
      %dma_start3A_539 = arith.constant 0 : i32
      %dma_start3A_540 = arith.constant 0 : i32
      %dma_start3A_541 = tpu.memref_slice %arg10[%dma_start3A_539, %dma_start3A_540] : memref<80x128xf32, #tpu.memory_space<vmem>> -> memref<80x128xf32, #tpu.memory_space<vmem>>
      tpu.enqueue_dma source(%dma_start3A_541 : memref<80x128xf32, #tpu.memory_space<vmem>>) target(%dma_start3A_538 : memref<80x128xf32, #tpu.memory_space<vmem_shared>>) target_semaphore(%run_scoped3A_531 : memref<!tpu.dma_semaphore, #tpu.memory_space<semaphore_mem>>)
      %dma_wait3A_542 = arith.constant 0 : i32
      %dma_wait3A_543 = arith.constant 0 : i32
      %dma_wait3A_544 = tpu.memref_slice %arg10[%dma_wait3A_542, %dma_wait3A_543] : memref<80x128xf32, #tpu.memory_space<vmem>> -> memref<80x128xf32, #tpu.memory_space<vmem>>
      %dma_wait3A_545 = arith.constant 0 : i32
      %dma_wait3A_546 = tpu.memref_slice %arg11[%add3A_287, %dma_wait3A_545] : memref<10112x128xf32, #tpu.memory_space<vmem_shared>> -> memref<80x128xf32, #tpu.memory_space<vmem_shared>>
      %dma_wait3A_547 = arith.constant 0 : i32
      %dma_wait3A_548 = tpu.memref_slice %arg11[%add3A_287, %dma_wait3A_547] : memref<10112x128xf32, #tpu.memory_space<vmem_shared>> -> memref<80x128xf32, #tpu.memory_space<vmem_shared>>
      %dma_wait3A_549 = arith.constant 0 : i32
      %dma_wait3A_550 = arith.constant 0 : i32
      %dma_wait3A_551 = tpu.memref_slice %arg10[%dma_wait3A_549, %dma_wait3A_550] : memref<80x128xf32, #tpu.memory_space<vmem>> -> memref<80x128xf32, #tpu.memory_space<vmem>>
      tpu.wait_dma2 semaphore(%run_scoped3A_531 : memref<!tpu.dma_semaphore, #tpu.memory_space<semaphore_mem>>) src(%dma_wait3A_551 : memref<80x128xf32, #tpu.memory_space<vmem>>) dst(%dma_wait3A_548 : memref<80x128xf32, #tpu.memory_space<vmem_shared>>)
      tpu.yield
    }) : () -> ()
    %mul3A_288 = arith.constant 632 : i32
    %mul3A_289 = arith.muli %arg1, %mul3A_288 : i32
    %add3A_290 = arith.constant 320 : i32
    %add3A_291 = arith.addi %mul3A_289, %add3A_290 : i32
    "tpu.region"() ({
      %run_scoped3A_531 = tpu.sem_alloc : memref<!tpu.dma_semaphore, #tpu.memory_space<semaphore_mem>>
      %dma_start3A_532 = arith.constant 0 : i32
      %dma_start3A_533 = arith.constant 0 : i32
      %dma_start3A_534 = tpu.memref_slice %arg10[%dma_start3A_532, %dma_start3A_533] : memref<80x128xf32, #tpu.memory_space<vmem>> -> memref<80x128xf32, #tpu.memory_space<vmem>>
      %dma_start3A_535 = arith.constant 0 : i32
      %dma_start3A_536 = tpu.memref_slice %arg11[%add3A_291, %dma_start3A_535] : memref<10112x128xf32, #tpu.memory_space<vmem_shared>> -> memref<80x128xf32, #tpu.memory_space<vmem_shared>>
      %dma_start3A_537 = arith.constant 0 : i32
      %dma_start3A_538 = tpu.memref_slice %arg11[%add3A_291, %dma_start3A_537] : memref<10112x128xf32, #tpu.memory_space<vmem_shared>> -> memref<80x128xf32, #tpu.memory_space<vmem_shared>>
      %dma_start3A_539 = arith.constant 0 : i32
      %dma_start3A_540 = arith.constant 0 : i32
      %dma_start3A_541 = tpu.memref_slice %arg10[%dma_start3A_539, %dma_start3A_540] : memref<80x128xf32, #tpu.memory_space<vmem>> -> memref<80x128xf32, #tpu.memory_space<vmem>>
      tpu.enqueue_dma source(%dma_start3A_541 : memref<80x128xf32, #tpu.memory_space<vmem>>) target(%dma_start3A_538 : memref<80x128xf32, #tpu.memory_space<vmem_shared>>) target_semaphore(%run_scoped3A_531 : memref<!tpu.dma_semaphore, #tpu.memory_space<semaphore_mem>>)
      %dma_wait3A_542 = arith.constant 0 : i32
      %dma_wait3A_543 = arith.constant 0 : i32
      %dma_wait3A_544 = tpu.memref_slice %arg10[%dma_wait3A_542, %dma_wait3A_543] : memref<80x128xf32, #tpu.memory_space<vmem>> -> memref<80x128xf32, #tpu.memory_space<vmem>>
      %dma_wait3A_545 = arith.constant 0 : i32
      %dma_wait3A_546 = tpu.memref_slice %arg11[%add3A_291, %dma_wait3A_545] : memref<10112x128xf32, #tpu.memory_space<vmem_shared>> -> memref<80x128xf32, #tpu.memory_space<vmem_shared>>
      %dma_wait3A_547 = arith.constant 0 : i32
      %dma_wait3A_548 = tpu.memref_slice %arg11[%add3A_291, %dma_wait3A_547] : memref<10112x128xf32, #tpu.memory_space<vmem_shared>> -> memref<80x128xf32, #tpu.memory_space<vmem_shared>>
      %dma_wait3A_549 = arith.constant 0 : i32
      %dma_wait3A_550 = arith.constant 0 : i32
      %dma_wait3A_551 = tpu.memref_slice %arg10[%dma_wait3A_549, %dma_wait3A_550] : memref<80x128xf32, #tpu.memory_space<vmem>> -> memref<80x128xf32, #tpu.memory_space<vmem>>
      tpu.wait_dma2 semaphore(%run_scoped3A_531 : memref<!tpu.dma_semaphore, #tpu.memory_space<semaphore_mem>>) src(%dma_wait3A_551 : memref<80x128xf32, #tpu.memory_space<vmem>>) dst(%dma_wait3A_548 : memref<80x128xf32, #tpu.memory_space<vmem_shared>>)
      tpu.yield
    }) : () -> ()
    %mul3A_292 = arith.constant 632 : i32
    %mul3A_293 = arith.muli %arg1, %mul3A_292 : i32
    %add3A_294 = arith.constant 400 : i32
    %add3A_295 = arith.addi %mul3A_293, %add3A_294 : i32
    "tpu.region"() ({
      %run_scoped3A_531 = tpu.sem_alloc : memref<!tpu.dma_semaphore, #tpu.memory_space<semaphore_mem>>
      %dma_start3A_532 = arith.constant 0 : i32
      %dma_start3A_533 = arith.constant 0 : i32
      %dma_start3A_534 = tpu.memref_slice %arg10[%dma_start3A_532, %dma_start3A_533] : memref<80x128xf32, #tpu.memory_space<vmem>> -> memref<80x128xf32, #tpu.memory_space<vmem>>
      %dma_start3A_535 = arith.constant 0 : i32
      %dma_start3A_536 = tpu.memref_slice %arg11[%add3A_295, %dma_start3A_535] : memref<10112x128xf32, #tpu.memory_space<vmem_shared>> -> memref<80x128xf32, #tpu.memory_space<vmem_shared>>
      %dma_start3A_537 = arith.constant 0 : i32
      %dma_start3A_538 = tpu.memref_slice %arg11[%add3A_295, %dma_start3A_537] : memref<10112x128xf32, #tpu.memory_space<vmem_shared>> -> memref<80x128xf32, #tpu.memory_space<vmem_shared>>
      %dma_start3A_539 = arith.constant 0 : i32
      %dma_start3A_540 = arith.constant 0 : i32
      %dma_start3A_541 = tpu.memref_slice %arg10[%dma_start3A_539, %dma_start3A_540] : memref<80x128xf32, #tpu.memory_space<vmem>> -> memref<80x128xf32, #tpu.memory_space<vmem>>
      tpu.enqueue_dma source(%dma_start3A_541 : memref<80x128xf32, #tpu.memory_space<vmem>>) target(%dma_start3A_538 : memref<80x128xf32, #tpu.memory_space<vmem_shared>>) target_semaphore(%run_scoped3A_531 : memref<!tpu.dma_semaphore, #tpu.memory_space<semaphore_mem>>)
      %dma_wait3A_542 = arith.constant 0 : i32
      %dma_wait3A_543 = arith.constant 0 : i32
      %dma_wait3A_544 = tpu.memref_slice %arg10[%dma_wait3A_542, %dma_wait3A_543] : memref<80x128xf32, #tpu.memory_space<vmem>> -> memref<80x128xf32, #tpu.memory_space<vmem>>
      %dma_wait3A_545 = arith.constant 0 : i32
      %dma_wait3A_546 = tpu.memref_slice %arg11[%add3A_295, %dma_wait3A_545] : memref<10112x128xf32, #tpu.memory_space<vmem_shared>> -> memref<80x128xf32, #tpu.memory_space<vmem_shared>>
      %dma_wait3A_547 = arith.constant 0 : i32
      %dma_wait3A_548 = tpu.memref_slice %arg11[%add3A_295, %dma_wait3A_547] : memref<10112x128xf32, #tpu.memory_space<vmem_shared>> -> memref<80x128xf32, #tpu.memory_space<vmem_shared>>
      %dma_wait3A_549 = arith.constant 0 : i32
      %dma_wait3A_550 = arith.constant 0 : i32
      %dma_wait3A_551 = tpu.memref_slice %arg10[%dma_wait3A_549, %dma_wait3A_550] : memref<80x128xf32, #tpu.memory_space<vmem>> -> memref<80x128xf32, #tpu.memory_space<vmem>>
      tpu.wait_dma2 semaphore(%run_scoped3A_531 : memref<!tpu.dma_semaphore, #tpu.memory_space<semaphore_mem>>) src(%dma_wait3A_551 : memref<80x128xf32, #tpu.memory_space<vmem>>) dst(%dma_wait3A_548 : memref<80x128xf32, #tpu.memory_space<vmem_shared>>)
      tpu.yield
    }) : () -> ()
    %mul3A_296 = arith.constant 632 : i32
    %mul3A_297 = arith.muli %arg1, %mul3A_296 : i32
    %add3A_298 = arith.constant 480 : i32
    %add3A_299 = arith.addi %mul3A_297, %add3A_298 : i32
    "tpu.region"() ({
      %run_scoped3A_531 = tpu.sem_alloc : memref<!tpu.dma_semaphore, #tpu.memory_space<semaphore_mem>>
      %dma_start3A_532 = arith.constant 0 : i32
      %dma_start3A_533 = arith.constant 0 : i32
      %dma_start3A_534 = tpu.memref_slice %arg10[%dma_start3A_532, %dma_start3A_533] : memref<80x128xf32, #tpu.memory_space<vmem>> -> memref<80x128xf32, #tpu.memory_space<vmem>>
      %dma_start3A_535 = arith.constant 0 : i32
      %dma_start3A_536 = tpu.memref_slice %arg11[%add3A_299, %dma_start3A_535] : memref<10112x128xf32, #tpu.memory_space<vmem_shared>> -> memref<80x128xf32, #tpu.memory_space<vmem_shared>>
      %dma_start3A_537 = arith.constant 0 : i32
      %dma_start3A_538 = tpu.memref_slice %arg11[%add3A_299, %dma_start3A_537] : memref<10112x128xf32, #tpu.memory_space<vmem_shared>> -> memref<80x128xf32, #tpu.memory_space<vmem_shared>>
      %dma_start3A_539 = arith.constant 0 : i32
      %dma_start3A_540 = arith.constant 0 : i32
      %dma_start3A_541 = tpu.memref_slice %arg10[%dma_start3A_539, %dma_start3A_540] : memref<80x128xf32, #tpu.memory_space<vmem>> -> memref<80x128xf32, #tpu.memory_space<vmem>>
      tpu.enqueue_dma source(%dma_start3A_541 : memref<80x128xf32, #tpu.memory_space<vmem>>) target(%dma_start3A_538 : memref<80x128xf32, #tpu.memory_space<vmem_shared>>) target_semaphore(%run_scoped3A_531 : memref<!tpu.dma_semaphore, #tpu.memory_space<semaphore_mem>>)
      %dma_wait3A_542 = arith.constant 0 : i32
      %dma_wait3A_543 = arith.constant 0 : i32
      %dma_wait3A_544 = tpu.memref_slice %arg10[%dma_wait3A_542, %dma_wait3A_543] : memref<80x128xf32, #tpu.memory_space<vmem>> -> memref<80x128xf32, #tpu.memory_space<vmem>>
      %dma_wait3A_545 = arith.constant 0 : i32
      %dma_wait3A_546 = tpu.memref_slice %arg11[%add3A_299, %dma_wait3A_545] : memref<10112x128xf32, #tpu.memory_space<vmem_shared>> -> memref<80x128xf32, #tpu.memory_space<vmem_shared>>
      %dma_wait3A_547 = arith.constant 0 : i32
      %dma_wait3A_548 = tpu.memref_slice %arg11[%add3A_299, %dma_wait3A_547] : memref<10112x128xf32, #tpu.memory_space<vmem_shared>> -> memref<80x128xf32, #tpu.memory_space<vmem_shared>>
      %dma_wait3A_549 = arith.constant 0 : i32
      %dma_wait3A_550 = arith.constant 0 : i32
      %dma_wait3A_551 = tpu.memref_slice %arg10[%dma_wait3A_549, %dma_wait3A_550] : memref<80x128xf32, #tpu.memory_space<vmem>> -> memref<80x128xf32, #tpu.memory_space<vmem>>
      tpu.wait_dma2 semaphore(%run_scoped3A_531 : memref<!tpu.dma_semaphore, #tpu.memory_space<semaphore_mem>>) src(%dma_wait3A_551 : memref<80x128xf32, #tpu.memory_space<vmem>>) dst(%dma_wait3A_548 : memref<80x128xf32, #tpu.memory_space<vmem_shared>>)
      tpu.yield
    }) : () -> ()
    %mul3A_300 = arith.constant 632 : i32
    %mul3A_301 = arith.muli %arg1, %mul3A_300 : i32
    %add3A_302 = arith.constant 560 : i32
    %add3A_303 = arith.addi %mul3A_301, %add3A_302 : i32
    "tpu.region"() ({
      %run_scoped3A_531 = tpu.sem_alloc : memref<!tpu.dma_semaphore, #tpu.memory_space<semaphore_mem>>
      %dma_start3A_532 = arith.constant 0 : i32
      %dma_start3A_533 = arith.constant 0 : i32
      %dma_start3A_534 = tpu.memref_slice %arg10[%dma_start3A_532, %dma_start3A_533] : memref<80x128xf32, #tpu.memory_space<vmem>> -> memref<72x128xf32, #tpu.memory_space<vmem>>
      %dma_start3A_535 = arith.constant 0 : i32
      %dma_start3A_536 = tpu.memref_slice %arg11[%add3A_303, %dma_start3A_535] : memref<10112x128xf32, #tpu.memory_space<vmem_shared>> -> memref<72x128xf32, #tpu.memory_space<vmem_shared>>
      %dma_start3A_537 = arith.constant 0 : i32
      %dma_start3A_538 = tpu.memref_slice %arg11[%add3A_303, %dma_start3A_537] : memref<10112x128xf32, #tpu.memory_space<vmem_shared>> -> memref<72x128xf32, #tpu.memory_space<vmem_shared>>
      %dma_start3A_539 = arith.constant 0 : i32
      %dma_start3A_540 = arith.constant 0 : i32
      %dma_start3A_541 = tpu.memref_slice %arg10[%dma_start3A_539, %dma_start3A_540] : memref<80x128xf32, #tpu.memory_space<vmem>> -> memref<72x128xf32, #tpu.memory_space<vmem>>
      tpu.enqueue_dma source(%dma_start3A_541 : memref<72x128xf32, #tpu.memory_space<vmem>>) target(%dma_start3A_538 : memref<72x128xf32, #tpu.memory_space<vmem_shared>>) target_semaphore(%run_scoped3A_531 : memref<!tpu.dma_semaphore, #tpu.memory_space<semaphore_mem>>)
      %dma_wait3A_542 = arith.constant 0 : i32
      %dma_wait3A_543 = arith.constant 0 : i32
      %dma_wait3A_544 = tpu.memref_slice %arg10[%dma_wait3A_542, %dma_wait3A_543] : memref<80x128xf32, #tpu.memory_space<vmem>> -> memref<72x128xf32, #tpu.memory_space<vmem>>
      %dma_wait3A_545 = arith.constant 0 : i32
      %dma_wait3A_546 = tpu.memref_slice %arg11[%add3A_303, %dma_wait3A_545] : memref<10112x128xf32, #tpu.memory_space<vmem_shared>> -> memref<72x128xf32, #tpu.memory_space<vmem_shared>>
      %dma_wait3A_547 = arith.constant 0 : i32
      %dma_wait3A_548 = tpu.memref_slice %arg11[%add3A_303, %dma_wait3A_547] : memref<10112x128xf32, #tpu.memory_space<vmem_shared>> -> memref<72x128xf32, #tpu.memory_space<vmem_shared>>
      %dma_wait3A_549 = arith.constant 0 : i32
      %dma_wait3A_550 = arith.constant 0 : i32
      %dma_wait3A_551 = tpu.memref_slice %arg10[%dma_wait3A_549, %dma_wait3A_550] : memref<80x128xf32, #tpu.memory_space<vmem>> -> memref<72x128xf32, #tpu.memory_space<vmem>>
      tpu.wait_dma2 semaphore(%run_scoped3A_531 : memref<!tpu.dma_semaphore, #tpu.memory_space<semaphore_mem>>) src(%dma_wait3A_551 : memref<72x128xf32, #tpu.memory_space<vmem>>) dst(%dma_wait3A_548 : memref<72x128xf32, #tpu.memory_space<vmem_shared>>)
      tpu.yield
    }) : () -> ()
    %barrier3A_304 = arith.constant 0 : index
    tpu.barrier barrier_id(%barrier3A_304)
    %run_scoped3A_305 = arith.constant 0 : i32
    "tpu.region"() ({
      %run_scoped3A_531 = tpu.sem_alloc : memref<!tpu.dma_semaphore, #tpu.memory_space<semaphore_mem>>
      %dma_start3A_532 = arith.constant 0 : i32
      %dma_start3A_533 = arith.constant 0 : i32
      %dma_start3A_534 = tpu.memref_slice %arg3[%add3A_265, %arg1, %run_scoped3A_305, %dma_start3A_532, %dma_start3A_533] : memref<4x16x2x65x80xi32, #tpu.memory_space<hbm>> -> memref<1x1x1x65x80xi32, #tpu.memory_space<hbm>>
      %dma_start3A_535 = tpu.memref_squeeze %dma_start3A_534 : memref<1x1x1x65x80xi32, #tpu.memory_space<hbm>> -> memref<65x80xi32, #tpu.memory_space<hbm>>
      %dma_start3A_536 = arith.constant 0 : i32
      %dma_start3A_537 = arith.constant 0 : i32
      %dma_start3A_538 = tpu.memref_slice %arg3[%add3A_265, %arg1, %run_scoped3A_305, %dma_start3A_536, %dma_start3A_537] : memref<4x16x2x65x80xi32, #tpu.memory_space<hbm>> -> memref<1x1x1x65x80xi32, #tpu.memory_space<hbm>>
      %dma_start3A_539 = tpu.memref_squeeze %dma_start3A_538 : memref<1x1x1x65x80xi32, #tpu.memory_space<hbm>> -> memref<65x80xi32, #tpu.memory_space<hbm>>
      tpu.enqueue_dma source(%dma_start3A_539 : memref<65x80xi32, #tpu.memory_space<hbm>>) target(%arg6 : memref<65x80xi32, #tpu.memory_space<vmem>>) target_semaphore(%run_scoped3A_531 : memref<!tpu.dma_semaphore, #tpu.memory_space<semaphore_mem>>)
      %dma_wait3A_540 = arith.constant 0 : i32
      %dma_wait3A_541 = arith.constant 0 : i32
      %dma_wait3A_542 = tpu.memref_slice %arg3[%add3A_265, %arg1, %run_scoped3A_305, %dma_wait3A_540, %dma_wait3A_541] : memref<4x16x2x65x80xi32, #tpu.memory_space<hbm>> -> memref<1x1x1x65x80xi32, #tpu.memory_space<hbm>>
      %dma_wait3A_543 = tpu.memref_squeeze %dma_wait3A_542 : memref<1x1x1x65x80xi32, #tpu.memory_space<hbm>> -> memref<65x80xi32, #tpu.memory_space<hbm>>
      %dma_wait3A_544 = arith.constant 0 : i32
      %dma_wait3A_545 = arith.constant 0 : i32
      %dma_wait3A_546 = tpu.memref_slice %arg3[%add3A_265, %arg1, %run_scoped3A_305, %dma_wait3A_544, %dma_wait3A_545] : memref<4x16x2x65x80xi32, #tpu.memory_space<hbm>> -> memref<1x1x1x65x80xi32, #tpu.memory_space<hbm>>
      %dma_wait3A_547 = tpu.memref_squeeze %dma_wait3A_546 : memref<1x1x1x65x80xi32, #tpu.memory_space<hbm>> -> memref<65x80xi32, #tpu.memory_space<hbm>>
      tpu.wait_dma2 semaphore(%run_scoped3A_531 : memref<!tpu.dma_semaphore, #tpu.memory_space<semaphore_mem>>) src(%dma_wait3A_547 : memref<65x80xi32, #tpu.memory_space<hbm>>) dst(%arg6 : memref<65x80xi32, #tpu.memory_space<vmem>>)
      tpu.yield
    }) : () -> ()
    %run_scoped3A_306 = arith.constant 0 : i32
    "tpu.region"() ({
      %run_scoped3A_531 = tpu.sem_alloc : memref<!tpu.dma_semaphore, #tpu.memory_space<semaphore_mem>>
      %dma_start3A_532 = arith.constant 0 : i32
      %dma_start3A_533 = arith.constant 0 : i32
      %dma_start3A_534 = tpu.memref_slice %arg4[%add3A_265, %arg1, %run_scoped3A_306, %dma_start3A_532, %dma_start3A_533] : memref<4x16x2x65x80xi32, #tpu.memory_space<hbm>> -> memref<1x1x1x65x80xi32, #tpu.memory_space<hbm>>
      %dma_start3A_535 = tpu.memref_squeeze %dma_start3A_534 : memref<1x1x1x65x80xi32, #tpu.memory_space<hbm>> -> memref<65x80xi32, #tpu.memory_space<hbm>>
      %dma_start3A_536 = arith.constant 0 : i32
      %dma_start3A_537 = arith.constant 0 : i32
      %dma_start3A_538 = tpu.memref_slice %arg4[%add3A_265, %arg1, %run_scoped3A_306, %dma_start3A_536, %dma_start3A_537] : memref<4x16x2x65x80xi32, #tpu.memory_space<hbm>> -> memref<1x1x1x65x80xi32, #tpu.memory_space<hbm>>
      %dma_start3A_539 = tpu.memref_squeeze %dma_start3A_538 : memref<1x1x1x65x80xi32, #tpu.memory_space<hbm>> -> memref<65x80xi32, #tpu.memory_space<hbm>>
      tpu.enqueue_dma source(%dma_start3A_539 : memref<65x80xi32, #tpu.memory_space<hbm>>) target(%arg7 : memref<65x80xi32, #tpu.memory_space<vmem>>) target_semaphore(%run_scoped3A_531 : memref<!tpu.dma_semaphore, #tpu.memory_space<semaphore_mem>>)
      %dma_wait3A_540 = arith.constant 0 : i32
      %dma_wait3A_541 = arith.constant 0 : i32
      %dma_wait3A_542 = tpu.memref_slice %arg4[%add3A_265, %arg1, %run_scoped3A_306, %dma_wait3A_540, %dma_wait3A_541] : memref<4x16x2x65x80xi32, #tpu.memory_space<hbm>> -> memref<1x1x1x65x80xi32, #tpu.memory_space<hbm>>
      %dma_wait3A_543 = tpu.memref_squeeze %dma_wait3A_542 : memref<1x1x1x65x80xi32, #tpu.memory_space<hbm>> -> memref<65x80xi32, #tpu.memory_space<hbm>>
      %dma_wait3A_544 = arith.constant 0 : i32
      %dma_wait3A_545 = arith.constant 0 : i32
      %dma_wait3A_546 = tpu.memref_slice %arg4[%add3A_265, %arg1, %run_scoped3A_306, %dma_wait3A_544, %dma_wait3A_545] : memref<4x16x2x65x80xi32, #tpu.memory_space<hbm>> -> memref<1x1x1x65x80xi32, #tpu.memory_space<hbm>>
      %dma_wait3A_547 = tpu.memref_squeeze %dma_wait3A_546 : memref<1x1x1x65x80xi32, #tpu.memory_space<hbm>> -> memref<65x80xi32, #tpu.memory_space<hbm>>
      tpu.wait_dma2 semaphore(%run_scoped3A_531 : memref<!tpu.dma_semaphore, #tpu.memory_space<semaphore_mem>>) src(%dma_wait3A_547 : memref<65x80xi32, #tpu.memory_space<hbm>>) dst(%arg7 : memref<65x80xi32, #tpu.memory_space<vmem>>)
      tpu.yield
    }) : () -> ()
    %dma_start3A_307 = arith.constant 0 : i32
    %dma_start3A_308 = arith.constant 0 : i32
    %dma_start3A_309 = tpu.memref_slice %arg6[%dma_start3A_307, %dma_start3A_308] : memref<65x80xi32, #tpu.memory_space<vmem>> -> memref<1x80xi32, #tpu.memory_space<vmem>>
    %dma_start3A_310 = tpu.memref_squeeze %dma_start3A_309 : memref<1x80xi32, #tpu.memory_space<vmem>> -> memref<80xi32, #tpu.memory_space<vmem>>
    %dma_start3A_311 = arith.constant 0 : i32
    %dma_start3A_312 = arith.constant 0 : i32
    %dma_start3A_313 = tpu.memref_slice %arg2[%dma_start3A_311, %dma_start3A_312] : memref<40000x128xf32, #tpu.memory_space<hbm>> -> memref<40000x128xf32, #tpu.memory_space<hbm>>
    tpu.enqueue_indirect_dma source(%dma_start3A_313 : memref<40000x128xf32, #tpu.memory_space<hbm>>) target(%arg8 : memref<80x128xf32, #tpu.memory_space<vmem>>) offsets(%dma_start3A_310 : memref<80xi32, #tpu.memory_space<vmem>>) semaphore(%arg12 : memref<!tpu.dma_semaphore, #tpu.memory_space<semaphore_mem>>)
    %dma_start3A_314 = arith.constant 1 : i32
    %dma_start3A_315 = arith.constant 0 : i32
    %dma_start3A_316 = tpu.memref_slice %arg6[%dma_start3A_314, %dma_start3A_315] : memref<65x80xi32, #tpu.memory_space<vmem>> -> memref<1x80xi32, #tpu.memory_space<vmem>>
    %dma_start3A_317 = tpu.memref_squeeze %dma_start3A_316 : memref<1x80xi32, #tpu.memory_space<vmem>> -> memref<80xi32, #tpu.memory_space<vmem>>
    %dma_start3A_318 = arith.constant 0 : i32
    %dma_start3A_319 = arith.constant 0 : i32
    %dma_start3A_320 = tpu.memref_slice %arg2[%dma_start3A_318, %dma_start3A_319] : memref<40000x128xf32, #tpu.memory_space<hbm>> -> memref<40000x128xf32, #tpu.memory_space<hbm>>
    tpu.enqueue_indirect_dma source(%dma_start3A_320 : memref<40000x128xf32, #tpu.memory_space<hbm>>) target(%arg9 : memref<80x128xf32, #tpu.memory_space<vmem>>) offsets(%dma_start3A_317 : memref<80xi32, #tpu.memory_space<vmem>>) semaphore(%arg13 : memref<!tpu.dma_semaphore, #tpu.memory_space<semaphore_mem>>)
    %scan3A_321 = arith.constant 0 : i32
    %scan3A_322 = arith.constant 0 : i32
    %scan3A_323 = arith.constant 20 : i32
    %scan3A_324 = arith.addi %scan3A_322, %scan3A_323 : i32
    %scan3A_325 = arith.constant 1 : i32
    scf.for %scan3A_531 = %scan3A_322 to %scan3A_324 step %scan3A_325  : i32 {
      %mul3A_532 = arith.constant 3 : i32
      %mul3A_533 = arith.muli %mul3A_532, %scan3A_531 : i32
      %add3A_534 = arith.constant 0 : i32
      %add3A_535 = arith.addi %mul3A_533, %add3A_534 : i32
      %add3A_536 = arith.constant 2 : i32
      %add3A_537 = arith.addi %add3A_535, %add3A_536 : i32
      %dma_start3A_538 = arith.constant 0 : i32
      %dma_start3A_539 = tpu.memref_slice %arg6[%add3A_537, %dma_start3A_538] : memref<65x80xi32, #tpu.memory_space<vmem>> -> memref<1x80xi32, #tpu.memory_space<vmem>>
      %dma_start3A_540 = tpu.memref_squeeze %dma_start3A_539 : memref<1x80xi32, #tpu.memory_space<vmem>> -> memref<80xi32, #tpu.memory_space<vmem>>
      %dma_start3A_541 = arith.constant 0 : i32
      %dma_start3A_542 = arith.constant 0 : i32
      %dma_start3A_543 = tpu.memref_slice %arg2[%dma_start3A_541, %dma_start3A_542] : memref<40000x128xf32, #tpu.memory_space<hbm>> -> memref<40000x128xf32, #tpu.memory_space<hbm>>
      tpu.enqueue_indirect_dma source(%dma_start3A_543 : memref<40000x128xf32, #tpu.memory_space<hbm>>) target(%arg10 : memref<80x128xf32, #tpu.memory_space<vmem>>) offsets(%dma_start3A_540 : memref<80xi32, #tpu.memory_space<vmem>>) semaphore(%arg14 : memref<!tpu.dma_semaphore, #tpu.memory_space<semaphore_mem>>)
      %dma_wait3A_544 = arith.constant 0 : i32
      %dma_wait3A_545 = tpu.memref_slice %arg6[%add3A_535, %dma_wait3A_544] : memref<65x80xi32, #tpu.memory_space<vmem>> -> memref<1x80xi32, #tpu.memory_space<vmem>>
      %dma_wait3A_546 = tpu.memref_squeeze %dma_wait3A_545 : memref<1x80xi32, #tpu.memory_space<vmem>> -> memref<80xi32, #tpu.memory_space<vmem>>
      %dma_wait3A_547 = arith.constant 0 : i32
      %dma_wait3A_548 = arith.constant 0 : i32
      %dma_wait3A_549 = tpu.memref_slice %arg2[%dma_wait3A_547, %dma_wait3A_548] : memref<40000x128xf32, #tpu.memory_space<hbm>> -> memref<40000x128xf32, #tpu.memory_space<hbm>>
      tpu.wait_indirect_dma semaphore(%arg12 : memref<!tpu.dma_semaphore, #tpu.memory_space<semaphore_mem>>) src(%dma_wait3A_549 : memref<40000x128xf32, #tpu.memory_space<hbm>>) dst(%arg8 : memref<80x128xf32, #tpu.memory_space<vmem>>)
      "tpu.region"() ({
        %run_scoped3A_586 = tpu.sem_alloc : memref<!tpu.dma_semaphore, #tpu.memory_space<semaphore_mem>>
        %dma_start3A_587 = arith.constant 0 : i32
        %dma_start3A_588 = tpu.memref_slice %arg7[%add3A_535, %dma_start3A_587] : memref<65x80xi32, #tpu.memory_space<vmem>> -> memref<1x80xi32, #tpu.memory_space<vmem>>
        %dma_start3A_589 = tpu.memref_squeeze %dma_start3A_588 : memref<1x80xi32, #tpu.memory_space<vmem>> -> memref<80xi32, #tpu.memory_space<vmem>>
        %dma_start3A_590 = arith.constant 0 : i32
        %dma_start3A_591 = arith.constant 0 : i32
        %dma_start3A_592 = tpu.memref_slice %arg11[%dma_start3A_590, %dma_start3A_591] : memref<10112x128xf32, #tpu.memory_space<vmem_shared>> -> memref<10112x128xf32, #tpu.memory_space<vmem_shared>>
        tpu.enqueue_indirect_dma source(%arg8 : memref<80x128xf32, #tpu.memory_space<vmem>>) target(%dma_start3A_592 : memref<10112x128xf32, #tpu.memory_space<vmem_shared>>) offsets(%dma_start3A_589 : memref<80xi32, #tpu.memory_space<vmem>>) semaphore(%run_scoped3A_586 : memref<!tpu.dma_semaphore, #tpu.memory_space<semaphore_mem>>) {add = true}
        %dma_wait3A_593 = arith.constant 0 : i32
        %dma_wait3A_594 = tpu.memref_slice %arg7[%add3A_535, %dma_wait3A_593] : memref<65x80xi32, #tpu.memory_space<vmem>> -> memref<1x80xi32, #tpu.memory_space<vmem>>
        %dma_wait3A_595 = tpu.memref_squeeze %dma_wait3A_594 : memref<1x80xi32, #tpu.memory_space<vmem>> -> memref<80xi32, #tpu.memory_space<vmem>>
        %dma_wait3A_596 = arith.constant 0 : i32
        %dma_wait3A_597 = arith.constant 0 : i32
        %dma_wait3A_598 = tpu.memref_slice %arg11[%dma_wait3A_596, %dma_wait3A_597] : memref<10112x128xf32, #tpu.memory_space<vmem_shared>> -> memref<10112x128xf32, #tpu.memory_space<vmem_shared>>
        tpu.wait_indirect_dma semaphore(%run_scoped3A_586 : memref<!tpu.dma_semaphore, #tpu.memory_space<semaphore_mem>>) src(%arg8 : memref<80x128xf32, #tpu.memory_space<vmem>>) dst(%dma_wait3A_598 : memref<10112x128xf32, #tpu.memory_space<vmem_shared>>)
        tpu.yield
      }) : () -> ()
      %mul3A_550 = arith.constant 3 : i32
      %mul3A_551 = arith.muli %mul3A_550, %scan3A_531 : i32
      %add3A_552 = arith.constant 1 : i32
      %add3A_553 = arith.addi %mul3A_551, %add3A_552 : i32
      %add3A_554 = arith.constant 2 : i32
      %add3A_555 = arith.addi %add3A_553, %add3A_554 : i32
      %dma_start3A_556 = arith.constant 0 : i32
      %dma_start3A_557 = tpu.memref_slice %arg6[%add3A_555, %dma_start3A_556] : memref<65x80xi32, #tpu.memory_space<vmem>> -> memref<1x80xi32, #tpu.memory_space<vmem>>
      %dma_start3A_558 = tpu.memref_squeeze %dma_start3A_557 : memref<1x80xi32, #tpu.memory_space<vmem>> -> memref<80xi32, #tpu.memory_space<vmem>>
      %dma_start3A_559 = arith.constant 0 : i32
      %dma_start3A_560 = arith.constant 0 : i32
      %dma_start3A_561 = tpu.memref_slice %arg2[%dma_start3A_559, %dma_start3A_560] : memref<40000x128xf32, #tpu.memory_space<hbm>> -> memref<40000x128xf32, #tpu.memory_space<hbm>>
      tpu.enqueue_indirect_dma source(%dma_start3A_561 : memref<40000x128xf32, #tpu.memory_space<hbm>>) target(%arg8 : memref<80x128xf32, #tpu.memory_space<vmem>>) offsets(%dma_start3A_558 : memref<80xi32, #tpu.memory_space<vmem>>) semaphore(%arg12 : memref<!tpu.dma_semaphore, #tpu.memory_space<semaphore_mem>>)
      %dma_wait3A_562 = arith.constant 0 : i32
      %dma_wait3A_563 = tpu.memref_slice %arg6[%add3A_553, %dma_wait3A_562] : memref<65x80xi32, #tpu.memory_space<vmem>> -> memref<1x80xi32, #tpu.memory_space<vmem>>
      %dma_wait3A_564 = tpu.memref_squeeze %dma_wait3A_563 : memref<1x80xi32, #tpu.memory_space<vmem>> -> memref<80xi32, #tpu.memory_space<vmem>>
      %dma_wait3A_565 = arith.constant 0 : i32
      %dma_wait3A_566 = arith.constant 0 : i32
      %dma_wait3A_567 = tpu.memref_slice %arg2[%dma_wait3A_565, %dma_wait3A_566] : memref<40000x128xf32, #tpu.memory_space<hbm>> -> memref<40000x128xf32, #tpu.memory_space<hbm>>
      tpu.wait_indirect_dma semaphore(%arg13 : memref<!tpu.dma_semaphore, #tpu.memory_space<semaphore_mem>>) src(%dma_wait3A_567 : memref<40000x128xf32, #tpu.memory_space<hbm>>) dst(%arg9 : memref<80x128xf32, #tpu.memory_space<vmem>>)
      "tpu.region"() ({
        %run_scoped3A_586 = tpu.sem_alloc : memref<!tpu.dma_semaphore, #tpu.memory_space<semaphore_mem>>
        %dma_start3A_587 = arith.constant 0 : i32
        %dma_start3A_588 = tpu.memref_slice %arg7[%add3A_553, %dma_start3A_587] : memref<65x80xi32, #tpu.memory_space<vmem>> -> memref<1x80xi32, #tpu.memory_space<vmem>>
        %dma_start3A_589 = tpu.memref_squeeze %dma_start3A_588 : memref<1x80xi32, #tpu.memory_space<vmem>> -> memref<80xi32, #tpu.memory_space<vmem>>
        %dma_start3A_590 = arith.constant 0 : i32
        %dma_start3A_591 = arith.constant 0 : i32
        %dma_start3A_592 = tpu.memref_slice %arg11[%dma_start3A_590, %dma_start3A_591] : memref<10112x128xf32, #tpu.memory_space<vmem_shared>> -> memref<10112x128xf32, #tpu.memory_space<vmem_shared>>
        tpu.enqueue_indirect_dma source(%arg9 : memref<80x128xf32, #tpu.memory_space<vmem>>) target(%dma_start3A_592 : memref<10112x128xf32, #tpu.memory_space<vmem_shared>>) offsets(%dma_start3A_589 : memref<80xi32, #tpu.memory_space<vmem>>) semaphore(%run_scoped3A_586 : memref<!tpu.dma_semaphore, #tpu.memory_space<semaphore_mem>>) {add = true}
        %dma_wait3A_593 = arith.constant 0 : i32
        %dma_wait3A_594 = tpu.memref_slice %arg7[%add3A_553, %dma_wait3A_593] : memref<65x80xi32, #tpu.memory_space<vmem>> -> memref<1x80xi32, #tpu.memory_space<vmem>>
        %dma_wait3A_595 = tpu.memref_squeeze %dma_wait3A_594 : memref<1x80xi32, #tpu.memory_space<vmem>> -> memref<80xi32, #tpu.memory_space<vmem>>
        %dma_wait3A_596 = arith.constant 0 : i32
        %dma_wait3A_597 = arith.constant 0 : i32
        %dma_wait3A_598 = tpu.memref_slice %arg11[%dma_wait3A_596, %dma_wait3A_597] : memref<10112x128xf32, #tpu.memory_space<vmem_shared>> -> memref<10112x128xf32, #tpu.memory_space<vmem_shared>>
        tpu.wait_indirect_dma semaphore(%run_scoped3A_586 : memref<!tpu.dma_semaphore, #tpu.memory_space<semaphore_mem>>) src(%arg9 : memref<80x128xf32, #tpu.memory_space<vmem>>) dst(%dma_wait3A_598 : memref<10112x128xf32, #tpu.memory_space<vmem_shared>>)
        tpu.yield
      }) : () -> ()
      %mul3A_568 = arith.constant 3 : i32
      %mul3A_569 = arith.muli %mul3A_568, %scan3A_531 : i32
      %add3A_570 = arith.constant 2 : i32
      %add3A_571 = arith.addi %mul3A_569, %add3A_570 : i32
      %add3A_572 = arith.constant 2 : i32
      %add3A_573 = arith.addi %add3A_571, %add3A_572 : i32
      %dma_start3A_574 = arith.constant 0 : i32
      %dma_start3A_575 = tpu.memref_slice %arg6[%add3A_573, %dma_start3A_574] : memref<65x80xi32, #tpu.memory_space<vmem>> -> memref<1x80xi32, #tpu.memory_space<vmem>>
      %dma_start3A_576 = tpu.memref_squeeze %dma_start3A_575 : memref<1x80xi32, #tpu.memory_space<vmem>> -> memref<80xi32, #tpu.memory_space<vmem>>
      %dma_start3A_577 = arith.constant 0 : i32
      %dma_start3A_578 = arith.constant 0 : i32
      %dma_start3A_579 = tpu.memref_slice %arg2[%dma_start3A_577, %dma_start3A_578] : memref<40000x128xf32, #tpu.memory_space<hbm>> -> memref<40000x128xf32, #tpu.memory_space<hbm>>
      tpu.enqueue_indirect_dma source(%dma_start3A_579 : memref<40000x128xf32, #tpu.memory_space<hbm>>) target(%arg9 : memref<80x128xf32, #tpu.memory_space<vmem>>) offsets(%dma_start3A_576 : memref<80xi32, #tpu.memory_space<vmem>>) semaphore(%arg13 : memref<!tpu.dma_semaphore, #tpu.memory_space<semaphore_mem>>)
      %dma_wait3A_580 = arith.constant 0 : i32
      %dma_wait3A_581 = tpu.memref_slice %arg6[%add3A_571, %dma_wait3A_580] : memref<65x80xi32, #tpu.memory_space<vmem>> -> memref<1x80xi32, #tpu.memory_space<vmem>>
      %dma_wait3A_582 = tpu.memref_squeeze %dma_wait3A_581 : memref<1x80xi32, #tpu.memory_space<vmem>> -> memref<80xi32, #tpu.memory_space<vmem>>
      %dma_wait3A_583 = arith.constant 0 : i32
      %dma_wait3A_584 = arith.constant 0 : i32
      %dma_wait3A_585 = tpu.memref_slice %arg2[%dma_wait3A_583, %dma_wait3A_584] : memref<40000x128xf32, #tpu.memory_space<hbm>> -> memref<40000x128xf32, #tpu.memory_space<hbm>>
      tpu.wait_indirect_dma semaphore(%arg14 : memref<!tpu.dma_semaphore, #tpu.memory_space<semaphore_mem>>) src(%dma_wait3A_585 : memref<40000x128xf32, #tpu.memory_space<hbm>>) dst(%arg10 : memref<80x128xf32, #tpu.memory_space<vmem>>)
      "tpu.region"() ({
        %run_scoped3A_586 = tpu.sem_alloc : memref<!tpu.dma_semaphore, #tpu.memory_space<semaphore_mem>>
        %dma_start3A_587 = arith.constant 0 : i32
        %dma_start3A_588 = tpu.memref_slice %arg7[%add3A_571, %dma_start3A_587] : memref<65x80xi32, #tpu.memory_space<vmem>> -> memref<1x80xi32, #tpu.memory_space<vmem>>
        %dma_start3A_589 = tpu.memref_squeeze %dma_start3A_588 : memref<1x80xi32, #tpu.memory_space<vmem>> -> memref<80xi32, #tpu.memory_space<vmem>>
        %dma_start3A_590 = arith.constant 0 : i32
        %dma_start3A_591 = arith.constant 0 : i32
        %dma_start3A_592 = tpu.memref_slice %arg11[%dma_start3A_590, %dma_start3A_591] : memref<10112x128xf32, #tpu.memory_space<vmem_shared>> -> memref<10112x128xf32, #tpu.memory_space<vmem_shared>>
        tpu.enqueue_indirect_dma source(%arg10 : memref<80x128xf32, #tpu.memory_space<vmem>>) target(%dma_start3A_592 : memref<10112x128xf32, #tpu.memory_space<vmem_shared>>) offsets(%dma_start3A_589 : memref<80xi32, #tpu.memory_space<vmem>>) semaphore(%run_scoped3A_586 : memref<!tpu.dma_semaphore, #tpu.memory_space<semaphore_mem>>) {add = true}
        %dma_wait3A_593 = arith.constant 0 : i32
        %dma_wait3A_594 = tpu.memref_slice %arg7[%add3A_571, %dma_wait3A_593] : memref<65x80xi32, #tpu.memory_space<vmem>> -> memref<1x80xi32, #tpu.memory_space<vmem>>
        %dma_wait3A_595 = tpu.memref_squeeze %dma_wait3A_594 : memref<1x80xi32, #tpu.memory_space<vmem>> -> memref<80xi32, #tpu.memory_space<vmem>>
        %dma_wait3A_596 = arith.constant 0 : i32
        %dma_wait3A_597 = arith.constant 0 : i32
        %dma_wait3A_598 = tpu.memref_slice %arg11[%dma_wait3A_596, %dma_wait3A_597] : memref<10112x128xf32, #tpu.memory_space<vmem_shared>> -> memref<10112x128xf32, #tpu.memory_space<vmem_shared>>
        tpu.wait_indirect_dma semaphore(%run_scoped3A_586 : memref<!tpu.dma_semaphore, #tpu.memory_space<semaphore_mem>>) src(%arg10 : memref<80x128xf32, #tpu.memory_space<vmem>>) dst(%dma_wait3A_598 : memref<10112x128xf32, #tpu.memory_space<vmem_shared>>)
        tpu.yield
      }) : () -> ()
    }
    %scan3A_326 = arith.constant 20 : i32
    %dma_start3A_327 = arith.constant 62 : i32
    %dma_start3A_328 = arith.constant 0 : i32
    %dma_start3A_329 = tpu.memref_slice %arg6[%dma_start3A_327, %dma_start3A_328] : memref<65x80xi32, #tpu.memory_space<vmem>> -> memref<1x80xi32, #tpu.memory_space<vmem>>
    %dma_start3A_330 = tpu.memref_squeeze %dma_start3A_329 : memref<1x80xi32, #tpu.memory_space<vmem>> -> memref<80xi32, #tpu.memory_space<vmem>>
    %dma_start3A_331 = arith.constant 0 : i32
    %dma_start3A_332 = arith.constant 0 : i32
    %dma_start3A_333 = tpu.memref_slice %arg2[%dma_start3A_331, %dma_start3A_332] : memref<40000x128xf32, #tpu.memory_space<hbm>> -> memref<40000x128xf32, #tpu.memory_space<hbm>>
    tpu.enqueue_indirect_dma source(%dma_start3A_333 : memref<40000x128xf32, #tpu.memory_space<hbm>>) target(%arg10 : memref<80x128xf32, #tpu.memory_space<vmem>>) offsets(%dma_start3A_330 : memref<80xi32, #tpu.memory_space<vmem>>) semaphore(%arg14 : memref<!tpu.dma_semaphore, #tpu.memory_space<semaphore_mem>>)
    %dma_wait3A_334 = arith.constant 60 : i32
    %dma_wait3A_335 = arith.constant 0 : i32
    %dma_wait3A_336 = tpu.memref_slice %arg6[%dma_wait3A_334, %dma_wait3A_335] : memref<65x80xi32, #tpu.memory_space<vmem>> -> memref<1x80xi32, #tpu.memory_space<vmem>>
    %dma_wait3A_337 = tpu.memref_squeeze %dma_wait3A_336 : memref<1x80xi32, #tpu.memory_space<vmem>> -> memref<80xi32, #tpu.memory_space<vmem>>
    %dma_wait3A_338 = arith.constant 0 : i32
    %dma_wait3A_339 = arith.constant 0 : i32
    %dma_wait3A_340 = tpu.memref_slice %arg2[%dma_wait3A_338, %dma_wait3A_339] : memref<40000x128xf32, #tpu.memory_space<hbm>> -> memref<40000x128xf32, #tpu.memory_space<hbm>>
    tpu.wait_indirect_dma semaphore(%arg12 : memref<!tpu.dma_semaphore, #tpu.memory_space<semaphore_mem>>) src(%dma_wait3A_340 : memref<40000x128xf32, #tpu.memory_space<hbm>>) dst(%arg8 : memref<80x128xf32, #tpu.memory_space<vmem>>)
    %run_scoped3A_341 = arith.constant 60 : i32
    "tpu.region"() ({
      %run_scoped3A_531 = tpu.sem_alloc : memref<!tpu.dma_semaphore, #tpu.memory_space<semaphore_mem>>
      %dma_start3A_532 = arith.constant 0 : i32
      %dma_start3A_533 = tpu.memref_slice %arg7[%run_scoped3A_341, %dma_start3A_532] : memref<65x80xi32, #tpu.memory_space<vmem>> -> memref<1x80xi32, #tpu.memory_space<vmem>>
      %dma_start3A_534 = tpu.memref_squeeze %dma_start3A_533 : memref<1x80xi32, #tpu.memory_space<vmem>> -> memref<80xi32, #tpu.memory_space<vmem>>
      %dma_start3A_535 = arith.constant 0 : i32
      %dma_start3A_536 = arith.constant 0 : i32
      %dma_start3A_537 = tpu.memref_slice %arg11[%dma_start3A_535, %dma_start3A_536] : memref<10112x128xf32, #tpu.memory_space<vmem_shared>> -> memref<10112x128xf32, #tpu.memory_space<vmem_shared>>
      tpu.enqueue_indirect_dma source(%arg8 : memref<80x128xf32, #tpu.memory_space<vmem>>) target(%dma_start3A_537 : memref<10112x128xf32, #tpu.memory_space<vmem_shared>>) offsets(%dma_start3A_534 : memref<80xi32, #tpu.memory_space<vmem>>) semaphore(%run_scoped3A_531 : memref<!tpu.dma_semaphore, #tpu.memory_space<semaphore_mem>>) {add = true}
      %dma_wait3A_538 = arith.constant 0 : i32
      %dma_wait3A_539 = tpu.memref_slice %arg7[%run_scoped3A_341, %dma_wait3A_538] : memref<65x80xi32, #tpu.memory_space<vmem>> -> memref<1x80xi32, #tpu.memory_space<vmem>>
      %dma_wait3A_540 = tpu.memref_squeeze %dma_wait3A_539 : memref<1x80xi32, #tpu.memory_space<vmem>> -> memref<80xi32, #tpu.memory_space<vmem>>
      %dma_wait3A_541 = arith.constant 0 : i32
      %dma_wait3A_542 = arith.constant 0 : i32
      %dma_wait3A_543 = tpu.memref_slice %arg11[%dma_wait3A_541, %dma_wait3A_542] : memref<10112x128xf32, #tpu.memory_space<vmem_shared>> -> memref<10112x128xf32, #tpu.memory_space<vmem_shared>>
      tpu.wait_indirect_dma semaphore(%run_scoped3A_531 : memref<!tpu.dma_semaphore, #tpu.memory_space<semaphore_mem>>) src(%arg8 : memref<80x128xf32, #tpu.memory_space<vmem>>) dst(%dma_wait3A_543 : memref<10112x128xf32, #tpu.memory_space<vmem_shared>>)
      tpu.yield
    }) : () -> ()
    %dma_start3A_342 = arith.constant 63 : i32
    %dma_start3A_343 = arith.constant 0 : i32
    %dma_start3A_344 = tpu.memref_slice %arg6[%dma_start3A_342, %dma_start3A_343] : memref<65x80xi32, #tpu.memory_space<vmem>> -> memref<1x80xi32, #tpu.memory_space<vmem>>
    %dma_start3A_345 = tpu.memref_squeeze %dma_start3A_344 : memref<1x80xi32, #tpu.memory_space<vmem>> -> memref<80xi32, #tpu.memory_space<vmem>>
    %dma_start3A_346 = arith.constant 0 : i32
    %dma_start3A_347 = arith.constant 0 : i32
    %dma_start3A_348 = tpu.memref_slice %arg2[%dma_start3A_346, %dma_start3A_347] : memref<40000x128xf32, #tpu.memory_space<hbm>> -> memref<40000x128xf32, #tpu.memory_space<hbm>>
    tpu.enqueue_indirect_dma source(%dma_start3A_348 : memref<40000x128xf32, #tpu.memory_space<hbm>>) target(%arg8 : memref<80x128xf32, #tpu.memory_space<vmem>>) offsets(%dma_start3A_345 : memref<80xi32, #tpu.memory_space<vmem>>) semaphore(%arg12 : memref<!tpu.dma_semaphore, #tpu.memory_space<semaphore_mem>>)
    %dma_wait3A_349 = arith.constant 61 : i32
    %dma_wait3A_350 = arith.constant 0 : i32
    %dma_wait3A_351 = tpu.memref_slice %arg6[%dma_wait3A_349, %dma_wait3A_350] : memref<65x80xi32, #tpu.memory_space<vmem>> -> memref<1x80xi32, #tpu.memory_space<vmem>>
    %dma_wait3A_352 = tpu.memref_squeeze %dma_wait3A_351 : memref<1x80xi32, #tpu.memory_space<vmem>> -> memref<80xi32, #tpu.memory_space<vmem>>
    %dma_wait3A_353 = arith.constant 0 : i32
    %dma_wait3A_354 = arith.constant 0 : i32
    %dma_wait3A_355 = tpu.memref_slice %arg2[%dma_wait3A_353, %dma_wait3A_354] : memref<40000x128xf32, #tpu.memory_space<hbm>> -> memref<40000x128xf32, #tpu.memory_space<hbm>>
    tpu.wait_indirect_dma semaphore(%arg13 : memref<!tpu.dma_semaphore, #tpu.memory_space<semaphore_mem>>) src(%dma_wait3A_355 : memref<40000x128xf32, #tpu.memory_space<hbm>>) dst(%arg9 : memref<80x128xf32, #tpu.memory_space<vmem>>)
    %run_scoped3A_356 = arith.constant 61 : i32
    "tpu.region"() ({
      %run_scoped3A_531 = tpu.sem_alloc : memref<!tpu.dma_semaphore, #tpu.memory_space<semaphore_mem>>
      %dma_start3A_532 = arith.constant 0 : i32
      %dma_start3A_533 = tpu.memref_slice %arg7[%run_scoped3A_356, %dma_start3A_532] : memref<65x80xi32, #tpu.memory_space<vmem>> -> memref<1x80xi32, #tpu.memory_space<vmem>>
      %dma_start3A_534 = tpu.memref_squeeze %dma_start3A_533 : memref<1x80xi32, #tpu.memory_space<vmem>> -> memref<80xi32, #tpu.memory_space<vmem>>
      %dma_start3A_535 = arith.constant 0 : i32
      %dma_start3A_536 = arith.constant 0 : i32
      %dma_start3A_537 = tpu.memref_slice %arg11[%dma_start3A_535, %dma_start3A_536] : memref<10112x128xf32, #tpu.memory_space<vmem_shared>> -> memref<10112x128xf32, #tpu.memory_space<vmem_shared>>
      tpu.enqueue_indirect_dma source(%arg9 : memref<80x128xf32, #tpu.memory_space<vmem>>) target(%dma_start3A_537 : memref<10112x128xf32, #tpu.memory_space<vmem_shared>>) offsets(%dma_start3A_534 : memref<80xi32, #tpu.memory_space<vmem>>) semaphore(%run_scoped3A_531 : memref<!tpu.dma_semaphore, #tpu.memory_space<semaphore_mem>>) {add = true}
      %dma_wait3A_538 = arith.constant 0 : i32
      %dma_wait3A_539 = tpu.memref_slice %arg7[%run_scoped3A_356, %dma_wait3A_538] : memref<65x80xi32, #tpu.memory_space<vmem>> -> memref<1x80xi32, #tpu.memory_space<vmem>>
      %dma_wait3A_540 = tpu.memref_squeeze %dma_wait3A_539 : memref<1x80xi32, #tpu.memory_space<vmem>> -> memref<80xi32, #tpu.memory_space<vmem>>
      %dma_wait3A_541 = arith.constant 0 : i32
      %dma_wait3A_542 = arith.constant 0 : i32
      %dma_wait3A_543 = tpu.memref_slice %arg11[%dma_wait3A_541, %dma_wait3A_542] : memref<10112x128xf32, #tpu.memory_space<vmem_shared>> -> memref<10112x128xf32, #tpu.memory_space<vmem_shared>>
      tpu.wait_indirect_dma semaphore(%run_scoped3A_531 : memref<!tpu.dma_semaphore, #tpu.memory_space<semaphore_mem>>) src(%arg9 : memref<80x128xf32, #tpu.memory_space<vmem>>) dst(%dma_wait3A_543 : memref<10112x128xf32, #tpu.memory_space<vmem_shared>>)
      tpu.yield
    }) : () -> ()
    %dma_start3A_357 = arith.constant 64 : i32
    %dma_start3A_358 = arith.constant 0 : i32
    %dma_start3A_359 = tpu.memref_slice %arg6[%dma_start3A_357, %dma_start3A_358] : memref<65x80xi32, #tpu.memory_space<vmem>> -> memref<1x80xi32, #tpu.memory_space<vmem>>
    %dma_start3A_360 = tpu.memref_squeeze %dma_start3A_359 : memref<1x80xi32, #tpu.memory_space<vmem>> -> memref<80xi32, #tpu.memory_space<vmem>>
    %dma_start3A_361 = arith.constant 0 : i32
    %dma_start3A_362 = arith.constant 0 : i32
    %dma_start3A_363 = tpu.memref_slice %arg2[%dma_start3A_361, %dma_start3A_362] : memref<40000x128xf32, #tpu.memory_space<hbm>> -> memref<40000x128xf32, #tpu.memory_space<hbm>>
    tpu.enqueue_indirect_dma source(%dma_start3A_363 : memref<40000x128xf32, #tpu.memory_space<hbm>>) target(%arg9 : memref<80x128xf32, #tpu.memory_space<vmem>>) offsets(%dma_start3A_360 : memref<80xi32, #tpu.memory_space<vmem>>) semaphore(%arg13 : memref<!tpu.dma_semaphore, #tpu.memory_space<semaphore_mem>>)
    %dma_wait3A_364 = arith.constant 62 : i32
    %dma_wait3A_365 = arith.constant 0 : i32
    %dma_wait3A_366 = tpu.memref_slice %arg6[%dma_wait3A_364, %dma_wait3A_365] : memref<65x80xi32, #tpu.memory_space<vmem>> -> memref<1x80xi32, #tpu.memory_space<vmem>>
    %dma_wait3A_367 = tpu.memref_squeeze %dma_wait3A_366 : memref<1x80xi32, #tpu.memory_space<vmem>> -> memref<80xi32, #tpu.memory_space<vmem>>
    %dma_wait3A_368 = arith.constant 0 : i32
    %dma_wait3A_369 = arith.constant 0 : i32
    %dma_wait3A_370 = tpu.memref_slice %arg2[%dma_wait3A_368, %dma_wait3A_369] : memref<40000x128xf32, #tpu.memory_space<hbm>> -> memref<40000x128xf32, #tpu.memory_space<hbm>>
    tpu.wait_indirect_dma semaphore(%arg14 : memref<!tpu.dma_semaphore, #tpu.memory_space<semaphore_mem>>) src(%dma_wait3A_370 : memref<40000x128xf32, #tpu.memory_space<hbm>>) dst(%arg10 : memref<80x128xf32, #tpu.memory_space<vmem>>)
    %run_scoped3A_371 = arith.constant 62 : i32
    "tpu.region"() ({
      %run_scoped3A_531 = tpu.sem_alloc : memref<!tpu.dma_semaphore, #tpu.memory_space<semaphore_mem>>
      %dma_start3A_532 = arith.constant 0 : i32
      %dma_start3A_533 = tpu.memref_slice %arg7[%run_scoped3A_371, %dma_start3A_532] : memref<65x80xi32, #tpu.memory_space<vmem>> -> memref<1x80xi32, #tpu.memory_space<vmem>>
      %dma_start3A_534 = tpu.memref_squeeze %dma_start3A_533 : memref<1x80xi32, #tpu.memory_space<vmem>> -> memref<80xi32, #tpu.memory_space<vmem>>
      %dma_start3A_535 = arith.constant 0 : i32
      %dma_start3A_536 = arith.constant 0 : i32
      %dma_start3A_537 = tpu.memref_slice %arg11[%dma_start3A_535, %dma_start3A_536] : memref<10112x128xf32, #tpu.memory_space<vmem_shared>> -> memref<10112x128xf32, #tpu.memory_space<vmem_shared>>
      tpu.enqueue_indirect_dma source(%arg10 : memref<80x128xf32, #tpu.memory_space<vmem>>) target(%dma_start3A_537 : memref<10112x128xf32, #tpu.memory_space<vmem_shared>>) offsets(%dma_start3A_534 : memref<80xi32, #tpu.memory_space<vmem>>) semaphore(%run_scoped3A_531 : memref<!tpu.dma_semaphore, #tpu.memory_space<semaphore_mem>>) {add = true}
      %dma_wait3A_538 = arith.constant 0 : i32
      %dma_wait3A_539 = tpu.memref_slice %arg7[%run_scoped3A_371, %dma_wait3A_538] : memref<65x80xi32, #tpu.memory_space<vmem>> -> memref<1x80xi32, #tpu.memory_space<vmem>>
      %dma_wait3A_540 = tpu.memref_squeeze %dma_wait3A_539 : memref<1x80xi32, #tpu.memory_space<vmem>> -> memref<80xi32, #tpu.memory_space<vmem>>
      %dma_wait3A_541 = arith.constant 0 : i32
      %dma_wait3A_542 = arith.constant 0 : i32
      %dma_wait3A_543 = tpu.memref_slice %arg11[%dma_wait3A_541, %dma_wait3A_542] : memref<10112x128xf32, #tpu.memory_space<vmem_shared>> -> memref<10112x128xf32, #tpu.memory_space<vmem_shared>>
      tpu.wait_indirect_dma semaphore(%run_scoped3A_531 : memref<!tpu.dma_semaphore, #tpu.memory_space<semaphore_mem>>) src(%arg10 : memref<80x128xf32, #tpu.memory_space<vmem>>) dst(%dma_wait3A_543 : memref<10112x128xf32, #tpu.memory_space<vmem_shared>>)
      tpu.yield
    }) : () -> ()
    %dma_start3A_372 = arith.constant 64 : i32
    %dma_start3A_373 = arith.constant 0 : i32
    %dma_start3A_374 = tpu.memref_slice %arg6[%dma_start3A_372, %dma_start3A_373] : memref<65x80xi32, #tpu.memory_space<vmem>> -> memref<1x80xi32, #tpu.memory_space<vmem>>
    %dma_start3A_375 = tpu.memref_squeeze %dma_start3A_374 : memref<1x80xi32, #tpu.memory_space<vmem>> -> memref<80xi32, #tpu.memory_space<vmem>>
    %dma_start3A_376 = arith.constant 0 : i32
    %dma_start3A_377 = arith.constant 0 : i32
    %dma_start3A_378 = tpu.memref_slice %arg2[%dma_start3A_376, %dma_start3A_377] : memref<40000x128xf32, #tpu.memory_space<hbm>> -> memref<40000x128xf32, #tpu.memory_space<hbm>>
    tpu.enqueue_indirect_dma source(%dma_start3A_378 : memref<40000x128xf32, #tpu.memory_space<hbm>>) target(%arg10 : memref<80x128xf32, #tpu.memory_space<vmem>>) offsets(%dma_start3A_375 : memref<80xi32, #tpu.memory_space<vmem>>) semaphore(%arg14 : memref<!tpu.dma_semaphore, #tpu.memory_space<semaphore_mem>>)
    %dma_wait3A_379 = arith.constant 63 : i32
    %dma_wait3A_380 = arith.constant 0 : i32
    %dma_wait3A_381 = tpu.memref_slice %arg6[%dma_wait3A_379, %dma_wait3A_380] : memref<65x80xi32, #tpu.memory_space<vmem>> -> memref<1x80xi32, #tpu.memory_space<vmem>>
    %dma_wait3A_382 = tpu.memref_squeeze %dma_wait3A_381 : memref<1x80xi32, #tpu.memory_space<vmem>> -> memref<80xi32, #tpu.memory_space<vmem>>
    %dma_wait3A_383 = arith.constant 0 : i32
    %dma_wait3A_384 = arith.constant 0 : i32
    %dma_wait3A_385 = tpu.memref_slice %arg2[%dma_wait3A_383, %dma_wait3A_384] : memref<40000x128xf32, #tpu.memory_space<hbm>> -> memref<40000x128xf32, #tpu.memory_space<hbm>>
    tpu.wait_indirect_dma semaphore(%arg12 : memref<!tpu.dma_semaphore, #tpu.memory_space<semaphore_mem>>) src(%dma_wait3A_385 : memref<40000x128xf32, #tpu.memory_space<hbm>>) dst(%arg8 : memref<80x128xf32, #tpu.memory_space<vmem>>)
    %run_scoped3A_386 = arith.constant 63 : i32
    "tpu.region"() ({
      %run_scoped3A_531 = tpu.sem_alloc : memref<!tpu.dma_semaphore, #tpu.memory_space<semaphore_mem>>
      %dma_start3A_532 = arith.constant 0 : i32
      %dma_start3A_533 = tpu.memref_slice %arg7[%run_scoped3A_386, %dma_start3A_532] : memref<65x80xi32, #tpu.memory_space<vmem>> -> memref<1x80xi32, #tpu.memory_space<vmem>>
      %dma_start3A_534 = tpu.memref_squeeze %dma_start3A_533 : memref<1x80xi32, #tpu.memory_space<vmem>> -> memref<80xi32, #tpu.memory_space<vmem>>
      %dma_start3A_535 = arith.constant 0 : i32
      %dma_start3A_536 = arith.constant 0 : i32
      %dma_start3A_537 = tpu.memref_slice %arg11[%dma_start3A_535, %dma_start3A_536] : memref<10112x128xf32, #tpu.memory_space<vmem_shared>> -> memref<10112x128xf32, #tpu.memory_space<vmem_shared>>
      tpu.enqueue_indirect_dma source(%arg8 : memref<80x128xf32, #tpu.memory_space<vmem>>) target(%dma_start3A_537 : memref<10112x128xf32, #tpu.memory_space<vmem_shared>>) offsets(%dma_start3A_534 : memref<80xi32, #tpu.memory_space<vmem>>) semaphore(%run_scoped3A_531 : memref<!tpu.dma_semaphore, #tpu.memory_space<semaphore_mem>>) {add = true}
      %dma_wait3A_538 = arith.constant 0 : i32
      %dma_wait3A_539 = tpu.memref_slice %arg7[%run_scoped3A_386, %dma_wait3A_538] : memref<65x80xi32, #tpu.memory_space<vmem>> -> memref<1x80xi32, #tpu.memory_space<vmem>>
      %dma_wait3A_540 = tpu.memref_squeeze %dma_wait3A_539 : memref<1x80xi32, #tpu.memory_space<vmem>> -> memref<80xi32, #tpu.memory_space<vmem>>
      %dma_wait3A_541 = arith.constant 0 : i32
      %dma_wait3A_542 = arith.constant 0 : i32
      %dma_wait3A_543 = tpu.memref_slice %arg11[%dma_wait3A_541, %dma_wait3A_542] : memref<10112x128xf32, #tpu.memory_space<vmem_shared>> -> memref<10112x128xf32, #tpu.memory_space<vmem_shared>>
      tpu.wait_indirect_dma semaphore(%run_scoped3A_531 : memref<!tpu.dma_semaphore, #tpu.memory_space<semaphore_mem>>) src(%arg8 : memref<80x128xf32, #tpu.memory_space<vmem>>) dst(%dma_wait3A_543 : memref<10112x128xf32, #tpu.memory_space<vmem_shared>>)
      tpu.yield
    }) : () -> ()
    %dma_wait3A_387 = arith.constant 64 : i32
    %dma_wait3A_388 = arith.constant 0 : i32
    %dma_wait3A_389 = tpu.memref_slice %arg6[%dma_wait3A_387, %dma_wait3A_388] : memref<65x80xi32, #tpu.memory_space<vmem>> -> memref<1x80xi32, #tpu.memory_space<vmem>>
    %dma_wait3A_390 = tpu.memref_squeeze %dma_wait3A_389 : memref<1x80xi32, #tpu.memory_space<vmem>> -> memref<80xi32, #tpu.memory_space<vmem>>
    %dma_wait3A_391 = arith.constant 0 : i32
    %dma_wait3A_392 = arith.constant 0 : i32
    %dma_wait3A_393 = tpu.memref_slice %arg2[%dma_wait3A_391, %dma_wait3A_392] : memref<40000x128xf32, #tpu.memory_space<hbm>> -> memref<40000x128xf32, #tpu.memory_space<hbm>>
    tpu.wait_indirect_dma semaphore(%arg13 : memref<!tpu.dma_semaphore, #tpu.memory_space<semaphore_mem>>) src(%dma_wait3A_393 : memref<40000x128xf32, #tpu.memory_space<hbm>>) dst(%arg9 : memref<80x128xf32, #tpu.memory_space<vmem>>)
    %dma_wait3A_394 = arith.constant 64 : i32
    %dma_wait3A_395 = arith.constant 0 : i32
    %dma_wait3A_396 = tpu.memref_slice %arg6[%dma_wait3A_394, %dma_wait3A_395] : memref<65x80xi32, #tpu.memory_space<vmem>> -> memref<1x80xi32, #tpu.memory_space<vmem>>
    %dma_wait3A_397 = tpu.memref_squeeze %dma_wait3A_396 : memref<1x80xi32, #tpu.memory_space<vmem>> -> memref<80xi32, #tpu.memory_space<vmem>>
    %dma_wait3A_398 = arith.constant 0 : i32
    %dma_wait3A_399 = arith.constant 0 : i32
    %dma_wait3A_400 = tpu.memref_slice %arg2[%dma_wait3A_398, %dma_wait3A_399] : memref<40000x128xf32, #tpu.memory_space<hbm>> -> memref<40000x128xf32, #tpu.memory_space<hbm>>
    tpu.wait_indirect_dma semaphore(%arg14 : memref<!tpu.dma_semaphore, #tpu.memory_space<semaphore_mem>>) src(%dma_wait3A_400 : memref<40000x128xf32, #tpu.memory_space<hbm>>) dst(%arg10 : memref<80x128xf32, #tpu.memory_space<vmem>>)
    %run_scoped3A_401 = arith.constant 1 : i32
    "tpu.region"() ({
      %run_scoped3A_531 = tpu.sem_alloc : memref<!tpu.dma_semaphore, #tpu.memory_space<semaphore_mem>>
      %dma_start3A_532 = arith.constant 0 : i32
      %dma_start3A_533 = arith.constant 0 : i32
      %dma_start3A_534 = tpu.memref_slice %arg3[%add3A_265, %arg1, %run_scoped3A_401, %dma_start3A_532, %dma_start3A_533] : memref<4x16x2x65x80xi32, #tpu.memory_space<hbm>> -> memref<1x1x1x65x80xi32, #tpu.memory_space<hbm>>
      %dma_start3A_535 = tpu.memref_squeeze %dma_start3A_534 : memref<1x1x1x65x80xi32, #tpu.memory_space<hbm>> -> memref<65x80xi32, #tpu.memory_space<hbm>>
      %dma_start3A_536 = arith.constant 0 : i32
      %dma_start3A_537 = arith.constant 0 : i32
      %dma_start3A_538 = tpu.memref_slice %arg3[%add3A_265, %arg1, %run_scoped3A_401, %dma_start3A_536, %dma_start3A_537] : memref<4x16x2x65x80xi32, #tpu.memory_space<hbm>> -> memref<1x1x1x65x80xi32, #tpu.memory_space<hbm>>
      %dma_start3A_539 = tpu.memref_squeeze %dma_start3A_538 : memref<1x1x1x65x80xi32, #tpu.memory_space<hbm>> -> memref<65x80xi32, #tpu.memory_space<hbm>>
      tpu.enqueue_dma source(%dma_start3A_539 : memref<65x80xi32, #tpu.memory_space<hbm>>) target(%arg6 : memref<65x80xi32, #tpu.memory_space<vmem>>) target_semaphore(%run_scoped3A_531 : memref<!tpu.dma_semaphore, #tpu.memory_space<semaphore_mem>>)
      %dma_wait3A_540 = arith.constant 0 : i32
      %dma_wait3A_541 = arith.constant 0 : i32
      %dma_wait3A_542 = tpu.memref_slice %arg3[%add3A_265, %arg1, %run_scoped3A_401, %dma_wait3A_540, %dma_wait3A_541] : memref<4x16x2x65x80xi32, #tpu.memory_space<hbm>> -> memref<1x1x1x65x80xi32, #tpu.memory_space<hbm>>
      %dma_wait3A_543 = tpu.memref_squeeze %dma_wait3A_542 : memref<1x1x1x65x80xi32, #tpu.memory_space<hbm>> -> memref<65x80xi32, #tpu.memory_space<hbm>>
      %dma_wait3A_544 = arith.constant 0 : i32
      %dma_wait3A_545 = arith.constant 0 : i32
      %dma_wait3A_546 = tpu.memref_slice %arg3[%add3A_265, %arg1, %run_scoped3A_401, %dma_wait3A_544, %dma_wait3A_545] : memref<4x16x2x65x80xi32, #tpu.memory_space<hbm>> -> memref<1x1x1x65x80xi32, #tpu.memory_space<hbm>>
      %dma_wait3A_547 = tpu.memref_squeeze %dma_wait3A_546 : memref<1x1x1x65x80xi32, #tpu.memory_space<hbm>> -> memref<65x80xi32, #tpu.memory_space<hbm>>
      tpu.wait_dma2 semaphore(%run_scoped3A_531 : memref<!tpu.dma_semaphore, #tpu.memory_space<semaphore_mem>>) src(%dma_wait3A_547 : memref<65x80xi32, #tpu.memory_space<hbm>>) dst(%arg6 : memref<65x80xi32, #tpu.memory_space<vmem>>)
      tpu.yield
    }) : () -> ()
    %run_scoped3A_402 = arith.constant 1 : i32
    "tpu.region"() ({
      %run_scoped3A_531 = tpu.sem_alloc : memref<!tpu.dma_semaphore, #tpu.memory_space<semaphore_mem>>
      %dma_start3A_532 = arith.constant 0 : i32
      %dma_start3A_533 = arith.constant 0 : i32
      %dma_start3A_534 = tpu.memref_slice %arg4[%add3A_265, %arg1, %run_scoped3A_402, %dma_start3A_532, %dma_start3A_533] : memref<4x16x2x65x80xi32, #tpu.memory_space<hbm>> -> memref<1x1x1x65x80xi32, #tpu.memory_space<hbm>>
      %dma_start3A_535 = tpu.memref_squeeze %dma_start3A_534 : memref<1x1x1x65x80xi32, #tpu.memory_space<hbm>> -> memref<65x80xi32, #tpu.memory_space<hbm>>
      %dma_start3A_536 = arith.constant 0 : i32
      %dma_start3A_537 = arith.constant 0 : i32
      %dma_start3A_538 = tpu.memref_slice %arg4[%add3A_265, %arg1, %run_scoped3A_402, %dma_start3A_536, %dma_start3A_537] : memref<4x16x2x65x80xi32, #tpu.memory_space<hbm>> -> memref<1x1x1x65x80xi32, #tpu.memory_space<hbm>>
      %dma_start3A_539 = tpu.memref_squeeze %dma_start3A_538 : memref<1x1x1x65x80xi32, #tpu.memory_space<hbm>> -> memref<65x80xi32, #tpu.memory_space<hbm>>
      tpu.enqueue_dma source(%dma_start3A_539 : memref<65x80xi32, #tpu.memory_space<hbm>>) target(%arg7 : memref<65x80xi32, #tpu.memory_space<vmem>>) target_semaphore(%run_scoped3A_531 : memref<!tpu.dma_semaphore, #tpu.memory_space<semaphore_mem>>)
      %dma_wait3A_540 = arith.constant 0 : i32
      %dma_wait3A_541 = arith.constant 0 : i32
      %dma_wait3A_542 = tpu.memref_slice %arg4[%add3A_265, %arg1, %run_scoped3A_402, %dma_wait3A_540, %dma_wait3A_541] : memref<4x16x2x65x80xi32, #tpu.memory_space<hbm>> -> memref<1x1x1x65x80xi32, #tpu.memory_space<hbm>>
      %dma_wait3A_543 = tpu.memref_squeeze %dma_wait3A_542 : memref<1x1x1x65x80xi32, #tpu.memory_space<hbm>> -> memref<65x80xi32, #tpu.memory_space<hbm>>
      %dma_wait3A_544 = arith.constant 0 : i32
      %dma_wait3A_545 = arith.constant 0 : i32
      %dma_wait3A_546 = tpu.memref_slice %arg4[%add3A_265, %arg1, %run_scoped3A_402, %dma_wait3A_544, %dma_wait3A_545] : memref<4x16x2x65x80xi32, #tpu.memory_space<hbm>> -> memref<1x1x1x65x80xi32, #tpu.memory_space<hbm>>
      %dma_wait3A_547 = tpu.memref_squeeze %dma_wait3A_546 : memref<1x1x1x65x80xi32, #tpu.memory_space<hbm>> -> memref<65x80xi32, #tpu.memory_space<hbm>>
      tpu.wait_dma2 semaphore(%run_scoped3A_531 : memref<!tpu.dma_semaphore, #tpu.memory_space<semaphore_mem>>) src(%dma_wait3A_547 : memref<65x80xi32, #tpu.memory_space<hbm>>) dst(%arg7 : memref<65x80xi32, #tpu.memory_space<vmem>>)
      tpu.yield
    }) : () -> ()
    %dma_start3A_403 = arith.constant 0 : i32
    %dma_start3A_404 = arith.constant 0 : i32
    %dma_start3A_405 = tpu.memref_slice %arg6[%dma_start3A_403, %dma_start3A_404] : memref<65x80xi32, #tpu.memory_space<vmem>> -> memref<1x80xi32, #tpu.memory_space<vmem>>
    %dma_start3A_406 = tpu.memref_squeeze %dma_start3A_405 : memref<1x80xi32, #tpu.memory_space<vmem>> -> memref<80xi32, #tpu.memory_space<vmem>>
    %dma_start3A_407 = arith.constant 0 : i32
    %dma_start3A_408 = arith.constant 0 : i32
    %dma_start3A_409 = tpu.memref_slice %arg2[%dma_start3A_407, %dma_start3A_408] : memref<40000x128xf32, #tpu.memory_space<hbm>> -> memref<40000x128xf32, #tpu.memory_space<hbm>>
    tpu.enqueue_indirect_dma source(%dma_start3A_409 : memref<40000x128xf32, #tpu.memory_space<hbm>>) target(%arg8 : memref<80x128xf32, #tpu.memory_space<vmem>>) offsets(%dma_start3A_406 : memref<80xi32, #tpu.memory_space<vmem>>) semaphore(%arg12 : memref<!tpu.dma_semaphore, #tpu.memory_space<semaphore_mem>>)
    %dma_start3A_410 = arith.constant 1 : i32
    %dma_start3A_411 = arith.constant 0 : i32
    %dma_start3A_412 = tpu.memref_slice %arg6[%dma_start3A_410, %dma_start3A_411] : memref<65x80xi32, #tpu.memory_space<vmem>> -> memref<1x80xi32, #tpu.memory_space<vmem>>
    %dma_start3A_413 = tpu.memref_squeeze %dma_start3A_412 : memref<1x80xi32, #tpu.memory_space<vmem>> -> memref<80xi32, #tpu.memory_space<vmem>>
    %dma_start3A_414 = arith.constant 0 : i32
    %dma_start3A_415 = arith.constant 0 : i32
    %dma_start3A_416 = tpu.memref_slice %arg2[%dma_start3A_414, %dma_start3A_415] : memref<40000x128xf32, #tpu.memory_space<hbm>> -> memref<40000x128xf32, #tpu.memory_space<hbm>>
    tpu.enqueue_indirect_dma source(%dma_start3A_416 : memref<40000x128xf32, #tpu.memory_space<hbm>>) target(%arg9 : memref<80x128xf32, #tpu.memory_space<vmem>>) offsets(%dma_start3A_413 : memref<80xi32, #tpu.memory_space<vmem>>) semaphore(%arg13 : memref<!tpu.dma_semaphore, #tpu.memory_space<semaphore_mem>>)
    %scan3A_417 = arith.constant 0 : i32
    %scan3A_418 = arith.constant 0 : i32
    %scan3A_419 = arith.constant 20 : i32
    %scan3A_420 = arith.addi %scan3A_418, %scan3A_419 : i32
    %scan3A_421 = arith.constant 1 : i32
    scf.for %scan3A_531 = %scan3A_418 to %scan3A_420 step %scan3A_421  : i32 {
      %mul3A_532 = arith.constant 3 : i32
      %mul3A_533 = arith.muli %mul3A_532, %scan3A_531 : i32
      %add3A_534 = arith.constant 0 : i32
      %add3A_535 = arith.addi %mul3A_533, %add3A_534 : i32
      %add3A_536 = arith.constant 2 : i32
      %add3A_537 = arith.addi %add3A_535, %add3A_536 : i32
      %dma_start3A_538 = arith.constant 0 : i32
      %dma_start3A_539 = tpu.memref_slice %arg6[%add3A_537, %dma_start3A_538] : memref<65x80xi32, #tpu.memory_space<vmem>> -> memref<1x80xi32, #tpu.memory_space<vmem>>
      %dma_start3A_540 = tpu.memref_squeeze %dma_start3A_539 : memref<1x80xi32, #tpu.memory_space<vmem>> -> memref<80xi32, #tpu.memory_space<vmem>>
      %dma_start3A_541 = arith.constant 0 : i32
      %dma_start3A_542 = arith.constant 0 : i32
      %dma_start3A_543 = tpu.memref_slice %arg2[%dma_start3A_541, %dma_start3A_542] : memref<40000x128xf32, #tpu.memory_space<hbm>> -> memref<40000x128xf32, #tpu.memory_space<hbm>>
      tpu.enqueue_indirect_dma source(%dma_start3A_543 : memref<40000x128xf32, #tpu.memory_space<hbm>>) target(%arg10 : memref<80x128xf32, #tpu.memory_space<vmem>>) offsets(%dma_start3A_540 : memref<80xi32, #tpu.memory_space<vmem>>) semaphore(%arg14 : memref<!tpu.dma_semaphore, #tpu.memory_space<semaphore_mem>>)
      %dma_wait3A_544 = arith.constant 0 : i32
      %dma_wait3A_545 = tpu.memref_slice %arg6[%add3A_535, %dma_wait3A_544] : memref<65x80xi32, #tpu.memory_space<vmem>> -> memref<1x80xi32, #tpu.memory_space<vmem>>
      %dma_wait3A_546 = tpu.memref_squeeze %dma_wait3A_545 : memref<1x80xi32, #tpu.memory_space<vmem>> -> memref<80xi32, #tpu.memory_space<vmem>>
      %dma_wait3A_547 = arith.constant 0 : i32
      %dma_wait3A_548 = arith.constant 0 : i32
      %dma_wait3A_549 = tpu.memref_slice %arg2[%dma_wait3A_547, %dma_wait3A_548] : memref<40000x128xf32, #tpu.memory_space<hbm>> -> memref<40000x128xf32, #tpu.memory_space<hbm>>
      tpu.wait_indirect_dma semaphore(%arg12 : memref<!tpu.dma_semaphore, #tpu.memory_space<semaphore_mem>>) src(%dma_wait3A_549 : memref<40000x128xf32, #tpu.memory_space<hbm>>) dst(%arg8 : memref<80x128xf32, #tpu.memory_space<vmem>>)
      "tpu.region"() ({
        %run_scoped3A_586 = tpu.sem_alloc : memref<!tpu.dma_semaphore, #tpu.memory_space<semaphore_mem>>
        %dma_start3A_587 = arith.constant 0 : i32
        %dma_start3A_588 = tpu.memref_slice %arg7[%add3A_535, %dma_start3A_587] : memref<65x80xi32, #tpu.memory_space<vmem>> -> memref<1x80xi32, #tpu.memory_space<vmem>>
        %dma_start3A_589 = tpu.memref_squeeze %dma_start3A_588 : memref<1x80xi32, #tpu.memory_space<vmem>> -> memref<80xi32, #tpu.memory_space<vmem>>
        %dma_start3A_590 = arith.constant 0 : i32
        %dma_start3A_591 = arith.constant 0 : i32
        %dma_start3A_592 = tpu.memref_slice %arg11[%dma_start3A_590, %dma_start3A_591] : memref<10112x128xf32, #tpu.memory_space<vmem_shared>> -> memref<10112x128xf32, #tpu.memory_space<vmem_shared>>
        tpu.enqueue_indirect_dma source(%arg8 : memref<80x128xf32, #tpu.memory_space<vmem>>) target(%dma_start3A_592 : memref<10112x128xf32, #tpu.memory_space<vmem_shared>>) offsets(%dma_start3A_589 : memref<80xi32, #tpu.memory_space<vmem>>) semaphore(%run_scoped3A_586 : memref<!tpu.dma_semaphore, #tpu.memory_space<semaphore_mem>>) {add = true}
        %dma_wait3A_593 = arith.constant 0 : i32
        %dma_wait3A_594 = tpu.memref_slice %arg7[%add3A_535, %dma_wait3A_593] : memref<65x80xi32, #tpu.memory_space<vmem>> -> memref<1x80xi32, #tpu.memory_space<vmem>>
        %dma_wait3A_595 = tpu.memref_squeeze %dma_wait3A_594 : memref<1x80xi32, #tpu.memory_space<vmem>> -> memref<80xi32, #tpu.memory_space<vmem>>
        %dma_wait3A_596 = arith.constant 0 : i32
        %dma_wait3A_597 = arith.constant 0 : i32
        %dma_wait3A_598 = tpu.memref_slice %arg11[%dma_wait3A_596, %dma_wait3A_597] : memref<10112x128xf32, #tpu.memory_space<vmem_shared>> -> memref<10112x128xf32, #tpu.memory_space<vmem_shared>>
        tpu.wait_indirect_dma semaphore(%run_scoped3A_586 : memref<!tpu.dma_semaphore, #tpu.memory_space<semaphore_mem>>) src(%arg8 : memref<80x128xf32, #tpu.memory_space<vmem>>) dst(%dma_wait3A_598 : memref<10112x128xf32, #tpu.memory_space<vmem_shared>>)
        tpu.yield
      }) : () -> ()
      %mul3A_550 = arith.constant 3 : i32
      %mul3A_551 = arith.muli %mul3A_550, %scan3A_531 : i32
      %add3A_552 = arith.constant 1 : i32
      %add3A_553 = arith.addi %mul3A_551, %add3A_552 : i32
      %add3A_554 = arith.constant 2 : i32
      %add3A_555 = arith.addi %add3A_553, %add3A_554 : i32
      %dma_start3A_556 = arith.constant 0 : i32
      %dma_start3A_557 = tpu.memref_slice %arg6[%add3A_555, %dma_start3A_556] : memref<65x80xi32, #tpu.memory_space<vmem>> -> memref<1x80xi32, #tpu.memory_space<vmem>>
      %dma_start3A_558 = tpu.memref_squeeze %dma_start3A_557 : memref<1x80xi32, #tpu.memory_space<vmem>> -> memref<80xi32, #tpu.memory_space<vmem>>
      %dma_start3A_559 = arith.constant 0 : i32
      %dma_start3A_560 = arith.constant 0 : i32
      %dma_start3A_561 = tpu.memref_slice %arg2[%dma_start3A_559, %dma_start3A_560] : memref<40000x128xf32, #tpu.memory_space<hbm>> -> memref<40000x128xf32, #tpu.memory_space<hbm>>
      tpu.enqueue_indirect_dma source(%dma_start3A_561 : memref<40000x128xf32, #tpu.memory_space<hbm>>) target(%arg8 : memref<80x128xf32, #tpu.memory_space<vmem>>) offsets(%dma_start3A_558 : memref<80xi32, #tpu.memory_space<vmem>>) semaphore(%arg12 : memref<!tpu.dma_semaphore, #tpu.memory_space<semaphore_mem>>)
      %dma_wait3A_562 = arith.constant 0 : i32
      %dma_wait3A_563 = tpu.memref_slice %arg6[%add3A_553, %dma_wait3A_562] : memref<65x80xi32, #tpu.memory_space<vmem>> -> memref<1x80xi32, #tpu.memory_space<vmem>>
      %dma_wait3A_564 = tpu.memref_squeeze %dma_wait3A_563 : memref<1x80xi32, #tpu.memory_space<vmem>> -> memref<80xi32, #tpu.memory_space<vmem>>
      %dma_wait3A_565 = arith.constant 0 : i32
      %dma_wait3A_566 = arith.constant 0 : i32
      %dma_wait3A_567 = tpu.memref_slice %arg2[%dma_wait3A_565, %dma_wait3A_566] : memref<40000x128xf32, #tpu.memory_space<hbm>> -> memref<40000x128xf32, #tpu.memory_space<hbm>>
      tpu.wait_indirect_dma semaphore(%arg13 : memref<!tpu.dma_semaphore, #tpu.memory_space<semaphore_mem>>) src(%dma_wait3A_567 : memref<40000x128xf32, #tpu.memory_space<hbm>>) dst(%arg9 : memref<80x128xf32, #tpu.memory_space<vmem>>)
      "tpu.region"() ({
        %run_scoped3A_586 = tpu.sem_alloc : memref<!tpu.dma_semaphore, #tpu.memory_space<semaphore_mem>>
        %dma_start3A_587 = arith.constant 0 : i32
        %dma_start3A_588 = tpu.memref_slice %arg7[%add3A_553, %dma_start3A_587] : memref<65x80xi32, #tpu.memory_space<vmem>> -> memref<1x80xi32, #tpu.memory_space<vmem>>
        %dma_start3A_589 = tpu.memref_squeeze %dma_start3A_588 : memref<1x80xi32, #tpu.memory_space<vmem>> -> memref<80xi32, #tpu.memory_space<vmem>>
        %dma_start3A_590 = arith.constant 0 : i32
        %dma_start3A_591 = arith.constant 0 : i32
        %dma_start3A_592 = tpu.memref_slice %arg11[%dma_start3A_590, %dma_start3A_591] : memref<10112x128xf32, #tpu.memory_space<vmem_shared>> -> memref<10112x128xf32, #tpu.memory_space<vmem_shared>>
        tpu.enqueue_indirect_dma source(%arg9 : memref<80x128xf32, #tpu.memory_space<vmem>>) target(%dma_start3A_592 : memref<10112x128xf32, #tpu.memory_space<vmem_shared>>) offsets(%dma_start3A_589 : memref<80xi32, #tpu.memory_space<vmem>>) semaphore(%run_scoped3A_586 : memref<!tpu.dma_semaphore, #tpu.memory_space<semaphore_mem>>) {add = true}
        %dma_wait3A_593 = arith.constant 0 : i32
        %dma_wait3A_594 = tpu.memref_slice %arg7[%add3A_553, %dma_wait3A_593] : memref<65x80xi32, #tpu.memory_space<vmem>> -> memref<1x80xi32, #tpu.memory_space<vmem>>
        %dma_wait3A_595 = tpu.memref_squeeze %dma_wait3A_594 : memref<1x80xi32, #tpu.memory_space<vmem>> -> memref<80xi32, #tpu.memory_space<vmem>>
        %dma_wait3A_596 = arith.constant 0 : i32
        %dma_wait3A_597 = arith.constant 0 : i32
        %dma_wait3A_598 = tpu.memref_slice %arg11[%dma_wait3A_596, %dma_wait3A_597] : memref<10112x128xf32, #tpu.memory_space<vmem_shared>> -> memref<10112x128xf32, #tpu.memory_space<vmem_shared>>
        tpu.wait_indirect_dma semaphore(%run_scoped3A_586 : memref<!tpu.dma_semaphore, #tpu.memory_space<semaphore_mem>>) src(%arg9 : memref<80x128xf32, #tpu.memory_space<vmem>>) dst(%dma_wait3A_598 : memref<10112x128xf32, #tpu.memory_space<vmem_shared>>)
        tpu.yield
      }) : () -> ()
      %mul3A_568 = arith.constant 3 : i32
      %mul3A_569 = arith.muli %mul3A_568, %scan3A_531 : i32
      %add3A_570 = arith.constant 2 : i32
      %add3A_571 = arith.addi %mul3A_569, %add3A_570 : i32
      %add3A_572 = arith.constant 2 : i32
      %add3A_573 = arith.addi %add3A_571, %add3A_572 : i32
      %dma_start3A_574 = arith.constant 0 : i32
      %dma_start3A_575 = tpu.memref_slice %arg6[%add3A_573, %dma_start3A_574] : memref<65x80xi32, #tpu.memory_space<vmem>> -> memref<1x80xi32, #tpu.memory_space<vmem>>
      %dma_start3A_576 = tpu.memref_squeeze %dma_start3A_575 : memref<1x80xi32, #tpu.memory_space<vmem>> -> memref<80xi32, #tpu.memory_space<vmem>>
      %dma_start3A_577 = arith.constant 0 : i32
      %dma_start3A_578 = arith.constant 0 : i32
      %dma_start3A_579 = tpu.memref_slice %arg2[%dma_start3A_577, %dma_start3A_578] : memref<40000x128xf32, #tpu.memory_space<hbm>> -> memref<40000x128xf32, #tpu.memory_space<hbm>>
      tpu.enqueue_indirect_dma source(%dma_start3A_579 : memref<40000x128xf32, #tpu.memory_space<hbm>>) target(%arg9 : memref<80x128xf32, #tpu.memory_space<vmem>>) offsets(%dma_start3A_576 : memref<80xi32, #tpu.memory_space<vmem>>) semaphore(%arg13 : memref<!tpu.dma_semaphore, #tpu.memory_space<semaphore_mem>>)
      %dma_wait3A_580 = arith.constant 0 : i32
      %dma_wait3A_581 = tpu.memref_slice %arg6[%add3A_571, %dma_wait3A_580] : memref<65x80xi32, #tpu.memory_space<vmem>> -> memref<1x80xi32, #tpu.memory_space<vmem>>
      %dma_wait3A_582 = tpu.memref_squeeze %dma_wait3A_581 : memref<1x80xi32, #tpu.memory_space<vmem>> -> memref<80xi32, #tpu.memory_space<vmem>>
      %dma_wait3A_583 = arith.constant 0 : i32
      %dma_wait3A_584 = arith.constant 0 : i32
      %dma_wait3A_585 = tpu.memref_slice %arg2[%dma_wait3A_583, %dma_wait3A_584] : memref<40000x128xf32, #tpu.memory_space<hbm>> -> memref<40000x128xf32, #tpu.memory_space<hbm>>
      tpu.wait_indirect_dma semaphore(%arg14 : memref<!tpu.dma_semaphore, #tpu.memory_space<semaphore_mem>>) src(%dma_wait3A_585 : memref<40000x128xf32, #tpu.memory_space<hbm>>) dst(%arg10 : memref<80x128xf32, #tpu.memory_space<vmem>>)
      "tpu.region"() ({
        %run_scoped3A_586 = tpu.sem_alloc : memref<!tpu.dma_semaphore, #tpu.memory_space<semaphore_mem>>
        %dma_start3A_587 = arith.constant 0 : i32
        %dma_start3A_588 = tpu.memref_slice %arg7[%add3A_571, %dma_start3A_587] : memref<65x80xi32, #tpu.memory_space<vmem>> -> memref<1x80xi32, #tpu.memory_space<vmem>>
        %dma_start3A_589 = tpu.memref_squeeze %dma_start3A_588 : memref<1x80xi32, #tpu.memory_space<vmem>> -> memref<80xi32, #tpu.memory_space<vmem>>
        %dma_start3A_590 = arith.constant 0 : i32
        %dma_start3A_591 = arith.constant 0 : i32
        %dma_start3A_592 = tpu.memref_slice %arg11[%dma_start3A_590, %dma_start3A_591] : memref<10112x128xf32, #tpu.memory_space<vmem_shared>> -> memref<10112x128xf32, #tpu.memory_space<vmem_shared>>
        tpu.enqueue_indirect_dma source(%arg10 : memref<80x128xf32, #tpu.memory_space<vmem>>) target(%dma_start3A_592 : memref<10112x128xf32, #tpu.memory_space<vmem_shared>>) offsets(%dma_start3A_589 : memref<80xi32, #tpu.memory_space<vmem>>) semaphore(%run_scoped3A_586 : memref<!tpu.dma_semaphore, #tpu.memory_space<semaphore_mem>>) {add = true}
        %dma_wait3A_593 = arith.constant 0 : i32
        %dma_wait3A_594 = tpu.memref_slice %arg7[%add3A_571, %dma_wait3A_593] : memref<65x80xi32, #tpu.memory_space<vmem>> -> memref<1x80xi32, #tpu.memory_space<vmem>>
        %dma_wait3A_595 = tpu.memref_squeeze %dma_wait3A_594 : memref<1x80xi32, #tpu.memory_space<vmem>> -> memref<80xi32, #tpu.memory_space<vmem>>
        %dma_wait3A_596 = arith.constant 0 : i32
        %dma_wait3A_597 = arith.constant 0 : i32
        %dma_wait3A_598 = tpu.memref_slice %arg11[%dma_wait3A_596, %dma_wait3A_597] : memref<10112x128xf32, #tpu.memory_space<vmem_shared>> -> memref<10112x128xf32, #tpu.memory_space<vmem_shared>>
        tpu.wait_indirect_dma semaphore(%run_scoped3A_586 : memref<!tpu.dma_semaphore, #tpu.memory_space<semaphore_mem>>) src(%arg10 : memref<80x128xf32, #tpu.memory_space<vmem>>) dst(%dma_wait3A_598 : memref<10112x128xf32, #tpu.memory_space<vmem_shared>>)
        tpu.yield
      }) : () -> ()
    }
    %scan3A_422 = arith.constant 20 : i32
    %dma_start3A_423 = arith.constant 62 : i32
    %dma_start3A_424 = arith.constant 0 : i32
    %dma_start3A_425 = tpu.memref_slice %arg6[%dma_start3A_423, %dma_start3A_424] : memref<65x80xi32, #tpu.memory_space<vmem>> -> memref<1x80xi32, #tpu.memory_space<vmem>>
    %dma_start3A_426 = tpu.memref_squeeze %dma_start3A_425 : memref<1x80xi32, #tpu.memory_space<vmem>> -> memref<80xi32, #tpu.memory_space<vmem>>
    %dma_start3A_427 = arith.constant 0 : i32
    %dma_start3A_428 = arith.constant 0 : i32
    %dma_start3A_429 = tpu.memref_slice %arg2[%dma_start3A_427, %dma_start3A_428] : memref<40000x128xf32, #tpu.memory_space<hbm>> -> memref<40000x128xf32, #tpu.memory_space<hbm>>
    tpu.enqueue_indirect_dma source(%dma_start3A_429 : memref<40000x128xf32, #tpu.memory_space<hbm>>) target(%arg10 : memref<80x128xf32, #tpu.memory_space<vmem>>) offsets(%dma_start3A_426 : memref<80xi32, #tpu.memory_space<vmem>>) semaphore(%arg14 : memref<!tpu.dma_semaphore, #tpu.memory_space<semaphore_mem>>)
    %dma_wait3A_430 = arith.constant 60 : i32
    %dma_wait3A_431 = arith.constant 0 : i32
    %dma_wait3A_432 = tpu.memref_slice %arg6[%dma_wait3A_430, %dma_wait3A_431] : memref<65x80xi32, #tpu.memory_space<vmem>> -> memref<1x80xi32, #tpu.memory_space<vmem>>
    %dma_wait3A_433 = tpu.memref_squeeze %dma_wait3A_432 : memref<1x80xi32, #tpu.memory_space<vmem>> -> memref<80xi32, #tpu.memory_space<vmem>>
    %dma_wait3A_434 = arith.constant 0 : i32
    %dma_wait3A_435 = arith.constant 0 : i32
    %dma_wait3A_436 = tpu.memref_slice %arg2[%dma_wait3A_434, %dma_wait3A_435] : memref<40000x128xf32, #tpu.memory_space<hbm>> -> memref<40000x128xf32, #tpu.memory_space<hbm>>
    tpu.wait_indirect_dma semaphore(%arg12 : memref<!tpu.dma_semaphore, #tpu.memory_space<semaphore_mem>>) src(%dma_wait3A_436 : memref<40000x128xf32, #tpu.memory_space<hbm>>) dst(%arg8 : memref<80x128xf32, #tpu.memory_space<vmem>>)
    %run_scoped3A_437 = arith.constant 60 : i32
    "tpu.region"() ({
      %run_scoped3A_531 = tpu.sem_alloc : memref<!tpu.dma_semaphore, #tpu.memory_space<semaphore_mem>>
      %dma_start3A_532 = arith.constant 0 : i32
      %dma_start3A_533 = tpu.memref_slice %arg7[%run_scoped3A_437, %dma_start3A_532] : memref<65x80xi32, #tpu.memory_space<vmem>> -> memref<1x80xi32, #tpu.memory_space<vmem>>
      %dma_start3A_534 = tpu.memref_squeeze %dma_start3A_533 : memref<1x80xi32, #tpu.memory_space<vmem>> -> memref<80xi32, #tpu.memory_space<vmem>>
      %dma_start3A_535 = arith.constant 0 : i32
      %dma_start3A_536 = arith.constant 0 : i32
      %dma_start3A_537 = tpu.memref_slice %arg11[%dma_start3A_535, %dma_start3A_536] : memref<10112x128xf32, #tpu.memory_space<vmem_shared>> -> memref<10112x128xf32, #tpu.memory_space<vmem_shared>>
      tpu.enqueue_indirect_dma source(%arg8 : memref<80x128xf32, #tpu.memory_space<vmem>>) target(%dma_start3A_537 : memref<10112x128xf32, #tpu.memory_space<vmem_shared>>) offsets(%dma_start3A_534 : memref<80xi32, #tpu.memory_space<vmem>>) semaphore(%run_scoped3A_531 : memref<!tpu.dma_semaphore, #tpu.memory_space<semaphore_mem>>) {add = true}
      %dma_wait3A_538 = arith.constant 0 : i32
      %dma_wait3A_539 = tpu.memref_slice %arg7[%run_scoped3A_437, %dma_wait3A_538] : memref<65x80xi32, #tpu.memory_space<vmem>> -> memref<1x80xi32, #tpu.memory_space<vmem>>
      %dma_wait3A_540 = tpu.memref_squeeze %dma_wait3A_539 : memref<1x80xi32, #tpu.memory_space<vmem>> -> memref<80xi32, #tpu.memory_space<vmem>>
      %dma_wait3A_541 = arith.constant 0 : i32
      %dma_wait3A_542 = arith.constant 0 : i32
      %dma_wait3A_543 = tpu.memref_slice %arg11[%dma_wait3A_541, %dma_wait3A_542] : memref<10112x128xf32, #tpu.memory_space<vmem_shared>> -> memref<10112x128xf32, #tpu.memory_space<vmem_shared>>
      tpu.wait_indirect_dma semaphore(%run_scoped3A_531 : memref<!tpu.dma_semaphore, #tpu.memory_space<semaphore_mem>>) src(%arg8 : memref<80x128xf32, #tpu.memory_space<vmem>>) dst(%dma_wait3A_543 : memref<10112x128xf32, #tpu.memory_space<vmem_shared>>)
      tpu.yield
    }) : () -> ()
    %dma_start3A_438 = arith.constant 63 : i32
    %dma_start3A_439 = arith.constant 0 : i32
    %dma_start3A_440 = tpu.memref_slice %arg6[%dma_start3A_438, %dma_start3A_439] : memref<65x80xi32, #tpu.memory_space<vmem>> -> memref<1x80xi32, #tpu.memory_space<vmem>>
    %dma_start3A_441 = tpu.memref_squeeze %dma_start3A_440 : memref<1x80xi32, #tpu.memory_space<vmem>> -> memref<80xi32, #tpu.memory_space<vmem>>
    %dma_start3A_442 = arith.constant 0 : i32
    %dma_start3A_443 = arith.constant 0 : i32
    %dma_start3A_444 = tpu.memref_slice %arg2[%dma_start3A_442, %dma_start3A_443] : memref<40000x128xf32, #tpu.memory_space<hbm>> -> memref<40000x128xf32, #tpu.memory_space<hbm>>
    tpu.enqueue_indirect_dma source(%dma_start3A_444 : memref<40000x128xf32, #tpu.memory_space<hbm>>) target(%arg8 : memref<80x128xf32, #tpu.memory_space<vmem>>) offsets(%dma_start3A_441 : memref<80xi32, #tpu.memory_space<vmem>>) semaphore(%arg12 : memref<!tpu.dma_semaphore, #tpu.memory_space<semaphore_mem>>)
    %dma_wait3A_445 = arith.constant 61 : i32
    %dma_wait3A_446 = arith.constant 0 : i32
    %dma_wait3A_447 = tpu.memref_slice %arg6[%dma_wait3A_445, %dma_wait3A_446] : memref<65x80xi32, #tpu.memory_space<vmem>> -> memref<1x80xi32, #tpu.memory_space<vmem>>
    %dma_wait3A_448 = tpu.memref_squeeze %dma_wait3A_447 : memref<1x80xi32, #tpu.memory_space<vmem>> -> memref<80xi32, #tpu.memory_space<vmem>>
    %dma_wait3A_449 = arith.constant 0 : i32
    %dma_wait3A_450 = arith.constant 0 : i32
    %dma_wait3A_451 = tpu.memref_slice %arg2[%dma_wait3A_449, %dma_wait3A_450] : memref<40000x128xf32, #tpu.memory_space<hbm>> -> memref<40000x128xf32, #tpu.memory_space<hbm>>
    tpu.wait_indirect_dma semaphore(%arg13 : memref<!tpu.dma_semaphore, #tpu.memory_space<semaphore_mem>>) src(%dma_wait3A_451 : memref<40000x128xf32, #tpu.memory_space<hbm>>) dst(%arg9 : memref<80x128xf32, #tpu.memory_space<vmem>>)
    %run_scoped3A_452 = arith.constant 61 : i32
    "tpu.region"() ({
      %run_scoped3A_531 = tpu.sem_alloc : memref<!tpu.dma_semaphore, #tpu.memory_space<semaphore_mem>>
      %dma_start3A_532 = arith.constant 0 : i32
      %dma_start3A_533 = tpu.memref_slice %arg7[%run_scoped3A_452, %dma_start3A_532] : memref<65x80xi32, #tpu.memory_space<vmem>> -> memref<1x80xi32, #tpu.memory_space<vmem>>
      %dma_start3A_534 = tpu.memref_squeeze %dma_start3A_533 : memref<1x80xi32, #tpu.memory_space<vmem>> -> memref<80xi32, #tpu.memory_space<vmem>>
      %dma_start3A_535 = arith.constant 0 : i32
      %dma_start3A_536 = arith.constant 0 : i32
      %dma_start3A_537 = tpu.memref_slice %arg11[%dma_start3A_535, %dma_start3A_536] : memref<10112x128xf32, #tpu.memory_space<vmem_shared>> -> memref<10112x128xf32, #tpu.memory_space<vmem_shared>>
      tpu.enqueue_indirect_dma source(%arg9 : memref<80x128xf32, #tpu.memory_space<vmem>>) target(%dma_start3A_537 : memref<10112x128xf32, #tpu.memory_space<vmem_shared>>) offsets(%dma_start3A_534 : memref<80xi32, #tpu.memory_space<vmem>>) semaphore(%run_scoped3A_531 : memref<!tpu.dma_semaphore, #tpu.memory_space<semaphore_mem>>) {add = true}
      %dma_wait3A_538 = arith.constant 0 : i32
      %dma_wait3A_539 = tpu.memref_slice %arg7[%run_scoped3A_452, %dma_wait3A_538] : memref<65x80xi32, #tpu.memory_space<vmem>> -> memref<1x80xi32, #tpu.memory_space<vmem>>
      %dma_wait3A_540 = tpu.memref_squeeze %dma_wait3A_539 : memref<1x80xi32, #tpu.memory_space<vmem>> -> memref<80xi32, #tpu.memory_space<vmem>>
      %dma_wait3A_541 = arith.constant 0 : i32
      %dma_wait3A_542 = arith.constant 0 : i32
      %dma_wait3A_543 = tpu.memref_slice %arg11[%dma_wait3A_541, %dma_wait3A_542] : memref<10112x128xf32, #tpu.memory_space<vmem_shared>> -> memref<10112x128xf32, #tpu.memory_space<vmem_shared>>
      tpu.wait_indirect_dma semaphore(%run_scoped3A_531 : memref<!tpu.dma_semaphore, #tpu.memory_space<semaphore_mem>>) src(%arg9 : memref<80x128xf32, #tpu.memory_space<vmem>>) dst(%dma_wait3A_543 : memref<10112x128xf32, #tpu.memory_space<vmem_shared>>)
      tpu.yield
    }) : () -> ()
    %dma_start3A_453 = arith.constant 64 : i32
    %dma_start3A_454 = arith.constant 0 : i32
    %dma_start3A_455 = tpu.memref_slice %arg6[%dma_start3A_453, %dma_start3A_454] : memref<65x80xi32, #tpu.memory_space<vmem>> -> memref<1x80xi32, #tpu.memory_space<vmem>>
    %dma_start3A_456 = tpu.memref_squeeze %dma_start3A_455 : memref<1x80xi32, #tpu.memory_space<vmem>> -> memref<80xi32, #tpu.memory_space<vmem>>
    %dma_start3A_457 = arith.constant 0 : i32
    %dma_start3A_458 = arith.constant 0 : i32
    %dma_start3A_459 = tpu.memref_slice %arg2[%dma_start3A_457, %dma_start3A_458] : memref<40000x128xf32, #tpu.memory_space<hbm>> -> memref<40000x128xf32, #tpu.memory_space<hbm>>
    tpu.enqueue_indirect_dma source(%dma_start3A_459 : memref<40000x128xf32, #tpu.memory_space<hbm>>) target(%arg9 : memref<80x128xf32, #tpu.memory_space<vmem>>) offsets(%dma_start3A_456 : memref<80xi32, #tpu.memory_space<vmem>>) semaphore(%arg13 : memref<!tpu.dma_semaphore, #tpu.memory_space<semaphore_mem>>)
    %dma_wait3A_460 = arith.constant 62 : i32
    %dma_wait3A_461 = arith.constant 0 : i32
    %dma_wait3A_462 = tpu.memref_slice %arg6[%dma_wait3A_460, %dma_wait3A_461] : memref<65x80xi32, #tpu.memory_space<vmem>> -> memref<1x80xi32, #tpu.memory_space<vmem>>
    %dma_wait3A_463 = tpu.memref_squeeze %dma_wait3A_462 : memref<1x80xi32, #tpu.memory_space<vmem>> -> memref<80xi32, #tpu.memory_space<vmem>>
    %dma_wait3A_464 = arith.constant 0 : i32
    %dma_wait3A_465 = arith.constant 0 : i32
    %dma_wait3A_466 = tpu.memref_slice %arg2[%dma_wait3A_464, %dma_wait3A_465] : memref<40000x128xf32, #tpu.memory_space<hbm>> -> memref<40000x128xf32, #tpu.memory_space<hbm>>
    tpu.wait_indirect_dma semaphore(%arg14 : memref<!tpu.dma_semaphore, #tpu.memory_space<semaphore_mem>>) src(%dma_wait3A_466 : memref<40000x128xf32, #tpu.memory_space<hbm>>) dst(%arg10 : memref<80x128xf32, #tpu.memory_space<vmem>>)
    %run_scoped3A_467 = arith.constant 62 : i32
    "tpu.region"() ({
      %run_scoped3A_531 = tpu.sem_alloc : memref<!tpu.dma_semaphore, #tpu.memory_space<semaphore_mem>>
      %dma_start3A_532 = arith.constant 0 : i32
      %dma_start3A_533 = tpu.memref_slice %arg7[%run_scoped3A_467, %dma_start3A_532] : memref<65x80xi32, #tpu.memory_space<vmem>> -> memref<1x80xi32, #tpu.memory_space<vmem>>
      %dma_start3A_534 = tpu.memref_squeeze %dma_start3A_533 : memref<1x80xi32, #tpu.memory_space<vmem>> -> memref<80xi32, #tpu.memory_space<vmem>>
      %dma_start3A_535 = arith.constant 0 : i32
      %dma_start3A_536 = arith.constant 0 : i32
      %dma_start3A_537 = tpu.memref_slice %arg11[%dma_start3A_535, %dma_start3A_536] : memref<10112x128xf32, #tpu.memory_space<vmem_shared>> -> memref<10112x128xf32, #tpu.memory_space<vmem_shared>>
      tpu.enqueue_indirect_dma source(%arg10 : memref<80x128xf32, #tpu.memory_space<vmem>>) target(%dma_start3A_537 : memref<10112x128xf32, #tpu.memory_space<vmem_shared>>) offsets(%dma_start3A_534 : memref<80xi32, #tpu.memory_space<vmem>>) semaphore(%run_scoped3A_531 : memref<!tpu.dma_semaphore, #tpu.memory_space<semaphore_mem>>) {add = true}
      %dma_wait3A_538 = arith.constant 0 : i32
      %dma_wait3A_539 = tpu.memref_slice %arg7[%run_scoped3A_467, %dma_wait3A_538] : memref<65x80xi32, #tpu.memory_space<vmem>> -> memref<1x80xi32, #tpu.memory_space<vmem>>
      %dma_wait3A_540 = tpu.memref_squeeze %dma_wait3A_539 : memref<1x80xi32, #tpu.memory_space<vmem>> -> memref<80xi32, #tpu.memory_space<vmem>>
      %dma_wait3A_541 = arith.constant 0 : i32
      %dma_wait3A_542 = arith.constant 0 : i32
      %dma_wait3A_543 = tpu.memref_slice %arg11[%dma_wait3A_541, %dma_wait3A_542] : memref<10112x128xf32, #tpu.memory_space<vmem_shared>> -> memref<10112x128xf32, #tpu.memory_space<vmem_shared>>
      tpu.wait_indirect_dma semaphore(%run_scoped3A_531 : memref<!tpu.dma_semaphore, #tpu.memory_space<semaphore_mem>>) src(%arg10 : memref<80x128xf32, #tpu.memory_space<vmem>>) dst(%dma_wait3A_543 : memref<10112x128xf32, #tpu.memory_space<vmem_shared>>)
      tpu.yield
    }) : () -> ()
    %dma_start3A_468 = arith.constant 64 : i32
    %dma_start3A_469 = arith.constant 0 : i32
    %dma_start3A_470 = tpu.memref_slice %arg6[%dma_start3A_468, %dma_start3A_469] : memref<65x80xi32, #tpu.memory_space<vmem>> -> memref<1x80xi32, #tpu.memory_space<vmem>>
    %dma_start3A_471 = tpu.memref_squeeze %dma_start3A_470 : memref<1x80xi32, #tpu.memory_space<vmem>> -> memref<80xi32, #tpu.memory_space<vmem>>
    %dma_start3A_472 = arith.constant 0 : i32
    %dma_start3A_473 = arith.constant 0 : i32
    %dma_start3A_474 = tpu.memref_slice %arg2[%dma_start3A_472, %dma_start3A_473] : memref<40000x128xf32, #tpu.memory_space<hbm>> -> memref<40000x128xf32, #tpu.memory_space<hbm>>
    tpu.enqueue_indirect_dma source(%dma_start3A_474 : memref<40000x128xf32, #tpu.memory_space<hbm>>) target(%arg10 : memref<80x128xf32, #tpu.memory_space<vmem>>) offsets(%dma_start3A_471 : memref<80xi32, #tpu.memory_space<vmem>>) semaphore(%arg14 : memref<!tpu.dma_semaphore, #tpu.memory_space<semaphore_mem>>)
    %dma_wait3A_475 = arith.constant 63 : i32
    %dma_wait3A_476 = arith.constant 0 : i32
    %dma_wait3A_477 = tpu.memref_slice %arg6[%dma_wait3A_475, %dma_wait3A_476] : memref<65x80xi32, #tpu.memory_space<vmem>> -> memref<1x80xi32, #tpu.memory_space<vmem>>
    %dma_wait3A_478 = tpu.memref_squeeze %dma_wait3A_477 : memref<1x80xi32, #tpu.memory_space<vmem>> -> memref<80xi32, #tpu.memory_space<vmem>>
    %dma_wait3A_479 = arith.constant 0 : i32
    %dma_wait3A_480 = arith.constant 0 : i32
    %dma_wait3A_481 = tpu.memref_slice %arg2[%dma_wait3A_479, %dma_wait3A_480] : memref<40000x128xf32, #tpu.memory_space<hbm>> -> memref<40000x128xf32, #tpu.memory_space<hbm>>
    tpu.wait_indirect_dma semaphore(%arg12 : memref<!tpu.dma_semaphore, #tpu.memory_space<semaphore_mem>>) src(%dma_wait3A_481 : memref<40000x128xf32, #tpu.memory_space<hbm>>) dst(%arg8 : memref<80x128xf32, #tpu.memory_space<vmem>>)
    %run_scoped3A_482 = arith.constant 63 : i32
    "tpu.region"() ({
      %run_scoped3A_531 = tpu.sem_alloc : memref<!tpu.dma_semaphore, #tpu.memory_space<semaphore_mem>>
      %dma_start3A_532 = arith.constant 0 : i32
      %dma_start3A_533 = tpu.memref_slice %arg7[%run_scoped3A_482, %dma_start3A_532] : memref<65x80xi32, #tpu.memory_space<vmem>> -> memref<1x80xi32, #tpu.memory_space<vmem>>
      %dma_start3A_534 = tpu.memref_squeeze %dma_start3A_533 : memref<1x80xi32, #tpu.memory_space<vmem>> -> memref<80xi32, #tpu.memory_space<vmem>>
      %dma_start3A_535 = arith.constant 0 : i32
      %dma_start3A_536 = arith.constant 0 : i32
      %dma_start3A_537 = tpu.memref_slice %arg11[%dma_start3A_535, %dma_start3A_536] : memref<10112x128xf32, #tpu.memory_space<vmem_shared>> -> memref<10112x128xf32, #tpu.memory_space<vmem_shared>>
      tpu.enqueue_indirect_dma source(%arg8 : memref<80x128xf32, #tpu.memory_space<vmem>>) target(%dma_start3A_537 : memref<10112x128xf32, #tpu.memory_space<vmem_shared>>) offsets(%dma_start3A_534 : memref<80xi32, #tpu.memory_space<vmem>>) semaphore(%run_scoped3A_531 : memref<!tpu.dma_semaphore, #tpu.memory_space<semaphore_mem>>) {add = true}
      %dma_wait3A_538 = arith.constant 0 : i32
      %dma_wait3A_539 = tpu.memref_slice %arg7[%run_scoped3A_482, %dma_wait3A_538] : memref<65x80xi32, #tpu.memory_space<vmem>> -> memref<1x80xi32, #tpu.memory_space<vmem>>
      %dma_wait3A_540 = tpu.memref_squeeze %dma_wait3A_539 : memref<1x80xi32, #tpu.memory_space<vmem>> -> memref<80xi32, #tpu.memory_space<vmem>>
      %dma_wait3A_541 = arith.constant 0 : i32
      %dma_wait3A_542 = arith.constant 0 : i32
      %dma_wait3A_543 = tpu.memref_slice %arg11[%dma_wait3A_541, %dma_wait3A_542] : memref<10112x128xf32, #tpu.memory_space<vmem_shared>> -> memref<10112x128xf32, #tpu.memory_space<vmem_shared>>
      tpu.wait_indirect_dma semaphore(%run_scoped3A_531 : memref<!tpu.dma_semaphore, #tpu.memory_space<semaphore_mem>>) src(%arg8 : memref<80x128xf32, #tpu.memory_space<vmem>>) dst(%dma_wait3A_543 : memref<10112x128xf32, #tpu.memory_space<vmem_shared>>)
      tpu.yield
    }) : () -> ()
    %dma_wait3A_483 = arith.constant 64 : i32
    %dma_wait3A_484 = arith.constant 0 : i32
    %dma_wait3A_485 = tpu.memref_slice %arg6[%dma_wait3A_483, %dma_wait3A_484] : memref<65x80xi32, #tpu.memory_space<vmem>> -> memref<1x80xi32, #tpu.memory_space<vmem>>
    %dma_wait3A_486 = tpu.memref_squeeze %dma_wait3A_485 : memref<1x80xi32, #tpu.memory_space<vmem>> -> memref<80xi32, #tpu.memory_space<vmem>>
    %dma_wait3A_487 = arith.constant 0 : i32
    %dma_wait3A_488 = arith.constant 0 : i32
    %dma_wait3A_489 = tpu.memref_slice %arg2[%dma_wait3A_487, %dma_wait3A_488] : memref<40000x128xf32, #tpu.memory_space<hbm>> -> memref<40000x128xf32, #tpu.memory_space<hbm>>
    tpu.wait_indirect_dma semaphore(%arg13 : memref<!tpu.dma_semaphore, #tpu.memory_space<semaphore_mem>>) src(%dma_wait3A_489 : memref<40000x128xf32, #tpu.memory_space<hbm>>) dst(%arg9 : memref<80x128xf32, #tpu.memory_space<vmem>>)
    %dma_wait3A_490 = arith.constant 64 : i32
    %dma_wait3A_491 = arith.constant 0 : i32
    %dma_wait3A_492 = tpu.memref_slice %arg6[%dma_wait3A_490, %dma_wait3A_491] : memref<65x80xi32, #tpu.memory_space<vmem>> -> memref<1x80xi32, #tpu.memory_space<vmem>>
    %dma_wait3A_493 = tpu.memref_squeeze %dma_wait3A_492 : memref<1x80xi32, #tpu.memory_space<vmem>> -> memref<80xi32, #tpu.memory_space<vmem>>
    %dma_wait3A_494 = arith.constant 0 : i32
    %dma_wait3A_495 = arith.constant 0 : i32
    %dma_wait3A_496 = tpu.memref_slice %arg2[%dma_wait3A_494, %dma_wait3A_495] : memref<40000x128xf32, #tpu.memory_space<hbm>> -> memref<40000x128xf32, #tpu.memory_space<hbm>>
    tpu.wait_indirect_dma semaphore(%arg14 : memref<!tpu.dma_semaphore, #tpu.memory_space<semaphore_mem>>) src(%dma_wait3A_496 : memref<40000x128xf32, #tpu.memory_space<hbm>>) dst(%arg10 : memref<80x128xf32, #tpu.memory_space<vmem>>)
    %barrier3A_497 = arith.constant 0 : index
    tpu.barrier barrier_id(%barrier3A_497)
    %mul3A_498 = arith.constant 632 : i32
    %mul3A_499 = arith.muli %arg1, %mul3A_498 : i32
    %add3A_500 = arith.constant 0 : i32
    %add3A_501 = arith.addi %mul3A_499, %add3A_500 : i32
    "tpu.region"() ({
      %run_scoped3A_531 = tpu.sem_alloc : memref<!tpu.dma_semaphore, #tpu.memory_space<semaphore_mem>>
      %dma_start3A_532 = arith.constant 0 : i32
      %dma_start3A_533 = arith.constant 0 : i32
      %dma_start3A_534 = tpu.memref_slice %arg8[%dma_start3A_532, %dma_start3A_533] : memref<80x128xf32, #tpu.memory_space<vmem>> -> memref<80x128xf32, #tpu.memory_space<vmem>>
      %dma_start3A_535 = arith.constant 0 : i32
      %dma_start3A_536 = tpu.memref_slice %arg11[%add3A_501, %dma_start3A_535] : memref<10112x128xf32, #tpu.memory_space<vmem_shared>> -> memref<80x128xf32, #tpu.memory_space<vmem_shared>>
      %dma_start3A_537 = arith.constant 0 : i32
      %dma_start3A_538 = arith.constant 0 : i32
      %dma_start3A_539 = tpu.memref_slice %arg8[%dma_start3A_537, %dma_start3A_538] : memref<80x128xf32, #tpu.memory_space<vmem>> -> memref<80x128xf32, #tpu.memory_space<vmem>>
      %dma_start3A_540 = arith.constant 0 : i32
      %dma_start3A_541 = tpu.memref_slice %arg11[%add3A_501, %dma_start3A_540] : memref<10112x128xf32, #tpu.memory_space<vmem_shared>> -> memref<80x128xf32, #tpu.memory_space<vmem_shared>>
      tpu.enqueue_dma source(%dma_start3A_541 : memref<80x128xf32, #tpu.memory_space<vmem_shared>>) target(%dma_start3A_539 : memref<80x128xf32, #tpu.memory_space<vmem>>) target_semaphore(%run_scoped3A_531 : memref<!tpu.dma_semaphore, #tpu.memory_space<semaphore_mem>>)
      %dma_wait3A_542 = arith.constant 0 : i32
      %dma_wait3A_543 = arith.constant 0 : i32
      %dma_wait3A_544 = tpu.memref_slice %arg8[%dma_wait3A_542, %dma_wait3A_543] : memref<80x128xf32, #tpu.memory_space<vmem>> -> memref<80x128xf32, #tpu.memory_space<vmem>>
      %dma_wait3A_545 = arith.constant 0 : i32
      %dma_wait3A_546 = tpu.memref_slice %arg11[%add3A_501, %dma_wait3A_545] : memref<10112x128xf32, #tpu.memory_space<vmem_shared>> -> memref<80x128xf32, #tpu.memory_space<vmem_shared>>
      %dma_wait3A_547 = arith.constant 0 : i32
      %dma_wait3A_548 = arith.constant 0 : i32
      %dma_wait3A_549 = tpu.memref_slice %arg8[%dma_wait3A_547, %dma_wait3A_548] : memref<80x128xf32, #tpu.memory_space<vmem>> -> memref<80x128xf32, #tpu.memory_space<vmem>>
      %dma_wait3A_550 = arith.constant 0 : i32
      %dma_wait3A_551 = tpu.memref_slice %arg11[%add3A_501, %dma_wait3A_550] : memref<10112x128xf32, #tpu.memory_space<vmem_shared>> -> memref<80x128xf32, #tpu.memory_space<vmem_shared>>
      tpu.wait_dma2 semaphore(%run_scoped3A_531 : memref<!tpu.dma_semaphore, #tpu.memory_space<semaphore_mem>>) src(%dma_wait3A_551 : memref<80x128xf32, #tpu.memory_space<vmem_shared>>) dst(%dma_wait3A_549 : memref<80x128xf32, #tpu.memory_space<vmem>>)
      tpu.yield
    }) : () -> ()
    "tpu.region"() ({
      %run_scoped3A_531 = tpu.sem_alloc : memref<!tpu.dma_semaphore, #tpu.memory_space<semaphore_mem>>
      %dma_start3A_532 = arith.constant 0 : i32
      %dma_start3A_533 = arith.constant 0 : i32
      %dma_start3A_534 = tpu.memref_slice %arg8[%dma_start3A_532, %dma_start3A_533] : memref<80x128xf32, #tpu.memory_space<vmem>> -> memref<80x128xf32, #tpu.memory_space<vmem>>
      %dma_start3A_535 = arith.constant 0 : i32
      %dma_start3A_536 = tpu.memref_slice %arg5[%add3A_265, %add3A_501, %dma_start3A_535] : memref<4x10112x128xf32, #tpu.memory_space<hbm>> -> memref<1x80x128xf32, #tpu.memory_space<hbm>>
      %dma_start3A_537 = tpu.memref_squeeze %dma_start3A_536 : memref<1x80x128xf32, #tpu.memory_space<hbm>> -> memref<80x128xf32, #tpu.memory_space<hbm>>
      %dma_start3A_538 = arith.constant 0 : i32
      %dma_start3A_539 = tpu.memref_slice %arg5[%add3A_265, %add3A_501, %dma_start3A_538] : memref<4x10112x128xf32, #tpu.memory_space<hbm>> -> memref<1x80x128xf32, #tpu.memory_space<hbm>>
      %dma_start3A_540 = tpu.memref_squeeze %dma_start3A_539 : memref<1x80x128xf32, #tpu.memory_space<hbm>> -> memref<80x128xf32, #tpu.memory_space<hbm>>
      %dma_start3A_541 = arith.constant 0 : i32
      %dma_start3A_542 = arith.constant 0 : i32
      %dma_start3A_543 = tpu.memref_slice %arg8[%dma_start3A_541, %dma_start3A_542] : memref<80x128xf32, #tpu.memory_space<vmem>> -> memref<80x128xf32, #tpu.memory_space<vmem>>
      tpu.enqueue_dma source(%dma_start3A_543 : memref<80x128xf32, #tpu.memory_space<vmem>>) target(%dma_start3A_540 : memref<80x128xf32, #tpu.memory_space<hbm>>) target_semaphore(%run_scoped3A_531 : memref<!tpu.dma_semaphore, #tpu.memory_space<semaphore_mem>>)
      %dma_wait3A_544 = arith.constant 0 : i32
      %dma_wait3A_545 = arith.constant 0 : i32
      %dma_wait3A_546 = tpu.memref_slice %arg8[%dma_wait3A_544, %dma_wait3A_545] : memref<80x128xf32, #tpu.memory_space<vmem>> -> memref<80x128xf32, #tpu.memory_space<vmem>>
      %dma_wait3A_547 = arith.constant 0 : i32
      %dma_wait3A_548 = tpu.memref_slice %arg5[%add3A_265, %add3A_501, %dma_wait3A_547] : memref<4x10112x128xf32, #tpu.memory_space<hbm>> -> memref<1x80x128xf32, #tpu.memory_space<hbm>>
      %dma_wait3A_549 = tpu.memref_squeeze %dma_wait3A_548 : memref<1x80x128xf32, #tpu.memory_space<hbm>> -> memref<80x128xf32, #tpu.memory_space<hbm>>
      %dma_wait3A_550 = arith.constant 0 : i32
      %dma_wait3A_551 = tpu.memref_slice %arg5[%add3A_265, %add3A_501, %dma_wait3A_550] : memref<4x10112x128xf32, #tpu.memory_space<hbm>> -> memref<1x80x128xf32, #tpu.memory_space<hbm>>
      %dma_wait3A_552 = tpu.memref_squeeze %dma_wait3A_551 : memref<1x80x128xf32, #tpu.memory_space<hbm>> -> memref<80x128xf32, #tpu.memory_space<hbm>>
      %dma_wait3A_553 = arith.constant 0 : i32
      %dma_wait3A_554 = arith.constant 0 : i32
      %dma_wait3A_555 = tpu.memref_slice %arg8[%dma_wait3A_553, %dma_wait3A_554] : memref<80x128xf32, #tpu.memory_space<vmem>> -> memref<80x128xf32, #tpu.memory_space<vmem>>
      tpu.wait_dma2 semaphore(%run_scoped3A_531 : memref<!tpu.dma_semaphore, #tpu.memory_space<semaphore_mem>>) src(%dma_wait3A_555 : memref<80x128xf32, #tpu.memory_space<vmem>>) dst(%dma_wait3A_552 : memref<80x128xf32, #tpu.memory_space<hbm>>)
      tpu.yield
    }) : () -> ()
    %mul3A_502 = arith.constant 632 : i32
    %mul3A_503 = arith.muli %arg1, %mul3A_502 : i32
    %add3A_504 = arith.constant 80 : i32
    %add3A_505 = arith.addi %mul3A_503, %add3A_504 : i32
    "tpu.region"() ({
      %run_scoped3A_531 = tpu.sem_alloc : memref<!tpu.dma_semaphore, #tpu.memory_space<semaphore_mem>>
      %dma_start3A_532 = arith.constant 0 : i32
      %dma_start3A_533 = arith.constant 0 : i32
      %dma_start3A_534 = tpu.memref_slice %arg8[%dma_start3A_532, %dma_start3A_533] : memref<80x128xf32, #tpu.memory_space<vmem>> -> memref<80x128xf32, #tpu.memory_space<vmem>>
      %dma_start3A_535 = arith.constant 0 : i32
      %dma_start3A_536 = tpu.memref_slice %arg11[%add3A_505, %dma_start3A_535] : memref<10112x128xf32, #tpu.memory_space<vmem_shared>> -> memref<80x128xf32, #tpu.memory_space<vmem_shared>>
      %dma_start3A_537 = arith.constant 0 : i32
      %dma_start3A_538 = arith.constant 0 : i32
      %dma_start3A_539 = tpu.memref_slice %arg8[%dma_start3A_537, %dma_start3A_538] : memref<80x128xf32, #tpu.memory_space<vmem>> -> memref<80x128xf32, #tpu.memory_space<vmem>>
      %dma_start3A_540 = arith.constant 0 : i32
      %dma_start3A_541 = tpu.memref_slice %arg11[%add3A_505, %dma_start3A_540] : memref<10112x128xf32, #tpu.memory_space<vmem_shared>> -> memref<80x128xf32, #tpu.memory_space<vmem_shared>>
      tpu.enqueue_dma source(%dma_start3A_541 : memref<80x128xf32, #tpu.memory_space<vmem_shared>>) target(%dma_start3A_539 : memref<80x128xf32, #tpu.memory_space<vmem>>) target_semaphore(%run_scoped3A_531 : memref<!tpu.dma_semaphore, #tpu.memory_space<semaphore_mem>>)
      %dma_wait3A_542 = arith.constant 0 : i32
      %dma_wait3A_543 = arith.constant 0 : i32
      %dma_wait3A_544 = tpu.memref_slice %arg8[%dma_wait3A_542, %dma_wait3A_543] : memref<80x128xf32, #tpu.memory_space<vmem>> -> memref<80x128xf32, #tpu.memory_space<vmem>>
      %dma_wait3A_545 = arith.constant 0 : i32
      %dma_wait3A_546 = tpu.memref_slice %arg11[%add3A_505, %dma_wait3A_545] : memref<10112x128xf32, #tpu.memory_space<vmem_shared>> -> memref<80x128xf32, #tpu.memory_space<vmem_shared>>
      %dma_wait3A_547 = arith.constant 0 : i32
      %dma_wait3A_548 = arith.constant 0 : i32
      %dma_wait3A_549 = tpu.memref_slice %arg8[%dma_wait3A_547, %dma_wait3A_548] : memref<80x128xf32, #tpu.memory_space<vmem>> -> memref<80x128xf32, #tpu.memory_space<vmem>>
      %dma_wait3A_550 = arith.constant 0 : i32
      %dma_wait3A_551 = tpu.memref_slice %arg11[%add3A_505, %dma_wait3A_550] : memref<10112x128xf32, #tpu.memory_space<vmem_shared>> -> memref<80x128xf32, #tpu.memory_space<vmem_shared>>
      tpu.wait_dma2 semaphore(%run_scoped3A_531 : memref<!tpu.dma_semaphore, #tpu.memory_space<semaphore_mem>>) src(%dma_wait3A_551 : memref<80x128xf32, #tpu.memory_space<vmem_shared>>) dst(%dma_wait3A_549 : memref<80x128xf32, #tpu.memory_space<vmem>>)
      tpu.yield
    }) : () -> ()
    "tpu.region"() ({
      %run_scoped3A_531 = tpu.sem_alloc : memref<!tpu.dma_semaphore, #tpu.memory_space<semaphore_mem>>
      %dma_start3A_532 = arith.constant 0 : i32
      %dma_start3A_533 = arith.constant 0 : i32
      %dma_start3A_534 = tpu.memref_slice %arg8[%dma_start3A_532, %dma_start3A_533] : memref<80x128xf32, #tpu.memory_space<vmem>> -> memref<80x128xf32, #tpu.memory_space<vmem>>
      %dma_start3A_535 = arith.constant 0 : i32
      %dma_start3A_536 = tpu.memref_slice %arg5[%add3A_265, %add3A_505, %dma_start3A_535] : memref<4x10112x128xf32, #tpu.memory_space<hbm>> -> memref<1x80x128xf32, #tpu.memory_space<hbm>>
      %dma_start3A_537 = tpu.memref_squeeze %dma_start3A_536 : memref<1x80x128xf32, #tpu.memory_space<hbm>> -> memref<80x128xf32, #tpu.memory_space<hbm>>
      %dma_start3A_538 = arith.constant 0 : i32
      %dma_start3A_539 = tpu.memref_slice %arg5[%add3A_265, %add3A_505, %dma_start3A_538] : memref<4x10112x128xf32, #tpu.memory_space<hbm>> -> memref<1x80x128xf32, #tpu.memory_space<hbm>>
      %dma_start3A_540 = tpu.memref_squeeze %dma_start3A_539 : memref<1x80x128xf32, #tpu.memory_space<hbm>> -> memref<80x128xf32, #tpu.memory_space<hbm>>
      %dma_start3A_541 = arith.constant 0 : i32
      %dma_start3A_542 = arith.constant 0 : i32
      %dma_start3A_543 = tpu.memref_slice %arg8[%dma_start3A_541, %dma_start3A_542] : memref<80x128xf32, #tpu.memory_space<vmem>> -> memref<80x128xf32, #tpu.memory_space<vmem>>
      tpu.enqueue_dma source(%dma_start3A_543 : memref<80x128xf32, #tpu.memory_space<vmem>>) target(%dma_start3A_540 : memref<80x128xf32, #tpu.memory_space<hbm>>) target_semaphore(%run_scoped3A_531 : memref<!tpu.dma_semaphore, #tpu.memory_space<semaphore_mem>>)
      %dma_wait3A_544 = arith.constant 0 : i32
      %dma_wait3A_545 = arith.constant 0 : i32
      %dma_wait3A_546 = tpu.memref_slice %arg8[%dma_wait3A_544, %dma_wait3A_545] : memref<80x128xf32, #tpu.memory_space<vmem>> -> memref<80x128xf32, #tpu.memory_space<vmem>>
      %dma_wait3A_547 = arith.constant 0 : i32
      %dma_wait3A_548 = tpu.memref_slice %arg5[%add3A_265, %add3A_505, %dma_wait3A_547] : memref<4x10112x128xf32, #tpu.memory_space<hbm>> -> memref<1x80x128xf32, #tpu.memory_space<hbm>>
      %dma_wait3A_549 = tpu.memref_squeeze %dma_wait3A_548 : memref<1x80x128xf32, #tpu.memory_space<hbm>> -> memref<80x128xf32, #tpu.memory_space<hbm>>
      %dma_wait3A_550 = arith.constant 0 : i32
      %dma_wait3A_551 = tpu.memref_slice %arg5[%add3A_265, %add3A_505, %dma_wait3A_550] : memref<4x10112x128xf32, #tpu.memory_space<hbm>> -> memref<1x80x128xf32, #tpu.memory_space<hbm>>
      %dma_wait3A_552 = tpu.memref_squeeze %dma_wait3A_551 : memref<1x80x128xf32, #tpu.memory_space<hbm>> -> memref<80x128xf32, #tpu.memory_space<hbm>>
      %dma_wait3A_553 = arith.constant 0 : i32
      %dma_wait3A_554 = arith.constant 0 : i32
      %dma_wait3A_555 = tpu.memref_slice %arg8[%dma_wait3A_553, %dma_wait3A_554] : memref<80x128xf32, #tpu.memory_space<vmem>> -> memref<80x128xf32, #tpu.memory_space<vmem>>
      tpu.wait_dma2 semaphore(%run_scoped3A_531 : memref<!tpu.dma_semaphore, #tpu.memory_space<semaphore_mem>>) src(%dma_wait3A_555 : memref<80x128xf32, #tpu.memory_space<vmem>>) dst(%dma_wait3A_552 : memref<80x128xf32, #tpu.memory_space<hbm>>)
      tpu.yield
    }) : () -> ()
    %mul3A_506 = arith.constant 632 : i32
    %mul3A_507 = arith.muli %arg1, %mul3A_506 : i32
    %add3A_508 = arith.constant 160 : i32
    %add3A_509 = arith.addi %mul3A_507, %add3A_508 : i32
    "tpu.region"() ({
      %run_scoped3A_531 = tpu.sem_alloc : memref<!tpu.dma_semaphore, #tpu.memory_space<semaphore_mem>>
      %dma_start3A_532 = arith.constant 0 : i32
      %dma_start3A_533 = arith.constant 0 : i32
      %dma_start3A_534 = tpu.memref_slice %arg8[%dma_start3A_532, %dma_start3A_533] : memref<80x128xf32, #tpu.memory_space<vmem>> -> memref<80x128xf32, #tpu.memory_space<vmem>>
      %dma_start3A_535 = arith.constant 0 : i32
      %dma_start3A_536 = tpu.memref_slice %arg11[%add3A_509, %dma_start3A_535] : memref<10112x128xf32, #tpu.memory_space<vmem_shared>> -> memref<80x128xf32, #tpu.memory_space<vmem_shared>>
      %dma_start3A_537 = arith.constant 0 : i32
      %dma_start3A_538 = arith.constant 0 : i32
      %dma_start3A_539 = tpu.memref_slice %arg8[%dma_start3A_537, %dma_start3A_538] : memref<80x128xf32, #tpu.memory_space<vmem>> -> memref<80x128xf32, #tpu.memory_space<vmem>>
      %dma_start3A_540 = arith.constant 0 : i32
      %dma_start3A_541 = tpu.memref_slice %arg11[%add3A_509, %dma_start3A_540] : memref<10112x128xf32, #tpu.memory_space<vmem_shared>> -> memref<80x128xf32, #tpu.memory_space<vmem_shared>>
      tpu.enqueue_dma source(%dma_start3A_541 : memref<80x128xf32, #tpu.memory_space<vmem_shared>>) target(%dma_start3A_539 : memref<80x128xf32, #tpu.memory_space<vmem>>) target_semaphore(%run_scoped3A_531 : memref<!tpu.dma_semaphore, #tpu.memory_space<semaphore_mem>>)
      %dma_wait3A_542 = arith.constant 0 : i32
      %dma_wait3A_543 = arith.constant 0 : i32
      %dma_wait3A_544 = tpu.memref_slice %arg8[%dma_wait3A_542, %dma_wait3A_543] : memref<80x128xf32, #tpu.memory_space<vmem>> -> memref<80x128xf32, #tpu.memory_space<vmem>>
      %dma_wait3A_545 = arith.constant 0 : i32
      %dma_wait3A_546 = tpu.memref_slice %arg11[%add3A_509, %dma_wait3A_545] : memref<10112x128xf32, #tpu.memory_space<vmem_shared>> -> memref<80x128xf32, #tpu.memory_space<vmem_shared>>
      %dma_wait3A_547 = arith.constant 0 : i32
      %dma_wait3A_548 = arith.constant 0 : i32
      %dma_wait3A_549 = tpu.memref_slice %arg8[%dma_wait3A_547, %dma_wait3A_548] : memref<80x128xf32, #tpu.memory_space<vmem>> -> memref<80x128xf32, #tpu.memory_space<vmem>>
      %dma_wait3A_550 = arith.constant 0 : i32
      %dma_wait3A_551 = tpu.memref_slice %arg11[%add3A_509, %dma_wait3A_550] : memref<10112x128xf32, #tpu.memory_space<vmem_shared>> -> memref<80x128xf32, #tpu.memory_space<vmem_shared>>
      tpu.wait_dma2 semaphore(%run_scoped3A_531 : memref<!tpu.dma_semaphore, #tpu.memory_space<semaphore_mem>>) src(%dma_wait3A_551 : memref<80x128xf32, #tpu.memory_space<vmem_shared>>) dst(%dma_wait3A_549 : memref<80x128xf32, #tpu.memory_space<vmem>>)
      tpu.yield
    }) : () -> ()
    "tpu.region"() ({
      %run_scoped3A_531 = tpu.sem_alloc : memref<!tpu.dma_semaphore, #tpu.memory_space<semaphore_mem>>
      %dma_start3A_532 = arith.constant 0 : i32
      %dma_start3A_533 = arith.constant 0 : i32
      %dma_start3A_534 = tpu.memref_slice %arg8[%dma_start3A_532, %dma_start3A_533] : memref<80x128xf32, #tpu.memory_space<vmem>> -> memref<80x128xf32, #tpu.memory_space<vmem>>
      %dma_start3A_535 = arith.constant 0 : i32
      %dma_start3A_536 = tpu.memref_slice %arg5[%add3A_265, %add3A_509, %dma_start3A_535] : memref<4x10112x128xf32, #tpu.memory_space<hbm>> -> memref<1x80x128xf32, #tpu.memory_space<hbm>>
      %dma_start3A_537 = tpu.memref_squeeze %dma_start3A_536 : memref<1x80x128xf32, #tpu.memory_space<hbm>> -> memref<80x128xf32, #tpu.memory_space<hbm>>
      %dma_start3A_538 = arith.constant 0 : i32
      %dma_start3A_539 = tpu.memref_slice %arg5[%add3A_265, %add3A_509, %dma_start3A_538] : memref<4x10112x128xf32, #tpu.memory_space<hbm>> -> memref<1x80x128xf32, #tpu.memory_space<hbm>>
      %dma_start3A_540 = tpu.memref_squeeze %dma_start3A_539 : memref<1x80x128xf32, #tpu.memory_space<hbm>> -> memref<80x128xf32, #tpu.memory_space<hbm>>
      %dma_start3A_541 = arith.constant 0 : i32
      %dma_start3A_542 = arith.constant 0 : i32
      %dma_start3A_543 = tpu.memref_slice %arg8[%dma_start3A_541, %dma_start3A_542] : memref<80x128xf32, #tpu.memory_space<vmem>> -> memref<80x128xf32, #tpu.memory_space<vmem>>
      tpu.enqueue_dma source(%dma_start3A_543 : memref<80x128xf32, #tpu.memory_space<vmem>>) target(%dma_start3A_540 : memref<80x128xf32, #tpu.memory_space<hbm>>) target_semaphore(%run_scoped3A_531 : memref<!tpu.dma_semaphore, #tpu.memory_space<semaphore_mem>>)
      %dma_wait3A_544 = arith.constant 0 : i32
      %dma_wait3A_545 = arith.constant 0 : i32
      %dma_wait3A_546 = tpu.memref_slice %arg8[%dma_wait3A_544, %dma_wait3A_545] : memref<80x128xf32, #tpu.memory_space<vmem>> -> memref<80x128xf32, #tpu.memory_space<vmem>>
      %dma_wait3A_547 = arith.constant 0 : i32
      %dma_wait3A_548 = tpu.memref_slice %arg5[%add3A_265, %add3A_509, %dma_wait3A_547] : memref<4x10112x128xf32, #tpu.memory_space<hbm>> -> memref<1x80x128xf32, #tpu.memory_space<hbm>>
      %dma_wait3A_549 = tpu.memref_squeeze %dma_wait3A_548 : memref<1x80x128xf32, #tpu.memory_space<hbm>> -> memref<80x128xf32, #tpu.memory_space<hbm>>
      %dma_wait3A_550 = arith.constant 0 : i32
      %dma_wait3A_551 = tpu.memref_slice %arg5[%add3A_265, %add3A_509, %dma_wait3A_550] : memref<4x10112x128xf32, #tpu.memory_space<hbm>> -> memref<1x80x128xf32, #tpu.memory_space<hbm>>
      %dma_wait3A_552 = tpu.memref_squeeze %dma_wait3A_551 : memref<1x80x128xf32, #tpu.memory_space<hbm>> -> memref<80x128xf32, #tpu.memory_space<hbm>>
      %dma_wait3A_553 = arith.constant 0 : i32
      %dma_wait3A_554 = arith.constant 0 : i32
      %dma_wait3A_555 = tpu.memref_slice %arg8[%dma_wait3A_553, %dma_wait3A_554] : memref<80x128xf32, #tpu.memory_space<vmem>> -> memref<80x128xf32, #tpu.memory_space<vmem>>
      tpu.wait_dma2 semaphore(%run_scoped3A_531 : memref<!tpu.dma_semaphore, #tpu.memory_space<semaphore_mem>>) src(%dma_wait3A_555 : memref<80x128xf32, #tpu.memory_space<vmem>>) dst(%dma_wait3A_552 : memref<80x128xf32, #tpu.memory_space<hbm>>)
      tpu.yield
    }) : () -> ()
    %mul3A_510 = arith.constant 632 : i32
    %mul3A_511 = arith.muli %arg1, %mul3A_510 : i32
    %add3A_512 = arith.constant 240 : i32
    %add3A_513 = arith.addi %mul3A_511, %add3A_512 : i32
    "tpu.region"() ({
      %run_scoped3A_531 = tpu.sem_alloc : memref<!tpu.dma_semaphore, #tpu.memory_space<semaphore_mem>>
      %dma_start3A_532 = arith.constant 0 : i32
      %dma_start3A_533 = arith.constant 0 : i32
      %dma_start3A_534 = tpu.memref_slice %arg8[%dma_start3A_532, %dma_start3A_533] : memref<80x128xf32, #tpu.memory_space<vmem>> -> memref<80x128xf32, #tpu.memory_space<vmem>>
      %dma_start3A_535 = arith.constant 0 : i32
      %dma_start3A_536 = tpu.memref_slice %arg11[%add3A_513, %dma_start3A_535] : memref<10112x128xf32, #tpu.memory_space<vmem_shared>> -> memref<80x128xf32, #tpu.memory_space<vmem_shared>>
      %dma_start3A_537 = arith.constant 0 : i32
      %dma_start3A_538 = arith.constant 0 : i32
      %dma_start3A_539 = tpu.memref_slice %arg8[%dma_start3A_537, %dma_start3A_538] : memref<80x128xf32, #tpu.memory_space<vmem>> -> memref<80x128xf32, #tpu.memory_space<vmem>>
      %dma_start3A_540 = arith.constant 0 : i32
      %dma_start3A_541 = tpu.memref_slice %arg11[%add3A_513, %dma_start3A_540] : memref<10112x128xf32, #tpu.memory_space<vmem_shared>> -> memref<80x128xf32, #tpu.memory_space<vmem_shared>>
      tpu.enqueue_dma source(%dma_start3A_541 : memref<80x128xf32, #tpu.memory_space<vmem_shared>>) target(%dma_start3A_539 : memref<80x128xf32, #tpu.memory_space<vmem>>) target_semaphore(%run_scoped3A_531 : memref<!tpu.dma_semaphore, #tpu.memory_space<semaphore_mem>>)
      %dma_wait3A_542 = arith.constant 0 : i32
      %dma_wait3A_543 = arith.constant 0 : i32
      %dma_wait3A_544 = tpu.memref_slice %arg8[%dma_wait3A_542, %dma_wait3A_543] : memref<80x128xf32, #tpu.memory_space<vmem>> -> memref<80x128xf32, #tpu.memory_space<vmem>>
      %dma_wait3A_545 = arith.constant 0 : i32
      %dma_wait3A_546 = tpu.memref_slice %arg11[%add3A_513, %dma_wait3A_545] : memref<10112x128xf32, #tpu.memory_space<vmem_shared>> -> memref<80x128xf32, #tpu.memory_space<vmem_shared>>
      %dma_wait3A_547 = arith.constant 0 : i32
      %dma_wait3A_548 = arith.constant 0 : i32
      %dma_wait3A_549 = tpu.memref_slice %arg8[%dma_wait3A_547, %dma_wait3A_548] : memref<80x128xf32, #tpu.memory_space<vmem>> -> memref<80x128xf32, #tpu.memory_space<vmem>>
      %dma_wait3A_550 = arith.constant 0 : i32
      %dma_wait3A_551 = tpu.memref_slice %arg11[%add3A_513, %dma_wait3A_550] : memref<10112x128xf32, #tpu.memory_space<vmem_shared>> -> memref<80x128xf32, #tpu.memory_space<vmem_shared>>
      tpu.wait_dma2 semaphore(%run_scoped3A_531 : memref<!tpu.dma_semaphore, #tpu.memory_space<semaphore_mem>>) src(%dma_wait3A_551 : memref<80x128xf32, #tpu.memory_space<vmem_shared>>) dst(%dma_wait3A_549 : memref<80x128xf32, #tpu.memory_space<vmem>>)
      tpu.yield
    }) : () -> ()
    "tpu.region"() ({
      %run_scoped3A_531 = tpu.sem_alloc : memref<!tpu.dma_semaphore, #tpu.memory_space<semaphore_mem>>
      %dma_start3A_532 = arith.constant 0 : i32
      %dma_start3A_533 = arith.constant 0 : i32
      %dma_start3A_534 = tpu.memref_slice %arg8[%dma_start3A_532, %dma_start3A_533] : memref<80x128xf32, #tpu.memory_space<vmem>> -> memref<80x128xf32, #tpu.memory_space<vmem>>
      %dma_start3A_535 = arith.constant 0 : i32
      %dma_start3A_536 = tpu.memref_slice %arg5[%add3A_265, %add3A_513, %dma_start3A_535] : memref<4x10112x128xf32, #tpu.memory_space<hbm>> -> memref<1x80x128xf32, #tpu.memory_space<hbm>>
      %dma_start3A_537 = tpu.memref_squeeze %dma_start3A_536 : memref<1x80x128xf32, #tpu.memory_space<hbm>> -> memref<80x128xf32, #tpu.memory_space<hbm>>
      %dma_start3A_538 = arith.constant 0 : i32
      %dma_start3A_539 = tpu.memref_slice %arg5[%add3A_265, %add3A_513, %dma_start3A_538] : memref<4x10112x128xf32, #tpu.memory_space<hbm>> -> memref<1x80x128xf32, #tpu.memory_space<hbm>>
      %dma_start3A_540 = tpu.memref_squeeze %dma_start3A_539 : memref<1x80x128xf32, #tpu.memory_space<hbm>> -> memref<80x128xf32, #tpu.memory_space<hbm>>
      %dma_start3A_541 = arith.constant 0 : i32
      %dma_start3A_542 = arith.constant 0 : i32
      %dma_start3A_543 = tpu.memref_slice %arg8[%dma_start3A_541, %dma_start3A_542] : memref<80x128xf32, #tpu.memory_space<vmem>> -> memref<80x128xf32, #tpu.memory_space<vmem>>
      tpu.enqueue_dma source(%dma_start3A_543 : memref<80x128xf32, #tpu.memory_space<vmem>>) target(%dma_start3A_540 : memref<80x128xf32, #tpu.memory_space<hbm>>) target_semaphore(%run_scoped3A_531 : memref<!tpu.dma_semaphore, #tpu.memory_space<semaphore_mem>>)
      %dma_wait3A_544 = arith.constant 0 : i32
      %dma_wait3A_545 = arith.constant 0 : i32
      %dma_wait3A_546 = tpu.memref_slice %arg8[%dma_wait3A_544, %dma_wait3A_545] : memref<80x128xf32, #tpu.memory_space<vmem>> -> memref<80x128xf32, #tpu.memory_space<vmem>>
      %dma_wait3A_547 = arith.constant 0 : i32
      %dma_wait3A_548 = tpu.memref_slice %arg5[%add3A_265, %add3A_513, %dma_wait3A_547] : memref<4x10112x128xf32, #tpu.memory_space<hbm>> -> memref<1x80x128xf32, #tpu.memory_space<hbm>>
      %dma_wait3A_549 = tpu.memref_squeeze %dma_wait3A_548 : memref<1x80x128xf32, #tpu.memory_space<hbm>> -> memref<80x128xf32, #tpu.memory_space<hbm>>
      %dma_wait3A_550 = arith.constant 0 : i32
      %dma_wait3A_551 = tpu.memref_slice %arg5[%add3A_265, %add3A_513, %dma_wait3A_550] : memref<4x10112x128xf32, #tpu.memory_space<hbm>> -> memref<1x80x128xf32, #tpu.memory_space<hbm>>
      %dma_wait3A_552 = tpu.memref_squeeze %dma_wait3A_551 : memref<1x80x128xf32, #tpu.memory_space<hbm>> -> memref<80x128xf32, #tpu.memory_space<hbm>>
      %dma_wait3A_553 = arith.constant 0 : i32
      %dma_wait3A_554 = arith.constant 0 : i32
      %dma_wait3A_555 = tpu.memref_slice %arg8[%dma_wait3A_553, %dma_wait3A_554] : memref<80x128xf32, #tpu.memory_space<vmem>> -> memref<80x128xf32, #tpu.memory_space<vmem>>
      tpu.wait_dma2 semaphore(%run_scoped3A_531 : memref<!tpu.dma_semaphore, #tpu.memory_space<semaphore_mem>>) src(%dma_wait3A_555 : memref<80x128xf32, #tpu.memory_space<vmem>>) dst(%dma_wait3A_552 : memref<80x128xf32, #tpu.memory_space<hbm>>)
      tpu.yield
    }) : () -> ()
    %mul3A_514 = arith.constant 632 : i32
    %mul3A_515 = arith.muli %arg1, %mul3A_514 : i32
    %add3A_516 = arith.constant 320 : i32
    %add3A_517 = arith.addi %mul3A_515, %add3A_516 : i32
    "tpu.region"() ({
      %run_scoped3A_531 = tpu.sem_alloc : memref<!tpu.dma_semaphore, #tpu.memory_space<semaphore_mem>>
      %dma_start3A_532 = arith.constant 0 : i32
      %dma_start3A_533 = arith.constant 0 : i32
      %dma_start3A_534 = tpu.memref_slice %arg8[%dma_start3A_532, %dma_start3A_533] : memref<80x128xf32, #tpu.memory_space<vmem>> -> memref<80x128xf32, #tpu.memory_space<vmem>>
      %dma_start3A_535 = arith.constant 0 : i32
      %dma_start3A_536 = tpu.memref_slice %arg11[%add3A_517, %dma_start3A_535] : memref<10112x128xf32, #tpu.memory_space<vmem_shared>> -> memref<80x128xf32, #tpu.memory_space<vmem_shared>>
      %dma_start3A_537 = arith.constant 0 : i32
      %dma_start3A_538 = arith.constant 0 : i32
      %dma_start3A_539 = tpu.memref_slice %arg8[%dma_start3A_537, %dma_start3A_538] : memref<80x128xf32, #tpu.memory_space<vmem>> -> memref<80x128xf32, #tpu.memory_space<vmem>>
      %dma_start3A_540 = arith.constant 0 : i32
      %dma_start3A_541 = tpu.memref_slice %arg11[%add3A_517, %dma_start3A_540] : memref<10112x128xf32, #tpu.memory_space<vmem_shared>> -> memref<80x128xf32, #tpu.memory_space<vmem_shared>>
      tpu.enqueue_dma source(%dma_start3A_541 : memref<80x128xf32, #tpu.memory_space<vmem_shared>>) target(%dma_start3A_539 : memref<80x128xf32, #tpu.memory_space<vmem>>) target_semaphore(%run_scoped3A_531 : memref<!tpu.dma_semaphore, #tpu.memory_space<semaphore_mem>>)
      %dma_wait3A_542 = arith.constant 0 : i32
      %dma_wait3A_543 = arith.constant 0 : i32
      %dma_wait3A_544 = tpu.memref_slice %arg8[%dma_wait3A_542, %dma_wait3A_543] : memref<80x128xf32, #tpu.memory_space<vmem>> -> memref<80x128xf32, #tpu.memory_space<vmem>>
      %dma_wait3A_545 = arith.constant 0 : i32
      %dma_wait3A_546 = tpu.memref_slice %arg11[%add3A_517, %dma_wait3A_545] : memref<10112x128xf32, #tpu.memory_space<vmem_shared>> -> memref<80x128xf32, #tpu.memory_space<vmem_shared>>
      %dma_wait3A_547 = arith.constant 0 : i32
      %dma_wait3A_548 = arith.constant 0 : i32
      %dma_wait3A_549 = tpu.memref_slice %arg8[%dma_wait3A_547, %dma_wait3A_548] : memref<80x128xf32, #tpu.memory_space<vmem>> -> memref<80x128xf32, #tpu.memory_space<vmem>>
      %dma_wait3A_550 = arith.constant 0 : i32
      %dma_wait3A_551 = tpu.memref_slice %arg11[%add3A_517, %dma_wait3A_550] : memref<10112x128xf32, #tpu.memory_space<vmem_shared>> -> memref<80x128xf32, #tpu.memory_space<vmem_shared>>
      tpu.wait_dma2 semaphore(%run_scoped3A_531 : memref<!tpu.dma_semaphore, #tpu.memory_space<semaphore_mem>>) src(%dma_wait3A_551 : memref<80x128xf32, #tpu.memory_space<vmem_shared>>) dst(%dma_wait3A_549 : memref<80x128xf32, #tpu.memory_space<vmem>>)
      tpu.yield
    }) : () -> ()
    "tpu.region"() ({
      %run_scoped3A_531 = tpu.sem_alloc : memref<!tpu.dma_semaphore, #tpu.memory_space<semaphore_mem>>
      %dma_start3A_532 = arith.constant 0 : i32
      %dma_start3A_533 = arith.constant 0 : i32
      %dma_start3A_534 = tpu.memref_slice %arg8[%dma_start3A_532, %dma_start3A_533] : memref<80x128xf32, #tpu.memory_space<vmem>> -> memref<80x128xf32, #tpu.memory_space<vmem>>
      %dma_start3A_535 = arith.constant 0 : i32
      %dma_start3A_536 = tpu.memref_slice %arg5[%add3A_265, %add3A_517, %dma_start3A_535] : memref<4x10112x128xf32, #tpu.memory_space<hbm>> -> memref<1x80x128xf32, #tpu.memory_space<hbm>>
      %dma_start3A_537 = tpu.memref_squeeze %dma_start3A_536 : memref<1x80x128xf32, #tpu.memory_space<hbm>> -> memref<80x128xf32, #tpu.memory_space<hbm>>
      %dma_start3A_538 = arith.constant 0 : i32
      %dma_start3A_539 = tpu.memref_slice %arg5[%add3A_265, %add3A_517, %dma_start3A_538] : memref<4x10112x128xf32, #tpu.memory_space<hbm>> -> memref<1x80x128xf32, #tpu.memory_space<hbm>>
      %dma_start3A_540 = tpu.memref_squeeze %dma_start3A_539 : memref<1x80x128xf32, #tpu.memory_space<hbm>> -> memref<80x128xf32, #tpu.memory_space<hbm>>
      %dma_start3A_541 = arith.constant 0 : i32
      %dma_start3A_542 = arith.constant 0 : i32
      %dma_start3A_543 = tpu.memref_slice %arg8[%dma_start3A_541, %dma_start3A_542] : memref<80x128xf32, #tpu.memory_space<vmem>> -> memref<80x128xf32, #tpu.memory_space<vmem>>
      tpu.enqueue_dma source(%dma_start3A_543 : memref<80x128xf32, #tpu.memory_space<vmem>>) target(%dma_start3A_540 : memref<80x128xf32, #tpu.memory_space<hbm>>) target_semaphore(%run_scoped3A_531 : memref<!tpu.dma_semaphore, #tpu.memory_space<semaphore_mem>>)
      %dma_wait3A_544 = arith.constant 0 : i32
      %dma_wait3A_545 = arith.constant 0 : i32
      %dma_wait3A_546 = tpu.memref_slice %arg8[%dma_wait3A_544, %dma_wait3A_545] : memref<80x128xf32, #tpu.memory_space<vmem>> -> memref<80x128xf32, #tpu.memory_space<vmem>>
      %dma_wait3A_547 = arith.constant 0 : i32
      %dma_wait3A_548 = tpu.memref_slice %arg5[%add3A_265, %add3A_517, %dma_wait3A_547] : memref<4x10112x128xf32, #tpu.memory_space<hbm>> -> memref<1x80x128xf32, #tpu.memory_space<hbm>>
      %dma_wait3A_549 = tpu.memref_squeeze %dma_wait3A_548 : memref<1x80x128xf32, #tpu.memory_space<hbm>> -> memref<80x128xf32, #tpu.memory_space<hbm>>
      %dma_wait3A_550 = arith.constant 0 : i32
      %dma_wait3A_551 = tpu.memref_slice %arg5[%add3A_265, %add3A_517, %dma_wait3A_550] : memref<4x10112x128xf32, #tpu.memory_space<hbm>> -> memref<1x80x128xf32, #tpu.memory_space<hbm>>
      %dma_wait3A_552 = tpu.memref_squeeze %dma_wait3A_551 : memref<1x80x128xf32, #tpu.memory_space<hbm>> -> memref<80x128xf32, #tpu.memory_space<hbm>>
      %dma_wait3A_553 = arith.constant 0 : i32
      %dma_wait3A_554 = arith.constant 0 : i32
      %dma_wait3A_555 = tpu.memref_slice %arg8[%dma_wait3A_553, %dma_wait3A_554] : memref<80x128xf32, #tpu.memory_space<vmem>> -> memref<80x128xf32, #tpu.memory_space<vmem>>
      tpu.wait_dma2 semaphore(%run_scoped3A_531 : memref<!tpu.dma_semaphore, #tpu.memory_space<semaphore_mem>>) src(%dma_wait3A_555 : memref<80x128xf32, #tpu.memory_space<vmem>>) dst(%dma_wait3A_552 : memref<80x128xf32, #tpu.memory_space<hbm>>)
      tpu.yield
    }) : () -> ()
    %mul3A_518 = arith.constant 632 : i32
    %mul3A_519 = arith.muli %arg1, %mul3A_518 : i32
    %add3A_520 = arith.constant 400 : i32
    %add3A_521 = arith.addi %mul3A_519, %add3A_520 : i32
    "tpu.region"() ({
      %run_scoped3A_531 = tpu.sem_alloc : memref<!tpu.dma_semaphore, #tpu.memory_space<semaphore_mem>>
      %dma_start3A_532 = arith.constant 0 : i32
      %dma_start3A_533 = arith.constant 0 : i32
      %dma_start3A_534 = tpu.memref_slice %arg8[%dma_start3A_532, %dma_start3A_533] : memref<80x128xf32, #tpu.memory_space<vmem>> -> memref<80x128xf32, #tpu.memory_space<vmem>>
      %dma_start3A_535 = arith.constant 0 : i32
      %dma_start3A_536 = tpu.memref_slice %arg11[%add3A_521, %dma_start3A_535] : memref<10112x128xf32, #tpu.memory_space<vmem_shared>> -> memref<80x128xf32, #tpu.memory_space<vmem_shared>>
      %dma_start3A_537 = arith.constant 0 : i32
      %dma_start3A_538 = arith.constant 0 : i32
      %dma_start3A_539 = tpu.memref_slice %arg8[%dma_start3A_537, %dma_start3A_538] : memref<80x128xf32, #tpu.memory_space<vmem>> -> memref<80x128xf32, #tpu.memory_space<vmem>>
      %dma_start3A_540 = arith.constant 0 : i32
      %dma_start3A_541 = tpu.memref_slice %arg11[%add3A_521, %dma_start3A_540] : memref<10112x128xf32, #tpu.memory_space<vmem_shared>> -> memref<80x128xf32, #tpu.memory_space<vmem_shared>>
      tpu.enqueue_dma source(%dma_start3A_541 : memref<80x128xf32, #tpu.memory_space<vmem_shared>>) target(%dma_start3A_539 : memref<80x128xf32, #tpu.memory_space<vmem>>) target_semaphore(%run_scoped3A_531 : memref<!tpu.dma_semaphore, #tpu.memory_space<semaphore_mem>>)
      %dma_wait3A_542 = arith.constant 0 : i32
      %dma_wait3A_543 = arith.constant 0 : i32
      %dma_wait3A_544 = tpu.memref_slice %arg8[%dma_wait3A_542, %dma_wait3A_543] : memref<80x128xf32, #tpu.memory_space<vmem>> -> memref<80x128xf32, #tpu.memory_space<vmem>>
      %dma_wait3A_545 = arith.constant 0 : i32
      %dma_wait3A_546 = tpu.memref_slice %arg11[%add3A_521, %dma_wait3A_545] : memref<10112x128xf32, #tpu.memory_space<vmem_shared>> -> memref<80x128xf32, #tpu.memory_space<vmem_shared>>
      %dma_wait3A_547 = arith.constant 0 : i32
      %dma_wait3A_548 = arith.constant 0 : i32
      %dma_wait3A_549 = tpu.memref_slice %arg8[%dma_wait3A_547, %dma_wait3A_548] : memref<80x128xf32, #tpu.memory_space<vmem>> -> memref<80x128xf32, #tpu.memory_space<vmem>>
      %dma_wait3A_550 = arith.constant 0 : i32
      %dma_wait3A_551 = tpu.memref_slice %arg11[%add3A_521, %dma_wait3A_550] : memref<10112x128xf32, #tpu.memory_space<vmem_shared>> -> memref<80x128xf32, #tpu.memory_space<vmem_shared>>
      tpu.wait_dma2 semaphore(%run_scoped3A_531 : memref<!tpu.dma_semaphore, #tpu.memory_space<semaphore_mem>>) src(%dma_wait3A_551 : memref<80x128xf32, #tpu.memory_space<vmem_shared>>) dst(%dma_wait3A_549 : memref<80x128xf32, #tpu.memory_space<vmem>>)
      tpu.yield
    }) : () -> ()
    "tpu.region"() ({
      %run_scoped3A_531 = tpu.sem_alloc : memref<!tpu.dma_semaphore, #tpu.memory_space<semaphore_mem>>
      %dma_start3A_532 = arith.constant 0 : i32
      %dma_start3A_533 = arith.constant 0 : i32
      %dma_start3A_534 = tpu.memref_slice %arg8[%dma_start3A_532, %dma_start3A_533] : memref<80x128xf32, #tpu.memory_space<vmem>> -> memref<80x128xf32, #tpu.memory_space<vmem>>
      %dma_start3A_535 = arith.constant 0 : i32
      %dma_start3A_536 = tpu.memref_slice %arg5[%add3A_265, %add3A_521, %dma_start3A_535] : memref<4x10112x128xf32, #tpu.memory_space<hbm>> -> memref<1x80x128xf32, #tpu.memory_space<hbm>>
      %dma_start3A_537 = tpu.memref_squeeze %dma_start3A_536 : memref<1x80x128xf32, #tpu.memory_space<hbm>> -> memref<80x128xf32, #tpu.memory_space<hbm>>
      %dma_start3A_538 = arith.constant 0 : i32
      %dma_start3A_539 = tpu.memref_slice %arg5[%add3A_265, %add3A_521, %dma_start3A_538] : memref<4x10112x128xf32, #tpu.memory_space<hbm>> -> memref<1x80x128xf32, #tpu.memory_space<hbm>>
      %dma_start3A_540 = tpu.memref_squeeze %dma_start3A_539 : memref<1x80x128xf32, #tpu.memory_space<hbm>> -> memref<80x128xf32, #tpu.memory_space<hbm>>
      %dma_start3A_541 = arith.constant 0 : i32
      %dma_start3A_542 = arith.constant 0 : i32
      %dma_start3A_543 = tpu.memref_slice %arg8[%dma_start3A_541, %dma_start3A_542] : memref<80x128xf32, #tpu.memory_space<vmem>> -> memref<80x128xf32, #tpu.memory_space<vmem>>
      tpu.enqueue_dma source(%dma_start3A_543 : memref<80x128xf32, #tpu.memory_space<vmem>>) target(%dma_start3A_540 : memref<80x128xf32, #tpu.memory_space<hbm>>) target_semaphore(%run_scoped3A_531 : memref<!tpu.dma_semaphore, #tpu.memory_space<semaphore_mem>>)
      %dma_wait3A_544 = arith.constant 0 : i32
      %dma_wait3A_545 = arith.constant 0 : i32
      %dma_wait3A_546 = tpu.memref_slice %arg8[%dma_wait3A_544, %dma_wait3A_545] : memref<80x128xf32, #tpu.memory_space<vmem>> -> memref<80x128xf32, #tpu.memory_space<vmem>>
      %dma_wait3A_547 = arith.constant 0 : i32
      %dma_wait3A_548 = tpu.memref_slice %arg5[%add3A_265, %add3A_521, %dma_wait3A_547] : memref<4x10112x128xf32, #tpu.memory_space<hbm>> -> memref<1x80x128xf32, #tpu.memory_space<hbm>>
      %dma_wait3A_549 = tpu.memref_squeeze %dma_wait3A_548 : memref<1x80x128xf32, #tpu.memory_space<hbm>> -> memref<80x128xf32, #tpu.memory_space<hbm>>
      %dma_wait3A_550 = arith.constant 0 : i32
      %dma_wait3A_551 = tpu.memref_slice %arg5[%add3A_265, %add3A_521, %dma_wait3A_550] : memref<4x10112x128xf32, #tpu.memory_space<hbm>> -> memref<1x80x128xf32, #tpu.memory_space<hbm>>
      %dma_wait3A_552 = tpu.memref_squeeze %dma_wait3A_551 : memref<1x80x128xf32, #tpu.memory_space<hbm>> -> memref<80x128xf32, #tpu.memory_space<hbm>>
      %dma_wait3A_553 = arith.constant 0 : i32
      %dma_wait3A_554 = arith.constant 0 : i32
      %dma_wait3A_555 = tpu.memref_slice %arg8[%dma_wait3A_553, %dma_wait3A_554] : memref<80x128xf32, #tpu.memory_space<vmem>> -> memref<80x128xf32, #tpu.memory_space<vmem>>
      tpu.wait_dma2 semaphore(%run_scoped3A_531 : memref<!tpu.dma_semaphore, #tpu.memory_space<semaphore_mem>>) src(%dma_wait3A_555 : memref<80x128xf32, #tpu.memory_space<vmem>>) dst(%dma_wait3A_552 : memref<80x128xf32, #tpu.memory_space<hbm>>)
      tpu.yield
    }) : () -> ()
    %mul3A_522 = arith.constant 632 : i32
    %mul3A_523 = arith.muli %arg1, %mul3A_522 : i32
    %add3A_524 = arith.constant 480 : i32
    %add3A_525 = arith.addi %mul3A_523, %add3A_524 : i32
    "tpu.region"() ({
      %run_scoped3A_531 = tpu.sem_alloc : memref<!tpu.dma_semaphore, #tpu.memory_space<semaphore_mem>>
      %dma_start3A_532 = arith.constant 0 : i32
      %dma_start3A_533 = arith.constant 0 : i32
      %dma_start3A_534 = tpu.memref_slice %arg8[%dma_start3A_532, %dma_start3A_533] : memref<80x128xf32, #tpu.memory_space<vmem>> -> memref<80x128xf32, #tpu.memory_space<vmem>>
      %dma_start3A_535 = arith.constant 0 : i32
      %dma_start3A_536 = tpu.memref_slice %arg11[%add3A_525, %dma_start3A_535] : memref<10112x128xf32, #tpu.memory_space<vmem_shared>> -> memref<80x128xf32, #tpu.memory_space<vmem_shared>>
      %dma_start3A_537 = arith.constant 0 : i32
      %dma_start3A_538 = arith.constant 0 : i32
      %dma_start3A_539 = tpu.memref_slice %arg8[%dma_start3A_537, %dma_start3A_538] : memref<80x128xf32, #tpu.memory_space<vmem>> -> memref<80x128xf32, #tpu.memory_space<vmem>>
      %dma_start3A_540 = arith.constant 0 : i32
      %dma_start3A_541 = tpu.memref_slice %arg11[%add3A_525, %dma_start3A_540] : memref<10112x128xf32, #tpu.memory_space<vmem_shared>> -> memref<80x128xf32, #tpu.memory_space<vmem_shared>>
      tpu.enqueue_dma source(%dma_start3A_541 : memref<80x128xf32, #tpu.memory_space<vmem_shared>>) target(%dma_start3A_539 : memref<80x128xf32, #tpu.memory_space<vmem>>) target_semaphore(%run_scoped3A_531 : memref<!tpu.dma_semaphore, #tpu.memory_space<semaphore_mem>>)
      %dma_wait3A_542 = arith.constant 0 : i32
      %dma_wait3A_543 = arith.constant 0 : i32
      %dma_wait3A_544 = tpu.memref_slice %arg8[%dma_wait3A_542, %dma_wait3A_543] : memref<80x128xf32, #tpu.memory_space<vmem>> -> memref<80x128xf32, #tpu.memory_space<vmem>>
      %dma_wait3A_545 = arith.constant 0 : i32
      %dma_wait3A_546 = tpu.memref_slice %arg11[%add3A_525, %dma_wait3A_545] : memref<10112x128xf32, #tpu.memory_space<vmem_shared>> -> memref<80x128xf32, #tpu.memory_space<vmem_shared>>
      %dma_wait3A_547 = arith.constant 0 : i32
      %dma_wait3A_548 = arith.constant 0 : i32
      %dma_wait3A_549 = tpu.memref_slice %arg8[%dma_wait3A_547, %dma_wait3A_548] : memref<80x128xf32, #tpu.memory_space<vmem>> -> memref<80x128xf32, #tpu.memory_space<vmem>>
      %dma_wait3A_550 = arith.constant 0 : i32
      %dma_wait3A_551 = tpu.memref_slice %arg11[%add3A_525, %dma_wait3A_550] : memref<10112x128xf32, #tpu.memory_space<vmem_shared>> -> memref<80x128xf32, #tpu.memory_space<vmem_shared>>
      tpu.wait_dma2 semaphore(%run_scoped3A_531 : memref<!tpu.dma_semaphore, #tpu.memory_space<semaphore_mem>>) src(%dma_wait3A_551 : memref<80x128xf32, #tpu.memory_space<vmem_shared>>) dst(%dma_wait3A_549 : memref<80x128xf32, #tpu.memory_space<vmem>>)
      tpu.yield
    }) : () -> ()
    "tpu.region"() ({
      %run_scoped3A_531 = tpu.sem_alloc : memref<!tpu.dma_semaphore, #tpu.memory_space<semaphore_mem>>
      %dma_start3A_532 = arith.constant 0 : i32
      %dma_start3A_533 = arith.constant 0 : i32
      %dma_start3A_534 = tpu.memref_slice %arg8[%dma_start3A_532, %dma_start3A_533] : memref<80x128xf32, #tpu.memory_space<vmem>> -> memref<80x128xf32, #tpu.memory_space<vmem>>
      %dma_start3A_535 = arith.constant 0 : i32
      %dma_start3A_536 = tpu.memref_slice %arg5[%add3A_265, %add3A_525, %dma_start3A_535] : memref<4x10112x128xf32, #tpu.memory_space<hbm>> -> memref<1x80x128xf32, #tpu.memory_space<hbm>>
      %dma_start3A_537 = tpu.memref_squeeze %dma_start3A_536 : memref<1x80x128xf32, #tpu.memory_space<hbm>> -> memref<80x128xf32, #tpu.memory_space<hbm>>
      %dma_start3A_538 = arith.constant 0 : i32
      %dma_start3A_539 = tpu.memref_slice %arg5[%add3A_265, %add3A_525, %dma_start3A_538] : memref<4x10112x128xf32, #tpu.memory_space<hbm>> -> memref<1x80x128xf32, #tpu.memory_space<hbm>>
      %dma_start3A_540 = tpu.memref_squeeze %dma_start3A_539 : memref<1x80x128xf32, #tpu.memory_space<hbm>> -> memref<80x128xf32, #tpu.memory_space<hbm>>
      %dma_start3A_541 = arith.constant 0 : i32
      %dma_start3A_542 = arith.constant 0 : i32
      %dma_start3A_543 = tpu.memref_slice %arg8[%dma_start3A_541, %dma_start3A_542] : memref<80x128xf32, #tpu.memory_space<vmem>> -> memref<80x128xf32, #tpu.memory_space<vmem>>
      tpu.enqueue_dma source(%dma_start3A_543 : memref<80x128xf32, #tpu.memory_space<vmem>>) target(%dma_start3A_540 : memref<80x128xf32, #tpu.memory_space<hbm>>) target_semaphore(%run_scoped3A_531 : memref<!tpu.dma_semaphore, #tpu.memory_space<semaphore_mem>>)
      %dma_wait3A_544 = arith.constant 0 : i32
      %dma_wait3A_545 = arith.constant 0 : i32
      %dma_wait3A_546 = tpu.memref_slice %arg8[%dma_wait3A_544, %dma_wait3A_545] : memref<80x128xf32, #tpu.memory_space<vmem>> -> memref<80x128xf32, #tpu.memory_space<vmem>>
      %dma_wait3A_547 = arith.constant 0 : i32
      %dma_wait3A_548 = tpu.memref_slice %arg5[%add3A_265, %add3A_525, %dma_wait3A_547] : memref<4x10112x128xf32, #tpu.memory_space<hbm>> -> memref<1x80x128xf32, #tpu.memory_space<hbm>>
      %dma_wait3A_549 = tpu.memref_squeeze %dma_wait3A_548 : memref<1x80x128xf32, #tpu.memory_space<hbm>> -> memref<80x128xf32, #tpu.memory_space<hbm>>
      %dma_wait3A_550 = arith.constant 0 : i32
      %dma_wait3A_551 = tpu.memref_slice %arg5[%add3A_265, %add3A_525, %dma_wait3A_550] : memref<4x10112x128xf32, #tpu.memory_space<hbm>> -> memref<1x80x128xf32, #tpu.memory_space<hbm>>
      %dma_wait3A_552 = tpu.memref_squeeze %dma_wait3A_551 : memref<1x80x128xf32, #tpu.memory_space<hbm>> -> memref<80x128xf32, #tpu.memory_space<hbm>>
      %dma_wait3A_553 = arith.constant 0 : i32
      %dma_wait3A_554 = arith.constant 0 : i32
      %dma_wait3A_555 = tpu.memref_slice %arg8[%dma_wait3A_553, %dma_wait3A_554] : memref<80x128xf32, #tpu.memory_space<vmem>> -> memref<80x128xf32, #tpu.memory_space<vmem>>
      tpu.wait_dma2 semaphore(%run_scoped3A_531 : memref<!tpu.dma_semaphore, #tpu.memory_space<semaphore_mem>>) src(%dma_wait3A_555 : memref<80x128xf32, #tpu.memory_space<vmem>>) dst(%dma_wait3A_552 : memref<80x128xf32, #tpu.memory_space<hbm>>)
      tpu.yield
    }) : () -> ()
    %mul3A_526 = arith.constant 632 : i32
    %mul3A_527 = arith.muli %arg1, %mul3A_526 : i32
    %add3A_528 = arith.constant 560 : i32
    %add3A_529 = arith.addi %mul3A_527, %add3A_528 : i32
    "tpu.region"() ({
      %run_scoped3A_531 = tpu.sem_alloc : memref<!tpu.dma_semaphore, #tpu.memory_space<semaphore_mem>>
      %dma_start3A_532 = arith.constant 0 : i32
      %dma_start3A_533 = arith.constant 0 : i32
      %dma_start3A_534 = tpu.memref_slice %arg8[%dma_start3A_532, %dma_start3A_533] : memref<80x128xf32, #tpu.memory_space<vmem>> -> memref<72x128xf32, #tpu.memory_space<vmem>>
      %dma_start3A_535 = arith.constant 0 : i32
      %dma_start3A_536 = tpu.memref_slice %arg11[%add3A_529, %dma_start3A_535] : memref<10112x128xf32, #tpu.memory_space<vmem_shared>> -> memref<72x128xf32, #tpu.memory_space<vmem_shared>>
      %dma_start3A_537 = arith.constant 0 : i32
      %dma_start3A_538 = arith.constant 0 : i32
      %dma_start3A_539 = tpu.memref_slice %arg8[%dma_start3A_537, %dma_start3A_538] : memref<80x128xf32, #tpu.memory_space<vmem>> -> memref<72x128xf32, #tpu.memory_space<vmem>>
      %dma_start3A_540 = arith.constant 0 : i32
      %dma_start3A_541 = tpu.memref_slice %arg11[%add3A_529, %dma_start3A_540] : memref<10112x128xf32, #tpu.memory_space<vmem_shared>> -> memref<72x128xf32, #tpu.memory_space<vmem_shared>>
      tpu.enqueue_dma source(%dma_start3A_541 : memref<72x128xf32, #tpu.memory_space<vmem_shared>>) target(%dma_start3A_539 : memref<72x128xf32, #tpu.memory_space<vmem>>) target_semaphore(%run_scoped3A_531 : memref<!tpu.dma_semaphore, #tpu.memory_space<semaphore_mem>>)
      %dma_wait3A_542 = arith.constant 0 : i32
      %dma_wait3A_543 = arith.constant 0 : i32
      %dma_wait3A_544 = tpu.memref_slice %arg8[%dma_wait3A_542, %dma_wait3A_543] : memref<80x128xf32, #tpu.memory_space<vmem>> -> memref<72x128xf32, #tpu.memory_space<vmem>>
      %dma_wait3A_545 = arith.constant 0 : i32
      %dma_wait3A_546 = tpu.memref_slice %arg11[%add3A_529, %dma_wait3A_545] : memref<10112x128xf32, #tpu.memory_space<vmem_shared>> -> memref<72x128xf32, #tpu.memory_space<vmem_shared>>
      %dma_wait3A_547 = arith.constant 0 : i32
      %dma_wait3A_548 = arith.constant 0 : i32
      %dma_wait3A_549 = tpu.memref_slice %arg8[%dma_wait3A_547, %dma_wait3A_548] : memref<80x128xf32, #tpu.memory_space<vmem>> -> memref<72x128xf32, #tpu.memory_space<vmem>>
      %dma_wait3A_550 = arith.constant 0 : i32
      %dma_wait3A_551 = tpu.memref_slice %arg11[%add3A_529, %dma_wait3A_550] : memref<10112x128xf32, #tpu.memory_space<vmem_shared>> -> memref<72x128xf32, #tpu.memory_space<vmem_shared>>
      tpu.wait_dma2 semaphore(%run_scoped3A_531 : memref<!tpu.dma_semaphore, #tpu.memory_space<semaphore_mem>>) src(%dma_wait3A_551 : memref<72x128xf32, #tpu.memory_space<vmem_shared>>) dst(%dma_wait3A_549 : memref<72x128xf32, #tpu.memory_space<vmem>>)
      tpu.yield
    }) : () -> ()
    "tpu.region"() ({
      %run_scoped3A_531 = tpu.sem_alloc : memref<!tpu.dma_semaphore, #tpu.memory_space<semaphore_mem>>
      %dma_start3A_532 = arith.constant 0 : i32
      %dma_start3A_533 = arith.constant 0 : i32
      %dma_start3A_534 = tpu.memref_slice %arg8[%dma_start3A_532, %dma_start3A_533] : memref<80x128xf32, #tpu.memory_space<vmem>> -> memref<72x128xf32, #tpu.memory_space<vmem>>
      %dma_start3A_535 = arith.constant 0 : i32
      %dma_start3A_536 = tpu.memref_slice %arg5[%add3A_265, %add3A_529, %dma_start3A_535] : memref<4x10112x128xf32, #tpu.memory_space<hbm>> -> memref<1x72x128xf32, #tpu.memory_space<hbm>>
      %dma_start3A_537 = tpu.memref_squeeze %dma_start3A_536 : memref<1x72x128xf32, #tpu.memory_space<hbm>> -> memref<72x128xf32, #tpu.memory_space<hbm>>
      %dma_start3A_538 = arith.constant 0 : i32
      %dma_start3A_539 = tpu.memref_slice %arg5[%add3A_265, %add3A_529, %dma_start3A_538] : memref<4x10112x128xf32, #tpu.memory_space<hbm>> -> memref<1x72x128xf32, #tpu.memory_space<hbm>>
      %dma_start3A_540 = tpu.memref_squeeze %dma_start3A_539 : memref<1x72x128xf32, #tpu.memory_space<hbm>> -> memref<72x128xf32, #tpu.memory_space<hbm>>
      %dma_start3A_541 = arith.constant 0 : i32
      %dma_start3A_542 = arith.constant 0 : i32
      %dma_start3A_543 = tpu.memref_slice %arg8[%dma_start3A_541, %dma_start3A_542] : memref<80x128xf32, #tpu.memory_space<vmem>> -> memref<72x128xf32, #tpu.memory_space<vmem>>
      tpu.enqueue_dma source(%dma_start3A_543 : memref<72x128xf32, #tpu.memory_space<vmem>>) target(%dma_start3A_540 : memref<72x128xf32, #tpu.memory_space<hbm>>) target_semaphore(%run_scoped3A_531 : memref<!tpu.dma_semaphore, #tpu.memory_space<semaphore_mem>>)
      %dma_wait3A_544 = arith.constant 0 : i32
      %dma_wait3A_545 = arith.constant 0 : i32
      %dma_wait3A_546 = tpu.memref_slice %arg8[%dma_wait3A_544, %dma_wait3A_545] : memref<80x128xf32, #tpu.memory_space<vmem>> -> memref<72x128xf32, #tpu.memory_space<vmem>>
      %dma_wait3A_547 = arith.constant 0 : i32
      %dma_wait3A_548 = tpu.memref_slice %arg5[%add3A_265, %add3A_529, %dma_wait3A_547] : memref<4x10112x128xf32, #tpu.memory_space<hbm>> -> memref<1x72x128xf32, #tpu.memory_space<hbm>>
      %dma_wait3A_549 = tpu.memref_squeeze %dma_wait3A_548 : memref<1x72x128xf32, #tpu.memory_space<hbm>> -> memref<72x128xf32, #tpu.memory_space<hbm>>
      %dma_wait3A_550 = arith.constant 0 : i32
      %dma_wait3A_551 = tpu.memref_slice %arg5[%add3A_265, %add3A_529, %dma_wait3A_550] : memref<4x10112x128xf32, #tpu.memory_space<hbm>> -> memref<1x72x128xf32, #tpu.memory_space<hbm>>
      %dma_wait3A_552 = tpu.memref_squeeze %dma_wait3A_551 : memref<1x72x128xf32, #tpu.memory_space<hbm>> -> memref<72x128xf32, #tpu.memory_space<hbm>>
      %dma_wait3A_553 = arith.constant 0 : i32
      %dma_wait3A_554 = arith.constant 0 : i32
      %dma_wait3A_555 = tpu.memref_slice %arg8[%dma_wait3A_553, %dma_wait3A_554] : memref<80x128xf32, #tpu.memory_space<vmem>> -> memref<72x128xf32, #tpu.memory_space<vmem>>
      tpu.wait_dma2 semaphore(%run_scoped3A_531 : memref<!tpu.dma_semaphore, #tpu.memory_space<semaphore_mem>>) src(%dma_wait3A_555 : memref<72x128xf32, #tpu.memory_space<vmem>>) dst(%dma_wait3A_552 : memref<72x128xf32, #tpu.memory_space<hbm>>)
      tpu.yield
    }) : () -> ()
    %barrier3A_530 = arith.constant 0 : index
    tpu.barrier barrier_id(%barrier3A_530)
    return
  }
}

module attributes {stable_mosaic.version = 14 : i64} {
  func.func @_tc_body(%arg0: i32, %arg1: i32, %arg2: memref<1x5000x128xf32, #tpu.memory_space<vmem>>, %arg3: memref<1x5000x128xf32, #tpu.memory_space<vmem>>, %arg4: memref<128x128xf32, #tpu.memory_space<vmem>>, %arg5: memref<128x128xf32, #tpu.memory_space<vmem>>, %arg6: memref<1x128xf32, #tpu.memory_space<vmem>>, %arg7: memref<1x128xf32, #tpu.memory_space<vmem>>, %arg8: memref<1x128xf32, #tpu.memory_space<vmem>>, %arg9: memref<1x1x32xf32, #tpu.memory_space<vmem>>, %arg10: memref<32x128xf32, #tpu.memory_space<vmem>>, %arg11: memref<1x128xf32, #tpu.memory_space<vmem>>, %arg12: memref<128x128xf32, #tpu.memory_space<vmem>>, %arg13: memref<1x128xf32, #tpu.memory_space<vmem>>, %arg14: memref<1x5000x1xf32, #tpu.memory_space<vmem>>) attributes {dimension_semantics = [#tpu.dimension_semantics<arbitrary>, #tpu.dimension_semantics<arbitrary>], iteration_bounds = array<i64: 4, 2>, scalar_prefetch = 0 : i64, scratch_operands = 0 : i64, tpu.core_type = #tpu.core_type<tc>, window_params = [{transform_indices = @transform_0, window_bounds = array<i64: 1, 5000, 128>}, {transform_indices = @transform_1, window_bounds = array<i64: 1, 5000, 128>}, {pipeline_mode = #tpu.pipeline_mode<synchronous>, transform_indices = @transform_2, window_bounds = array<i64: 128, 128>}, {pipeline_mode = #tpu.pipeline_mode<synchronous>, transform_indices = @transform_3, window_bounds = array<i64: 128, 128>}, {pipeline_mode = #tpu.pipeline_mode<synchronous>, transform_indices = @transform_4, window_bounds = array<i64: 1, 128>}, {pipeline_mode = #tpu.pipeline_mode<synchronous>, transform_indices = @transform_5, window_bounds = array<i64: 1, 128>}, {pipeline_mode = #tpu.pipeline_mode<synchronous>, transform_indices = @transform_6, window_bounds = array<i64: 1, 128>}, {transform_indices = @transform_7, window_bounds = array<i64: 1, 1, 32>}, {pipeline_mode = #tpu.pipeline_mode<synchronous>, transform_indices = @transform_8, window_bounds = array<i64: 32, 128>}, {pipeline_mode = #tpu.pipeline_mode<synchronous>, transform_indices = @transform_9, window_bounds = array<i64: 1, 128>}, {pipeline_mode = #tpu.pipeline_mode<synchronous>, transform_indices = @transform_10, window_bounds = array<i64: 128, 128>}, {pipeline_mode = #tpu.pipeline_mode<synchronous>, transform_indices = @transform_11, window_bounds = array<i64: 1, 128>}, {transform_indices = @transform_12, window_bounds = array<i64: 1, 5000, 1>}]} {
    %get3A = arith.constant 0 : index
    %get3A_0 = arith.constant 0 : index
    %get3A_1 = arith.constant 0 : index
    %get3A_2 = vector.load %arg2[%get3A, %get3A_0, %get3A_1] : memref<1x5000x128xf32, #tpu.memory_space<vmem>>, vector<1x5000x128xf32>
    %get3A_3 = vector.shape_cast %get3A_2 : vector<1x5000x128xf32> to vector<5000x128xf32>
    %get3A_4 = arith.constant 0 : index
    %get3A_5 = arith.constant 0 : index
    %get3A_6 = arith.constant 0 : index
    %get3A_7 = vector.load %arg3[%get3A_4, %get3A_5, %get3A_6] : memref<1x5000x128xf32, #tpu.memory_space<vmem>>, vector<1x5000x128xf32>
    %get3A_8 = vector.shape_cast %get3A_7 : vector<1x5000x128xf32> to vector<5000x128xf32>
    %get3A_9 = arith.constant 0 : index
    %get3A_10 = arith.constant 0 : index
    %get3A_11 = vector.load %arg4[%get3A_9, %get3A_10] : memref<128x128xf32, #tpu.memory_space<vmem>>, vector<128x128xf32>
    %dot_general3A = arith.constant dense<0.000000e+00> : vector<5000x128xf32>
    %dot_general3A_12 = tpu.matmul %get3A_3, %get3A_11, %dot_general3A {dimension_numbers = #tpu.dot_dimension_numbers<[1], [0], [0], [1], [0, 0, 1, 1], [], []>, transpose_lhs_hint = false} : vector<5000x128xf32>, vector<128x128xf32>, vector<5000x128xf32> -> vector<5000x128xf32>
    %get3A_13 = arith.constant 0 : index
    %get3A_14 = arith.constant 0 : index
    %get3A_15 = vector.load %arg5[%get3A_13, %get3A_14] : memref<128x128xf32, #tpu.memory_space<vmem>>, vector<128x128xf32>
    %dot_general3A_16 = arith.constant dense<0.000000e+00> : vector<5000x128xf32>
    %dot_general3A_17 = tpu.matmul %get3A_8, %get3A_15, %dot_general3A_16 {dimension_numbers = #tpu.dot_dimension_numbers<[1], [0], [0], [1], [0, 0, 1, 1], [], []>, transpose_lhs_hint = false} : vector<5000x128xf32>, vector<128x128xf32>, vector<5000x128xf32> -> vector<5000x128xf32>
    %add3A = arith.addf %dot_general3A_12, %dot_general3A_17 : vector<5000x128xf32>
    %get3A_18 = arith.constant 0 : index
    %get3A_19 = arith.constant 0 : index
    %get3A_20 = vector.load %arg6[%get3A_18, %get3A_19] : memref<1x128xf32, #tpu.memory_space<vmem>>, vector<1x128xf32>
    %add3A_21 = vector.broadcast %get3A_20 : vector<1x128xf32> to vector<5000x128xf32>
    %add3A_22 = arith.addf %add3A, %add3A_21 : vector<5000x128xf32>
    %max3A = arith.constant 0.000000e+00 : f32
    %max3A_23 = vector.broadcast %max3A : f32 to vector<5000x128xf32>
    %max3A_24 = arith.maximumf %add3A_22, %max3A_23 : vector<5000x128xf32>
    %reduce_sum3A = arith.constant dense<0.000000e+00> : vector<5000xf32>
    %reduce_sum3A_25 = vector.multi_reduction <add>, %max3A_24, %reduce_sum3A [1] : vector<5000x128xf32> to vector<5000xf32>
    %broadcast_in_dim3A = vector.shape_cast %reduce_sum3A_25 : vector<5000xf32> to vector<5000x1xf32>
    %div3A = arith.constant 1.280000e+02 : f32
    %div3A_26 = vector.broadcast %div3A : f32 to vector<5000x1xf32>
    %div3A_27 = arith.divf %broadcast_in_dim3A, %div3A_26 : vector<5000x1xf32>
    %sub3A = vector.broadcast %div3A_27 : vector<5000x1xf32> to vector<5000x128xf32>
    %sub3A_28 = arith.subf %max3A_24, %sub3A : vector<5000x128xf32>
    %mul3A = arith.mulf %sub3A_28, %sub3A_28 : vector<5000x128xf32>
    %reduce_sum3A_29 = arith.constant dense<0.000000e+00> : vector<5000xf32>
    %reduce_sum3A_30 = vector.multi_reduction <add>, %mul3A, %reduce_sum3A_29 [1] : vector<5000x128xf32> to vector<5000xf32>
    %broadcast_in_dim3A_31 = vector.shape_cast %reduce_sum3A_30 : vector<5000xf32> to vector<5000x1xf32>
    %div3A_32 = arith.constant 1.280000e+02 : f32
    %div3A_33 = vector.broadcast %div3A_32 : f32 to vector<5000x1xf32>
    %div3A_34 = arith.divf %broadcast_in_dim3A_31, %div3A_33 : vector<5000x1xf32>
    %get3A_35 = arith.constant 0 : index
    %get3A_36 = arith.constant 0 : index
    %get3A_37 = arith.constant 0 : index
    %get3A_38 = vector.load %arg9[%get3A_35, %get3A_36, %get3A_37] : memref<1x1x32xf32, #tpu.memory_space<vmem>>, vector<1x1x32xf32>
    %get3A_39 = vector.shape_cast %get3A_38 : vector<1x1x32xf32> to vector<1x32xf32>
    %get3A_40 = arith.constant 0 : index
    %get3A_41 = arith.constant 0 : index
    %get3A_42 = vector.load %arg10[%get3A_40, %get3A_41] : memref<32x128xf32, #tpu.memory_space<vmem>>, vector<32x128xf32>
    %dot_general3A_43 = arith.constant dense<0.000000e+00> : vector<1x128xf32>
    %dot_general3A_44 = tpu.matmul %get3A_39, %get3A_42, %dot_general3A_43 {dimension_numbers = #tpu.dot_dimension_numbers<[1], [0], [0], [1], [0, 0, 1, 1], [], []>, transpose_lhs_hint = false} : vector<1x32xf32>, vector<32x128xf32>, vector<1x128xf32> -> vector<1x128xf32>
    %get3A_45 = arith.constant 0 : index
    %get3A_46 = arith.constant 0 : index
    %get3A_47 = vector.load %arg11[%get3A_45, %get3A_46] : memref<1x128xf32, #tpu.memory_space<vmem>>, vector<1x128xf32>
    %add3A_48 = arith.addf %dot_general3A_44, %get3A_47 : vector<1x128xf32>
    %get3A_49 = arith.constant 0 : index
    %get3A_50 = arith.constant 0 : index
    %get3A_51 = vector.load %arg12[%get3A_49, %get3A_50] : memref<128x128xf32, #tpu.memory_space<vmem>>, vector<128x128xf32>
    %dot_general3A_52 = arith.constant dense<0.000000e+00> : vector<1x128xf32>
    %dot_general3A_53 = tpu.matmul %add3A_48, %get3A_51, %dot_general3A_52 {dimension_numbers = #tpu.dot_dimension_numbers<[1], [1], [0], [0], [0, 0, 1, 0], [], []>, transpose_lhs_hint = false} : vector<1x128xf32>, vector<128x128xf32>, vector<1x128xf32> -> vector<1x128xf32>
    %get3A_54 = arith.constant 0 : index
    %get3A_55 = arith.constant 0 : index
    %get3A_56 = vector.load %arg7[%get3A_54, %get3A_55] : memref<1x128xf32, #tpu.memory_space<vmem>>, vector<1x128xf32>
    %mul3A_57 = arith.mulf %dot_general3A_53, %get3A_56 : vector<1x128xf32>
    %reduce_sum3A_58 = vector.shape_cast %mul3A_57 : vector<1x128xf32> to vector<1x1x128xf32>
    %reduce_sum3A_59 = arith.constant dense<0.000000e+00> : vector<1xf32>
    %reduce_sum3A_60 = vector.multi_reduction <add>, %reduce_sum3A_58, %reduce_sum3A_59 [1, 2] : vector<1x1x128xf32> to vector<1xf32>
    %reduce_sum3A_61 = vector.shape_cast %reduce_sum3A_60 : vector<1xf32> to vector<1x1x1xf32>
    %reduce_sum3A_62 = vector.extract %reduce_sum3A_61[0, 0, 0] : f32 from vector<1x1x1xf32>
    %get3A_63 = arith.constant 0 : index
    %get3A_64 = arith.constant 0 : index
    %get3A_65 = vector.load %arg8[%get3A_63, %get3A_64] : memref<1x128xf32, #tpu.memory_space<vmem>>, vector<1x128xf32>
    %mul3A_66 = arith.mulf %get3A_65, %dot_general3A_53 : vector<1x128xf32>
    %reduce_sum3A_67 = vector.shape_cast %mul3A_66 : vector<1x128xf32> to vector<1x1x128xf32>
    %reduce_sum3A_68 = arith.constant dense<0.000000e+00> : vector<1xf32>
    %reduce_sum3A_69 = vector.multi_reduction <add>, %reduce_sum3A_67, %reduce_sum3A_68 [1, 2] : vector<1x1x128xf32> to vector<1xf32>
    %reduce_sum3A_70 = vector.shape_cast %reduce_sum3A_69 : vector<1xf32> to vector<1x1x1xf32>
    %reduce_sum3A_71 = vector.extract %reduce_sum3A_70[0, 0, 0] : f32 from vector<1x1x1xf32>
    %get3A_72 = arith.constant 0 : index
    %get3A_73 = arith.constant 0 : index
    %get3A_74 = vector.load %arg13[%get3A_72, %get3A_73] : memref<1x128xf32, #tpu.memory_space<vmem>>, vector<1x128xf32>
    %mul3A_75 = arith.mulf %get3A_74, %add3A_48 : vector<1x128xf32>
    %reduce_sum3A_76 = vector.shape_cast %mul3A_75 : vector<1x128xf32> to vector<1x1x128xf32>
    %reduce_sum3A_77 = arith.constant dense<0.000000e+00> : vector<1xf32>
    %reduce_sum3A_78 = vector.multi_reduction <add>, %reduce_sum3A_76, %reduce_sum3A_77 [1, 2] : vector<1x1x128xf32> to vector<1xf32>
    %reduce_sum3A_79 = vector.shape_cast %reduce_sum3A_78 : vector<1xf32> to vector<1x1x1xf32>
    %reduce_sum3A_80 = vector.extract %reduce_sum3A_79[0, 0, 0] : f32 from vector<1x1x1xf32>
    %dot_general3A_81 = arith.constant dense<0.000000e+00> : vector<5000x1xf32>
    %dot_general3A_82 = tpu.matmul %max3A_24, %mul3A_57, %dot_general3A_81 {dimension_numbers = #tpu.dot_dimension_numbers<[1], [1], [0], [0], [0, 0, 1, 0], [], []>, transpose_lhs_hint = false} : vector<5000x128xf32>, vector<1x128xf32>, vector<5000x1xf32> -> vector<5000x1xf32>
    %add3A_83 = arith.constant 9.99999974E-6 : f32
    %add3A_84 = vector.broadcast %add3A_83 : f32 to vector<5000x1xf32>
    %add3A_85 = arith.addf %div3A_34, %add3A_84 : vector<5000x1xf32>
    %rsqrt3A = math.rsqrt %add3A_85 : vector<5000x1xf32>
    %mul3A_86 = vector.broadcast %reduce_sum3A_62 : f32 to vector<5000x1xf32>
    %mul3A_87 = arith.mulf %div3A_27, %mul3A_86 : vector<5000x1xf32>
    %sub3A_88 = arith.subf %dot_general3A_82, %mul3A_87 : vector<5000x1xf32>
    %mul3A_89 = arith.mulf %sub3A_88, %rsqrt3A : vector<5000x1xf32>
    %add3A_90 = arith.addf %reduce_sum3A_71, %reduce_sum3A_80 : f32
    %add3A_91 = vector.broadcast %add3A_90 : f32 to vector<5000x1xf32>
    %add3A_92 = arith.addf %mul3A_89, %add3A_91 : vector<5000x1xf32>
    %mul3A_93 = arith.constant 0.0883883461 : f32
    %mul3A_94 = vector.broadcast %mul3A_93 : f32 to vector<5000x1xf32>
    %mul3A_95 = arith.mulf %add3A_92, %mul3A_94 : vector<5000x1xf32>
    %swap3A = arith.constant 0 : index
    %swap3A_96 = arith.constant 0 : index
    %swap3A_97 = arith.constant 0 : index
    %swap3A_98 = vector.load %arg14[%swap3A, %swap3A_96, %swap3A_97] : memref<1x5000x1xf32, #tpu.memory_space<vmem>>, vector<1x5000x1xf32>
    %swap3A_99 = vector.shape_cast %swap3A_98 : vector<1x5000x1xf32> to vector<5000x1xf32>
    %swap3A_100 = vector.shape_cast %mul3A_95 : vector<5000x1xf32> to vector<1x5000x1xf32>
    tpu.vector_store %arg14[%swap3A, %swap3A_96, %swap3A_97], %swap3A_100 {strides = array<i32>} : memref<1x5000x1xf32, #tpu.memory_space<vmem>>, vector<1x5000x1xf32>,
    return
  }
  func.func @transform_0(%arg0: i32, %arg1: i32) -> (i32, i32, i32) {
    %c0_i32 = arith.constant 0 : i32
    %c0_i32_0 = arith.constant 0 : i32
    return %arg0, %arg1, %c0_i32 : i32, i32, i32
  }
  func.func @transform_1(%arg0: i32, %arg1: i32) -> (i32, i32, i32) {
    %c0_i32 = arith.constant 0 : i32
    %c0_i32_0 = arith.constant 0 : i32
    return %arg0, %arg1, %c0_i32 : i32, i32, i32
  }
  func.func @transform_2(%arg0: i32, %arg1: i32) -> (i32, i32) {
    %c0_i32 = arith.constant 0 : i32
    %c0_i32_0 = arith.constant 0 : i32
    %c0_i32_1 = arith.constant 0 : i32
    return %c0_i32, %c0_i32_0 : i32, i32
  }
  func.func @transform_3(%arg0: i32, %arg1: i32) -> (i32, i32) {
    %c0_i32 = arith.constant 0 : i32
    %c0_i32_0 = arith.constant 0 : i32
    %c0_i32_1 = arith.constant 0 : i32
    return %c0_i32, %c0_i32_0 : i32, i32
  }
  func.func @transform_4(%arg0: i32, %arg1: i32) -> (i32, i32) {
    %c0_i32 = arith.constant 0 : i32
    %c0_i32_0 = arith.constant 0 : i32
    %c0_i32_1 = arith.constant 0 : i32
    return %c0_i32, %c0_i32_0 : i32, i32
  }
  func.func @transform_5(%arg0: i32, %arg1: i32) -> (i32, i32) {
    %c0_i32 = arith.constant 0 : i32
    %c0_i32_0 = arith.constant 0 : i32
    %c0_i32_1 = arith.constant 0 : i32
    return %c0_i32, %c0_i32_0 : i32, i32
  }
  func.func @transform_6(%arg0: i32, %arg1: i32) -> (i32, i32) {
    %c0_i32 = arith.constant 0 : i32
    %c0_i32_0 = arith.constant 0 : i32
    %c0_i32_1 = arith.constant 0 : i32
    return %c0_i32, %c0_i32_0 : i32, i32
  }
  func.func @transform_7(%arg0: i32, %arg1: i32) -> (i32, i32, i32) {
    %c0_i32 = arith.constant 0 : i32
    %c0_i32_0 = arith.constant 0 : i32
    %c0_i32_1 = arith.constant 0 : i32
    return %arg0, %c0_i32, %c0_i32_0 : i32, i32, i32
  }
  func.func @transform_8(%arg0: i32, %arg1: i32) -> (i32, i32) {
    %c0_i32 = arith.constant 0 : i32
    %c0_i32_0 = arith.constant 0 : i32
    %c0_i32_1 = arith.constant 0 : i32
    return %c0_i32, %c0_i32_0 : i32, i32
  }
  func.func @transform_9(%arg0: i32, %arg1: i32) -> (i32, i32) {
    %c0_i32 = arith.constant 0 : i32
    %c0_i32_0 = arith.constant 0 : i32
    %c0_i32_1 = arith.constant 0 : i32
    return %c0_i32, %c0_i32_0 : i32, i32
  }
  func.func @transform_10(%arg0: i32, %arg1: i32) -> (i32, i32) {
    %c0_i32 = arith.constant 0 : i32
    %c0_i32_0 = arith.constant 0 : i32
    %c0_i32_1 = arith.constant 0 : i32
    return %c0_i32, %c0_i32_0 : i32, i32
  }
  func.func @transform_11(%arg0: i32, %arg1: i32) -> (i32, i32) {
    %c0_i32 = arith.constant 0 : i32
    %c0_i32_0 = arith.constant 0 : i32
    %c0_i32_1 = arith.constant 0 : i32
    return %c0_i32, %c0_i32_0 : i32, i32
  }
  func.func @transform_12(%arg0: i32, %arg1: i32) -> (i32, i32, i32) {
    %c0_i32 = arith.constant 0 : i32
    %c0_i32_0 = arith.constant 0 : i32
    return %arg0, %arg1, %c0_i32 : i32, i32, i32
  }
}

</mosaic_0001>

<sc_bundles>
// kernel: kernel.4.cloned.1.call-start
scs
__scs_entry_jumppad:
0x0: {  	(pc) =	sbr.rel $0x88, $3  }
0x1: {  	(tag) =	ssettag $0x0;
	lr =	simm.s32 $0x1  }
0x2: {  	[smem:$0x3F94] =	sst lr;
	_ =	strace $0xD0000000  }
0x3: {  	_ = 	snop  }
0x4: {  	_ = 	snop  }
0x5: {  	_ = 	snop  }
0x6: {  	_ = 	snop  }
0x7: {  	_ = 	snop  }
__scs_overlays_trampoline_lowered:
0x8: {  	[smem:$0x3FA3] =	sst s0  }
0x9: {  	[smem:$0x3FA4] =	sst s1  }
0xa: {  	[smem:$0x3FA5] =	sst s2  }
0xb: {  	[smem:$0x3FA6] =	sst s3  }
0xc: {  	[smem:$0x3FA7] =	sst s4  }
0xd: {  	[smem:$0x3FA8] =	sst s5  }
0xe: {  	[smem:$0x3FA9] =	sst s6  }
0xf: {  	[smem:$0x3FAA] =	sst s7  }
0x10: {  	[smem:$0x3FAB] =	sst s8  }
0x11: {  	[smem:$0x3FAC] =	sst s9;
	s0 =	simm.s32 @!p0 $0x0  }
0x12: {  	s1 =	sld [smem:$0x3F92];
	s0 =	simm.s32 @p0 $0x1  }
0x13: {  	[smem:$0x3FAD] =	sst s0;
	s0 =	simm.s32 @!p1 $0x0  }
0x14: {  	s2 =	sld [smem:$0x3F91];
	s0 =	simm.s32 @p1 $0x1  }
0x15: {  	[smem:$0x3FAE] =	sst s0;
	s0 =	simm.s32 @!p2 $0x0  }
0x16: {  	s3 =	sld [smem:$0x3FDB];
	s0 =	simm.s32 @p2 $0x1  }
0x17: {  	s4 =	simm.s32 $0x1BF5;
	[smem:$0x3FB0] =	sst s0  }
0x18: {  	s0 =	sld [smem:$0x3F93];
	_ =	swait.ge [sflag:s4], $0x0  }
0x19: {  	s7 =	sld [smem:$0x3F94]  }
0x1a: {  	s8 =	sadd.s32 $0xFFFFE003, lr  }
0x1b: {  	s9 =	sadd.s32 $0xFFFFFEF7, lr;
	s5 =	simm.s32 $0xFFFFFFFF;
	p2 =	slt.u32 s8, $0xFFFFF086  }
0x1c: {  	p1 =	slt.u32 s9, $0xF7A;
	s5 =	simm.s32 @!p2 $0x0  }
0x1d: {  	s5 =	simm.s32 @p1 $0x1;
	p0 =	seq.s32 s7, s2  }
0x1e: {  	s7 =	smul.u32 @!p0 $0xF7A, s2;
	p2 =	seq.s32 @!p0 s5, $0x0  }
0x1f: {  	s9 =	smul.u32 $0xF7A, s1;
	s8 =	simm.s32 @!p0 $0x1BF5;
	p2 =	por !p2, p0  }
0x20: {  	[sflag:s8] =	ssyncset.s32 @!p0 $0xFFFFF086;
	s6 =	sadd.s32 @!p0 s3, s7;
	s7 =	simm.s32 @!p0 $0x108  }
0x21: {  	s3 =	sadd.s32 s3, s9;
	s6 =	sadd.s32 @!p0 $0x88, s6;
	s7 =	simm.s32 @p2 $0x1082  }
0x22: {  	[simem:s7], [sflag:s8] =	dma.local @!p0 [hbm:s6], $0xF7A  }
0x23: {  	s9 =	sor.u32 $0xD0000000, s2;
	s6 =	simm.s32 $0x108;
	_ =	swait.ge @!p0 [sflag:s8], $0x0  }
0x24: {  	s3 =	sadd.s32 $0x88, s3;
	s6 =	simm.s32 @!p1 $0x1082;
	[sflag:s4] =	ssyncset.s32 $0xFFFFF086  }
0x25: {  	[simem:s6], [sflag:s4] =	dma.local [hbm:s3], $0xF7A  }
0x26: {  	[smem:$0x3F94] =	sst s1;
	(tag) =	ssettag s2;
	_ =	strace s9  }
0x27: {  	s1 =	sld [smem:$0x3FA4]  }
0x28: {  	s2 =	sld [smem:$0x3FA5]  }
0x29: {  	s4 =	sld [smem:$0x3FA7]  }
0x2a: {  	p0 =	seq.s32 s5, $0x0;
	s5 =	sld [smem:$0x3FA8]  }
0x2b: {  	s6 =	sld [smem:$0x3FA9]  }
0x2c: {  	s7 =	sld [smem:$0x3FAA]  }
0x2d: {  	s3 =	simm.s32 $0x108;
	s8 =	sld [smem:$0x3FAB]  }
0x2e: {  	s3 =	simm.s32 @!p0 $0x1082;
	s9 =	sld [smem:$0x3FAC]  }
0x2f: {  	lr =	sadd.s32 s0, s3;
	s0 =	sld [smem:$0x3FA3]  }
0x30: {  	s3 =	sld [smem:$0x3FA6]  }
0x31: {  	[smem:$0x3FAF] =	sst s10  }
0x32: {  	s10 =	sld [smem:$0x3FAD];
	_ =	sdelay $0x3  }
0x33: {  	p0 =	seq.s32 s10, $0x1;
	s10 =	sld [smem:$0x3FAF];
	_ =	sdelay $0x3  }
0x34: {  	[smem:$0x3FAF] =	sst s10  }
0x35: {  	s10 =	sld [smem:$0x3FAE];
	_ =	sdelay $0x3  }
0x36: {  	p1 =	seq.s32 s10, $0x1;
	s10 =	sld [smem:$0x3FAF];
	_ =	sdelay $0x3  }
0x37: {  	[smem:$0x3FAF] =	sst s10  }
0x38: {  	s10 =	sld [smem:$0x3FB0]  }
0x39: {  	_ = 	snop;
	(pc) =	sbr.ind lr, $3  }
0x3a: {  	_ = 	snop  }
0x3b: {  	_ = 	snop  }
0x3c: {  	p2 =	seq.s32 s10, $0x1;
	s10 =	sld [smem:$0x3FAF]  }
0x3d: {  	_ =	shalt  }
0x3e: {  	_ =	shalt  }
0x3f: {  	_ =	shalt  }
0x40: {  	_ =	shalt  }
0x41: {  	_ =	shalt  }
0x42: {  	_ =	shalt  }
0x43: {  	_ =	shalt  }
0x44: {  	_ =	shalt  }
0x45: {  	_ =	shalt  }
0x46: {  	_ =	shalt  }
0x47: {  	_ =	shalt  }
0x48: {  	_ =	shalt  }
0x49: {  	_ =	shalt  }
0x4a: {  	_ =	shalt  }
0x4b: {  	_ =	shalt  }
0x4c: {  	_ =	shalt  }
0x4d: {  	_ =	shalt  }
0x4e: {  	_ =	shalt  }
0x4f: {  	_ =	shalt  }
0x50: {  	_ =	shalt  }
0x51: {  	_ =	shalt  }
0x52: {  	_ =	shalt  }
0x53: {  	_ =	shalt  }
0x54: {  	_ =	shalt  }
0x55: {  	_ =	shalt  }
0x56: {  	_ =	shalt  }
0x57: {  	_ =	shalt  }
0x58: {  	_ =	shalt  }
0x59: {  	_ =	shalt  }
0x5a: {  	_ =	shalt  }
0x5b: {  	_ =	shalt  }
0x5c: {  	_ =	shalt  }
0x5d: {  	_ =	shalt  }
0x5e: {  	_ =	shalt  }
0x5f: {  	_ =	shalt  }
0x60: {  	_ =	shalt  }
0x61: {  	_ =	shalt  }
0x62: {  	_ =	shalt  }
0x63: {  	_ =	shalt  }
0x64: {  	_ =	shalt  }
0x65: {  	_ =	shalt  }
0x66: {  	_ =	shalt  }
0x67: {  	_ =	shalt  }
0x68: {  	_ =	shalt  }
0x69: {  	_ =	shalt  }
0x6a: {  	_ =	shalt  }
0x6b: {  	_ =	shalt  }
0x6c: {  	_ =	shalt  }
0x6d: {  	_ =	shalt  }
0x6e: {  	_ =	shalt  }
0x6f: {  	_ =	shalt  }
0x70: {  	_ =	shalt  }
0x71: {  	_ =	shalt  }
0x72: {  	_ =	shalt  }
0x73: {  	_ =	shalt  }
0x74: {  	_ =	shalt  }
0x75: {  	_ =	shalt  }
0x76: {  	_ =	shalt  }
0x77: {  	_ =	shalt  }
0x78: {  	_ =	shalt  }
0x79: {  	_ =	shalt  }
0x7a: {  	_ =	shalt  }
0x7b: {  	_ =	shalt  }
0x7c: {  	_ =	shalt  }
0x7d: {  	_ =	shalt  }
0x7e: {  	_ =	shalt  }
0x7f: {  	_ =	shalt  }
0x80: {  	_ =	shalt  }
0x81: {  	_ =	shalt  }
0x82: {  	_ =	shalt  }
0x83: {  	_ =	shalt  }
0x84: {  	_ =	shalt  }
0x85: {  	_ =	shalt  }
0x86: {  	_ =	shalt  }
0x87: {  	_ =	shalt  }
.Lfunc_end0:
.L_simem_size_0:
called_computation_lowered:
.L_overlay_start_0:
0x88: {  	s2 =	sld [smem:$0x3FD9]  }
0x89: {  	s3 =	sld [smem:$0x3FFE];
	_ =	sdelay $0x1  }
0x8a: {  	s1 =	srdreg.scid  }
0x8b: {  	s0 =	sand.u32 $0x1, s1  }
0x8c: {  	s17 =	sshll.u32 s0, $0xA;
	s2 =	sadd.s32 s3, s2  }
0x8d: {  	s2 =	sadd.s32 s2, s17  }
0x8e: {  	[smem:$0x3FBB] =	sst s2  }
0x8f: {  	_ = 	snop  }
0x90: {  	s2 =	sld [smem:$0x3FC9];
	(tm) =	ssettm $0x1  }
0x91: {  	s18 =	sld [smem:$0x3FFB];
	_ =	sdelay $0x3  }
0x92: {  	_ =	strace s18  }
0x93: {  	s3 =	sld [smem:$0x3FFC];
	_ =	sdelay $0x3  }
0x94: {  	_ =	strace s3  }
0x95: {  	s3 =	sld [smem:$0x3FFD];
	_ =	sdelay $0x3  }
0x96: {  	_ =	strace s3  }
0x97: {  	_ =	strace $0x8FFFFFFF  }
0x98: {  	s19 =	sld [smem:$0x3FDB];
	_ =	sdelay $0x1  }
0x99: {  	s4 =	simm.s32 $_scs_section_size  }
0x9a: {  	s5 =	simm.s32 $_size__tile_overlayer_lowered;
	s6 =	simm.s32 $_tile_overlayer_lowered  }
0x9b: {  	s22 =	simm.s32 $0x1BFF;
	s21 =	sshll.u32 s6, $0x1;
	s3 =	sadd.s32 s4, s19  }
0x9c: {  	s7 =	simm.s32 $0x0;
	s20 =	sshll.u32 s5, $0x1;
	s5 =	sadd.s32 s21, s3  }
0x9d: {  	[timem:s7], [sflag:s22] =	dma.local [hbm:s5], s20  }
0x9e: {  	_ =	swait.ge [sflag:s22], s20  }
0x9f: {  	s4 =	ssub.s32 $0x0, s20;
	[sflag:s22] =	ssyncset.done $0x0  }
0xa0: {  	[sflag:s22] =	ssyncadd.s32 s4;
	_ =	sdelay $0x1  }
0xa1: {  	s23 =	simm.s32 $0x1B8B  }
0xa2: {  	_ =	swait.ge [sflag:s23], $0x1  }
0xa3: {  	[sflag:s23] =	ssyncset.done $0x0  }
0xa4: {  	s25 =	simm.s32 $0x1B8E;
	s24 =	sld [smem:$0x3FFE];
	[sflag:s23] =	ssyncadd.s32 $0xFFFFFFFF  }
0xa5: {  	s26 =	simm.s32 $execute0_lowered;
	[smem:$0x3FD2] =	sst s25  }
0xa6: {  	s5 =	sshll.u32 s26, $0x1;
	_ =	strace $0x80000046;
	[dreg:$0x1] =	wrdreg $0xFFFFFFFF  }
0xa7: {  	s28 =	simm.s32 $_size_execute0_lowered;
	s3 =	sadd.s32 s3, s5;
	[dreg:$0x0] =	wrdreg $0x0  }
0xa8: {  	s5 =	sshll.u32 s28, $0x1;
	[dreg:$0x2] =	wrdreg s3  }
0xa9: {  	[dreg:$0x3] =	wrdreg s5  }
0xaa: {  	[dreg:$0x4] =	wrdreg $0xC0  }
0xab: {  	_ =	task [dreg:s7], $0x5FFFF  }
0xac: {  	[dreg:$0x1] =	wrdreg $0xFFFFFFFF  }
0xad: {  	[dreg:$0x0] =	wrdreg $0x60  }
0xae: {  	[dreg:$0x2] =	wrdreg s2  }
0xaf: {  	[dreg:$0x3] =	wrdreg s24  }
0xb0: {  	[dreg:$0x4] =	wrdreg $0xC0000  }
0xb1: {  	[dreg:$0x5] =	wrdreg $0x9  }
0xb2: {  	_ =	task.clear_ibuf [dreg:s7], $0x6FFFF;
	_ =	strace $0x90000046  }
0xb3: {  	s29 =	simm.s32 $0x9;
	_ =	strace $0x80000048  }
0xb4: {  	_ =	swait.ge [sflag:s29], $0x1  }
0xb5: {  	[sflag:s29] =	ssyncadd.s32 $0xFFFFFFFF  }
0xb6: {  	_ =	strace $0x90000048  }
0xb7: {  	_ =	sfence  }
0xb8: {  	s30 =	sld [smem:$0x0];
	_ =	sdelay $0x2  }
0xb9: {  	s31 =	sshll.u32 s1, $0xD;
	s1 =	sshrl.u32 s1, $0x2  }
0xba: {  	s3 =	sand.u32 $0x4000, s31;
	s1 =	sadd.s32 s1, s30  }
0xbb: {  	s0 =	sor.u32 s3, s0;
	s1 =	sshll.u32 s1, $0x11  }
0xbc: {  	s0 =	sor.u32 s1, s0  }
0xbd: {  	s0 =	sadd.s32 $0x8F2B, s0  }
0xbe: {  	[sflag:s0] =	ssyncadd.remote.s32 $0x1  }
0xbf: {  	_ =	sfence.sel $0xFFFF  }
0xc0: {  	[dreg:$0x0] =	wrdreg $0xFFFFFFFF;
	(pc) =	sbr.abs _section_cstart, $3  }
0xc1: {  	[dreg:$0x1] =	wrdreg $0xFFFFFFFF  }
0xc2: {  	_ =	task.clear_ibuf [dreg:s7], $0x2FFFF;
	_ =	strace $0x9FFFFFFF  }
0xc3: {  	(tm) =	ssettm $0x7FFFFFFF  }
tec
execute0_lowered:
.L_overlay_start_1:
0x0: {  	(tag) =	ssettag $0x1  }
0x1: {  	s0 =	rddreg [dreg:$0x1]  }
0x2: {  	s1 =	simm.s32 $0x0;
	s2 =	srdreg.scid;
	s17 =	stileid.u32  }
0x3: {  	s28 =	simm.s32 $0x0;
	[smem:$0x7FF] =	sst s1;
	s9 =	smul.u32 $0x13C00, s17  }
0x4: {  	s8 =	sand.u32 $0x1, s2;
	s10 =	sadd.s32 $0x25A00, s0;
	s12 =	smul.u32 $0x4800, s17  }
0x5: {  	s11 =	sadd.s32 $0x1A00, s0;
	s3 =	sadd.s32 $0x49A00, s0;
	s4 =	smul.u32 $0x90000, s8  }
0x6: {  	s2 =	ssub.s32 $0x2, s8;
	s13 =	smul.u32 $0x278000, s8;
	s8 =	sshllo.u32 s8, $0x1  }
0x7: {  	s5 =	sshrl.u32 s2, $0x1;
	s0 =	sadd.s32 $0x2800, s9;
	s24 =	smul.u32 $0x48000, s8  }
0x8: {  	s8 =	smul.u32 $0x13C000, s8;
	s6 =	ssub.s32 s2, s5;
	s2 =	sadd.s32 $0x5000, s9  }
0x9: {  	s7 =	sadd.s32 s12, s4;
	s4 =	sadd.s32 $0x7800, s9;
	s5 =	sadd.s32 $0xA000, s9  }
0xa: {  	s19 =	sadd.s32 s9, s13;
	s22 =	sadd.s32 s13, s0;
	s14 =	sshrl.u32 s7, $0x3  }
0xb: {  	s7 =	sadd.s32 $0xC800, s9;
	s23 =	sadd.s32 s13, s2;
	s26 =	sadd.s32 s13, s4  }
0xc: {  	s29 =	sadd.s32 s13, s5;
	s12 =	sadd.s32 s12, s24;
	s6 =	smax.u32 s6, $0x1  }
0xd: {  	s15 =	sadd.s32 s10, s14;
	s16 =	sadd.s32 s11, s14;
	s14 =	sadd.s32 $0x480, s14  }
0xe: {  	s18 =	sshrl.u32 s29, $0x3;
	s12 =	sshrl.u32 s12, $0x3;
	[dreg:$0x4] =	wrdreg s15  }
0xf: {  	s29 =	sadd.s32 s0, s8;
	[dreg:$0x5] =	wrdreg s16;
	s20 =	sadd.s32 s10, s14  }
0x10: {  	s15 =	sshrl.u32 s19, $0x3;
	s14 =	sadd.s32 s11, s14;
	[dreg:$0x6] =	wrdreg s20  }
0x11: {  	s19 =	sadd.s32 s10, s12;
	[dreg:$0x7] =	wrdreg s14;
	s21 =	sadd.s32 s3, s15  }
0x12: {  	s14 =	sshrl.u32 s22, $0x3;
	s15 =	sshrl.u32 s23, $0x3;
	[dreg:$0xc] =	wrdreg s19  }
0x13: {  	s20 =	sadd.s32 s11, s12;
	s12 =	sadd.s32 $0x480, s12;
	s22 =	sadd.s32 s13, s7  }
0x14: {  	s23 =	sadd.s32 s3, s18;
	s18 =	sadd.s32 s5, s8;
	[dreg:$0x8] =	wrdreg s21  }
0x15: {  	s14 =	sadd.s32 s3, s14;
	s25 =	sadd.s32 s3, s15;
	[dreg:$0xd] =	wrdreg s20  }
0x16: {  	s10 =	sadd.s32 s10, s12;
	s21 =	sadd.s32 s11, s12;
	[dreg:$0x10] =	wrdreg s23  }
0x17: {  	s11 =	sadd.s32 $0xF000, s9;
	s12 =	sadd.s32 $0x11800, s9;
	[dreg:$0x9] =	wrdreg s14  }
0x18: {  	s9 =	sadd.s32 s9, s8;
	s15 =	sadd.s32 s4, s8;
	[dreg:$0xa] =	wrdreg s25  }
0x19: {  	s19 =	sshrl.u32 s18, $0x3;
	s20 =	sadd.s32 s7, s8;
	[dreg:$0xe] =	wrdreg s10  }
0x1a: {  	s18 =	simm.s32 $0x4200;
	s14 =	sshrl.u32 s26, $0x3;
	[dreg:$0xf] =	wrdreg s21  }
0x1b: {  	s10 =	sshrl.u32 s22, $0x3;
	s24 =	sadd.s32 s13, s11;
	s13 =	sadd.s32 s13, s12  }
0x1c: {  	s9 =	sshrl.u32 s9, $0x3;
	s16 =	sshrl.u32 s15, $0x3;
	s21 =	sshrl.u32 s20, $0x3  }
0x1d: {  	s22 =	sadd.s32 s11, s8;
	s15 =	simm.s32 $0x2;
	s20 =	simm.s32 $0x4280  }
0x1e: {  	s14 =	sadd.s32 s3, s14;
	s10 =	sadd.s32 s3, s10;
	s25 =	sshrl.u32 s24, $0x3  }
0x1f: {  	s26 =	sshrl.u32 s13, $0x3;
	s9 =	sadd.s32 s3, s9;
	[dreg:$0xb] =	wrdreg s14  }
0x20: {  	s13 =	sadd.s32 s2, s8;
	s23 =	sshrl.u32 s22, $0x3;
	[dreg:$0x11] =	wrdreg s10  }
0x21: {  	s8 =	sadd.s32 s12, s8;
	s24 =	smul.u32 $0x4F000, s17;
	[dreg:$0x14] =	wrdreg s9  }
0x22: {  	s22 =	simm.s32 $0x4300;
	s10 =	sadd.s32 s3, s25;
	s25 =	rddreg [dreg:$0x0]  }
0x23: {  	s14 =	sshrl.u32 s13, $0x3;
	s8 =	sshrl.u32 s8, $0x3;
	[dreg:$0x12] =	wrdreg s10  }
0x24: {  	s13 =	simm.s32 $0x7000;
	s10 =	sadd.s32 s3, s26;
	s26 =	rddreg [dreg:$0x2]  }
0x25: {  	[dreg:$0x13] =	wrdreg s10;
	s10 =	sshrl.u32 s29, $0x3;
	s29 =	sshrl.u32 s24, $0x2  }
0x26: {  	s31 =	sadd.s32 s0, s26;
	s24 =	sadd.s32 s2, s26;
	s0 =	sadd.s32 s4, s26  }
0x27: {  	s2 =	sadd.s32 s5, s26;
	s4 =	sadd.s32 s11, s26;
	s5 =	sadd.s32 s12, s26  }
0x28: {  	s11 =	simm.s32 $0x4800;
	s9 =	sadd.s32 s3, s10;
	s30 =	sadd.s32 s29, s26  }
0x29: {  	s10 =	simm.s32 $0x50;
	[dreg:$0x15] =	wrdreg s9;
	s9 =	sadd.s32 s3, s14  }
0x2a: {  	s14 =	simm.s32 $0x1;
	[dreg:$0x16] =	wrdreg s9;
	s9 =	sadd.s32 s3, s16  }
0x2b: {  	s16 =	simm.s32 $0x3;
	[dreg:$0x17] =	wrdreg s9;
	s9 =	sadd.s32 s3, s19  }
0x2c: {  	s19 =	simm.s32 $0x1F80;
	[dreg:$0x18] =	wrdreg s9;
	s9 =	sadd.s32 s3, s21  }
0x2d: {  	s21 =	simm.s32 $0x2000;
	[dreg:$0x19] =	wrdreg s9;
	s9 =	sadd.s32 s3, s23  }
0x2e: {  	s3 =	sadd.s32 s3, s8;
	s8 =	simm.s32 $0x4;
	[dreg:$0x1a] =	wrdreg s9  }
0x2f: {  	s23 =	simm.s32 $0x4380;
	[dreg:$0x1b] =	wrdreg s3;
	s3 =	sadd.s32 s7, s26  }
0x30: {  	v0 =	vimm.f32 $0.0e+00;
	s7 =	simm.s32 $0x9800;
	_ =	strace $0x80000047;
	[dreg:$0x1c] =	wrdreg s6  }
.LBB2_1:
0x31: {  	s29 =	simm.s32 $0x0;
	s6 =	simm.s32 $0x200  }
.LBB2_2:
0x32: {  	p0 =	sne.s32 s6, $0x9E00;
	[tilespmem:s29+$0x9870] =	vst v0  }
0x33: {  	[tilespmem:s29+$0x9800] =	vst v0  }
0x34: {  	[tilespmem:s29+$0x9810] =	vst v0  }
.Ltmp0:
0x35: {  	[tilespmem:s29+$0x9820] =	vst v0;
	(pc) =	sbr.rel @p0 .LBB2_2-.Ltmp0, $4  }
0x36: {  	[tilespmem:s29+$0x9830] =	vst v0  }
0x37: {  	[tilespmem:s29+$0x9840] =	vst v0  }
0x38: {  	[tilespmem:s29+$0x9850] =	vst v0  }
0x39: {  	[tilespmem:s29+$0x9860] =	vst v0;
	s29 =	sshra.s32 s6, $0x2;
	s6 =	sadd.s32 $0x200, s6  }
0x3a: {  	[tilespmem:s29+$0x9870] =	vst v0  }
0x3b: {  	[tilespmem:s29+$0x9800] =	vst v0  }
0x3c: {  	[tilespmem:s29+$0x9810] =	vst v0  }
0x3d: {  	[tilespmem:s29+$0x9820] =	vst v0  }
0x3e: {  	[tilespmem:s29+$0x9830] =	vst v0  }
0x3f: {  	[tilespmem:s29+$0x9840] =	vst v0  }
0x40: {  	[tilespmem:s29+$0x9850] =	vst v0  }
0x41: {  	[tilespmem:s29+$0x9860] =	vst v0  }
0x42: {  	[spmem:s30] =	stream.linear.scatter [tilespmem:s7], [sflag:$0x4], $0x2800, $0x38;
	[tilespmem:$0x1FC00] =	vst v63  }
0x43: {  	_ =	swait.ge [sflag:s8], $0x2800  }
0x44: {  	[sflag:s8] =	ssyncset.done $0x0  }
0x45: {  	[sflag:s8] =	ssyncadd.s32 $0xFFFFD800  }
0x46: {  	[spmem:s31] =	stream.linear.scatter [tilespmem:s7], [sflag:$0x4], $0x2800, $0x38;
	[tilespmem:$0x1FC00] =	vst v63  }
0x47: {  	_ =	swait.ge [sflag:s8], $0x2800  }
0x48: {  	[sflag:s8] =	ssyncset.done $0x0  }
0x49: {  	[sflag:s8] =	ssyncadd.s32 $0xFFFFD800  }
0x4a: {  	[spmem:s24] =	stream.linear.scatter [tilespmem:s7], [sflag:$0x4], $0x2800, $0x38;
	[tilespmem:$0x1FC00] =	vst v63  }
0x4b: {  	_ =	swait.ge [sflag:s8], $0x2800  }
0x4c: {  	[sflag:s8] =	ssyncset.done $0x0  }
0x4d: {  	[sflag:s8] =	ssyncadd.s32 $0xFFFFD800  }
0x4e: {  	[spmem:s0] =	stream.linear.scatter [tilespmem:s7], [sflag:$0x4], $0x2800, $0x38;
	[tilespmem:$0x1FC00] =	vst v63  }
0x4f: {  	_ =	swait.ge [sflag:s8], $0x2800  }
0x50: {  	[sflag:s8] =	ssyncset.done $0x0  }
0x51: {  	[sflag:s8] =	ssyncadd.s32 $0xFFFFD800  }
0x52: {  	[spmem:s2] =	stream.linear.scatter [tilespmem:s7], [sflag:$0x4], $0x2800, $0x38;
	[tilespmem:$0x1FC00] =	vst v63  }
0x53: {  	_ =	swait.ge [sflag:s8], $0x2800  }
0x54: {  	[sflag:s8] =	ssyncset.done $0x0  }
0x55: {  	[sflag:s8] =	ssyncadd.s32 $0xFFFFD800  }
0x56: {  	[spmem:s3] =	stream.linear.scatter [tilespmem:s7], [sflag:$0x4], $0x2800, $0x38;
	[tilespmem:$0x1FC00] =	vst v63  }
0x57: {  	_ =	swait.ge [sflag:s8], $0x2800  }
0x58: {  	[sflag:s8] =	ssyncset.done $0x0  }
0x59: {  	[sflag:s8] =	ssyncadd.s32 $0xFFFFD800  }
0x5a: {  	[spmem:s4] =	stream.linear.scatter [tilespmem:s7], [sflag:$0x4], $0x2800, $0x38;
	[tilespmem:$0x1FC00] =	vst v63  }
0x5b: {  	_ =	swait.ge [sflag:s8], $0x2800  }
0x5c: {  	[sflag:s8] =	ssyncset.done $0x0  }
0x5d: {  	[sflag:s8] =	ssyncadd.s32 $0xFFFFD800  }
0x5e: {  	[spmem:s5] =	stream.linear.scatter [tilespmem:s7], [sflag:$0x4], $0x2400, $0x38;
	[tilespmem:$0x1FC00] =	vst v63  }
0x5f: {  	_ =	swait.ge [sflag:s8], $0x2400  }
0x60: {  	[sflag:s8] =	ssyncset.done $0x0  }
0x61: {  	[sflag:s8] =	ssyncadd.s32 $0xFFFFDC00  }
0x62: {  	[bflag:$0x0] =	sbarrier.arrive $0xFFFF  }
0x63: {  	s6 =	simm.s32 $0x0;
	s9 =	rddreg [dreg:$0x4]  }
0x64: {  	[tilespmem:s6], [sflag:$0x4] =	stream.linear.gather [hbm4b:s9+s6], $0x2080, $0x38;
	[tilespmem:$0x1FC00] =	vst v63  }
0x65: {  	_ =	swait.ge [sflag:s8], $0x2080  }
0x66: {  	[sflag:s8] =	ssyncset.done $0x0  }
0x67: {  	s12 =	simm.s32 $0x2400;
	s17 =	rddreg [dreg:$0x5];
	[sflag:s8] =	ssyncadd.s32 $0xFFFFDF80  }
0x68: {  	[tilespmem:s12], [sflag:$0x4] =	stream.linear.gather [hbm4b:s17+s6], $0x2080, $0x38;
	[tilespmem:$0x1FC00] =	vst v63  }
0x69: {  	_ =	swait.ge [sflag:s8], $0x2080  }
0x6a: {  	[sflag:s8] =	ssyncset.done $0x0  }
0x6b: {  	[sflag:s8] =	ssyncadd.s32 $0xFFFFDF80  }
0x6c: {  	[tilespmem:s11], [sflag:$0x1] =	stream.indirect.gather [hbm4b:s25+s10], $0x80, s6, s10, $0xb8;
	[tilespmem:$0x1FC00] =	vst v63  }
0x6d: {  	s17 =	simm.s32 $0x80  }
0x6e: {  	[tilespmem:s13], [sflag:$0x2] =	stream.indirect.gather [hbm4b:s25+s10], $0x80, s17, s10, $0xb8;
	[tilespmem:$0x1FC00] =	vst v63  }
0x6f: {  	s9 =	simm.s32 $0x100  }
0x70: {  	[tilespmem:s7], [sflag:$0x3] =	stream.indirect.gather [hbm4b:s25+s10], $0x80, s9, s10, $0xb8;
	[tilespmem:$0x1FC00] =	vst v63  }
0x71: {  	_ =	swait.ge [sflag:s14], $0x2800  }
0x72: {  	[sflag:s14] =	ssyncset.done $0x0  }
0x73: {  	s12 =	simm.s32 $0x2400;
	[sflag:s14] =	ssyncadd.s32 $0xFFFFD800  }
0x74: {  	[spmem:s26] =	stream.indirect.scatter.add.f32 [tilespmem:s11], [sflag:$0x4], $0x80, s12, s10, $0xb8;
	[tilespmem:$0x1FC00] =	vst v63  }
0x75: {  	_ =	swait.ge [sflag:s8], $0x2800  }
0x76: {  	[sflag:s8] =	ssyncset.done $0x0  }
0x77: {  	s17 =	simm.s32 $0x180;
	[sflag:s8] =	ssyncadd.s32 $0xFFFFD800  }
0x78: {  	[tilespmem:s11], [sflag:$0x1] =	stream.indirect.gather [hbm4b:s25+s10], $0x80, s17, s10, $0xb8;
	[tilespmem:$0x1FC00] =	vst v63  }
0x79: {  	_ =	swait.ge [sflag:s15], $0x2800  }
0x7a: {  	[sflag:s15] =	ssyncset.done $0x0  }
0x7b: {  	s9 =	simm.s32 $0x2480;
	[sflag:s15] =	ssyncadd.s32 $0xFFFFD800  }
0x7c: {  	[spmem:s26] =	stream.indirect.scatter.add.f32 [tilespmem:s13], [sflag:$0x4], $0x80, s9, s10, $0xb8;
	[tilespmem:$0x1FC00] =	vst v63  }
0x7d: {  	_ =	swait.ge [sflag:s8], $0x2800  }
0x7e: {  	[sflag:s8] =	ssyncset.done $0x0  }
0x7f: {  	s12 =	simm.s32 $0x200;
	[sflag:s8] =	ssyncadd.s32 $0xFFFFD800  }
0x80: {  	[tilespmem:s13], [sflag:$0x2] =	stream.indirect.gather [hbm4b:s25+s10], $0x80, s12, s10, $0xb8;
	[tilespmem:$0x1FC00] =	vst v63  }
0x81: {  	_ =	swait.ge [sflag:s16], $0x2800  }
0x82: {  	[sflag:s16] =	ssyncset.done $0x0  }
0x83: {  	s17 =	simm.s32 $0x2500;
	[sflag:s16] =	ssyncadd.s32 $0xFFFFD800  }
0x84: {  	[spmem:s26] =	stream.indirect.scatter.add.f32 [tilespmem:s7], [sflag:$0x4], $0x80, s17, s10, $0xb8;
	[tilespmem:$0x1FC00] =	vst v63  }
0x85: {  	_ =	swait.ge [sflag:s8], $0x2800  }
0x86: {  	s29 =	simm.s32 $0x180;
	s6 =	simm.s32 $0xC00;
	[sflag:s8] =	ssyncset.done $0x0  }
.LBB2_4:
0x87: {  	s9 =	sadd.s32 $0x100, s29  }
0x88: {  	[sflag:s8] =	ssyncadd.s32 $0xFFFFD800;
	s12 =	smov.u32 s6;
	s17 =	sadd.s32 $0x600, s6  }
0x89: {  	[tilespmem:s7], [sflag:$0x3] =	stream.indirect.gather [hbm4b:s25+s10], $0x80, s9, s10, $0xb8;
	[tilespmem:$0x1FC00] =	vst v63  }
0x8a: {  	p0 =	sne.s32 s6, $0x7200;
	_ =	swait.ge [sflag:s14], $0x2800  }
0x8b: {  	[sflag:s14] =	ssyncset.done $0x0  }
0x8c: {  	s6 =	sadd.s32 $0x2400, s29;
	[sflag:s14] =	ssyncadd.s32 $0xFFFFD800  }
0x8d: {  	[spmem:s26] =	stream.indirect.scatter.add.f32 [tilespmem:s11], [sflag:$0x4], $0x80, s6, s10, $0xb8;
	[tilespmem:$0x1FC00] =	vst v63  }
0x8e: {  	_ =	swait.ge [sflag:s8], $0x2800  }
0x8f: {  	[sflag:s8] =	ssyncset.done $0x0  }
0x90: {  	s6 =	sadd.s32 $0x180, s29;
	[sflag:s8] =	ssyncadd.s32 $0xFFFFD800  }
0x91: {  	[tilespmem:s11], [sflag:$0x1] =	stream.indirect.gather [hbm4b:s25+s10], $0x80, s6, s10, $0xb8;
	[tilespmem:$0x1FC00] =	vst v63  }
0x92: {  	_ =	swait.ge [sflag:s15], $0x2800  }
0x93: {  	[sflag:s15] =	ssyncset.done $0x0  }
0x94: {  	s6 =	sadd.s32 $0x2480, s29;
	[sflag:s15] =	ssyncadd.s32 $0xFFFFD800  }
0x95: {  	[spmem:s26] =	stream.indirect.scatter.add.f32 [tilespmem:s13], [sflag:$0x4], $0x80, s6, s10, $0xb8;
	[tilespmem:$0x1FC00] =	vst v63  }
0x96: {  	_ =	swait.ge [sflag:s8], $0x2800  }
0x97: {  	[sflag:s8] =	ssyncset.done $0x0  }
0x98: {  	s6 =	sadd.s32 $0x200, s29;
	[sflag:s8] =	ssyncadd.s32 $0xFFFFD800  }
0x99: {  	[tilespmem:s13], [sflag:$0x2] =	stream.indirect.gather [hbm4b:s25+s10], $0x80, s6, s10, $0xb8;
	[tilespmem:$0x1FC00] =	vst v63  }
0x9a: {  	_ =	swait.ge [sflag:s16], $0x2800  }
.Ltmp1:
0x9b: {  	[sflag:s16] =	ssyncset.done $0x0;
	(pc) =	sbr.rel @p0 .LBB2_4-.Ltmp1, $4  }
0x9c: {  	s6 =	sadd.s32 $0x2500, s29;
	[sflag:s16] =	ssyncadd.s32 $0xFFFFD800  }
0x9d: {  	[spmem:s26] =	stream.indirect.scatter.add.f32 [tilespmem:s7], [sflag:$0x4], $0x80, s6, s10, $0xb8;
	[tilespmem:$0x1FC00] =	vst v63  }
0x9e: {  	_ =	swait.ge [sflag:s8], $0x2800  }
0x9f: {  	s29 =	sshra.s32 s12, $0x2;
	s6 =	smov.u32 s17;
	[sflag:s8] =	ssyncset.done $0x0  }
0xa0: {  	s6 =	sadd.s32 $0x100, s29;
	[sflag:s8] =	ssyncadd.s32 $0xFFFFD800  }
0xa1: {  	[tilespmem:s7], [sflag:$0x3] =	stream.indirect.gather [hbm4b:s25+s10], $0x80, s6, s10, $0xb8;
	[tilespmem:$0x1FC00] =	vst v63  }
0xa2: {  	_ =	swait.ge [sflag:s14], $0x2800  }
0xa3: {  	[sflag:s14] =	ssyncset.done $0x0  }
0xa4: {  	s17 =	sadd.s32 $0x2400, s29;
	[sflag:s14] =	ssyncadd.s32 $0xFFFFD800  }
0xa5: {  	[spmem:s26] =	stream.indirect.scatter.add.f32 [tilespmem:s11], [sflag:$0x4], $0x80, s17, s10, $0xb8;
	[tilespmem:$0x1FC00] =	vst v63  }
0xa6: {  	_ =	swait.ge [sflag:s8], $0x2800  }
0xa7: {  	[sflag:s8] =	ssyncset.done $0x0  }
0xa8: {  	s9 =	sadd.s32 $0x180, s29;
	[sflag:s8] =	ssyncadd.s32 $0xFFFFD800  }
0xa9: {  	[tilespmem:s11], [sflag:$0x1] =	stream.indirect.gather [hbm4b:s25+s10], $0x80, s9, s10, $0xb8;
	[tilespmem:$0x1FC00] =	vst v63  }
0xaa: {  	_ =	swait.ge [sflag:s15], $0x2800  }
0xab: {  	[sflag:s15] =	ssyncset.done $0x0  }
0xac: {  	s12 =	sadd.s32 $0x2480, s29;
	[sflag:s15] =	ssyncadd.s32 $0xFFFFD800  }
0xad: {  	[spmem:s26] =	stream.indirect.scatter.add.f32 [tilespmem:s13], [sflag:$0x4], $0x80, s12, s10, $0xb8;
	[tilespmem:$0x1FC00] =	vst v63  }
0xae: {  	_ =	swait.ge [sflag:s8], $0x2800  }
0xaf: {  	[sflag:s8] =	ssyncset.done $0x0  }
0xb0: {  	s17 =	sadd.s32 $0x200, s29;
	[sflag:s8] =	ssyncadd.s32 $0xFFFFD800  }
0xb1: {  	[tilespmem:s13], [sflag:$0x2] =	stream.indirect.gather [hbm4b:s25+s10], $0x80, s17, s10, $0xb8;
	[tilespmem:$0x1FC00] =	vst v63  }
0xb2: {  	_ =	swait.ge [sflag:s16], $0x2800  }
0xb3: {  	[sflag:s16] =	ssyncset.done $0x0  }
0xb4: {  	s9 =	sadd.s32 $0x2500, s29;
	[sflag:s16] =	ssyncadd.s32 $0xFFFFD800  }
0xb5: {  	[spmem:s26] =	stream.indirect.scatter.add.f32 [tilespmem:s7], [sflag:$0x4], $0x80, s9, s10, $0xb8;
	[tilespmem:$0x1FC00] =	vst v63  }
0xb6: {  	_ =	swait.ge [sflag:s8], $0x2800  }
0xb7: {  	[sflag:s8] =	ssyncset.done $0x0  }
0xb8: {  	s12 =	simm.s32 $0x1F00;
	[sflag:s8] =	ssyncadd.s32 $0xFFFFD800  }
0xb9: {  	[tilespmem:s7], [sflag:$0x3] =	stream.indirect.gather [hbm4b:s25+s10], $0x80, s12, s10, $0xb8;
	[tilespmem:$0x1FC00] =	vst v63  }
0xba: {  	_ =	swait.ge [sflag:s14], $0x2800  }
0xbb: {  	[sflag:s14] =	ssyncset.done $0x0  }
0xbc: {  	[sflag:s14] =	ssyncadd.s32 $0xFFFFD800  }
0xbd: {  	[spmem:s26] =	stream.indirect.scatter.add.f32 [tilespmem:s11], [sflag:$0x4], $0x80, s18, s10, $0xb8;
	[tilespmem:$0x1FC00] =	vst v63  }
0xbe: {  	_ =	swait.ge [sflag:s8], $0x2800  }
0xbf: {  	[sflag:s8] =	ssyncset.done $0x0  }
0xc0: {  	[sflag:s8] =	ssyncadd.s32 $0xFFFFD800  }
0xc1: {  	[tilespmem:s11], [sflag:$0x1] =	stream.indirect.gather [hbm4b:s25+s10], $0x80, s19, s10, $0xb8;
	[tilespmem:$0x1FC00] =	vst v63  }
0xc2: {  	_ =	swait.ge [sflag:s15], $0x2800  }
0xc3: {  	[sflag:s15] =	ssyncset.done $0x0  }
0xc4: {  	[sflag:s15] =	ssyncadd.s32 $0xFFFFD800  }
0xc5: {  	[spmem:s26] =	stream.indirect.scatter.add.f32 [tilespmem:s13], [sflag:$0x4], $0x80, s20, s10, $0xb8;
	[tilespmem:$0x1FC00] =	vst v63  }
0xc6: {  	_ =	swait.ge [sflag:s8], $0x2800  }
0xc7: {  	[sflag:s8] =	ssyncset.done $0x0  }
0xc8: {  	[sflag:s8] =	ssyncadd.s32 $0xFFFFD800  }
0xc9: {  	[tilespmem:s13], [sflag:$0x2] =	stream.indirect.gather [hbm4b:s25+s10], $0x80, s21, s10, $0xb8;
	[tilespmem:$0x1FC00] =	vst v63  }
0xca: {  	_ =	swait.ge [sflag:s16], $0x2800  }
0xcb: {  	[sflag:s16] =	ssyncset.done $0x0  }
0xcc: {  	[sflag:s16] =	ssyncadd.s32 $0xFFFFD800  }
0xcd: {  	[spmem:s26] =	stream.indirect.scatter.add.f32 [tilespmem:s7], [sflag:$0x4], $0x80, s22, s10, $0xb8;
	[tilespmem:$0x1FC00] =	vst v63  }
0xce: {  	_ =	swait.ge [sflag:s8], $0x2800  }
0xcf: {  	[sflag:s8] =	ssyncset.done $0x0  }
0xd0: {  	[sflag:s8] =	ssyncadd.s32 $0xFFFFD800  }
0xd1: {  	[tilespmem:s7], [sflag:$0x3] =	stream.indirect.gather [hbm4b:s25+s10], $0x80, s21, s10, $0xb8;
	[tilespmem:$0x1FC00] =	vst v63  }
0xd2: {  	_ =	swait.ge [sflag:s14], $0x2800  }
0xd3: {  	[sflag:s14] =	ssyncset.done $0x0  }
0xd4: {  	[sflag:s14] =	ssyncadd.s32 $0xFFFFD800  }
0xd5: {  	[spmem:s26] =	stream.indirect.scatter.add.f32 [tilespmem:s11], [sflag:$0x4], $0x80, s23, s10, $0xb8;
	[tilespmem:$0x1FC00] =	vst v63  }
0xd6: {  	_ =	swait.ge [sflag:s8], $0x2800  }
0xd7: {  	[sflag:s8] =	ssyncset.done $0x0  }
0xd8: {  	[sflag:s8] =	ssyncadd.s32 $0xFFFFD800  }
0xd9: {  	_ =	swait.ge [sflag:s15], $0x2800  }
0xda: {  	[sflag:s15] =	ssyncset.done $0x0  }
0xdb: {  	[sflag:s15] =	ssyncadd.s32 $0xFFFFD800  }
0xdc: {  	_ =	swait.ge [sflag:s16], $0x2800  }
0xdd: {  	[sflag:s16] =	ssyncset.done $0x0  }
0xde: {  	s6 =	simm.s32 $0x0;
	s9 =	rddreg [dreg:$0x6];
	[sflag:s16] =	ssyncadd.s32 $0xFFFFD800  }
0xdf: {  	[tilespmem:s6], [sflag:$0x4] =	stream.linear.gather [hbm4b:s9+s6], $0x2080, $0x38;
	[tilespmem:$0x1FC00] =	vst v63  }
0xe0: {  	_ =	swait.ge [sflag:s8], $0x2080  }
0xe1: {  	[sflag:s8] =	ssyncset.done $0x0  }
0xe2: {  	s12 =	simm.s32 $0x2400;
	s17 =	rddreg [dreg:$0x7];
	[sflag:s8] =	ssyncadd.s32 $0xFFFFDF80  }
0xe3: {  	[tilespmem:s12], [sflag:$0x4] =	stream.linear.gather [hbm4b:s17+s6], $0x2080, $0x38;
	[tilespmem:$0x1FC00] =	vst v63  }
0xe4: {  	_ =	swait.ge [sflag:s8], $0x2080  }
0xe5: {  	[sflag:s8] =	ssyncset.done $0x0  }
0xe6: {  	[sflag:s8] =	ssyncadd.s32 $0xFFFFDF80  }
0xe7: {  	[tilespmem:s11], [sflag:$0x1] =	stream.indirect.gather [hbm4b:s25+s10], $0x80, s6, s10, $0xb8;
	[tilespmem:$0x1FC00] =	vst v63  }
0xe8: {  	s17 =	simm.s32 $0x80  }
0xe9: {  	[tilespmem:s13], [sflag:$0x2] =	stream.indirect.gather [hbm4b:s25+s10], $0x80, s17, s10, $0xb8;
	[tilespmem:$0x1FC00] =	vst v63  }
0xea: {  	s9 =	simm.s32 $0x100  }
0xeb: {  	[tilespmem:s7], [sflag:$0x3] =	stream.indirect.gather [hbm4b:s25+s10], $0x80, s9, s10, $0xb8;
	[tilespmem:$0x1FC00] =	vst v63  }
0xec: {  	_ =	swait.ge [sflag:s14], $0x2800  }
0xed: {  	[sflag:s14] =	ssyncset.done $0x0  }
0xee: {  	s12 =	simm.s32 $0x2400;
	[sflag:s14] =	ssyncadd.s32 $0xFFFFD800  }
0xef: {  	[spmem:s26] =	stream.indirect.scatter.add.f32 [tilespmem:s11], [sflag:$0x4], $0x80, s12, s10, $0xb8;
	[tilespmem:$0x1FC00] =	vst v63  }
0xf0: {  	_ =	swait.ge [sflag:s8], $0x2800  }
0xf1: {  	[sflag:s8] =	ssyncset.done $0x0  }
0xf2: {  	s17 =	simm.s32 $0x180;
	[sflag:s8] =	ssyncadd.s32 $0xFFFFD800  }
0xf3: {  	[tilespmem:s11], [sflag:$0x1] =	stream.indirect.gather [hbm4b:s25+s10], $0x80, s17, s10, $0xb8;
	[tilespmem:$0x1FC00] =	vst v63  }
0xf4: {  	_ =	swait.ge [sflag:s15], $0x2800  }
0xf5: {  	[sflag:s15] =	ssyncset.done $0x0  }
0xf6: {  	s9 =	simm.s32 $0x2480;
	[sflag:s15] =	ssyncadd.s32 $0xFFFFD800  }
0xf7: {  	[spmem:s26] =	stream.indirect.scatter.add.f32 [tilespmem:s13], [sflag:$0x4], $0x80, s9, s10, $0xb8;
	[tilespmem:$0x1FC00] =	vst v63  }
0xf8: {  	_ =	swait.ge [sflag:s8], $0x2800  }
0xf9: {  	[sflag:s8] =	ssyncset.done $0x0  }
0xfa: {  	s12 =	simm.s32 $0x200;
	[sflag:s8] =	ssyncadd.s32 $0xFFFFD800  }
0xfb: {  	[tilespmem:s13], [sflag:$0x2] =	stream.indirect.gather [hbm4b:s25+s10], $0x80, s12, s10, $0xb8;
	[tilespmem:$0x1FC00] =	vst v63  }
0xfc: {  	_ =	swait.ge [sflag:s16], $0x2800  }
0xfd: {  	[sflag:s16] =	ssyncset.done $0x0  }
0xfe: {  	s17 =	simm.s32 $0x2500;
	[sflag:s16] =	ssyncadd.s32 $0xFFFFD800  }
0xff: {  	[spmem:s26] =	stream.indirect.scatter.add.f32 [tilespmem:s7], [sflag:$0x4], $0x80, s17, s10, $0xb8;
	[tilespmem:$0x1FC00] =	vst v63  }
0x100: {  	_ =	swait.ge [sflag:s8], $0x2800  }
0x101: {  	s29 =	simm.s32 $0x180;
	s6 =	simm.s32 $0xC00;
	[sflag:s8] =	ssyncset.done $0x0  }
.LBB2_6:
0x102: {  	s9 =	sadd.s32 $0x100, s29  }
0x103: {  	[sflag:s8] =	ssyncadd.s32 $0xFFFFD800;
	s12 =	smov.u32 s6;
	s17 =	sadd.s32 $0x600, s6  }
0x104: {  	[tilespmem:s7], [sflag:$0x3] =	stream.indirect.gather [hbm4b:s25+s10], $0x80, s9, s10, $0xb8;
	[tilespmem:$0x1FC00] =	vst v63  }
0x105: {  	p0 =	sne.s32 s6, $0x7200;
	_ =	swait.ge [sflag:s14], $0x2800  }
0x106: {  	[sflag:s14] =	ssyncset.done $0x0  }
0x107: {  	s6 =	sadd.s32 $0x2400, s29;
	[sflag:s14] =	ssyncadd.s32 $0xFFFFD800  }
0x108: {  	[spmem:s26] =	stream.indirect.scatter.add.f32 [tilespmem:s11], [sflag:$0x4], $0x80, s6, s10, $0xb8;
	[tilespmem:$0x1FC00] =	vst v63  }
0x109: {  	_ =	swait.ge [sflag:s8], $0x2800  }
0x10a: {  	[sflag:s8] =	ssyncset.done $0x0  }
0x10b: {  	s6 =	sadd.s32 $0x180, s29;
	[sflag:s8] =	ssyncadd.s32 $0xFFFFD800  }
0x10c: {  	[tilespmem:s11], [sflag:$0x1] =	stream.indirect.gather [hbm4b:s25+s10], $0x80, s6, s10, $0xb8;
	[tilespmem:$0x1FC00] =	vst v63  }
0x10d: {  	_ =	swait.ge [sflag:s15], $0x2800  }
0x10e: {  	[sflag:s15] =	ssyncset.done $0x0  }
0x10f: {  	s6 =	sadd.s32 $0x2480, s29;
	[sflag:s15] =	ssyncadd.s32 $0xFFFFD800  }
0x110: {  	[spmem:s26] =	stream.indirect.scatter.add.f32 [tilespmem:s13], [sflag:$0x4], $0x80, s6, s10, $0xb8;
	[tilespmem:$0x1FC00] =	vst v63  }
0x111: {  	_ =	swait.ge [sflag:s8], $0x2800  }
0x112: {  	[sflag:s8] =	ssyncset.done $0x0  }
0x113: {  	s6 =	sadd.s32 $0x200, s29;
	[sflag:s8] =	ssyncadd.s32 $0xFFFFD800  }
0x114: {  	[tilespmem:s13], [sflag:$0x2] =	stream.indirect.gather [hbm4b:s25+s10], $0x80, s6, s10, $0xb8;
	[tilespmem:$0x1FC00] =	vst v63  }
0x115: {  	_ =	swait.ge [sflag:s16], $0x2800  }
.Ltmp2:
0x116: {  	[sflag:s16] =	ssyncset.done $0x0;
	(pc) =	sbr.rel @p0 .LBB2_6-.Ltmp2, $4  }
0x117: {  	s6 =	sadd.s32 $0x2500, s29;
	[sflag:s16] =	ssyncadd.s32 $0xFFFFD800  }
0x118: {  	[spmem:s26] =	stream.indirect.scatter.add.f32 [tilespmem:s7], [sflag:$0x4], $0x80, s6, s10, $0xb8;
	[tilespmem:$0x1FC00] =	vst v63  }
0x119: {  	_ =	swait.ge [sflag:s8], $0x2800  }
0x11a: {  	s29 =	sshra.s32 s12, $0x2;
	s6 =	smov.u32 s17;
	[sflag:s8] =	ssyncset.done $0x0  }
0x11b: {  	s6 =	sadd.s32 $0x100, s29;
	[sflag:s8] =	ssyncadd.s32 $0xFFFFD800  }
0x11c: {  	[tilespmem:s7], [sflag:$0x3] =	stream.indirect.gather [hbm4b:s25+s10], $0x80, s6, s10, $0xb8;
	[tilespmem:$0x1FC00] =	vst v63  }
0x11d: {  	_ =	swait.ge [sflag:s14], $0x2800  }
0x11e: {  	[sflag:s14] =	ssyncset.done $0x0  }
0x11f: {  	s17 =	sadd.s32 $0x2400, s29;
	[sflag:s14] =	ssyncadd.s32 $0xFFFFD800  }
0x120: {  	[spmem:s26] =	stream.indirect.scatter.add.f32 [tilespmem:s11], [sflag:$0x4], $0x80, s17, s10, $0xb8;
	[tilespmem:$0x1FC00] =	vst v63  }
0x121: {  	_ =	swait.ge [sflag:s8], $0x2800  }
0x122: {  	[sflag:s8] =	ssyncset.done $0x0  }
0x123: {  	s9 =	sadd.s32 $0x180, s29;
	[sflag:s8] =	ssyncadd.s32 $0xFFFFD800  }
0x124: {  	[tilespmem:s11], [sflag:$0x1] =	stream.indirect.gather [hbm4b:s25+s10], $0x80, s9, s10, $0xb8;
	[tilespmem:$0x1FC00] =	vst v63  }
0x125: {  	_ =	swait.ge [sflag:s15], $0x2800  }
0x126: {  	[sflag:s15] =	ssyncset.done $0x0  }
0x127: {  	s12 =	sadd.s32 $0x2480, s29;
	[sflag:s15] =	ssyncadd.s32 $0xFFFFD800  }
0x128: {  	[spmem:s26] =	stream.indirect.scatter.add.f32 [tilespmem:s13], [sflag:$0x4], $0x80, s12, s10, $0xb8;
	[tilespmem:$0x1FC00] =	vst v63  }
0x129: {  	_ =	swait.ge [sflag:s8], $0x2800  }
0x12a: {  	[sflag:s8] =	ssyncset.done $0x0  }
0x12b: {  	s17 =	sadd.s32 $0x200, s29;
	[sflag:s8] =	ssyncadd.s32 $0xFFFFD800  }
0x12c: {  	[tilespmem:s13], [sflag:$0x2] =	stream.indirect.gather [hbm4b:s25+s10], $0x80, s17, s10, $0xb8;
	[tilespmem:$0x1FC00] =	vst v63  }
0x12d: {  	_ =	swait.ge [sflag:s16], $0x2800  }
0x12e: {  	[sflag:s16] =	ssyncset.done $0x0  }
0x12f: {  	s9 =	sadd.s32 $0x2500, s29;
	[sflag:s16] =	ssyncadd.s32 $0xFFFFD800  }
0x130: {  	[spmem:s26] =	stream.indirect.scatter.add.f32 [tilespmem:s7], [sflag:$0x4], $0x80, s9, s10, $0xb8;
	[tilespmem:$0x1FC00] =	vst v63  }
0x131: {  	_ =	swait.ge [sflag:s8], $0x2800  }
0x132: {  	[sflag:s8] =	ssyncset.done $0x0  }
0x133: {  	s12 =	simm.s32 $0x1F00;
	[sflag:s8] =	ssyncadd.s32 $0xFFFFD800  }
0x134: {  	[tilespmem:s7], [sflag:$0x3] =	stream.indirect.gather [hbm4b:s25+s10], $0x80, s12, s10, $0xb8;
	[tilespmem:$0x1FC00] =	vst v63  }
0x135: {  	_ =	swait.ge [sflag:s14], $0x2800  }
0x136: {  	[sflag:s14] =	ssyncset.done $0x0  }
0x137: {  	[sflag:s14] =	ssyncadd.s32 $0xFFFFD800  }
0x138: {  	[spmem:s26] =	stream.indirect.scatter.add.f32 [tilespmem:s11], [sflag:$0x4], $0x80, s18, s10, $0xb8;
	[tilespmem:$0x1FC00] =	vst v63  }
0x139: {  	_ =	swait.ge [sflag:s8], $0x2800  }
0x13a: {  	[sflag:s8] =	ssyncset.done $0x0  }
0x13b: {  	[sflag:s8] =	ssyncadd.s32 $0xFFFFD800  }
0x13c: {  	[tilespmem:s11], [sflag:$0x1] =	stream.indirect.gather [hbm4b:s25+s10], $0x80, s19, s10, $0xb8;
	[tilespmem:$0x1FC00] =	vst v63  }
0x13d: {  	_ =	swait.ge [sflag:s15], $0x2800  }
0x13e: {  	[sflag:s15] =	ssyncset.done $0x0  }
0x13f: {  	[sflag:s15] =	ssyncadd.s32 $0xFFFFD800  }
0x140: {  	[spmem:s26] =	stream.indirect.scatter.add.f32 [tilespmem:s13], [sflag:$0x4], $0x80, s20, s10, $0xb8;
	[tilespmem:$0x1FC00] =	vst v63  }
0x141: {  	_ =	swait.ge [sflag:s8], $0x2800  }
0x142: {  	[sflag:s8] =	ssyncset.done $0x0  }
0x143: {  	[sflag:s8] =	ssyncadd.s32 $0xFFFFD800  }
0x144: {  	[tilespmem:s13], [sflag:$0x2] =	stream.indirect.gather [hbm4b:s25+s10], $0x80, s21, s10, $0xb8;
	[tilespmem:$0x1FC00] =	vst v63  }
0x145: {  	_ =	swait.ge [sflag:s16], $0x2800  }
0x146: {  	[sflag:s16] =	ssyncset.done $0x0  }
0x147: {  	[sflag:s16] =	ssyncadd.s32 $0xFFFFD800  }
0x148: {  	[spmem:s26] =	stream.indirect.scatter.add.f32 [tilespmem:s7], [sflag:$0x4], $0x80, s22, s10, $0xb8;
	[tilespmem:$0x1FC00] =	vst v63  }
0x149: {  	_ =	swait.ge [sflag:s8], $0x2800  }
0x14a: {  	[sflag:s8] =	ssyncset.done $0x0  }
0x14b: {  	[sflag:s8] =	ssyncadd.s32 $0xFFFFD800  }
0x14c: {  	[tilespmem:s7], [sflag:$0x3] =	stream.indirect.gather [hbm4b:s25+s10], $0x80, s21, s10, $0xb8;
	[tilespmem:$0x1FC00] =	vst v63  }
0x14d: {  	_ =	swait.ge [sflag:s14], $0x2800  }
0x14e: {  	[sflag:s14] =	ssyncset.done $0x0  }
0x14f: {  	[sflag:s14] =	ssyncadd.s32 $0xFFFFD800  }
0x150: {  	[spmem:s26] =	stream.indirect.scatter.add.f32 [tilespmem:s11], [sflag:$0x4], $0x80, s23, s10, $0xb8;
	[tilespmem:$0x1FC00] =	vst v63  }
0x151: {  	_ =	swait.ge [sflag:s8], $0x2800  }
0x152: {  	[sflag:s8] =	ssyncset.done $0x0  }
0x153: {  	[sflag:s8] =	ssyncadd.s32 $0xFFFFD800  }
0x154: {  	_ =	swait.ge [sflag:s15], $0x2800  }
0x155: {  	[sflag:s15] =	ssyncset.done $0x0  }
0x156: {  	[sflag:s15] =	ssyncadd.s32 $0xFFFFD800  }
0x157: {  	_ =	swait.ge [sflag:s16], $0x2800  }
0x158: {  	[sflag:s16] =	ssyncset.done $0x0  }
0x159: {  	[sflag:s16] =	ssyncadd.s32 $0xFFFFD800  }
0x15a: {  	[bflag:$0x0] =	sbarrier.arrive $0xFFFF  }
0x15b: {  	[tilespmem:s11], [sflag:$0x4] =	stream.linear.gather [spmem:s30], $0x2800, $0x38;
	[tilespmem:$0x1FC00] =	vst v63  }
0x15c: {  	_ =	swait.ge [sflag:s8], $0x2800  }
0x15d: {  	[sflag:s8] =	ssyncset.done $0x0  }
0x15e: {  	s6 =	simm.s32 $0x0;
	s9 =	rddreg [dreg:$0x8];
	[sflag:s8] =	ssyncadd.s32 $0xFFFFD800  }
0x15f: {  	[hbm4b:s9+s6] =	stream.linear.scatter [tilespmem:s11], [sflag:$0x4], $0x2800, $0x38;
	[tilespmem:$0x1FC00] =	vst v63  }
0x160: {  	_ =	swait.ge [sflag:s8], $0x2800  }
0x161: {  	[sflag:s8] =	ssyncset.done $0x0  }
0x162: {  	[sflag:s8] =	ssyncadd.s32 $0xFFFFD800  }
0x163: {  	[tilespmem:s11], [sflag:$0x4] =	stream.linear.gather [spmem:s31], $0x2800, $0x38;
	[tilespmem:$0x1FC00] =	vst v63  }
0x164: {  	_ =	swait.ge [sflag:s8], $0x2800  }
0x165: {  	[sflag:s8] =	ssyncset.done $0x0  }
0x166: {  	s17 =	rddreg [dreg:$0x9];
	[sflag:s8] =	ssyncadd.s32 $0xFFFFD800  }
0x167: {  	[hbm4b:s17+s6] =	stream.linear.scatter [tilespmem:s11], [sflag:$0x4], $0x2800, $0x38;
	[tilespmem:$0x1FC00] =	vst v63  }
0x168: {  	_ =	swait.ge [sflag:s8], $0x2800  }
0x169: {  	[sflag:s8] =	ssyncset.done $0x0  }
0x16a: {  	[sflag:s8] =	ssyncadd.s32 $0xFFFFD800  }
0x16b: {  	[tilespmem:s11], [sflag:$0x4] =	stream.linear.gather [spmem:s24], $0x2800, $0x38;
	[tilespmem:$0x1FC00] =	vst v63  }
0x16c: {  	_ =	swait.ge [sflag:s8], $0x2800  }
0x16d: {  	[sflag:s8] =	ssyncset.done $0x0  }
0x16e: {  	s12 =	rddreg [dreg:$0xa];
	[sflag:s8] =	ssyncadd.s32 $0xFFFFD800  }
0x16f: {  	[hbm4b:s12+s6] =	stream.linear.scatter [tilespmem:s11], [sflag:$0x4], $0x2800, $0x38;
	[tilespmem:$0x1FC00] =	vst v63  }
0x170: {  	_ =	swait.ge [sflag:s8], $0x2800  }
0x171: {  	[sflag:s8] =	ssyncset.done $0x0  }
0x172: {  	[sflag:s8] =	ssyncadd.s32 $0xFFFFD800  }
0x173: {  	[tilespmem:s11], [sflag:$0x4] =	stream.linear.gather [spmem:s0], $0x2800, $0x38;
	[tilespmem:$0x1FC00] =	vst v63  }
0x174: {  	_ =	swait.ge [sflag:s8], $0x2800  }
0x175: {  	[sflag:s8] =	ssyncset.done $0x0  }
0x176: {  	s17 =	rddreg [dreg:$0xb];
	[sflag:s8] =	ssyncadd.s32 $0xFFFFD800  }
0x177: {  	[hbm4b:s17+s6] =	stream.linear.scatter [tilespmem:s11], [sflag:$0x4], $0x2800, $0x38;
	[tilespmem:$0x1FC00] =	vst v63  }
0x178: {  	_ =	swait.ge [sflag:s8], $0x2800  }
0x179: {  	[sflag:s8] =	ssyncset.done $0x0  }
0x17a: {  	[sflag:s8] =	ssyncadd.s32 $0xFFFFD800  }
0x17b: {  	[tilespmem:s11], [sflag:$0x4] =	stream.linear.gather [spmem:s2], $0x2800, $0x38;
	[tilespmem:$0x1FC00] =	vst v63  }
0x17c: {  	_ =	swait.ge [sflag:s8], $0x2800  }
0x17d: {  	[sflag:s8] =	ssyncset.done $0x0  }
0x17e: {  	s12 =	rddreg [dreg:$0x10];
	[sflag:s8] =	ssyncadd.s32 $0xFFFFD800  }
0x17f: {  	[hbm4b:s12+s6] =	stream.linear.scatter [tilespmem:s11], [sflag:$0x4], $0x2800, $0x38;
	[tilespmem:$0x1FC00] =	vst v63  }
0x180: {  	_ =	swait.ge [sflag:s8], $0x2800  }
0x181: {  	[sflag:s8] =	ssyncset.done $0x0  }
0x182: {  	[sflag:s8] =	ssyncadd.s32 $0xFFFFD800  }
0x183: {  	[tilespmem:s11], [sflag:$0x4] =	stream.linear.gather [spmem:s3], $0x2800, $0x38;
	[tilespmem:$0x1FC00] =	vst v63  }
0x184: {  	_ =	swait.ge [sflag:s8], $0x2800  }
0x185: {  	[sflag:s8] =	ssyncset.done $0x0  }
0x186: {  	s17 =	rddreg [dreg:$0x11];
	[sflag:s8] =	ssyncadd.s32 $0xFFFFD800  }
0x187: {  	[hbm4b:s17+s6] =	stream.linear.scatter [tilespmem:s11], [sflag:$0x4], $0x2800, $0x38;
	[tilespmem:$0x1FC00] =	vst v63  }
0x188: {  	_ =	swait.ge [sflag:s8], $0x2800  }
0x189: {  	[sflag:s8] =	ssyncset.done $0x0  }
0x18a: {  	[sflag:s8] =	ssyncadd.s32 $0xFFFFD800  }
0x18b: {  	[tilespmem:s11], [sflag:$0x4] =	stream.linear.gather [spmem:s4], $0x2800, $0x38;
	[tilespmem:$0x1FC00] =	vst v63  }
0x18c: {  	_ =	swait.ge [sflag:s8], $0x2800  }
0x18d: {  	[sflag:s8] =	ssyncset.done $0x0  }
0x18e: {  	s12 =	rddreg [dreg:$0x12];
	[sflag:s8] =	ssyncadd.s32 $0xFFFFD800  }
0x18f: {  	[hbm4b:s12+s6] =	stream.linear.scatter [tilespmem:s11], [sflag:$0x4], $0x2800, $0x38;
	[tilespmem:$0x1FC00] =	vst v63  }
0x190: {  	_ =	swait.ge [sflag:s8], $0x2800  }
0x191: {  	[sflag:s8] =	ssyncset.done $0x0  }
0x192: {  	[sflag:s8] =	ssyncadd.s32 $0xFFFFD800  }
0x193: {  	[tilespmem:s11], [sflag:$0x4] =	stream.linear.gather [spmem:s5], $0x2400, $0x38;
	[tilespmem:$0x1FC00] =	vst v63  }
0x194: {  	_ =	swait.ge [sflag:s8], $0x2400  }
0x195: {  	[sflag:s8] =	ssyncset.done $0x0  }
0x196: {  	s17 =	rddreg [dreg:$0x13];
	[sflag:s8] =	ssyncadd.s32 $0xFFFFDC00  }
0x197: {  	[hbm4b:s17+s6] =	stream.linear.scatter [tilespmem:s11], [sflag:$0x4], $0x2400, $0x38;
	[tilespmem:$0x1FC00] =	vst v63  }
0x198: {  	_ =	swait.ge [sflag:s8], $0x2400  }
0x199: {  	[sflag:s8] =	ssyncset.done $0x0  }
0x19a: {  	[sflag:s8] =	ssyncadd.s32 $0xFFFFDC00  }
0x19b: {  	s29 =	simm.s32 $0x0;
	s6 =	simm.s32 $0x200;
	[bflag:$0x0] =	sbarrier.arrive $0xFFFF  }
.LBB2_8:
0x19c: {  	p0 =	sne.s32 s6, $0x9E00;
	[tilespmem:s29+$0x9870] =	vst v0  }
0x19d: {  	[tilespmem:s29+$0x9800] =	vst v0  }
0x19e: {  	[tilespmem:s29+$0x9810] =	vst v0  }
.Ltmp3:
0x19f: {  	[tilespmem:s29+$0x9820] =	vst v0;
	(pc) =	sbr.rel @p0 .LBB2_8-.Ltmp3, $4  }
0x1a0: {  	[tilespmem:s29+$0x9830] =	vst v0  }
0x1a1: {  	[tilespmem:s29+$0x9840] =	vst v0  }
0x1a2: {  	[tilespmem:s29+$0x9850] =	vst v0  }
0x1a3: {  	[tilespmem:s29+$0x9860] =	vst v0;
	s29 =	sshra.s32 s6, $0x2;
	s6 =	sadd.s32 $0x200, s6  }
0x1a4: {  	[tilespmem:s29+$0x9870] =	vst v0  }
0x1a5: {  	[tilespmem:s29+$0x9800] =	vst v0  }
0x1a6: {  	[tilespmem:s29+$0x9810] =	vst v0  }
0x1a7: {  	[tilespmem:s29+$0x9820] =	vst v0  }
0x1a8: {  	[tilespmem:s29+$0x9830] =	vst v0  }
0x1a9: {  	[tilespmem:s29+$0x9840] =	vst v0  }
0x1aa: {  	[tilespmem:s29+$0x9850] =	vst v0  }
0x1ab: {  	[tilespmem:s29+$0x9860] =	vst v0  }
0x1ac: {  	[spmem:s30] =	stream.linear.scatter [tilespmem:s7], [sflag:$0x4], $0x2800, $0x38;
	[tilespmem:$0x1FC00] =	vst v63  }
0x1ad: {  	_ =	swait.ge [sflag:s8], $0x2800  }
0x1ae: {  	[sflag:s8] =	ssyncset.done $0x0  }
0x1af: {  	[sflag:s8] =	ssyncadd.s32 $0xFFFFD800  }
0x1b0: {  	[spmem:s31] =	stream.linear.scatter [tilespmem:s7], [sflag:$0x4], $0x2800, $0x38;
	[tilespmem:$0x1FC00] =	vst v63  }
0x1b1: {  	_ =	swait.ge [sflag:s8], $0x2800  }
0x1b2: {  	[sflag:s8] =	ssyncset.done $0x0  }
0x1b3: {  	[sflag:s8] =	ssyncadd.s32 $0xFFFFD800  }
0x1b4: {  	[spmem:s24] =	stream.linear.scatter [tilespmem:s7], [sflag:$0x4], $0x2800, $0x38;
	[tilespmem:$0x1FC00] =	vst v63  }
0x1b5: {  	_ =	swait.ge [sflag:s8], $0x2800  }
0x1b6: {  	[sflag:s8] =	ssyncset.done $0x0  }
0x1b7: {  	[sflag:s8] =	ssyncadd.s32 $0xFFFFD800  }
0x1b8: {  	[spmem:s0] =	stream.linear.scatter [tilespmem:s7], [sflag:$0x4], $0x2800, $0x38;
	[tilespmem:$0x1FC00] =	vst v63  }
0x1b9: {  	_ =	swait.ge [sflag:s8], $0x2800  }
0x1ba: {  	[sflag:s8] =	ssyncset.done $0x0  }
0x1bb: {  	[sflag:s8] =	ssyncadd.s32 $0xFFFFD800  }
0x1bc: {  	[spmem:s2] =	stream.linear.scatter [tilespmem:s7], [sflag:$0x4], $0x2800, $0x38;
	[tilespmem:$0x1FC00] =	vst v63  }
0x1bd: {  	_ =	swait.ge [sflag:s8], $0x2800  }
0x1be: {  	[sflag:s8] =	ssyncset.done $0x0  }
0x1bf: {  	[sflag:s8] =	ssyncadd.s32 $0xFFFFD800  }
0x1c0: {  	[spmem:s3] =	stream.linear.scatter [tilespmem:s7], [sflag:$0x4], $0x2800, $0x38;
	[tilespmem:$0x1FC00] =	vst v63  }
0x1c1: {  	_ =	swait.ge [sflag:s8], $0x2800  }
0x1c2: {  	[sflag:s8] =	ssyncset.done $0x0  }
0x1c3: {  	[sflag:s8] =	ssyncadd.s32 $0xFFFFD800  }
0x1c4: {  	[spmem:s4] =	stream.linear.scatter [tilespmem:s7], [sflag:$0x4], $0x2800, $0x38;
	[tilespmem:$0x1FC00] =	vst v63  }
0x1c5: {  	_ =	swait.ge [sflag:s8], $0x2800  }
0x1c6: {  	[sflag:s8] =	ssyncset.done $0x0  }
0x1c7: {  	[sflag:s8] =	ssyncadd.s32 $0xFFFFD800  }
0x1c8: {  	[spmem:s5] =	stream.linear.scatter [tilespmem:s7], [sflag:$0x4], $0x2400, $0x38;
	[tilespmem:$0x1FC00] =	vst v63  }
0x1c9: {  	_ =	swait.ge [sflag:s8], $0x2400  }
0x1ca: {  	[sflag:s8] =	ssyncset.done $0x0  }
0x1cb: {  	[sflag:s8] =	ssyncadd.s32 $0xFFFFDC00  }
0x1cc: {  	[bflag:$0x0] =	sbarrier.arrive $0xFFFF  }
0x1cd: {  	s6 =	simm.s32 $0x0;
	s9 =	rddreg [dreg:$0xc]  }
0x1ce: {  	[tilespmem:s6], [sflag:$0x4] =	stream.linear.gather [hbm4b:s9+s6], $0x2080, $0x38;
	[tilespmem:$0x1FC00] =	vst v63  }
0x1cf: {  	_ =	swait.ge [sflag:s8], $0x2080  }
0x1d0: {  	[sflag:s8] =	ssyncset.done $0x0  }
0x1d1: {  	s12 =	simm.s32 $0x2400;
	s17 =	rddreg [dreg:$0xd];
	[sflag:s8] =	ssyncadd.s32 $0xFFFFDF80  }
0x1d2: {  	[tilespmem:s12], [sflag:$0x4] =	stream.linear.gather [hbm4b:s17+s6], $0x2080, $0x38;
	[tilespmem:$0x1FC00] =	vst v63  }
0x1d3: {  	_ =	swait.ge [sflag:s8], $0x2080  }
0x1d4: {  	[sflag:s8] =	ssyncset.done $0x0  }
0x1d5: {  	[sflag:s8] =	ssyncadd.s32 $0xFFFFDF80  }
0x1d6: {  	[tilespmem:s11], [sflag:$0x1] =	stream.indirect.gather [hbm4b:s25+s10], $0x80, s6, s10, $0xb8;
	[tilespmem:$0x1FC00] =	vst v63  }
0x1d7: {  	s17 =	simm.s32 $0x80  }
0x1d8: {  	[tilespmem:s13], [sflag:$0x2] =	stream.indirect.gather [hbm4b:s25+s10], $0x80, s17, s10, $0xb8;
	[tilespmem:$0x1FC00] =	vst v63  }
0x1d9: {  	s9 =	simm.s32 $0x100  }
0x1da: {  	[tilespmem:s7], [sflag:$0x3] =	stream.indirect.gather [hbm4b:s25+s10], $0x80, s9, s10, $0xb8;
	[tilespmem:$0x1FC00] =	vst v63  }
0x1db: {  	_ =	swait.ge [sflag:s14], $0x2800  }
0x1dc: {  	[sflag:s14] =	ssyncset.done $0x0  }
0x1dd: {  	s12 =	simm.s32 $0x2400;
	[sflag:s14] =	ssyncadd.s32 $0xFFFFD800  }
0x1de: {  	[spmem:s26] =	stream.indirect.scatter.add.f32 [tilespmem:s11], [sflag:$0x4], $0x80, s12, s10, $0xb8;
	[tilespmem:$0x1FC00] =	vst v63  }
0x1df: {  	_ =	swait.ge [sflag:s8], $0x2800  }
0x1e0: {  	[sflag:s8] =	ssyncset.done $0x0  }
0x1e1: {  	s17 =	simm.s32 $0x180;
	[sflag:s8] =	ssyncadd.s32 $0xFFFFD800  }
0x1e2: {  	[tilespmem:s11], [sflag:$0x1] =	stream.indirect.gather [hbm4b:s25+s10], $0x80, s17, s10, $0xb8;
	[tilespmem:$0x1FC00] =	vst v63  }
0x1e3: {  	_ =	swait.ge [sflag:s15], $0x2800  }
0x1e4: {  	[sflag:s15] =	ssyncset.done $0x0  }
0x1e5: {  	s9 =	simm.s32 $0x2480;
	[sflag:s15] =	ssyncadd.s32 $0xFFFFD800  }
0x1e6: {  	[spmem:s26] =	stream.indirect.scatter.add.f32 [tilespmem:s13], [sflag:$0x4], $0x80, s9, s10, $0xb8;
	[tilespmem:$0x1FC00] =	vst v63  }
0x1e7: {  	_ =	swait.ge [sflag:s8], $0x2800  }
0x1e8: {  	[sflag:s8] =	ssyncset.done $0x0  }
0x1e9: {  	s12 =	simm.s32 $0x200;
	[sflag:s8] =	ssyncadd.s32 $0xFFFFD800  }
0x1ea: {  	[tilespmem:s13], [sflag:$0x2] =	stream.indirect.gather [hbm4b:s25+s10], $0x80, s12, s10, $0xb8;
	[tilespmem:$0x1FC00] =	vst v63  }
0x1eb: {  	_ =	swait.ge [sflag:s16], $0x2800  }
0x1ec: {  	[sflag:s16] =	ssyncset.done $0x0  }
0x1ed: {  	s17 =	simm.s32 $0x2500;
	[sflag:s16] =	ssyncadd.s32 $0xFFFFD800  }
0x1ee: {  	[spmem:s26] =	stream.indirect.scatter.add.f32 [tilespmem:s7], [sflag:$0x4], $0x80, s17, s10, $0xb8;
	[tilespmem:$0x1FC00] =	vst v63  }
0x1ef: {  	_ =	swait.ge [sflag:s8], $0x2800  }
0x1f0: {  	s29 =	simm.s32 $0x180;
	s6 =	simm.s32 $0xC00;
	[sflag:s8] =	ssyncset.done $0x0  }
.LBB2_10:
0x1f1: {  	s9 =	sadd.s32 $0x100, s29  }
0x1f2: {  	[sflag:s8] =	ssyncadd.s32 $0xFFFFD800;
	s12 =	smov.u32 s6;
	s17 =	sadd.s32 $0x600, s6  }
0x1f3: {  	[tilespmem:s7], [sflag:$0x3] =	stream.indirect.gather [hbm4b:s25+s10], $0x80, s9, s10, $0xb8;
	[tilespmem:$0x1FC00] =	vst v63  }
0x1f4: {  	p0 =	sne.s32 s6, $0x7200;
	_ =	swait.ge [sflag:s14], $0x2800  }
0x1f5: {  	[sflag:s14] =	ssyncset.done $0x0  }
0x1f6: {  	s6 =	sadd.s32 $0x2400, s29;
	[sflag:s14] =	ssyncadd.s32 $0xFFFFD800  }
0x1f7: {  	[spmem:s26] =	stream.indirect.scatter.add.f32 [tilespmem:s11], [sflag:$0x4], $0x80, s6, s10, $0xb8;
	[tilespmem:$0x1FC00] =	vst v63  }
0x1f8: {  	_ =	swait.ge [sflag:s8], $0x2800  }
0x1f9: {  	[sflag:s8] =	ssyncset.done $0x0  }
0x1fa: {  	s6 =	sadd.s32 $0x180, s29;
	[sflag:s8] =	ssyncadd.s32 $0xFFFFD800  }
0x1fb: {  	[tilespmem:s11], [sflag:$0x1] =	stream.indirect.gather [hbm4b:s25+s10], $0x80, s6, s10, $0xb8;
	[tilespmem:$0x1FC00] =	vst v63  }
0x1fc: {  	_ =	swait.ge [sflag:s15], $0x2800  }
0x1fd: {  	[sflag:s15] =	ssyncset.done $0x0  }
0x1fe: {  	s6 =	sadd.s32 $0x2480, s29;
	[sflag:s15] =	ssyncadd.s32 $0xFFFFD800  }
0x1ff: {  	[spmem:s26] =	stream.indirect.scatter.add.f32 [tilespmem:s13], [sflag:$0x4], $0x80, s6, s10, $0xb8;
	[tilespmem:$0x1FC00] =	vst v63  }
0x200: {  	_ =	swait.ge [sflag:s8], $0x2800  }
0x201: {  	[sflag:s8] =	ssyncset.done $0x0  }
0x202: {  	s6 =	sadd.s32 $0x200, s29;
	[sflag:s8] =	ssyncadd.s32 $0xFFFFD800  }
0x203: {  	[tilespmem:s13], [sflag:$0x2] =	stream.indirect.gather [hbm4b:s25+s10], $0x80, s6, s10, $0xb8;
	[tilespmem:$0x1FC00] =	vst v63  }
0x204: {  	_ =	swait.ge [sflag:s16], $0x2800  }
.Ltmp4:
0x205: {  	[sflag:s16] =	ssyncset.done $0x0;
	(pc) =	sbr.rel @p0 .LBB2_10-.Ltmp4, $4  }
0x206: {  	s6 =	sadd.s32 $0x2500, s29;
	[sflag:s16] =	ssyncadd.s32 $0xFFFFD800  }
0x207: {  	[spmem:s26] =	stream.indirect.scatter.add.f32 [tilespmem:s7], [sflag:$0x4], $0x80, s6, s10, $0xb8;
	[tilespmem:$0x1FC00] =	vst v63  }
0x208: {  	_ =	swait.ge [sflag:s8], $0x2800  }
0x209: {  	s29 =	sshra.s32 s12, $0x2;
	s6 =	smov.u32 s17;
	[sflag:s8] =	ssyncset.done $0x0  }
0x20a: {  	s6 =	sadd.s32 $0x100, s29;
	[sflag:s8] =	ssyncadd.s32 $0xFFFFD800  }
0x20b: {  	[tilespmem:s7], [sflag:$0x3] =	stream.indirect.gather [hbm4b:s25+s10], $0x80, s6, s10, $0xb8;
	[tilespmem:$0x1FC00] =	vst v63  }
0x20c: {  	_ =	swait.ge [sflag:s14], $0x2800  }
0x20d: {  	[sflag:s14] =	ssyncset.done $0x0  }
0x20e: {  	s17 =	sadd.s32 $0x2400, s29;
	[sflag:s14] =	ssyncadd.s32 $0xFFFFD800  }
0x20f: {  	[spmem:s26] =	stream.indirect.scatter.add.f32 [tilespmem:s11], [sflag:$0x4], $0x80, s17, s10, $0xb8;
	[tilespmem:$0x1FC00] =	vst v63  }
0x210: {  	_ =	swait.ge [sflag:s8], $0x2800  }
0x211: {  	[sflag:s8] =	ssyncset.done $0x0  }
0x212: {  	s9 =	sadd.s32 $0x180, s29;
	[sflag:s8] =	ssyncadd.s32 $0xFFFFD800  }
0x213: {  	[tilespmem:s11], [sflag:$0x1] =	stream.indirect.gather [hbm4b:s25+s10], $0x80, s9, s10, $0xb8;
	[tilespmem:$0x1FC00] =	vst v63  }
0x214: {  	_ =	swait.ge [sflag:s15], $0x2800  }
0x215: {  	[sflag:s15] =	ssyncset.done $0x0  }
0x216: {  	s12 =	sadd.s32 $0x2480, s29;
	[sflag:s15] =	ssyncadd.s32 $0xFFFFD800  }
0x217: {  	[spmem:s26] =	stream.indirect.scatter.add.f32 [tilespmem:s13], [sflag:$0x4], $0x80, s12, s10, $0xb8;
	[tilespmem:$0x1FC00] =	vst v63  }
0x218: {  	_ =	swait.ge [sflag:s8], $0x2800  }
0x219: {  	[sflag:s8] =	ssyncset.done $0x0  }
0x21a: {  	s17 =	sadd.s32 $0x200, s29;
	[sflag:s8] =	ssyncadd.s32 $0xFFFFD800  }
0x21b: {  	[tilespmem:s13], [sflag:$0x2] =	stream.indirect.gather [hbm4b:s25+s10], $0x80, s17, s10, $0xb8;
	[tilespmem:$0x1FC00] =	vst v63  }
0x21c: {  	_ =	swait.ge [sflag:s16], $0x2800  }
0x21d: {  	[sflag:s16] =	ssyncset.done $0x0  }
0x21e: {  	s9 =	sadd.s32 $0x2500, s29;
	[sflag:s16] =	ssyncadd.s32 $0xFFFFD800  }
0x21f: {  	[spmem:s26] =	stream.indirect.scatter.add.f32 [tilespmem:s7], [sflag:$0x4], $0x80, s9, s10, $0xb8;
	[tilespmem:$0x1FC00] =	vst v63  }
0x220: {  	_ =	swait.ge [sflag:s8], $0x2800  }
0x221: {  	[sflag:s8] =	ssyncset.done $0x0  }
0x222: {  	s12 =	simm.s32 $0x1F00;
	[sflag:s8] =	ssyncadd.s32 $0xFFFFD800  }
0x223: {  	[tilespmem:s7], [sflag:$0x3] =	stream.indirect.gather [hbm4b:s25+s10], $0x80, s12, s10, $0xb8;
	[tilespmem:$0x1FC00] =	vst v63  }
0x224: {  	_ =	swait.ge [sflag:s14], $0x2800  }
0x225: {  	[sflag:s14] =	ssyncset.done $0x0  }
0x226: {  	[sflag:s14] =	ssyncadd.s32 $0xFFFFD800  }
0x227: {  	[spmem:s26] =	stream.indirect.scatter.add.f32 [tilespmem:s11], [sflag:$0x4], $0x80, s18, s10, $0xb8;
	[tilespmem:$0x1FC00] =	vst v63  }
0x228: {  	_ =	swait.ge [sflag:s8], $0x2800  }
0x229: {  	[sflag:s8] =	ssyncset.done $0x0  }
0x22a: {  	[sflag:s8] =	ssyncadd.s32 $0xFFFFD800  }
0x22b: {  	[tilespmem:s11], [sflag:$0x1] =	stream.indirect.gather [hbm4b:s25+s10], $0x80, s19, s10, $0xb8;
	[tilespmem:$0x1FC00] =	vst v63  }
0x22c: {  	_ =	swait.ge [sflag:s15], $0x2800  }
0x22d: {  	[sflag:s15] =	ssyncset.done $0x0  }
0x22e: {  	[sflag:s15] =	ssyncadd.s32 $0xFFFFD800  }
0x22f: {  	[spmem:s26] =	stream.indirect.scatter.add.f32 [tilespmem:s13], [sflag:$0x4], $0x80, s20, s10, $0xb8;
	[tilespmem:$0x1FC00] =	vst v63  }
0x230: {  	_ =	swait.ge [sflag:s8], $0x2800  }
0x231: {  	[sflag:s8] =	ssyncset.done $0x0  }
0x232: {  	[sflag:s8] =	ssyncadd.s32 $0xFFFFD800  }
0x233: {  	[tilespmem:s13], [sflag:$0x2] =	stream.indirect.gather [hbm4b:s25+s10], $0x80, s21, s10, $0xb8;
	[tilespmem:$0x1FC00] =	vst v63  }
0x234: {  	_ =	swait.ge [sflag:s16], $0x2800  }
0x235: {  	[sflag:s16] =	ssyncset.done $0x0  }
0x236: {  	[sflag:s16] =	ssyncadd.s32 $0xFFFFD800  }
0x237: {  	[spmem:s26] =	stream.indirect.scatter.add.f32 [tilespmem:s7], [sflag:$0x4], $0x80, s22, s10, $0xb8;
	[tilespmem:$0x1FC00] =	vst v63  }
0x238: {  	_ =	swait.ge [sflag:s8], $0x2800  }
0x239: {  	[sflag:s8] =	ssyncset.done $0x0  }
0x23a: {  	[sflag:s8] =	ssyncadd.s32 $0xFFFFD800  }
0x23b: {  	[tilespmem:s7], [sflag:$0x3] =	stream.indirect.gather [hbm4b:s25+s10], $0x80, s21, s10, $0xb8;
	[tilespmem:$0x1FC00] =	vst v63  }
0x23c: {  	_ =	swait.ge [sflag:s14], $0x2800  }
0x23d: {  	[sflag:s14] =	ssyncset.done $0x0  }
0x23e: {  	[sflag:s14] =	ssyncadd.s32 $0xFFFFD800  }
0x23f: {  	[spmem:s26] =	stream.indirect.scatter.add.f32 [tilespmem:s11], [sflag:$0x4], $0x80, s23, s10, $0xb8;
	[tilespmem:$0x1FC00] =	vst v63  }
0x240: {  	_ =	swait.ge [sflag:s8], $0x2800  }
0x241: {  	[sflag:s8] =	ssyncset.done $0x0  }
0x242: {  	[sflag:s8] =	ssyncadd.s32 $0xFFFFD800  }
0x243: {  	_ =	swait.ge [sflag:s15], $0x2800  }
0x244: {  	[sflag:s15] =	ssyncset.done $0x0  }
0x245: {  	[sflag:s15] =	ssyncadd.s32 $0xFFFFD800  }
0x246: {  	_ =	swait.ge [sflag:s16], $0x2800  }
0x247: {  	[sflag:s16] =	ssyncset.done $0x0  }
0x248: {  	s6 =	simm.s32 $0x0;
	s9 =	rddreg [dreg:$0xe];
	[sflag:s16] =	ssyncadd.s32 $0xFFFFD800  }
0x249: {  	[tilespmem:s6], [sflag:$0x4] =	stream.linear.gather [hbm4b:s9+s6], $0x2080, $0x38;
	[tilespmem:$0x1FC00] =	vst v63  }
0x24a: {  	_ =	swait.ge [sflag:s8], $0x2080  }
0x24b: {  	[sflag:s8] =	ssyncset.done $0x0  }
0x24c: {  	s12 =	simm.s32 $0x2400;
	s17 =	rddreg [dreg:$0xf];
	[sflag:s8] =	ssyncadd.s32 $0xFFFFDF80  }
0x24d: {  	[tilespmem:s12], [sflag:$0x4] =	stream.linear.gather [hbm4b:s17+s6], $0x2080, $0x38;
	[tilespmem:$0x1FC00] =	vst v63  }
0x24e: {  	_ =	swait.ge [sflag:s8], $0x2080  }
0x24f: {  	[sflag:s8] =	ssyncset.done $0x0  }
0x250: {  	[sflag:s8] =	ssyncadd.s32 $0xFFFFDF80  }
0x251: {  	[tilespmem:s11], [sflag:$0x1] =	stream.indirect.gather [hbm4b:s25+s10], $0x80, s6, s10, $0xb8;
	[tilespmem:$0x1FC00] =	vst v63  }
0x252: {  	s17 =	simm.s32 $0x80  }
0x253: {  	[tilespmem:s13], [sflag:$0x2] =	stream.indirect.gather [hbm4b:s25+s10], $0x80, s17, s10, $0xb8;
	[tilespmem:$0x1FC00] =	vst v63  }
0x254: {  	s9 =	simm.s32 $0x100  }
0x255: {  	[tilespmem:s7], [sflag:$0x3] =	stream.indirect.gather [hbm4b:s25+s10], $0x80, s9, s10, $0xb8;
	[tilespmem:$0x1FC00] =	vst v63  }
0x256: {  	_ =	swait.ge [sflag:s14], $0x2800  }
0x257: {  	[sflag:s14] =	ssyncset.done $0x0  }
0x258: {  	s12 =	simm.s32 $0x2400;
	[sflag:s14] =	ssyncadd.s32 $0xFFFFD800  }
0x259: {  	[spmem:s26] =	stream.indirect.scatter.add.f32 [tilespmem:s11], [sflag:$0x4], $0x80, s12, s10, $0xb8;
	[tilespmem:$0x1FC00] =	vst v63  }
0x25a: {  	_ =	swait.ge [sflag:s8], $0x2800  }
0x25b: {  	[sflag:s8] =	ssyncset.done $0x0  }
0x25c: {  	s17 =	simm.s32 $0x180;
	[sflag:s8] =	ssyncadd.s32 $0xFFFFD800  }
0x25d: {  	[tilespmem:s11], [sflag:$0x1] =	stream.indirect.gather [hbm4b:s25+s10], $0x80, s17, s10, $0xb8;
	[tilespmem:$0x1FC00] =	vst v63  }
0x25e: {  	_ =	swait.ge [sflag:s15], $0x2800  }
0x25f: {  	[sflag:s15] =	ssyncset.done $0x0  }
0x260: {  	s9 =	simm.s32 $0x2480;
	[sflag:s15] =	ssyncadd.s32 $0xFFFFD800  }
0x261: {  	[spmem:s26] =	stream.indirect.scatter.add.f32 [tilespmem:s13], [sflag:$0x4], $0x80, s9, s10, $0xb8;
	[tilespmem:$0x1FC00] =	vst v63  }
0x262: {  	_ =	swait.ge [sflag:s8], $0x2800  }
0x263: {  	[sflag:s8] =	ssyncset.done $0x0  }
0x264: {  	s12 =	simm.s32 $0x200;
	[sflag:s8] =	ssyncadd.s32 $0xFFFFD800  }
0x265: {  	[tilespmem:s13], [sflag:$0x2] =	stream.indirect.gather [hbm4b:s25+s10], $0x80, s12, s10, $0xb8;
	[tilespmem:$0x1FC00] =	vst v63  }
0x266: {  	_ =	swait.ge [sflag:s16], $0x2800  }
0x267: {  	[sflag:s16] =	ssyncset.done $0x0  }
0x268: {  	s17 =	simm.s32 $0x2500;
	[sflag:s16] =	ssyncadd.s32 $0xFFFFD800  }
0x269: {  	[spmem:s26] =	stream.indirect.scatter.add.f32 [tilespmem:s7], [sflag:$0x4], $0x80, s17, s10, $0xb8;
	[tilespmem:$0x1FC00] =	vst v63  }
0x26a: {  	_ =	swait.ge [sflag:s8], $0x2800  }
0x26b: {  	s29 =	simm.s32 $0x180;
	s6 =	simm.s32 $0xC00;
	[sflag:s8] =	ssyncset.done $0x0  }
.LBB2_12:
0x26c: {  	s9 =	sadd.s32 $0x100, s29  }
0x26d: {  	[sflag:s8] =	ssyncadd.s32 $0xFFFFD800;
	s12 =	smov.u32 s6;
	s17 =	sadd.s32 $0x600, s6  }
0x26e: {  	[tilespmem:s7], [sflag:$0x3] =	stream.indirect.gather [hbm4b:s25+s10], $0x80, s9, s10, $0xb8;
	[tilespmem:$0x1FC00] =	vst v63  }
0x26f: {  	p0 =	sne.s32 s6, $0x7200;
	_ =	swait.ge [sflag:s14], $0x2800  }
0x270: {  	[sflag:s14] =	ssyncset.done $0x0  }
0x271: {  	s6 =	sadd.s32 $0x2400, s29;
	[sflag:s14] =	ssyncadd.s32 $0xFFFFD800  }
0x272: {  	[spmem:s26] =	stream.indirect.scatter.add.f32 [tilespmem:s11], [sflag:$0x4], $0x80, s6, s10, $0xb8;
	[tilespmem:$0x1FC00] =	vst v63  }
0x273: {  	_ =	swait.ge [sflag:s8], $0x2800  }
0x274: {  	[sflag:s8] =	ssyncset.done $0x0  }
0x275: {  	s6 =	sadd.s32 $0x180, s29;
	[sflag:s8] =	ssyncadd.s32 $0xFFFFD800  }
0x276: {  	[tilespmem:s11], [sflag:$0x1] =	stream.indirect.gather [hbm4b:s25+s10], $0x80, s6, s10, $0xb8;
	[tilespmem:$0x1FC00] =	vst v63  }
0x277: {  	_ =	swait.ge [sflag:s15], $0x2800  }
0x278: {  	[sflag:s15] =	ssyncset.done $0x0  }
0x279: {  	s6 =	sadd.s32 $0x2480, s29;
	[sflag:s15] =	ssyncadd.s32 $0xFFFFD800  }
0x27a: {  	[spmem:s26] =	stream.indirect.scatter.add.f32 [tilespmem:s13], [sflag:$0x4], $0x80, s6, s10, $0xb8;
	[tilespmem:$0x1FC00] =	vst v63  }
0x27b: {  	_ =	swait.ge [sflag:s8], $0x2800  }
0x27c: {  	[sflag:s8] =	ssyncset.done $0x0  }
0x27d: {  	s6 =	sadd.s32 $0x200, s29;
	[sflag:s8] =	ssyncadd.s32 $0xFFFFD800  }
0x27e: {  	[tilespmem:s13], [sflag:$0x2] =	stream.indirect.gather [hbm4b:s25+s10], $0x80, s6, s10, $0xb8;
	[tilespmem:$0x1FC00] =	vst v63  }
0x27f: {  	_ =	swait.ge [sflag:s16], $0x2800  }
.Ltmp5:
0x280: {  	[sflag:s16] =	ssyncset.done $0x0;
	(pc) =	sbr.rel @p0 .LBB2_12-.Ltmp5, $4  }
0x281: {  	s6 =	sadd.s32 $0x2500, s29;
	[sflag:s16] =	ssyncadd.s32 $0xFFFFD800  }
0x282: {  	[spmem:s26] =	stream.indirect.scatter.add.f32 [tilespmem:s7], [sflag:$0x4], $0x80, s6, s10, $0xb8;
	[tilespmem:$0x1FC00] =	vst v63  }
0x283: {  	_ =	swait.ge [sflag:s8], $0x2800  }
0x284: {  	s29 =	sshra.s32 s12, $0x2;
	s6 =	smov.u32 s17;
	[sflag:s8] =	ssyncset.done $0x0  }
0x285: {  	s6 =	sadd.s32 $0x100, s29;
	[sflag:s8] =	ssyncadd.s32 $0xFFFFD800  }
0x286: {  	[tilespmem:s7], [sflag:$0x3] =	stream.indirect.gather [hbm4b:s25+s10], $0x80, s6, s10, $0xb8;
	[tilespmem:$0x1FC00] =	vst v63  }
0x287: {  	_ =	swait.ge [sflag:s14], $0x2800  }
0x288: {  	[sflag:s14] =	ssyncset.done $0x0  }
0x289: {  	s9 =	sadd.s32 $0x2400, s29;
	[sflag:s14] =	ssyncadd.s32 $0xFFFFD800  }
0x28a: {  	[spmem:s26] =	stream.indirect.scatter.add.f32 [tilespmem:s11], [sflag:$0x4], $0x80, s9, s10, $0xb8;
	[tilespmem:$0x1FC00] =	vst v63  }
0x28b: {  	_ =	swait.ge [sflag:s8], $0x2800  }
0x28c: {  	[sflag:s8] =	ssyncset.done $0x0  }
0x28d: {  	s12 =	sadd.s32 $0x180, s29;
	[sflag:s8] =	ssyncadd.s32 $0xFFFFD800  }
0x28e: {  	[tilespmem:s11], [sflag:$0x1] =	stream.indirect.gather [hbm4b:s25+s10], $0x80, s12, s10, $0xb8;
	[tilespmem:$0x1FC00] =	vst v63  }
0x28f: {  	_ =	swait.ge [sflag:s15], $0x2800  }
0x290: {  	[sflag:s15] =	ssyncset.done $0x0  }
0x291: {  	s17 =	sadd.s32 $0x2480, s29;
	[sflag:s15] =	ssyncadd.s32 $0xFFFFD800  }
0x292: {  	[spmem:s26] =	stream.indirect.scatter.add.f32 [tilespmem:s13], [sflag:$0x4], $0x80, s17, s10, $0xb8;
	[tilespmem:$0x1FC00] =	vst v63  }
0x293: {  	_ =	swait.ge [sflag:s8], $0x2800  }
0x294: {  	[sflag:s8] =	ssyncset.done $0x0  }
0x295: {  	s9 =	sadd.s32 $0x200, s29;
	[sflag:s8] =	ssyncadd.s32 $0xFFFFD800  }
0x296: {  	[tilespmem:s13], [sflag:$0x2] =	stream.indirect.gather [hbm4b:s25+s10], $0x80, s9, s10, $0xb8;
	[tilespmem:$0x1FC00] =	vst v63  }
0x297: {  	_ =	swait.ge [sflag:s16], $0x2800  }
0x298: {  	[sflag:s16] =	ssyncset.done $0x0  }
0x299: {  	s12 =	sadd.s32 $0x2500, s29;
	[sflag:s16] =	ssyncadd.s32 $0xFFFFD800  }
0x29a: {  	[spmem:s26] =	stream.indirect.scatter.add.f32 [tilespmem:s7], [sflag:$0x4], $0x80, s12, s10, $0xb8;
	[tilespmem:$0x1FC00] =	vst v63  }
0x29b: {  	_ =	swait.ge [sflag:s8], $0x2800  }
0x29c: {  	[sflag:s8] =	ssyncset.done $0x0  }
0x29d: {  	s17 =	simm.s32 $0x1F00;
	[sflag:s8] =	ssyncadd.s32 $0xFFFFD800  }
0x29e: {  	[tilespmem:s7], [sflag:$0x3] =	stream.indirect.gather [hbm4b:s25+s10], $0x80, s17, s10, $0xb8;
	[tilespmem:$0x1FC00] =	vst v63  }
0x29f: {  	_ =	swait.ge [sflag:s14], $0x2800  }
0x2a0: {  	[sflag:s14] =	ssyncset.done $0x0  }
0x2a1: {  	[sflag:s14] =	ssyncadd.s32 $0xFFFFD800  }
0x2a2: {  	[spmem:s26] =	stream.indirect.scatter.add.f32 [tilespmem:s11], [sflag:$0x4], $0x80, s18, s10, $0xb8;
	[tilespmem:$0x1FC00] =	vst v63  }
0x2a3: {  	_ =	swait.ge [sflag:s8], $0x2800  }
0x2a4: {  	[sflag:s8] =	ssyncset.done $0x0  }
0x2a5: {  	[sflag:s8] =	ssyncadd.s32 $0xFFFFD800  }
0x2a6: {  	[tilespmem:s11], [sflag:$0x1] =	stream.indirect.gather [hbm4b:s25+s10], $0x80, s19, s10, $0xb8;
	[tilespmem:$0x1FC00] =	vst v63  }
0x2a7: {  	_ =	swait.ge [sflag:s15], $0x2800  }
0x2a8: {  	[sflag:s15] =	ssyncset.done $0x0  }
0x2a9: {  	[sflag:s15] =	ssyncadd.s32 $0xFFFFD800  }
0x2aa: {  	[spmem:s26] =	stream.indirect.scatter.add.f32 [tilespmem:s13], [sflag:$0x4], $0x80, s20, s10, $0xb8;
	[tilespmem:$0x1FC00] =	vst v63  }
0x2ab: {  	_ =	swait.ge [sflag:s8], $0x2800  }
0x2ac: {  	[sflag:s8] =	ssyncset.done $0x0  }
0x2ad: {  	[sflag:s8] =	ssyncadd.s32 $0xFFFFD800  }
0x2ae: {  	[tilespmem:s13], [sflag:$0x2] =	stream.indirect.gather [hbm4b:s25+s10], $0x80, s21, s10, $0xb8;
	[tilespmem:$0x1FC00] =	vst v63  }
0x2af: {  	_ =	swait.ge [sflag:s16], $0x2800  }
0x2b0: {  	[sflag:s16] =	ssyncset.done $0x0  }
0x2b1: {  	[sflag:s16] =	ssyncadd.s32 $0xFFFFD800  }
0x2b2: {  	[spmem:s26] =	stream.indirect.scatter.add.f32 [tilespmem:s7], [sflag:$0x4], $0x80, s22, s10, $0xb8;
	[tilespmem:$0x1FC00] =	vst v63  }
0x2b3: {  	_ =	swait.ge [sflag:s8], $0x2800  }
0x2b4: {  	[sflag:s8] =	ssyncset.done $0x0  }
0x2b5: {  	[sflag:s8] =	ssyncadd.s32 $0xFFFFD800  }
0x2b6: {  	[tilespmem:s7], [sflag:$0x3] =	stream.indirect.gather [hbm4b:s25+s10], $0x80, s21, s10, $0xb8;
	[tilespmem:$0x1FC00] =	vst v63  }
0x2b7: {  	_ =	swait.ge [sflag:s14], $0x2800  }
0x2b8: {  	[sflag:s14] =	ssyncset.done $0x0  }
0x2b9: {  	[sflag:s14] =	ssyncadd.s32 $0xFFFFD800  }
0x2ba: {  	[spmem:s26] =	stream.indirect.scatter.add.f32 [tilespmem:s11], [sflag:$0x4], $0x80, s23, s10, $0xb8;
	[tilespmem:$0x1FC00] =	vst v63  }
0x2bb: {  	_ =	swait.ge [sflag:s8], $0x2800  }
0x2bc: {  	[sflag:s8] =	ssyncset.done $0x0  }
0x2bd: {  	[sflag:s8] =	ssyncadd.s32 $0xFFFFD800  }
0x2be: {  	_ =	swait.ge [sflag:s15], $0x2800  }
0x2bf: {  	[sflag:s15] =	ssyncset.done $0x0  }
0x2c0: {  	[sflag:s15] =	ssyncadd.s32 $0xFFFFD800  }
0x2c1: {  	_ =	swait.ge [sflag:s16], $0x2800  }
0x2c2: {  	[sflag:s16] =	ssyncset.done $0x0  }
0x2c3: {  	[sflag:s16] =	ssyncadd.s32 $0xFFFFD800  }
0x2c4: {  	[bflag:$0x0] =	sbarrier.arrive $0xFFFF  }
0x2c5: {  	[tilespmem:s11], [sflag:$0x4] =	stream.linear.gather [spmem:s30], $0x2800, $0x38;
	[tilespmem:$0x1FC00] =	vst v63  }
0x2c6: {  	_ =	swait.ge [sflag:s8], $0x2800  }
0x2c7: {  	[sflag:s8] =	ssyncset.done $0x0  }
0x2c8: {  	s29 =	rddreg [dreg:$0x14];
	[sflag:s8] =	ssyncadd.s32 $0xFFFFD800  }
0x2c9: {  	[hbm4b:s29+s1] =	stream.linear.scatter [tilespmem:s11], [sflag:$0x4], $0x2800, $0x38;
	[tilespmem:$0x1FC00] =	vst v63  }
0x2ca: {  	_ =	swait.ge [sflag:s8], $0x2800  }
0x2cb: {  	[sflag:s8] =	ssyncset.done $0x0  }
0x2cc: {  	[sflag:s8] =	ssyncadd.s32 $0xFFFFD800  }
0x2cd: {  	[tilespmem:s11], [sflag:$0x4] =	stream.linear.gather [spmem:s31], $0x2800, $0x38;
	[tilespmem:$0x1FC00] =	vst v63  }
0x2ce: {  	_ =	swait.ge [sflag:s8], $0x2800  }
0x2cf: {  	[sflag:s8] =	ssyncset.done $0x0  }
0x2d0: {  	s9 =	rddreg [dreg:$0x15];
	[sflag:s8] =	ssyncadd.s32 $0xFFFFD800  }
0x2d1: {  	[hbm4b:s9+s1] =	stream.linear.scatter [tilespmem:s11], [sflag:$0x4], $0x2800, $0x38;
	[tilespmem:$0x1FC00] =	vst v63  }
0x2d2: {  	_ =	swait.ge [sflag:s8], $0x2800  }
0x2d3: {  	[sflag:s8] =	ssyncset.done $0x0  }
0x2d4: {  	[sflag:s8] =	ssyncadd.s32 $0xFFFFD800  }
0x2d5: {  	[tilespmem:s11], [sflag:$0x4] =	stream.linear.gather [spmem:s24], $0x2800, $0x38;
	[tilespmem:$0x1FC00] =	vst v63  }
0x2d6: {  	_ =	swait.ge [sflag:s8], $0x2800  }
0x2d7: {  	[sflag:s8] =	ssyncset.done $0x0  }
0x2d8: {  	s12 =	rddreg [dreg:$0x16];
	[sflag:s8] =	ssyncadd.s32 $0xFFFFD800  }
0x2d9: {  	[hbm4b:s12+s1] =	stream.linear.scatter [tilespmem:s11], [sflag:$0x4], $0x2800, $0x38;
	[tilespmem:$0x1FC00] =	vst v63  }
0x2da: {  	_ =	swait.ge [sflag:s8], $0x2800  }
0x2db: {  	[sflag:s8] =	ssyncset.done $0x0  }
0x2dc: {  	[sflag:s8] =	ssyncadd.s32 $0xFFFFD800  }
0x2dd: {  	[tilespmem:s11], [sflag:$0x4] =	stream.linear.gather [spmem:s0], $0x2800, $0x38;
	[tilespmem:$0x1FC00] =	vst v63  }
0x2de: {  	_ =	swait.ge [sflag:s8], $0x2800  }
0x2df: {  	[sflag:s8] =	ssyncset.done $0x0  }
0x2e0: {  	s17 =	rddreg [dreg:$0x17];
	[sflag:s8] =	ssyncadd.s32 $0xFFFFD800  }
0x2e1: {  	[hbm4b:s17+s1] =	stream.linear.scatter [tilespmem:s11], [sflag:$0x4], $0x2800, $0x38;
	[tilespmem:$0x1FC00] =	vst v63  }
0x2e2: {  	_ =	swait.ge [sflag:s8], $0x2800  }
0x2e3: {  	[sflag:s8] =	ssyncset.done $0x0  }
0x2e4: {  	[sflag:s8] =	ssyncadd.s32 $0xFFFFD800  }
0x2e5: {  	[tilespmem:s11], [sflag:$0x4] =	stream.linear.gather [spmem:s2], $0x2800, $0x38;
	[tilespmem:$0x1FC00] =	vst v63  }
0x2e6: {  	_ =	swait.ge [sflag:s8], $0x2800  }
0x2e7: {  	[sflag:s8] =	ssyncset.done $0x0  }
0x2e8: {  	s29 =	rddreg [dreg:$0x18];
	[sflag:s8] =	ssyncadd.s32 $0xFFFFD800  }
0x2e9: {  	[hbm4b:s29+s1] =	stream.linear.scatter [tilespmem:s11], [sflag:$0x4], $0x2800, $0x38;
	[tilespmem:$0x1FC00] =	vst v63  }
0x2ea: {  	_ =	swait.ge [sflag:s8], $0x2800  }
0x2eb: {  	[sflag:s8] =	ssyncset.done $0x0  }
0x2ec: {  	[sflag:s8] =	ssyncadd.s32 $0xFFFFD800  }
0x2ed: {  	[tilespmem:s11], [sflag:$0x4] =	stream.linear.gather [spmem:s3], $0x2800, $0x38;
	[tilespmem:$0x1FC00] =	vst v63  }
0x2ee: {  	_ =	swait.ge [sflag:s8], $0x2800  }
0x2ef: {  	[sflag:s8] =	ssyncset.done $0x0  }
0x2f0: {  	s9 =	rddreg [dreg:$0x19];
	[sflag:s8] =	ssyncadd.s32 $0xFFFFD800  }
0x2f1: {  	[hbm4b:s9+s1] =	stream.linear.scatter [tilespmem:s11], [sflag:$0x4], $0x2800, $0x38;
	[tilespmem:$0x1FC00] =	vst v63  }
0x2f2: {  	_ =	swait.ge [sflag:s8], $0x2800  }
0x2f3: {  	[sflag:s8] =	ssyncset.done $0x0  }
0x2f4: {  	[sflag:s8] =	ssyncadd.s32 $0xFFFFD800  }
0x2f5: {  	[tilespmem:s11], [sflag:$0x4] =	stream.linear.gather [spmem:s4], $0x2800, $0x38;
	[tilespmem:$0x1FC00] =	vst v63  }
0x2f6: {  	_ =	swait.ge [sflag:s8], $0x2800  }
0x2f7: {  	[sflag:s8] =	ssyncset.done $0x0  }
0x2f8: {  	s12 =	rddreg [dreg:$0x1a];
	[sflag:s8] =	ssyncadd.s32 $0xFFFFD800  }
0x2f9: {  	[hbm4b:s12+s1] =	stream.linear.scatter [tilespmem:s11], [sflag:$0x4], $0x2800, $0x38;
	[tilespmem:$0x1FC00] =	vst v63  }
0x2fa: {  	_ =	swait.ge [sflag:s8], $0x2800  }
0x2fb: {  	[sflag:s8] =	ssyncset.done $0x0  }
0x2fc: {  	[sflag:s8] =	ssyncadd.s32 $0xFFFFD800  }
0x2fd: {  	[tilespmem:s11], [sflag:$0x4] =	stream.linear.gather [spmem:s5], $0x2400, $0x38;
	[tilespmem:$0x1FC00] =	vst v63  }
0x2fe: {  	_ =	swait.ge [sflag:s8], $0x2400  }
0x2ff: {  	[sflag:s8] =	ssyncset.done $0x0  }
0x300: {  	s17 =	rddreg [dreg:$0x1b];
	[sflag:s8] =	ssyncadd.s32 $0xFFFFDC00  }
0x301: {  	[hbm4b:s17+s1] =	stream.linear.scatter [tilespmem:s11], [sflag:$0x4], $0x2400, $0x38;
	[tilespmem:$0x1FC00] =	vst v63  }
0x302: {  	_ =	swait.ge [sflag:s8], $0x2400  }
0x303: {  	s28 =	sadd.s32 $0x1, s28;
	s29 =	rddreg [dreg:$0x1c]  }
0x304: {  	p0 =	sne.s32 s28, s29  }
.Ltmp6:
0x305: {  	_ = 	snop;
	(pc) =	sbr.rel @p0 .LBB2_1-.Ltmp6, $3  }
0x306: {  	[sflag:s8] =	ssyncset.done $0x0  }
0x307: {  	[sflag:s8] =	ssyncadd.s32 $0xFFFFDC00  }
0x308: {  	[bflag:$0x0] =	sbarrier.arrive $0xFFFF;
	_ =	sdelay $0x1  }
0x309: {  	_ =	sfence.sel $0x180000  }
0x30a: {  	[bflag:$0x0] =	sbarrier.arrive $0xFFFF  }
0x30b: {  	_ =	strace $0x90000047  }
0x30c: {  	s0 =	stileid.u32;
	[bflag:$0x2] =	sbarrier.arrive $0xFFFF  }
0x30d: {  	p0 =	sne.s32 s0, $0x0;
	s0 =	rddreg [dreg:$0x3]  }
0x30e: {  	s0 =	sadd.s32 @!p0 $0x100000, s0  }
0x30f: {  	[sflag:s0] =	ssyncadd.tile.s32 @!p0 $0x1;
	_ =	shalt  }
.Lfunc_end2:
_tile_overlayer_lowered:
.L_overlay_start_2:
0x310: {  	(tag) =	ssettag $0x2  }
0x311: {  	s0 =	rddreg [dreg:$0x0];
	s2 =	stileid.u32  }
0x312: {  	s1 =	rddreg [dreg:$0x1];
	p0 =	sne.s32 s2, $0x0  }
0x313: {  	s3 =	rddreg [dreg:$0x2];
	[bflag:$0x3] =	sbarrier.arrive $0xFFFF;
	s2 =	simm.s32 @!p0 $0x1C04  }
0x314: {  	[timem:s3], [sflag:s2] =	dma.local @!p0 [hbm:s0], s1  }
0x315: {  	s0 =	simm.s32 @!p0 $0x4  }
0x316: {  	_ =	swait.ge @!p0 [sflag:s0], s1  }
0x317: {  	s1 =	ssub.s32 @!p0 $0x0, s1;
	[sflag:s0] =	ssyncset.done @!p0 $0x0  }
0x318: {  	[sflag:s0] =	ssyncadd.s32 @!p0 s1  }
0x319: {  	[bflag:$0x3] =	sbarrier.arrive $0xFFFF  }
0x31a: {  	_ =	shalt  }

</sc_bundles>
